<compile_context>
chip_gen: v7x
topology: tpu7x:2x2x1
jax: 0.10.2.dev20260603
libtpu: 0.0.44.dev20260713+nightly
codegen_flags: <defaults>
</compile_context>

<pallas_src>
import functools

import jax
import jax.numpy as jnp
from jax import lax
from jax.experimental import pallas as pl
from jax.experimental.pallas import tpu as pltpu
from jax.experimental.pallas import tpu_sc as plsc

N = 10000
ROWS = 80
NP = ROWS * 128
E = 320000
NC, NS = 2, 16
NW = NC * NS
EPW = E // NW
GPW = EPW // 16
RPT = 8
NWRITERS = ROWS // RPT
NGROUPS = ROWS * 8
REAL_GROUPS = N // 16

_f32 = jnp.float32
_i32 = jnp.int32


def _mesh():
    return plsc.VectorSubcoreMesh(
        core_axis_name="c", subcore_axis_name="s",
        num_cores=NC, num_subcores=NS)


_SC_PARAMS = pltpu.CompilerParams(needs_layout_passes=False)


def _g_slices(g):
    return g >> 3, (g & 7) * 16


def _zero_groups(ref, lo, hi):
    z = jnp.zeros((16,), _f32)

    @plsc.parallel_loop(lo // 8, hi // 8, unroll=2)
    def _(r):
        for k in range(8):
            ref[r, pl.ds(k * 16, 16)] = z


def _fill_rowids(rowid_ref):
    for k in range(ROWS // 16):
        rowid_ref[pl.ds(k * 16, 16)] = lax.iota(_i32, 16) + k * 16


EDGE_UNROLL = 25


def _edge_scatter(src_v, vals_fn, acc_v):

    @plsc.parallel_loop(0, GPW, unroll=EDGE_UNROLL)
    def _(g):
        si = src_v[pl.ds(g * 16, 16)]
        vals = vals_fn(g)
        plsc.addupdate_scatter(acc_v, [si >> 7, si & 127], vals)


def _prologue(sid, acc_v, shared):
    _zero_groups(acc_v, 0, NGROUPS)

    @pl.when(sid == 0)
    def _():
        pltpu.sync_copy(acc_v, shared)

    plsc.subcore_barrier()


def _combine_and_emit(sid, cid, acc_v, rowid_ref, shared, parts_ref):
    pltpu.sync_copy(acc_v, shared.at[rowid_ref], add=True)
    plsc.subcore_barrier()

    @pl.when(sid < NWRITERS)
    def _():
        row0 = sid * RPT
        pltpu.sync_copy(shared.at[pl.ds(row0, RPT)],
                        parts_ref.at[cid, pl.ds(row0, RPT)])


@functools.partial(
    pl.kernel,
    out_type=jax.ShapeDtypeStruct((NC, ROWS, 128), _f32),
    mesh=_mesh(),
    compiler_params=_SC_PARAMS,
    scratch_types=[
        pltpu.VMEM((EPW,), _i32),
        pltpu.VMEM((ROWS, 128), _f32),
        pltpu.VMEM((ROWS,), _i32),
        pltpu.VMEM_SHARED((ROWS, 128), _f32),
    ],
)
def _sc_degree(dst_hbm, parts_ref, dst_v, acc_v, rowid_ref, shared):
    cid = lax.axis_index("c")
    sid = lax.axis_index("s")
    wid = sid * NC + cid
    pltpu.sync_copy(dst_hbm.at[pl.ds(wid * EPW, EPW)], dst_v)
    _fill_rowids(rowid_ref)
    _prologue(sid, acc_v, shared)
    ones = jnp.ones((16,), _f32)
    _edge_scatter(dst_v, lambda g: ones, acc_v)
    _combine_and_emit(sid, cid, acc_v, rowid_ref, shared, parts_ref)


def _make_round(mode):

    scratch = [
        pltpu.VMEM((EPW,), _i32),
        pltpu.VMEM((EPW,), _i32),
        pltpu.VMEM((ROWS, 128), _f32),
        pltpu.VMEM((ROWS, 128), _f32),
        pltpu.VMEM((ROWS, 128), _f32),
        pltpu.VMEM((ROWS, 128), _f32),
        pltpu.VMEM((ROWS, 128), _f32),
        pltpu.VMEM((ROWS,), _i32),
        pltpu.VMEM_SHARED((ROWS, 128), _f32),
    ]
    out_node = jax.ShapeDtypeStruct((ROWS, 128), _f32)
    out_parts = jax.ShapeDtypeStruct((NC, ROWS, 128), _f32)

    def body(src_hbm, dst_hbm, w_hbm, base_hbm, parts_hbm, node_out,
             parts_out, dst_v, src_v, ta, tb, w_v, p_v, acc_v, rowid_ref,
             shared):
        cid = lax.axis_index("c")
        sid = lax.axis_index("s")
        wid = sid * NC + cid
        row0 = sid * RPT
        pltpu.sync_copy(dst_hbm.at[pl.ds(wid * EPW, EPW)], dst_v)
        pltpu.sync_copy(src_hbm.at[pl.ds(wid * EPW, EPW)], src_v)
        pltpu.sync_copy(parts_hbm.at[0], ta)
        pltpu.sync_copy(parts_hbm.at[1], tb)
        _fill_rowids(rowid_ref)

        if mode == 1:
            @plsc.parallel_loop(0, ROWS, unroll=2)
            def _(r):
                for k in range(8):
                    c = k * 16
                    dv = ta[r, pl.ds(c, 16)] + tb[r, pl.ds(c, 16)]
                    p_v[r, pl.ds(c, 16)] = 1.0 / jnp.maximum(dv, 1.0)
        else:
            pltpu.sync_copy(w_hbm, w_v)
            if mode == 3:
                pltpu.sync_copy(base_hbm, acc_v)

            def ub_one(r, c):
                tv = ta[r, pl.ds(c, 16)] + tb[r, pl.ds(c, 16)]
                if mode == 2:
                    uv = 1.0 + tv
                else:
                    uv = acc_v[r, pl.ds(c, 16)] + tv
                ta[r, pl.ds(c, 16)] = uv
                p_v[r, pl.ds(c, 16)] = uv * w_v[r, pl.ds(c, 16)]

            @plsc.parallel_loop(0, (REAL_GROUPS - 1) // 8, unroll=2)
            def _(r):
                for k in range(8):
                    ub_one(r, k * 16)
            ub_one((REAL_GROUPS - 1) // 8, 0)
            z16 = jnp.zeros((16,), _f32)
            for k in range(1, 8):
                ta[(REAL_GROUPS - 1) // 8, pl.ds(k * 16, 16)] = z16
                p_v[(REAL_GROUPS - 1) // 8, pl.ds(k * 16, 16)] = z16
            _zero_groups(ta, NGROUPS - 8, NGROUPS)
            _zero_groups(p_v, NGROUPS - 8, NGROUPS)

        emit_src = p_v if mode == 1 else ta

        @pl.when((cid == 0) & (sid < NWRITERS))
        def _():
            pltpu.sync_copy(emit_src.at[pl.ds(row0, RPT)],
                            node_out.at[pl.ds(row0, RPT)])

        _prologue(sid, acc_v, shared)

        def vals_fn(g):
            di = dst_v[pl.ds(g * 16, 16)]
            return plsc.load_gather(p_v, [di >> 7, di & 127])

        _edge_scatter(src_v, vals_fn, acc_v)
        _combine_and_emit(sid, cid, acc_v, rowid_ref, shared, parts_out)

    if mode == 1:
        @functools.partial(
            pl.kernel, out_type=(out_node, out_parts), mesh=_mesh(),
            compiler_params=_SC_PARAMS, scratch_types=scratch)
        def round_fn(src_hbm, dst_hbm, parts_hbm, node_out, parts_out,
                     *scratch_refs):
            body(src_hbm, dst_hbm, None, None, parts_hbm, node_out,
                 parts_out, *scratch_refs)
    elif mode == 2:
        @functools.partial(
            pl.kernel, out_type=(out_node, out_parts), mesh=_mesh(),
            compiler_params=_SC_PARAMS, scratch_types=scratch)
        def round_fn(src_hbm, dst_hbm, w_hbm, parts_hbm, node_out,
                     parts_out, *scratch_refs):
            body(src_hbm, dst_hbm, w_hbm, None, parts_hbm, node_out,
                 parts_out, *scratch_refs)
    else:
        @functools.partial(
            pl.kernel, out_type=(out_node, out_parts), mesh=_mesh(),
            compiler_params=_SC_PARAMS, scratch_types=scratch)
        def round_fn(src_hbm, dst_hbm, w_hbm, base_hbm, parts_hbm,
                     node_out, parts_out, *scratch_refs):
            body(src_hbm, dst_hbm, w_hbm, base_hbm, parts_hbm, node_out,
                 parts_out, *scratch_refs)
    return round_fn


_sc_round1 = _make_round(1)
_sc_round2 = _make_round(2)
_sc_round3 = _make_round(3)


def _assemble_body(x_ref, u1_ref, u2_ref, t3a_ref, t3b_ref, wp_ref, bp_ref,
                   wl_ref, bl_ref, wo_ref, bo_ref, out_ref):
    u1 = u1_ref[...]
    u2 = u2_ref[...]
    u3 = u2 + t3a_ref[...] + t3b_ref[...]
    U = jnp.concatenate([u1, u2, u3], axis=0)
    V = jnp.dot(U, x_ref[...], preferred_element_type=_f32, precision=lax.Precision.HIGHEST)
    s1, s2, s3 = jnp.sum(u1), jnp.sum(u2), jnp.sum(u3)
    bp = bp_ref[...]
    bl = bl_ref[...]
    wl = wl_ref[...]
    A = jnp.dot(V, wp_ref[...], preferred_element_type=_f32, precision=lax.Precision.HIGHEST)
    a1 = A[0:1] + s1 * bp
    a2 = A[1:2] + s2 * bp
    a3 = A[2:3] + s3 * bp
    nf = jnp.float32(N)
    g1 = jnp.dot(a1, wl, preferred_element_type=_f32, precision=lax.Precision.HIGHEST) + nf * bl
    q = jnp.dot(a2, wl, preferred_element_type=_f32, precision=lax.Precision.HIGHEST) + s1 * bl
    g2 = jnp.dot(q, wl, preferred_element_type=_f32, precision=lax.Precision.HIGHEST) + nf * bl
    r = jnp.dot(a3, wl, preferred_element_type=_f32, precision=lax.Precision.HIGHEST) + s2 * bl
    q2 = jnp.dot(r, wl, preferred_element_type=_f32, precision=lax.Precision.HIGHEST) + s1 * bl
    g3 = jnp.dot(q2, wl, preferred_element_type=_f32, precision=lax.Precision.HIGHEST) + nf * bl
    cat = jnp.concatenate([g1, g2, g3], axis=1)
    out = jnp.dot(cat, wo_ref[...], preferred_element_type=_f32, precision=lax.Precision.HIGHEST) / nf
    out_ref[...] = out + bo_ref[...]


def _assemble(x_pad, u1r, u2r, t3ar, t3br, wp, bp, wl, bl, wo, bo):
    return pl.pallas_call(
        _assemble_body,
        out_shape=jax.ShapeDtypeStruct((1, 128), _f32),
    )(x_pad, u1r, u2r, t3ar, t3br, wp, bp, wl, bl, wo, bo)


def kernel(x, edge_index, W_proj, b_proj, W_lin, b_lin, W_out, b_out):
    src = edge_index[0]
    dst = edge_index[1]

    deg_parts = _sc_degree(dst)
    w_nodes, t1_parts = _sc_round1(src, dst, deg_parts)
    u1_nodes, t2_parts = _sc_round2(src, dst, w_nodes, t1_parts)
    u2_nodes, t3_parts = _sc_round3(src, dst, w_nodes, u1_nodes, t2_parts)

    x_pad = jnp.concatenate(
        [x, jnp.zeros((NP - N, x.shape[1]), _f32)], axis=0)
    u1r = u1_nodes.reshape(1, NP)
    u2r = u2_nodes.reshape(1, NP)
    t3ar = t3_parts[0].reshape(1, NP)
    t3br = t3_parts[1].reshape(1, NP)
    out = _assemble(x_pad, u1r, u2r, t3ar, t3br,
                    W_proj, b_proj.reshape(1, 128), W_lin,
                    b_lin.reshape(1, 128), W_out, b_out.reshape(1, 128))
    return out.reshape(128)

# --- scband reference (transcript-rebuilt; emitter-appended) ---
"""Pipeline reference for scband-gin-raw-60971355734189 (READ-ONLY COPY).

The authoritative reference and input builder live on the scoring server;
editing this copy changes nothing except your own understanding.
"""

import jax, jax.numpy as jnp
import numpy as np

N_NODES = 10000
N_EDGES = 320000
D_IN = 128
HIDDEN = 128
CONV_NUMS = 3


def setup_inputs(seed: int = 0) -> dict:
    key = jax.random.key(seed)
    ks = jax.random.split(key, 10)
    x = jax.random.normal(ks[0], (N_NODES, D_IN), dtype=jnp.float32)
    edge_index = jax.random.randint(ks[1], (2, N_EDGES), 0, N_NODES, dtype=jnp.int32)
    # project: Linear(D_IN, HIDDEN)
    W_proj = jax.random.normal(ks[2], (D_IN, HIDDEN), dtype=jnp.float32) * 0.05
    b_proj = jnp.zeros((HIDDEN,), dtype=jnp.float32)
    # shared apply_func linear: Linear(HIDDEN, HIDDEN) (shared across all GINConv layers)
    W_lin = jax.random.normal(ks[3], (HIDDEN, HIDDEN), dtype=jnp.float32) * 0.05
    b_lin = jnp.zeros((HIDDEN,), dtype=jnp.float32)
    # out: Linear(HIDDEN*CONV_NUMS, HIDDEN)
    W_out = jax.random.normal(ks[4], (HIDDEN * CONV_NUMS, HIDDEN), dtype=jnp.float32) * 0.05
    b_out = jnp.zeros((HIDDEN,), dtype=jnp.float32)
    return {"x": x, "edge_index": edge_index, "W_proj": W_proj, "b_proj": b_proj,
            "W_lin": W_lin, "b_lin": b_lin, "W_out": W_out, "b_out": b_out}


def reference(x, edge_index, W_proj, b_proj, W_lin, b_lin, W_out, b_out):
    N = x.shape[0]
    src = edge_index[0]
    dst = edge_index[1]
    # h = self.project(h)
    h = x @ W_proj + b_proj
    # in-degree for mean aggregator (DGL mean over incoming messages; empty -> 0)
    deg = jax.ops.segment_sum(jnp.ones((src.shape[0],), dtype=h.dtype), dst, num_segments=N)
    deg_safe = jnp.maximum(deg, 1.0)
    outs = []
    eps = 0.0  # DGL GINConv default init_eps=0, not learnable
    for _ in range(CONV_NUMS):
        agg = jax.ops.segment_sum(h[src], dst, num_segments=N) / deg_safe[:, None]
        h = (1.0 + eps) * h + agg
        h = h @ W_lin + b_lin
        outs.append(h)
    res = jnp.concatenate(outs, axis=1)
    res = res @ W_out + b_out
    # dgl.mean_nodes over a single graph -> mean over all nodes
    return jnp.mean(res, axis=0)

if __name__ == "__main__":
    import jax
    _d = setup_inputs()
    print(jax.jit(kernel)(*tuple(_d.values())))

</pallas_src>

<mosaic_0001>
#map = affine_map<(d0, d1) -> (0)>
#map1 = affine_map<(d0, d1) -> (0, 0, 0)>
module attributes {stable_mosaic.version = 14 : i64} {
  func.func @_sc_degree(%arg0: i32, %arg1: i32, %arg2: memref<320000xi32, #tpu.memory_space<hbm>>, %arg3: memref<2x80x128xf32, #tpu.memory_space<hbm>>, %arg4: memref<10000xi32, #tpu.memory_space<vmem>>, %arg5: memref<80x128xf32, #tpu.memory_space<vmem>>, %arg6: memref<80xi32, #tpu.memory_space<vmem>>, %arg7: memref<80x128xf32, #tpu.memory_space<vmem_shared>>) attributes {dimension_semantics = [#tpu.dimension_semantics<core_parallel>, #tpu.dimension_semantics<subcore_parallel>], iteration_bounds = array<i64: 2, 16>, scalar_prefetch = 0 : i64, scratch_operands = 4 : i64, tpu.core_type = #tpu.core_type<sc_vector_subcore>, window_params = [{transform_indices = #map}, {transform_indices = #map1}]} {
    %mul3A = arith.constant 2 : i32
    %mul3A_0 = arith.muli %arg1, %mul3A : i32
    %add3A = arith.addi %mul3A_0, %arg0 : i32
    %mul3A_1 = arith.constant 10000 : i32
    %mul3A_2 = arith.muli %add3A, %mul3A_1 : i32
    "tpu.region"() ({
      %run_scoped3A = tpu.sem_alloc : memref<!tpu.dma_semaphore, #tpu.memory_space<semaphore_mem>>
      %dma_start3A = tpu.memref_slice %arg2[%mul3A_2] : memref<320000xi32, #tpu.memory_space<hbm>> -> memref<10000xi32, #tpu.memory_space<hbm>>
      %dma_start3A_46 = tpu.memref_slice %arg2[%mul3A_2] : memref<320000xi32, #tpu.memory_space<hbm>> -> memref<10000xi32, #tpu.memory_space<hbm>>
      tpu.enqueue_dma source(%dma_start3A_46 : memref<10000xi32, #tpu.memory_space<hbm>>) target(%arg4 : memref<10000xi32, #tpu.memory_space<vmem>>) target_semaphore(%run_scoped3A : memref<!tpu.dma_semaphore, #tpu.memory_space<semaphore_mem>>)
      %dma_wait3A = tpu.memref_slice %arg2[%mul3A_2] : memref<320000xi32, #tpu.memory_space<hbm>> -> memref<10000xi32, #tpu.memory_space<hbm>>
      %dma_wait3A_47 = tpu.memref_slice %arg2[%mul3A_2] : memref<320000xi32, #tpu.memory_space<hbm>> -> memref<10000xi32, #tpu.memory_space<hbm>>
      tpu.wait_dma2 semaphore(%run_scoped3A : memref<!tpu.dma_semaphore, #tpu.memory_space<semaphore_mem>>) src(%dma_wait3A_47 : memref<10000xi32, #tpu.memory_space<hbm>>) dst(%arg4 : memref<10000xi32, #tpu.memory_space<vmem>>)
      tpu.yield
    }) : () -> ()
    %iota3A = tpu.iota {dimensions = array<i32: 0>} : vector<16xi32>
    %add3A_3 = arith.constant 0 : i32
    %add3A_4 = vector.broadcast %add3A_3 : i32 to vector<16xi32>
    %add3A_5 = arith.addi %iota3A, %add3A_4 : vector<16xi32>
    %swap3A = arith.constant 0 : index
    %swap3A_6 = tpu.vector_load %arg6[%swap3A] {strides = array<i32>} : memref<80xi32, #tpu.memory_space<vmem>>, vector<16xi32>,
    tpu.vector_store %arg6[%swap3A], %add3A_5 {strides = array<i32>} : memref<80xi32, #tpu.memory_space<vmem>>, vector<16xi32>,
    %iota3A_7 = tpu.iota {dimensions = array<i32: 0>} : vector<16xi32>
    %add3A_8 = arith.constant 16 : i32
    %add3A_9 = vector.broadcast %add3A_8 : i32 to vector<16xi32>
    %add3A_10 = arith.addi %iota3A_7, %add3A_9 : vector<16xi32>
    %swap3A_11 = arith.constant 16 : index
    %swap3A_12 = tpu.vector_load %arg6[%swap3A_11] {strides = array<i32>} : memref<80xi32, #tpu.memory_space<vmem>>, vector<16xi32>,
    tpu.vector_store %arg6[%swap3A_11], %add3A_10 {strides = array<i32>} : memref<80xi32, #tpu.memory_space<vmem>>, vector<16xi32>,
    %iota3A_13 = tpu.iota {dimensions = array<i32: 0>} : vector<16xi32>
    %add3A_14 = arith.constant 32 : i32
    %add3A_15 = vector.broadcast %add3A_14 : i32 to vector<16xi32>
    %add3A_16 = arith.addi %iota3A_13, %add3A_15 : vector<16xi32>
    %swap3A_17 = arith.constant 32 : index
    %swap3A_18 = tpu.vector_load %arg6[%swap3A_17] {strides = array<i32>} : memref<80xi32, #tpu.memory_space<vmem>>, vector<16xi32>,
    tpu.vector_store %arg6[%swap3A_17], %add3A_16 {strides = array<i32>} : memref<80xi32, #tpu.memory_space<vmem>>, vector<16xi32>,
    %iota3A_19 = tpu.iota {dimensions = array<i32: 0>} : vector<16xi32>
    %add3A_20 = arith.constant 48 : i32
    %add3A_21 = vector.broadcast %add3A_20 : i32 to vector<16xi32>
    %add3A_22 = arith.addi %iota3A_19, %add3A_21 : vector<16xi32>
    %swap3A_23 = arith.constant 48 : index
    %swap3A_24 = tpu.vector_load %arg6[%swap3A_23] {strides = array<i32>} : memref<80xi32, #tpu.memory_space<vmem>>, vector<16xi32>,
    tpu.vector_store %arg6[%swap3A_23], %add3A_22 {strides = array<i32>} : memref<80xi32, #tpu.memory_space<vmem>>, vector<16xi32>,
    %iota3A_25 = tpu.iota {dimensions = array<i32: 0>} : vector<16xi32>
    %add3A_26 = arith.constant 64 : i32
    %add3A_27 = vector.broadcast %add3A_26 : i32 to vector<16xi32>
    %add3A_28 = arith.addi %iota3A_25, %add3A_27 : vector<16xi32>
    %swap3A_29 = arith.constant 64 : index
    %swap3A_30 = tpu.vector_load %arg6[%swap3A_29] {strides = array<i32>} : memref<80xi32, #tpu.memory_space<vmem>>, vector<16xi32>,
    tpu.vector_store %arg6[%swap3A_29], %add3A_28 {strides = array<i32>} : memref<80xi32, #tpu.memory_space<vmem>>, vector<16xi32>,
    %broadcast_in_dim3A = arith.constant 0.000000e+00 : f32
    %broadcast_in_dim3A_31 = vector.broadcast %broadcast_in_dim3A : f32 to vector<16xf32>
    %parallel_loop3A = arith.constant 0 : i32
    %parallel_loop3A_32 = arith.constant 80 : i32
    %parallel_loop3A_33 = arith.constant 1 : i32
    scf.for %parallel_loop3A_46 = %parallel_loop3A to %parallel_loop3A_32 step %parallel_loop3A_33  : i32 {
      %parallel_loop3A_47 = arith.index_cast %parallel_loop3A_46 : i32 to index
      %parallel_loop3A_48 = arith.constant 0 : index
      %parallel_loop3A_49 = tpu.vector_load %arg5[%parallel_loop3A_47, %parallel_loop3A_48] {strides = array<i32>} : memref<80x128xf32, #tpu.memory_space<vmem>>, vector<16xf32>,
      tpu.vector_store %arg5[%parallel_loop3A_47, %parallel_loop3A_48], %broadcast_in_dim3A_31 {strides = array<i32>} : memref<80x128xf32, #tpu.memory_space<vmem>>, vector<16xf32>,
      %parallel_loop3A_50 = arith.index_cast %parallel_loop3A_46 : i32 to index
      %parallel_loop3A_51 = arith.constant 16 : index
      %parallel_loop3A_52 = tpu.vector_load %arg5[%parallel_loop3A_50, %parallel_loop3A_51] {strides = array<i32>} : memref<80x128xf32, #tpu.memory_space<vmem>>, vector<16xf32>,
      tpu.vector_store %arg5[%parallel_loop3A_50, %parallel_loop3A_51], %broadcast_in_dim3A_31 {strides = array<i32>} : memref<80x128xf32, #tpu.memory_space<vmem>>, vector<16xf32>,
      %parallel_loop3A_53 = arith.index_cast %parallel_loop3A_46 : i32 to index
      %parallel_loop3A_54 = arith.constant 32 : index
      %parallel_loop3A_55 = tpu.vector_load %arg5[%parallel_loop3A_53, %parallel_loop3A_54] {strides = array<i32>} : memref<80x128xf32, #tpu.memory_space<vmem>>, vector<16xf32>,
      tpu.vector_store %arg5[%parallel_loop3A_53, %parallel_loop3A_54], %broadcast_in_dim3A_31 {strides = array<i32>} : memref<80x128xf32, #tpu.memory_space<vmem>>, vector<16xf32>,
      %parallel_loop3A_56 = arith.index_cast %parallel_loop3A_46 : i32 to index
      %parallel_loop3A_57 = arith.constant 48 : index
      %parallel_loop3A_58 = tpu.vector_load %arg5[%parallel_loop3A_56, %parallel_loop3A_57] {strides = array<i32>} : memref<80x128xf32, #tpu.memory_space<vmem>>, vector<16xf32>,
      tpu.vector_store %arg5[%parallel_loop3A_56, %parallel_loop3A_57], %broadcast_in_dim3A_31 {strides = array<i32>} : memref<80x128xf32, #tpu.memory_space<vmem>>, vector<16xf32>,
      %parallel_loop3A_59 = arith.index_cast %parallel_loop3A_46 : i32 to index
      %parallel_loop3A_60 = arith.constant 64 : index
      %parallel_loop3A_61 = tpu.vector_load %arg5[%parallel_loop3A_59, %parallel_loop3A_60] {strides = array<i32>} : memref<80x128xf32, #tpu.memory_space<vmem>>, vector<16xf32>,
      tpu.vector_store %arg5[%parallel_loop3A_59, %parallel_loop3A_60], %broadcast_in_dim3A_31 {strides = array<i32>} : memref<80x128xf32, #tpu.memory_space<vmem>>, vector<16xf32>,
      %parallel_loop3A_62 = arith.index_cast %parallel_loop3A_46 : i32 to index
      %parallel_loop3A_63 = arith.constant 80 : index
      %parallel_loop3A_64 = tpu.vector_load %arg5[%parallel_loop3A_62, %parallel_loop3A_63] {strides = array<i32>} : memref<80x128xf32, #tpu.memory_space<vmem>>, vector<16xf32>,
      tpu.vector_store %arg5[%parallel_loop3A_62, %parallel_loop3A_63], %broadcast_in_dim3A_31 {strides = array<i32>} : memref<80x128xf32, #tpu.memory_space<vmem>>, vector<16xf32>,
      %parallel_loop3A_65 = arith.index_cast %parallel_loop3A_46 : i32 to index
      %parallel_loop3A_66 = arith.constant 96 : index
      %parallel_loop3A_67 = tpu.vector_load %arg5[%parallel_loop3A_65, %parallel_loop3A_66] {strides = array<i32>} : memref<80x128xf32, #tpu.memory_space<vmem>>, vector<16xf32>,
      tpu.vector_store %arg5[%parallel_loop3A_65, %parallel_loop3A_66], %broadcast_in_dim3A_31 {strides = array<i32>} : memref<80x128xf32, #tpu.memory_space<vmem>>, vector<16xf32>,
      %parallel_loop3A_68 = arith.index_cast %parallel_loop3A_46 : i32 to index
      %parallel_loop3A_69 = arith.constant 112 : index
      %parallel_loop3A_70 = tpu.vector_load %arg5[%parallel_loop3A_68, %parallel_loop3A_69] {strides = array<i32>} : memref<80x128xf32, #tpu.memory_space<vmem>>, vector<16xf32>,
      tpu.vector_store %arg5[%parallel_loop3A_68, %parallel_loop3A_69], %broadcast_in_dim3A_31 {strides = array<i32>} : memref<80x128xf32, #tpu.memory_space<vmem>>, vector<16xf32>,
    } {sc.loop_unroll_factor = 2 : i64, sc.parallel_access}
    %eq3A = arith.constant 0 : i32
    %eq3A_34 = arith.cmpi eq, %arg1, %eq3A : i32
    %convert_element_type3A = arith.extui %eq3A_34 : i1 to i32
    %cond3A = arith.constant 0 : i32
    %cond3A_35 = arith.cmpi ne, %convert_element_type3A, %cond3A : i32
    scf.if %cond3A_35 {
      "tpu.region"() ({
        %run_scoped3A = tpu.sem_alloc : memref<!tpu.dma_semaphore, #tpu.memory_space<semaphore_mem>>
        tpu.enqueue_dma source(%arg5 : memref<80x128xf32, #tpu.memory_space<vmem>>) target(%arg7 : memref<80x128xf32, #tpu.memory_space<vmem_shared>>) target_semaphore(%run_scoped3A : memref<!tpu.dma_semaphore, #tpu.memory_space<semaphore_mem>>)
        tpu.wait_dma2 semaphore(%run_scoped3A : memref<!tpu.dma_semaphore, #tpu.memory_space<semaphore_mem>>) src(%arg5 : memref<80x128xf32, #tpu.memory_space<vmem>>) dst(%arg7 : memref<80x128xf32, #tpu.memory_space<vmem_shared>>)
        tpu.yield
      }) : () -> ()
    } else {
    }
    %barrier3A = arith.constant 0 : index
    tpu.barrier barrier_id(%barrier3A)
    %broadcast_in_dim3A_36 = arith.constant 1.000000e+00 : f32
    %broadcast_in_dim3A_37 = vector.broadcast %broadcast_in_dim3A_36 : f32 to vector<16xf32>
    %parallel_loop3A_38 = arith.constant 0 : i32
    %parallel_loop3A_39 = arith.constant 625 : i32
    %parallel_loop3A_40 = arith.constant 1 : i32
    scf.for %parallel_loop3A_46 = %parallel_loop3A_38 to %parallel_loop3A_39 step %parallel_loop3A_40  : i32 {
      %parallel_loop3A_47 = arith.constant 16 : i32
      %parallel_loop3A_48 = arith.muli %parallel_loop3A_46, %parallel_loop3A_47 : i32
      %parallel_loop3A_49 = arith.index_cast %parallel_loop3A_48 : i32 to index
      %parallel_loop3A_50 = tpu.vector_load %arg4[%parallel_loop3A_49] {strides = array<i32>} : memref<10000xi32, #tpu.memory_space<vmem>>, vector<16xi32>,
      %parallel_loop3A_51 = arith.constant 7 : i32
      %parallel_loop3A_52 = vector.broadcast %parallel_loop3A_51 : i32 to vector<16xi32>
      %parallel_loop3A_53 = arith.shrsi %parallel_loop3A_50, %parallel_loop3A_52 : vector<16xi32>
      %parallel_loop3A_54 = arith.constant 127 : i32
      %parallel_loop3A_55 = vector.broadcast %parallel_loop3A_54 : i32 to vector<16xi32>
      %parallel_loop3A_56 = arith.andi %parallel_loop3A_50, %parallel_loop3A_55 : vector<16xi32>
      tpu.vector_store_idx %arg5[%parallel_loop3A_53, %parallel_loop3A_56], %broadcast_in_dim3A_37 {add = true} : memref<80x128xf32, #tpu.memory_space<vmem>>[vector<16xi32>, vector<16xi32>], vector<16xf32>,
    } {sc.loop_unroll_factor = 25 : i64, sc.parallel_access}
    "tpu.region"() ({
      %run_scoped3A = tpu.sem_alloc : memref<!tpu.dma_semaphore, #tpu.memory_space<semaphore_mem>>
      %dma_start3A = arith.constant 0 : i32
      %dma_start3A_46 = arith.constant 0 : i32
      %dma_start3A_47 = tpu.memref_slice %arg7[%dma_start3A, %dma_start3A_46] : memref<80x128xf32, #tpu.memory_space<vmem_shared>> -> memref<80x128xf32, #tpu.memory_space<vmem_shared>>
      tpu.enqueue_indirect_dma source(%arg5 : memref<80x128xf32, #tpu.memory_space<vmem>>) target(%dma_start3A_47 : memref<80x128xf32, #tpu.memory_space<vmem_shared>>) offsets(%arg6 : memref<80xi32, #tpu.memory_space<vmem>>) semaphore(%run_scoped3A : memref<!tpu.dma_semaphore, #tpu.memory_space<semaphore_mem>>) {add = true}
      %dma_wait3A = arith.constant 0 : i32
      %dma_wait3A_48 = arith.constant 0 : i32
      %dma_wait3A_49 = tpu.memref_slice %arg7[%dma_wait3A, %dma_wait3A_48] : memref<80x128xf32, #tpu.memory_space<vmem_shared>> -> memref<80x128xf32, #tpu.memory_space<vmem_shared>>
      tpu.wait_indirect_dma semaphore(%run_scoped3A : memref<!tpu.dma_semaphore, #tpu.memory_space<semaphore_mem>>) src(%arg5 : memref<80x128xf32, #tpu.memory_space<vmem>>) dst(%dma_wait3A_49 : memref<80x128xf32, #tpu.memory_space<vmem_shared>>)
      tpu.yield
    }) : () -> ()
    %barrier3A_41 = arith.constant 0 : index
    tpu.barrier barrier_id(%barrier3A_41)
    %lt3A = arith.constant 10 : i32
    %lt3A_42 = arith.cmpi slt, %arg1, %lt3A : i32
    %convert_element_type3A_43 = arith.extui %lt3A_42 : i1 to i32
    %cond3A_44 = arith.constant 0 : i32
    %cond3A_45 = arith.cmpi ne, %convert_element_type3A_43, %cond3A_44 : i32
    scf.if %cond3A_45 {
      %mul3A_46 = arith.constant 8 : i32
      %mul3A_47 = arith.muli %arg1, %mul3A_46 : i32
      "tpu.region"() ({
        %run_scoped3A = tpu.sem_alloc : memref<!tpu.dma_semaphore, #tpu.memory_space<semaphore_mem>>
        %dma_start3A = arith.constant 0 : i32
        %dma_start3A_48 = tpu.memref_slice %arg3[%arg0, %mul3A_47, %dma_start3A] : memref<2x80x128xf32, #tpu.memory_space<hbm>> -> memref<1x8x128xf32, #tpu.memory_space<hbm>>
        %dma_start3A_49 = tpu.memref_squeeze %dma_start3A_48 : memref<1x8x128xf32, #tpu.memory_space<hbm>> -> memref<8x128xf32, #tpu.memory_space<hbm>>
        %dma_start3A_50 = arith.constant 0 : i32
        %dma_start3A_51 = tpu.memref_slice %arg7[%mul3A_47, %dma_start3A_50] : memref<80x128xf32, #tpu.memory_space<vmem_shared>> -> memref<8x128xf32, #tpu.memory_space<vmem_shared>>
        tpu.enqueue_dma source(%dma_start3A_51 : memref<8x128xf32, #tpu.memory_space<vmem_shared>>) target(%dma_start3A_49 : memref<8x128xf32, #tpu.memory_space<hbm>>) target_semaphore(%run_scoped3A : memref<!tpu.dma_semaphore, #tpu.memory_space<semaphore_mem>>)
        %dma_wait3A = arith.constant 0 : i32
        %dma_wait3A_52 = tpu.memref_slice %arg3[%arg0, %mul3A_47, %dma_wait3A] : memref<2x80x128xf32, #tpu.memory_space<hbm>> -> memref<1x8x128xf32, #tpu.memory_space<hbm>>
        %dma_wait3A_53 = tpu.memref_squeeze %dma_wait3A_52 : memref<1x8x128xf32, #tpu.memory_space<hbm>> -> memref<8x128xf32, #tpu.memory_space<hbm>>
        %dma_wait3A_54 = arith.constant 0 : i32
        %dma_wait3A_55 = tpu.memref_slice %arg7[%mul3A_47, %dma_wait3A_54] : memref<80x128xf32, #tpu.memory_space<vmem_shared>> -> memref<8x128xf32, #tpu.memory_space<vmem_shared>>
        tpu.wait_dma2 semaphore(%run_scoped3A : memref<!tpu.dma_semaphore, #tpu.memory_space<semaphore_mem>>) src(%dma_wait3A_55 : memref<8x128xf32, #tpu.memory_space<vmem_shared>>) dst(%dma_wait3A_53 : memref<8x128xf32, #tpu.memory_space<hbm>>)
        tpu.yield
      }) : () -> ()
    } else {
    }
    return
  }
}

#map = affine_map<(d0, d1) -> (0)>
#map1 = affine_map<(d0, d1) -> (0, 0)>
#map2 = affine_map<(d0, d1) -> (0, 0, 0)>
module attributes {stable_mosaic.version = 14 : i64} {
  func.func @round_fn(%arg0: i32, %arg1: i32, %arg2: memref<320000xi32, #tpu.memory_space<hbm>>, %arg3: memref<320000xi32, #tpu.memory_space<hbm>>, %arg4: memref<80x128xf32, #tpu.memory_space<hbm>>, %arg5: memref<80x128xf32, #tpu.memory_space<hbm>>, %arg6: memref<2x80x128xf32, #tpu.memory_space<hbm>>, %arg7: memref<80x128xf32, #tpu.memory_space<hbm>>, %arg8: memref<2x80x128xf32, #tpu.memory_space<hbm>>, %arg9: memref<10000xi32, #tpu.memory_space<vmem>>, %arg10: memref<10000xi32, #tpu.memory_space<vmem>>, %arg11: memref<80x128xf32, #tpu.memory_space<vmem>>, %arg12: memref<80x128xf32, #tpu.memory_space<vmem>>, %arg13: memref<80x128xf32, #tpu.memory_space<vmem>>, %arg14: memref<80x128xf32, #tpu.memory_space<vmem>>, %arg15: memref<80x128xf32, #tpu.memory_space<vmem>>, %arg16: memref<80xi32, #tpu.memory_space<vmem>>, %arg17: memref<80x128xf32, #tpu.memory_space<vmem_shared>>) attributes {dimension_semantics = [#tpu.dimension_semantics<core_parallel>, #tpu.dimension_semantics<subcore_parallel>], iteration_bounds = array<i64: 2, 16>, scalar_prefetch = 0 : i64, scratch_operands = 9 : i64, tpu.core_type = #tpu.core_type<sc_vector_subcore>, window_params = [{transform_indices = #map}, {transform_indices = #map}, {transform_indices = #map1}, {transform_indices = #map1}, {transform_indices = #map2}, {transform_indices = #map1}, {transform_indices = #map2}]} {
    %mul3A = arith.constant 2 : i32
    %mul3A_0 = arith.muli %arg1, %mul3A : i32
    %add3A = arith.addi %mul3A_0, %arg0 : i32
    %mul3A_1 = arith.constant 8 : i32
    %mul3A_2 = arith.muli %arg1, %mul3A_1 : i32
    %mul3A_3 = arith.constant 10000 : i32
    %mul3A_4 = arith.muli %add3A, %mul3A_3 : i32
    "tpu.region"() ({
      %run_scoped3A_153 = tpu.sem_alloc : memref<!tpu.dma_semaphore, #tpu.memory_space<semaphore_mem>>
      %dma_start3A = tpu.memref_slice %arg3[%mul3A_4] : memref<320000xi32, #tpu.memory_space<hbm>> -> memref<10000xi32, #tpu.memory_space<hbm>>
      %dma_start3A_154 = tpu.memref_slice %arg3[%mul3A_4] : memref<320000xi32, #tpu.memory_space<hbm>> -> memref<10000xi32, #tpu.memory_space<hbm>>
      tpu.enqueue_dma source(%dma_start3A_154 : memref<10000xi32, #tpu.memory_space<hbm>>) target(%arg9 : memref<10000xi32, #tpu.memory_space<vmem>>) target_semaphore(%run_scoped3A_153 : memref<!tpu.dma_semaphore, #tpu.memory_space<semaphore_mem>>)
      %dma_wait3A = tpu.memref_slice %arg3[%mul3A_4] : memref<320000xi32, #tpu.memory_space<hbm>> -> memref<10000xi32, #tpu.memory_space<hbm>>
      %dma_wait3A_155 = tpu.memref_slice %arg3[%mul3A_4] : memref<320000xi32, #tpu.memory_space<hbm>> -> memref<10000xi32, #tpu.memory_space<hbm>>
      tpu.wait_dma2 semaphore(%run_scoped3A_153 : memref<!tpu.dma_semaphore, #tpu.memory_space<semaphore_mem>>) src(%dma_wait3A_155 : memref<10000xi32, #tpu.memory_space<hbm>>) dst(%arg9 : memref<10000xi32, #tpu.memory_space<vmem>>)
      tpu.yield
    }) : () -> ()
    %mul3A_5 = arith.constant 10000 : i32
    %mul3A_6 = arith.muli %add3A, %mul3A_5 : i32
    "tpu.region"() ({
      %run_scoped3A_153 = tpu.sem_alloc : memref<!tpu.dma_semaphore, #tpu.memory_space<semaphore_mem>>
      %dma_start3A = tpu.memref_slice %arg2[%mul3A_6] : memref<320000xi32, #tpu.memory_space<hbm>> -> memref<10000xi32, #tpu.memory_space<hbm>>
      %dma_start3A_154 = tpu.memref_slice %arg2[%mul3A_6] : memref<320000xi32, #tpu.memory_space<hbm>> -> memref<10000xi32, #tpu.memory_space<hbm>>
      tpu.enqueue_dma source(%dma_start3A_154 : memref<10000xi32, #tpu.memory_space<hbm>>) target(%arg10 : memref<10000xi32, #tpu.memory_space<vmem>>) target_semaphore(%run_scoped3A_153 : memref<!tpu.dma_semaphore, #tpu.memory_space<semaphore_mem>>)
      %dma_wait3A = tpu.memref_slice %arg2[%mul3A_6] : memref<320000xi32, #tpu.memory_space<hbm>> -> memref<10000xi32, #tpu.memory_space<hbm>>
      %dma_wait3A_155 = tpu.memref_slice %arg2[%mul3A_6] : memref<320000xi32, #tpu.memory_space<hbm>> -> memref<10000xi32, #tpu.memory_space<hbm>>
      tpu.wait_dma2 semaphore(%run_scoped3A_153 : memref<!tpu.dma_semaphore, #tpu.memory_space<semaphore_mem>>) src(%dma_wait3A_155 : memref<10000xi32, #tpu.memory_space<hbm>>) dst(%arg10 : memref<10000xi32, #tpu.memory_space<vmem>>)
      tpu.yield
    }) : () -> ()
    %run_scoped3A = arith.constant 0 : i32
    "tpu.region"() ({
      %run_scoped3A_153 = tpu.sem_alloc : memref<!tpu.dma_semaphore, #tpu.memory_space<semaphore_mem>>
      %dma_start3A = arith.constant 0 : i32
      %dma_start3A_154 = arith.constant 0 : i32
      %dma_start3A_155 = tpu.memref_slice %arg6[%run_scoped3A, %dma_start3A, %dma_start3A_154] : memref<2x80x128xf32, #tpu.memory_space<hbm>> -> memref<1x80x128xf32, #tpu.memory_space<hbm>>
      %dma_start3A_156 = tpu.memref_squeeze %dma_start3A_155 : memref<1x80x128xf32, #tpu.memory_space<hbm>> -> memref<80x128xf32, #tpu.memory_space<hbm>>
      %dma_start3A_157 = arith.constant 0 : i32
      %dma_start3A_158 = arith.constant 0 : i32
      %dma_start3A_159 = tpu.memref_slice %arg6[%run_scoped3A, %dma_start3A_157, %dma_start3A_158] : memref<2x80x128xf32, #tpu.memory_space<hbm>> -> memref<1x80x128xf32, #tpu.memory_space<hbm>>
      %dma_start3A_160 = tpu.memref_squeeze %dma_start3A_159 : memref<1x80x128xf32, #tpu.memory_space<hbm>> -> memref<80x128xf32, #tpu.memory_space<hbm>>
      tpu.enqueue_dma source(%dma_start3A_160 : memref<80x128xf32, #tpu.memory_space<hbm>>) target(%arg11 : memref<80x128xf32, #tpu.memory_space<vmem>>) target_semaphore(%run_scoped3A_153 : memref<!tpu.dma_semaphore, #tpu.memory_space<semaphore_mem>>)
      %dma_wait3A = arith.constant 0 : i32
      %dma_wait3A_161 = arith.constant 0 : i32
      %dma_wait3A_162 = tpu.memref_slice %arg6[%run_scoped3A, %dma_wait3A, %dma_wait3A_161] : memref<2x80x128xf32, #tpu.memory_space<hbm>> -> memref<1x80x128xf32, #tpu.memory_space<hbm>>
      %dma_wait3A_163 = tpu.memref_squeeze %dma_wait3A_162 : memref<1x80x128xf32, #tpu.memory_space<hbm>> -> memref<80x128xf32, #tpu.memory_space<hbm>>
      %dma_wait3A_164 = arith.constant 0 : i32
      %dma_wait3A_165 = arith.constant 0 : i32
      %dma_wait3A_166 = tpu.memref_slice %arg6[%run_scoped3A, %dma_wait3A_164, %dma_wait3A_165] : memref<2x80x128xf32, #tpu.memory_space<hbm>> -> memref<1x80x128xf32, #tpu.memory_space<hbm>>
      %dma_wait3A_167 = tpu.memref_squeeze %dma_wait3A_166 : memref<1x80x128xf32, #tpu.memory_space<hbm>> -> memref<80x128xf32, #tpu.memory_space<hbm>>
      tpu.wait_dma2 semaphore(%run_scoped3A_153 : memref<!tpu.dma_semaphore, #tpu.memory_space<semaphore_mem>>) src(%dma_wait3A_167 : memref<80x128xf32, #tpu.memory_space<hbm>>) dst(%arg11 : memref<80x128xf32, #tpu.memory_space<vmem>>)
      tpu.yield
    }) : () -> ()
    %run_scoped3A_7 = arith.constant 1 : i32
    "tpu.region"() ({
      %run_scoped3A_153 = tpu.sem_alloc : memref<!tpu.dma_semaphore, #tpu.memory_space<semaphore_mem>>
      %dma_start3A = arith.constant 0 : i32
      %dma_start3A_154 = arith.constant 0 : i32
      %dma_start3A_155 = tpu.memref_slice %arg6[%run_scoped3A_7, %dma_start3A, %dma_start3A_154] : memref<2x80x128xf32, #tpu.memory_space<hbm>> -> memref<1x80x128xf32, #tpu.memory_space<hbm>>
      %dma_start3A_156 = tpu.memref_squeeze %dma_start3A_155 : memref<1x80x128xf32, #tpu.memory_space<hbm>> -> memref<80x128xf32, #tpu.memory_space<hbm>>
      %dma_start3A_157 = arith.constant 0 : i32
      %dma_start3A_158 = arith.constant 0 : i32
      %dma_start3A_159 = tpu.memref_slice %arg6[%run_scoped3A_7, %dma_start3A_157, %dma_start3A_158] : memref<2x80x128xf32, #tpu.memory_space<hbm>> -> memref<1x80x128xf32, #tpu.memory_space<hbm>>
      %dma_start3A_160 = tpu.memref_squeeze %dma_start3A_159 : memref<1x80x128xf32, #tpu.memory_space<hbm>> -> memref<80x128xf32, #tpu.memory_space<hbm>>
      tpu.enqueue_dma source(%dma_start3A_160 : memref<80x128xf32, #tpu.memory_space<hbm>>) target(%arg12 : memref<80x128xf32, #tpu.memory_space<vmem>>) target_semaphore(%run_scoped3A_153 : memref<!tpu.dma_semaphore, #tpu.memory_space<semaphore_mem>>)
      %dma_wait3A = arith.constant 0 : i32
      %dma_wait3A_161 = arith.constant 0 : i32
      %dma_wait3A_162 = tpu.memref_slice %arg6[%run_scoped3A_7, %dma_wait3A, %dma_wait3A_161] : memref<2x80x128xf32, #tpu.memory_space<hbm>> -> memref<1x80x128xf32, #tpu.memory_space<hbm>>
      %dma_wait3A_163 = tpu.memref_squeeze %dma_wait3A_162 : memref<1x80x128xf32, #tpu.memory_space<hbm>> -> memref<80x128xf32, #tpu.memory_space<hbm>>
      %dma_wait3A_164 = arith.constant 0 : i32
      %dma_wait3A_165 = arith.constant 0 : i32
      %dma_wait3A_166 = tpu.memref_slice %arg6[%run_scoped3A_7, %dma_wait3A_164, %dma_wait3A_165] : memref<2x80x128xf32, #tpu.memory_space<hbm>> -> memref<1x80x128xf32, #tpu.memory_space<hbm>>
      %dma_wait3A_167 = tpu.memref_squeeze %dma_wait3A_166 : memref<1x80x128xf32, #tpu.memory_space<hbm>> -> memref<80x128xf32, #tpu.memory_space<hbm>>
      tpu.wait_dma2 semaphore(%run_scoped3A_153 : memref<!tpu.dma_semaphore, #tpu.memory_space<semaphore_mem>>) src(%dma_wait3A_167 : memref<80x128xf32, #tpu.memory_space<hbm>>) dst(%arg12 : memref<80x128xf32, #tpu.memory_space<vmem>>)
      tpu.yield
    }) : () -> ()
    %iota3A = tpu.iota {dimensions = array<i32: 0>} : vector<16xi32>
    %add3A_8 = arith.constant 0 : i32
    %add3A_9 = vector.broadcast %add3A_8 : i32 to vector<16xi32>
    %add3A_10 = arith.addi %iota3A, %add3A_9 : vector<16xi32>
    %swap3A = arith.constant 0 : index
    %swap3A_11 = tpu.vector_load %arg16[%swap3A] {strides = array<i32>} : memref<80xi32, #tpu.memory_space<vmem>>, vector<16xi32>,
    tpu.vector_store %arg16[%swap3A], %add3A_10 {strides = array<i32>} : memref<80xi32, #tpu.memory_space<vmem>>, vector<16xi32>,
    %iota3A_12 = tpu.iota {dimensions = array<i32: 0>} : vector<16xi32>
    %add3A_13 = arith.constant 16 : i32
    %add3A_14 = vector.broadcast %add3A_13 : i32 to vector<16xi32>
    %add3A_15 = arith.addi %iota3A_12, %add3A_14 : vector<16xi32>
    %swap3A_16 = arith.constant 16 : index
    %swap3A_17 = tpu.vector_load %arg16[%swap3A_16] {strides = array<i32>} : memref<80xi32, #tpu.memory_space<vmem>>, vector<16xi32>,
    tpu.vector_store %arg16[%swap3A_16], %add3A_15 {strides = array<i32>} : memref<80xi32, #tpu.memory_space<vmem>>, vector<16xi32>,
    %iota3A_18 = tpu.iota {dimensions = array<i32: 0>} : vector<16xi32>
    %add3A_19 = arith.constant 32 : i32
    %add3A_20 = vector.broadcast %add3A_19 : i32 to vector<16xi32>
    %add3A_21 = arith.addi %iota3A_18, %add3A_20 : vector<16xi32>
    %swap3A_22 = arith.constant 32 : index
    %swap3A_23 = tpu.vector_load %arg16[%swap3A_22] {strides = array<i32>} : memref<80xi32, #tpu.memory_space<vmem>>, vector<16xi32>,
    tpu.vector_store %arg16[%swap3A_22], %add3A_21 {strides = array<i32>} : memref<80xi32, #tpu.memory_space<vmem>>, vector<16xi32>,
    %iota3A_24 = tpu.iota {dimensions = array<i32: 0>} : vector<16xi32>
    %add3A_25 = arith.constant 48 : i32
    %add3A_26 = vector.broadcast %add3A_25 : i32 to vector<16xi32>
    %add3A_27 = arith.addi %iota3A_24, %add3A_26 : vector<16xi32>
    %swap3A_28 = arith.constant 48 : index
    %swap3A_29 = tpu.vector_load %arg16[%swap3A_28] {strides = array<i32>} : memref<80xi32, #tpu.memory_space<vmem>>, vector<16xi32>,
    tpu.vector_store %arg16[%swap3A_28], %add3A_27 {strides = array<i32>} : memref<80xi32, #tpu.memory_space<vmem>>, vector<16xi32>,
    %iota3A_30 = tpu.iota {dimensions = array<i32: 0>} : vector<16xi32>
    %add3A_31 = arith.constant 64 : i32
    %add3A_32 = vector.broadcast %add3A_31 : i32 to vector<16xi32>
    %add3A_33 = arith.addi %iota3A_30, %add3A_32 : vector<16xi32>
    %swap3A_34 = arith.constant 64 : index
    %swap3A_35 = tpu.vector_load %arg16[%swap3A_34] {strides = array<i32>} : memref<80xi32, #tpu.memory_space<vmem>>, vector<16xi32>,
    tpu.vector_store %arg16[%swap3A_34], %add3A_33 {strides = array<i32>} : memref<80xi32, #tpu.memory_space<vmem>>, vector<16xi32>,
    "tpu.region"() ({
      %run_scoped3A_153 = tpu.sem_alloc : memref<!tpu.dma_semaphore, #tpu.memory_space<semaphore_mem>>
      tpu.enqueue_dma source(%arg4 : memref<80x128xf32, #tpu.memory_space<hbm>>) target(%arg13 : memref<80x128xf32, #tpu.memory_space<vmem>>) target_semaphore(%run_scoped3A_153 : memref<!tpu.dma_semaphore, #tpu.memory_space<semaphore_mem>>)
      tpu.wait_dma2 semaphore(%run_scoped3A_153 : memref<!tpu.dma_semaphore, #tpu.memory_space<semaphore_mem>>) src(%arg4 : memref<80x128xf32, #tpu.memory_space<hbm>>) dst(%arg13 : memref<80x128xf32, #tpu.memory_space<vmem>>)
      tpu.yield
    }) : () -> ()
    "tpu.region"() ({
      %run_scoped3A_153 = tpu.sem_alloc : memref<!tpu.dma_semaphore, #tpu.memory_space<semaphore_mem>>
      tpu.enqueue_dma source(%arg5 : memref<80x128xf32, #tpu.memory_space<hbm>>) target(%arg15 : memref<80x128xf32, #tpu.memory_space<vmem>>) target_semaphore(%run_scoped3A_153 : memref<!tpu.dma_semaphore, #tpu.memory_space<semaphore_mem>>)
      tpu.wait_dma2 semaphore(%run_scoped3A_153 : memref<!tpu.dma_semaphore, #tpu.memory_space<semaphore_mem>>) src(%arg5 : memref<80x128xf32, #tpu.memory_space<hbm>>) dst(%arg15 : memref<80x128xf32, #tpu.memory_space<vmem>>)
      tpu.yield
    }) : () -> ()
    %parallel_loop3A = arith.constant 0 : i32
    %parallel_loop3A_36 = arith.constant 78 : i32
    %parallel_loop3A_37 = arith.constant 1 : i32
    scf.for %parallel_loop3A_153 = %parallel_loop3A to %parallel_loop3A_36 step %parallel_loop3A_37  : i32 {
      %parallel_loop3A_154 = arith.index_cast %parallel_loop3A_153 : i32 to index
      %parallel_loop3A_155 = arith.constant 0 : index
      %parallel_loop3A_156 = tpu.vector_load %arg11[%parallel_loop3A_154, %parallel_loop3A_155] {strides = array<i32>} : memref<80x128xf32, #tpu.memory_space<vmem>>, vector<16xf32>,
      %parallel_loop3A_157 = arith.index_cast %parallel_loop3A_153 : i32 to index
      %parallel_loop3A_158 = arith.constant 0 : index
      %parallel_loop3A_159 = tpu.vector_load %arg12[%parallel_loop3A_157, %parallel_loop3A_158] {strides = array<i32>} : memref<80x128xf32, #tpu.memory_space<vmem>>, vector<16xf32>,
      %parallel_loop3A_160 = arith.addf %parallel_loop3A_156, %parallel_loop3A_159 : vector<16xf32>
      %parallel_loop3A_161 = arith.index_cast %parallel_loop3A_153 : i32 to index
      %parallel_loop3A_162 = arith.constant 0 : index
      %parallel_loop3A_163 = tpu.vector_load %arg15[%parallel_loop3A_161, %parallel_loop3A_162] {strides = array<i32>} : memref<80x128xf32, #tpu.memory_space<vmem>>, vector<16xf32>,
      %parallel_loop3A_164 = arith.addf %parallel_loop3A_163, %parallel_loop3A_160 : vector<16xf32>
      %parallel_loop3A_165 = arith.index_cast %parallel_loop3A_153 : i32 to index
      %parallel_loop3A_166 = arith.constant 0 : index
      %parallel_loop3A_167 = tpu.vector_load %arg11[%parallel_loop3A_165, %parallel_loop3A_166] {strides = array<i32>} : memref<80x128xf32, #tpu.memory_space<vmem>>, vector<16xf32>,
      tpu.vector_store %arg11[%parallel_loop3A_165, %parallel_loop3A_166], %parallel_loop3A_164 {strides = array<i32>} : memref<80x128xf32, #tpu.memory_space<vmem>>, vector<16xf32>,
      %parallel_loop3A_168 = arith.index_cast %parallel_loop3A_153 : i32 to index
      %parallel_loop3A_169 = arith.constant 0 : index
      %parallel_loop3A_170 = tpu.vector_load %arg13[%parallel_loop3A_168, %parallel_loop3A_169] {strides = array<i32>} : memref<80x128xf32, #tpu.memory_space<vmem>>, vector<16xf32>,
      %parallel_loop3A_171 = arith.mulf %parallel_loop3A_164, %parallel_loop3A_170 : vector<16xf32>
      %parallel_loop3A_172 = arith.index_cast %parallel_loop3A_153 : i32 to index
      %parallel_loop3A_173 = arith.constant 0 : index
      %parallel_loop3A_174 = tpu.vector_load %arg14[%parallel_loop3A_172, %parallel_loop3A_173] {strides = array<i32>} : memref<80x128xf32, #tpu.memory_space<vmem>>, vector<16xf32>,
      tpu.vector_store %arg14[%parallel_loop3A_172, %parallel_loop3A_173], %parallel_loop3A_171 {strides = array<i32>} : memref<80x128xf32, #tpu.memory_space<vmem>>, vector<16xf32>,
      %parallel_loop3A_175 = arith.index_cast %parallel_loop3A_153 : i32 to index
      %parallel_loop3A_176 = arith.constant 16 : index
      %parallel_loop3A_177 = tpu.vector_load %arg11[%parallel_loop3A_175, %parallel_loop3A_176] {strides = array<i32>} : memref<80x128xf32, #tpu.memory_space<vmem>>, vector<16xf32>,
      %parallel_loop3A_178 = arith.index_cast %parallel_loop3A_153 : i32 to index
      %parallel_loop3A_179 = arith.constant 16 : index
      %parallel_loop3A_180 = tpu.vector_load %arg12[%parallel_loop3A_178, %parallel_loop3A_179] {strides = array<i32>} : memref<80x128xf32, #tpu.memory_space<vmem>>, vector<16xf32>,
      %parallel_loop3A_181 = arith.addf %parallel_loop3A_177, %parallel_loop3A_180 : vector<16xf32>
      %parallel_loop3A_182 = arith.index_cast %parallel_loop3A_153 : i32 to index
      %parallel_loop3A_183 = arith.constant 16 : index
      %parallel_loop3A_184 = tpu.vector_load %arg15[%parallel_loop3A_182, %parallel_loop3A_183] {strides = array<i32>} : memref<80x128xf32, #tpu.memory_space<vmem>>, vector<16xf32>,
      %parallel_loop3A_185 = arith.addf %parallel_loop3A_184, %parallel_loop3A_181 : vector<16xf32>
      %parallel_loop3A_186 = arith.index_cast %parallel_loop3A_153 : i32 to index
      %parallel_loop3A_187 = arith.constant 16 : index
      %parallel_loop3A_188 = tpu.vector_load %arg11[%parallel_loop3A_186, %parallel_loop3A_187] {strides = array<i32>} : memref<80x128xf32, #tpu.memory_space<vmem>>, vector<16xf32>,
      tpu.vector_store %arg11[%parallel_loop3A_186, %parallel_loop3A_187], %parallel_loop3A_185 {strides = array<i32>} : memref<80x128xf32, #tpu.memory_space<vmem>>, vector<16xf32>,
      %parallel_loop3A_189 = arith.index_cast %parallel_loop3A_153 : i32 to index
      %parallel_loop3A_190 = arith.constant 16 : index
      %parallel_loop3A_191 = tpu.vector_load %arg13[%parallel_loop3A_189, %parallel_loop3A_190] {strides = array<i32>} : memref<80x128xf32, #tpu.memory_space<vmem>>, vector<16xf32>,
      %parallel_loop3A_192 = arith.mulf %parallel_loop3A_185, %parallel_loop3A_191 : vector<16xf32>
      %parallel_loop3A_193 = arith.index_cast %parallel_loop3A_153 : i32 to index
      %parallel_loop3A_194 = arith.constant 16 : index
      %parallel_loop3A_195 = tpu.vector_load %arg14[%parallel_loop3A_193, %parallel_loop3A_194] {strides = array<i32>} : memref<80x128xf32, #tpu.memory_space<vmem>>, vector<16xf32>,
      tpu.vector_store %arg14[%parallel_loop3A_193, %parallel_loop3A_194], %parallel_loop3A_192 {strides = array<i32>} : memref<80x128xf32, #tpu.memory_space<vmem>>, vector<16xf32>,
      %parallel_loop3A_196 = arith.index_cast %parallel_loop3A_153 : i32 to index
      %parallel_loop3A_197 = arith.constant 32 : index
      %parallel_loop3A_198 = tpu.vector_load %arg11[%parallel_loop3A_196, %parallel_loop3A_197] {strides = array<i32>} : memref<80x128xf32, #tpu.memory_space<vmem>>, vector<16xf32>,
      %parallel_loop3A_199 = arith.index_cast %parallel_loop3A_153 : i32 to index
      %parallel_loop3A_200 = arith.constant 32 : index
      %parallel_loop3A_201 = tpu.vector_load %arg12[%parallel_loop3A_199, %parallel_loop3A_200] {strides = array<i32>} : memref<80x128xf32, #tpu.memory_space<vmem>>, vector<16xf32>,
      %parallel_loop3A_202 = arith.addf %parallel_loop3A_198, %parallel_loop3A_201 : vector<16xf32>
      %parallel_loop3A_203 = arith.index_cast %parallel_loop3A_153 : i32 to index
      %parallel_loop3A_204 = arith.constant 32 : index
      %parallel_loop3A_205 = tpu.vector_load %arg15[%parallel_loop3A_203, %parallel_loop3A_204] {strides = array<i32>} : memref<80x128xf32, #tpu.memory_space<vmem>>, vector<16xf32>,
      %parallel_loop3A_206 = arith.addf %parallel_loop3A_205, %parallel_loop3A_202 : vector<16xf32>
      %parallel_loop3A_207 = arith.index_cast %parallel_loop3A_153 : i32 to index
      %parallel_loop3A_208 = arith.constant 32 : index
      %parallel_loop3A_209 = tpu.vector_load %arg11[%parallel_loop3A_207, %parallel_loop3A_208] {strides = array<i32>} : memref<80x128xf32, #tpu.memory_space<vmem>>, vector<16xf32>,
      tpu.vector_store %arg11[%parallel_loop3A_207, %parallel_loop3A_208], %parallel_loop3A_206 {strides = array<i32>} : memref<80x128xf32, #tpu.memory_space<vmem>>, vector<16xf32>,
      %parallel_loop3A_210 = arith.index_cast %parallel_loop3A_153 : i32 to index
      %parallel_loop3A_211 = arith.constant 32 : index
      %parallel_loop3A_212 = tpu.vector_load %arg13[%parallel_loop3A_210, %parallel_loop3A_211] {strides = array<i32>} : memref<80x128xf32, #tpu.memory_space<vmem>>, vector<16xf32>,
      %parallel_loop3A_213 = arith.mulf %parallel_loop3A_206, %parallel_loop3A_212 : vector<16xf32>
      %parallel_loop3A_214 = arith.index_cast %parallel_loop3A_153 : i32 to index
      %parallel_loop3A_215 = arith.constant 32 : index
      %parallel_loop3A_216 = tpu.vector_load %arg14[%parallel_loop3A_214, %parallel_loop3A_215] {strides = array<i32>} : memref<80x128xf32, #tpu.memory_space<vmem>>, vector<16xf32>,
      tpu.vector_store %arg14[%parallel_loop3A_214, %parallel_loop3A_215], %parallel_loop3A_213 {strides = array<i32>} : memref<80x128xf32, #tpu.memory_space<vmem>>, vector<16xf32>,
      %parallel_loop3A_217 = arith.index_cast %parallel_loop3A_153 : i32 to index
      %parallel_loop3A_218 = arith.constant 48 : index
      %parallel_loop3A_219 = tpu.vector_load %arg11[%parallel_loop3A_217, %parallel_loop3A_218] {strides = array<i32>} : memref<80x128xf32, #tpu.memory_space<vmem>>, vector<16xf32>,
      %parallel_loop3A_220 = arith.index_cast %parallel_loop3A_153 : i32 to index
      %parallel_loop3A_221 = arith.constant 48 : index
      %parallel_loop3A_222 = tpu.vector_load %arg12[%parallel_loop3A_220, %parallel_loop3A_221] {strides = array<i32>} : memref<80x128xf32, #tpu.memory_space<vmem>>, vector<16xf32>,
      %parallel_loop3A_223 = arith.addf %parallel_loop3A_219, %parallel_loop3A_222 : vector<16xf32>
      %parallel_loop3A_224 = arith.index_cast %parallel_loop3A_153 : i32 to index
      %parallel_loop3A_225 = arith.constant 48 : index
      %parallel_loop3A_226 = tpu.vector_load %arg15[%parallel_loop3A_224, %parallel_loop3A_225] {strides = array<i32>} : memref<80x128xf32, #tpu.memory_space<vmem>>, vector<16xf32>,
      %parallel_loop3A_227 = arith.addf %parallel_loop3A_226, %parallel_loop3A_223 : vector<16xf32>
      %parallel_loop3A_228 = arith.index_cast %parallel_loop3A_153 : i32 to index
      %parallel_loop3A_229 = arith.constant 48 : index
      %parallel_loop3A_230 = tpu.vector_load %arg11[%parallel_loop3A_228, %parallel_loop3A_229] {strides = array<i32>} : memref<80x128xf32, #tpu.memory_space<vmem>>, vector<16xf32>,
      tpu.vector_store %arg11[%parallel_loop3A_228, %parallel_loop3A_229], %parallel_loop3A_227 {strides = array<i32>} : memref<80x128xf32, #tpu.memory_space<vmem>>, vector<16xf32>,
      %parallel_loop3A_231 = arith.index_cast %parallel_loop3A_153 : i32 to index
      %parallel_loop3A_232 = arith.constant 48 : index
      %parallel_loop3A_233 = tpu.vector_load %arg13[%parallel_loop3A_231, %parallel_loop3A_232] {strides = array<i32>} : memref<80x128xf32, #tpu.memory_space<vmem>>, vector<16xf32>,
      %parallel_loop3A_234 = arith.mulf %parallel_loop3A_227, %parallel_loop3A_233 : vector<16xf32>
      %parallel_loop3A_235 = arith.index_cast %parallel_loop3A_153 : i32 to index
      %parallel_loop3A_236 = arith.constant 48 : index
      %parallel_loop3A_237 = tpu.vector_load %arg14[%parallel_loop3A_235, %parallel_loop3A_236] {strides = array<i32>} : memref<80x128xf32, #tpu.memory_space<vmem>>, vector<16xf32>,
      tpu.vector_store %arg14[%parallel_loop3A_235, %parallel_loop3A_236], %parallel_loop3A_234 {strides = array<i32>} : memref<80x128xf32, #tpu.memory_space<vmem>>, vector<16xf32>,
      %parallel_loop3A_238 = arith.index_cast %parallel_loop3A_153 : i32 to index
      %parallel_loop3A_239 = arith.constant 64 : index
      %parallel_loop3A_240 = tpu.vector_load %arg11[%parallel_loop3A_238, %parallel_loop3A_239] {strides = array<i32>} : memref<80x128xf32, #tpu.memory_space<vmem>>, vector<16xf32>,
      %parallel_loop3A_241 = arith.index_cast %parallel_loop3A_153 : i32 to index
      %parallel_loop3A_242 = arith.constant 64 : index
      %parallel_loop3A_243 = tpu.vector_load %arg12[%parallel_loop3A_241, %parallel_loop3A_242] {strides = array<i32>} : memref<80x128xf32, #tpu.memory_space<vmem>>, vector<16xf32>,
      %parallel_loop3A_244 = arith.addf %parallel_loop3A_240, %parallel_loop3A_243 : vector<16xf32>
      %parallel_loop3A_245 = arith.index_cast %parallel_loop3A_153 : i32 to index
      %parallel_loop3A_246 = arith.constant 64 : index
      %parallel_loop3A_247 = tpu.vector_load %arg15[%parallel_loop3A_245, %parallel_loop3A_246] {strides = array<i32>} : memref<80x128xf32, #tpu.memory_space<vmem>>, vector<16xf32>,
      %parallel_loop3A_248 = arith.addf %parallel_loop3A_247, %parallel_loop3A_244 : vector<16xf32>
      %parallel_loop3A_249 = arith.index_cast %parallel_loop3A_153 : i32 to index
      %parallel_loop3A_250 = arith.constant 64 : index
      %parallel_loop3A_251 = tpu.vector_load %arg11[%parallel_loop3A_249, %parallel_loop3A_250] {strides = array<i32>} : memref<80x128xf32, #tpu.memory_space<vmem>>, vector<16xf32>,
      tpu.vector_store %arg11[%parallel_loop3A_249, %parallel_loop3A_250], %parallel_loop3A_248 {strides = array<i32>} : memref<80x128xf32, #tpu.memory_space<vmem>>, vector<16xf32>,
      %parallel_loop3A_252 = arith.index_cast %parallel_loop3A_153 : i32 to index
      %parallel_loop3A_253 = arith.constant 64 : index
      %parallel_loop3A_254 = tpu.vector_load %arg13[%parallel_loop3A_252, %parallel_loop3A_253] {strides = array<i32>} : memref<80x128xf32, #tpu.memory_space<vmem>>, vector<16xf32>,
      %parallel_loop3A_255 = arith.mulf %parallel_loop3A_248, %parallel_loop3A_254 : vector<16xf32>
      %parallel_loop3A_256 = arith.index_cast %parallel_loop3A_153 : i32 to index
      %parallel_loop3A_257 = arith.constant 64 : index
      %parallel_loop3A_258 = tpu.vector_load %arg14[%parallel_loop3A_256, %parallel_loop3A_257] {strides = array<i32>} : memref<80x128xf32, #tpu.memory_space<vmem>>, vector<16xf32>,
      tpu.vector_store %arg14[%parallel_loop3A_256, %parallel_loop3A_257], %parallel_loop3A_255 {strides = array<i32>} : memref<80x128xf32, #tpu.memory_space<vmem>>, vector<16xf32>,
      %parallel_loop3A_259 = arith.index_cast %parallel_loop3A_153 : i32 to index
      %parallel_loop3A_260 = arith.constant 80 : index
      %parallel_loop3A_261 = tpu.vector_load %arg11[%parallel_loop3A_259, %parallel_loop3A_260] {strides = array<i32>} : memref<80x128xf32, #tpu.memory_space<vmem>>, vector<16xf32>,
      %parallel_loop3A_262 = arith.index_cast %parallel_loop3A_153 : i32 to index
      %parallel_loop3A_263 = arith.constant 80 : index
      %parallel_loop3A_264 = tpu.vector_load %arg12[%parallel_loop3A_262, %parallel_loop3A_263] {strides = array<i32>} : memref<80x128xf32, #tpu.memory_space<vmem>>, vector<16xf32>,
      %parallel_loop3A_265 = arith.addf %parallel_loop3A_261, %parallel_loop3A_264 : vector<16xf32>
      %parallel_loop3A_266 = arith.index_cast %parallel_loop3A_153 : i32 to index
      %parallel_loop3A_267 = arith.constant 80 : index
      %parallel_loop3A_268 = tpu.vector_load %arg15[%parallel_loop3A_266, %parallel_loop3A_267] {strides = array<i32>} : memref<80x128xf32, #tpu.memory_space<vmem>>, vector<16xf32>,
      %parallel_loop3A_269 = arith.addf %parallel_loop3A_268, %parallel_loop3A_265 : vector<16xf32>
      %parallel_loop3A_270 = arith.index_cast %parallel_loop3A_153 : i32 to index
      %parallel_loop3A_271 = arith.constant 80 : index
      %parallel_loop3A_272 = tpu.vector_load %arg11[%parallel_loop3A_270, %parallel_loop3A_271] {strides = array<i32>} : memref<80x128xf32, #tpu.memory_space<vmem>>, vector<16xf32>,
      tpu.vector_store %arg11[%parallel_loop3A_270, %parallel_loop3A_271], %parallel_loop3A_269 {strides = array<i32>} : memref<80x128xf32, #tpu.memory_space<vmem>>, vector<16xf32>,
      %parallel_loop3A_273 = arith.index_cast %parallel_loop3A_153 : i32 to index
      %parallel_loop3A_274 = arith.constant 80 : index
      %parallel_loop3A_275 = tpu.vector_load %arg13[%parallel_loop3A_273, %parallel_loop3A_274] {strides = array<i32>} : memref<80x128xf32, #tpu.memory_space<vmem>>, vector<16xf32>,
      %parallel_loop3A_276 = arith.mulf %parallel_loop3A_269, %parallel_loop3A_275 : vector<16xf32>
      %parallel_loop3A_277 = arith.index_cast %parallel_loop3A_153 : i32 to index
      %parallel_loop3A_278 = arith.constant 80 : index
      %parallel_loop3A_279 = tpu.vector_load %arg14[%parallel_loop3A_277, %parallel_loop3A_278] {strides = array<i32>} : memref<80x128xf32, #tpu.memory_space<vmem>>, vector<16xf32>,
      tpu.vector_store %arg14[%parallel_loop3A_277, %parallel_loop3A_278], %parallel_loop3A_276 {strides = array<i32>} : memref<80x128xf32, #tpu.memory_space<vmem>>, vector<16xf32>,
      %parallel_loop3A_280 = arith.index_cast %parallel_loop3A_153 : i32 to index
      %parallel_loop3A_281 = arith.constant 96 : index
      %parallel_loop3A_282 = tpu.vector_load %arg11[%parallel_loop3A_280, %parallel_loop3A_281] {strides = array<i32>} : memref<80x128xf32, #tpu.memory_space<vmem>>, vector<16xf32>,
      %parallel_loop3A_283 = arith.index_cast %parallel_loop3A_153 : i32 to index
      %parallel_loop3A_284 = arith.constant 96 : index
      %parallel_loop3A_285 = tpu.vector_load %arg12[%parallel_loop3A_283, %parallel_loop3A_284] {strides = array<i32>} : memref<80x128xf32, #tpu.memory_space<vmem>>, vector<16xf32>,
      %parallel_loop3A_286 = arith.addf %parallel_loop3A_282, %parallel_loop3A_285 : vector<16xf32>
      %parallel_loop3A_287 = arith.index_cast %parallel_loop3A_153 : i32 to index
      %parallel_loop3A_288 = arith.constant 96 : index
      %parallel_loop3A_289 = tpu.vector_load %arg15[%parallel_loop3A_287, %parallel_loop3A_288] {strides = array<i32>} : memref<80x128xf32, #tpu.memory_space<vmem>>, vector<16xf32>,
      %parallel_loop3A_290 = arith.addf %parallel_loop3A_289, %parallel_loop3A_286 : vector<16xf32>
      %parallel_loop3A_291 = arith.index_cast %parallel_loop3A_153 : i32 to index
      %parallel_loop3A_292 = arith.constant 96 : index
      %parallel_loop3A_293 = tpu.vector_load %arg11[%parallel_loop3A_291, %parallel_loop3A_292] {strides = array<i32>} : memref<80x128xf32, #tpu.memory_space<vmem>>, vector<16xf32>,
      tpu.vector_store %arg11[%parallel_loop3A_291, %parallel_loop3A_292], %parallel_loop3A_290 {strides = array<i32>} : memref<80x128xf32, #tpu.memory_space<vmem>>, vector<16xf32>,
      %parallel_loop3A_294 = arith.index_cast %parallel_loop3A_153 : i32 to index
      %parallel_loop3A_295 = arith.constant 96 : index
      %parallel_loop3A_296 = tpu.vector_load %arg13[%parallel_loop3A_294, %parallel_loop3A_295] {strides = array<i32>} : memref<80x128xf32, #tpu.memory_space<vmem>>, vector<16xf32>,
      %parallel_loop3A_297 = arith.mulf %parallel_loop3A_290, %parallel_loop3A_296 : vector<16xf32>
      %parallel_loop3A_298 = arith.index_cast %parallel_loop3A_153 : i32 to index
      %parallel_loop3A_299 = arith.constant 96 : index
      %parallel_loop3A_300 = tpu.vector_load %arg14[%parallel_loop3A_298, %parallel_loop3A_299] {strides = array<i32>} : memref<80x128xf32, #tpu.memory_space<vmem>>, vector<16xf32>,
      tpu.vector_store %arg14[%parallel_loop3A_298, %parallel_loop3A_299], %parallel_loop3A_297 {strides = array<i32>} : memref<80x128xf32, #tpu.memory_space<vmem>>, vector<16xf32>,
      %parallel_loop3A_301 = arith.index_cast %parallel_loop3A_153 : i32 to index
      %parallel_loop3A_302 = arith.constant 112 : index
      %parallel_loop3A_303 = tpu.vector_load %arg11[%parallel_loop3A_301, %parallel_loop3A_302] {strides = array<i32>} : memref<80x128xf32, #tpu.memory_space<vmem>>, vector<16xf32>,
      %parallel_loop3A_304 = arith.index_cast %parallel_loop3A_153 : i32 to index
      %parallel_loop3A_305 = arith.constant 112 : index
      %parallel_loop3A_306 = tpu.vector_load %arg12[%parallel_loop3A_304, %parallel_loop3A_305] {strides = array<i32>} : memref<80x128xf32, #tpu.memory_space<vmem>>, vector<16xf32>,
      %parallel_loop3A_307 = arith.addf %parallel_loop3A_303, %parallel_loop3A_306 : vector<16xf32>
      %parallel_loop3A_308 = arith.index_cast %parallel_loop3A_153 : i32 to index
      %parallel_loop3A_309 = arith.constant 112 : index
      %parallel_loop3A_310 = tpu.vector_load %arg15[%parallel_loop3A_308, %parallel_loop3A_309] {strides = array<i32>} : memref<80x128xf32, #tpu.memory_space<vmem>>, vector<16xf32>,
      %parallel_loop3A_311 = arith.addf %parallel_loop3A_310, %parallel_loop3A_307 : vector<16xf32>
      %parallel_loop3A_312 = arith.index_cast %parallel_loop3A_153 : i32 to index
      %parallel_loop3A_313 = arith.constant 112 : index
      %parallel_loop3A_314 = tpu.vector_load %arg11[%parallel_loop3A_312, %parallel_loop3A_313] {strides = array<i32>} : memref<80x128xf32, #tpu.memory_space<vmem>>, vector<16xf32>,
      tpu.vector_store %arg11[%parallel_loop3A_312, %parallel_loop3A_313], %parallel_loop3A_311 {strides = array<i32>} : memref<80x128xf32, #tpu.memory_space<vmem>>, vector<16xf32>,
      %parallel_loop3A_315 = arith.index_cast %parallel_loop3A_153 : i32 to index
      %parallel_loop3A_316 = arith.constant 112 : index
      %parallel_loop3A_317 = tpu.vector_load %arg13[%parallel_loop3A_315, %parallel_loop3A_316] {strides = array<i32>} : memref<80x128xf32, #tpu.memory_space<vmem>>, vector<16xf32>,
      %parallel_loop3A_318 = arith.mulf %parallel_loop3A_311, %parallel_loop3A_317 : vector<16xf32>
      %parallel_loop3A_319 = arith.index_cast %parallel_loop3A_153 : i32 to index
      %parallel_loop3A_320 = arith.constant 112 : index
      %parallel_loop3A_321 = tpu.vector_load %arg14[%parallel_loop3A_319, %parallel_loop3A_320] {strides = array<i32>} : memref<80x128xf32, #tpu.memory_space<vmem>>, vector<16xf32>,
      tpu.vector_store %arg14[%parallel_loop3A_319, %parallel_loop3A_320], %parallel_loop3A_318 {strides = array<i32>} : memref<80x128xf32, #tpu.memory_space<vmem>>, vector<16xf32>,
    } {sc.loop_unroll_factor = 2 : i64, sc.parallel_access}
    %get3A = arith.constant 78 : i32
    %get3A_38 = arith.index_cast %get3A : i32 to index
    %get3A_39 = arith.constant 0 : index
    %get3A_40 = tpu.vector_load %arg11[%get3A_38, %get3A_39] {strides = array<i32>} : memref<80x128xf32, #tpu.memory_space<vmem>>, vector<16xf32>,
    %get3A_41 = arith.constant 78 : i32
    %get3A_42 = arith.index_cast %get3A_41 : i32 to index
    %get3A_43 = arith.constant 0 : index
    %get3A_44 = tpu.vector_load %arg12[%get3A_42, %get3A_43] {strides = array<i32>} : memref<80x128xf32, #tpu.memory_space<vmem>>, vector<16xf32>,
    %add3A_45 = arith.addf %get3A_40, %get3A_44 : vector<16xf32>
    %get3A_46 = arith.constant 78 : i32
    %get3A_47 = arith.index_cast %get3A_46 : i32 to index
    %get3A_48 = arith.constant 0 : index
    %get3A_49 = tpu.vector_load %arg15[%get3A_47, %get3A_48] {strides = array<i32>} : memref<80x128xf32, #tpu.memory_space<vmem>>, vector<16xf32>,
    %add3A_50 = arith.addf %get3A_49, %add3A_45 : vector<16xf32>
    %swap3A_51 = arith.constant 78 : i32
    %swap3A_52 = arith.index_cast %swap3A_51 : i32 to index
    %swap3A_53 = arith.constant 0 : index
    %swap3A_54 = tpu.vector_load %arg11[%swap3A_52, %swap3A_53] {strides = array<i32>} : memref<80x128xf32, #tpu.memory_space<vmem>>, vector<16xf32>,
    tpu.vector_store %arg11[%swap3A_52, %swap3A_53], %add3A_50 {strides = array<i32>} : memref<80x128xf32, #tpu.memory_space<vmem>>, vector<16xf32>,
    %get3A_55 = arith.constant 78 : i32
    %get3A_56 = arith.index_cast %get3A_55 : i32 to index
    %get3A_57 = arith.constant 0 : index
    %get3A_58 = tpu.vector_load %arg13[%get3A_56, %get3A_57] {strides = array<i32>} : memref<80x128xf32, #tpu.memory_space<vmem>>, vector<16xf32>,
    %mul3A_59 = arith.mulf %add3A_50, %get3A_58 : vector<16xf32>
    %swap3A_60 = arith.constant 78 : i32
    %swap3A_61 = arith.index_cast %swap3A_60 : i32 to index
    %swap3A_62 = arith.constant 0 : index
    %swap3A_63 = tpu.vector_load %arg14[%swap3A_61, %swap3A_62] {strides = array<i32>} : memref<80x128xf32, #tpu.memory_space<vmem>>, vector<16xf32>,
    tpu.vector_store %arg14[%swap3A_61, %swap3A_62], %mul3A_59 {strides = array<i32>} : memref<80x128xf32, #tpu.memory_space<vmem>>, vector<16xf32>,
    %broadcast_in_dim3A = arith.constant 0.000000e+00 : f32
    %broadcast_in_dim3A_64 = vector.broadcast %broadcast_in_dim3A : f32 to vector<16xf32>
    %swap3A_65 = arith.constant 78 : i32
    %swap3A_66 = arith.index_cast %swap3A_65 : i32 to index
    %swap3A_67 = arith.constant 16 : index
    %swap3A_68 = tpu.vector_load %arg11[%swap3A_66, %swap3A_67] {strides = array<i32>} : memref<80x128xf32, #tpu.memory_space<vmem>>, vector<16xf32>,
    tpu.vector_store %arg11[%swap3A_66, %swap3A_67], %broadcast_in_dim3A_64 {strides = array<i32>} : memref<80x128xf32, #tpu.memory_space<vmem>>, vector<16xf32>,
    %swap3A_69 = arith.constant 78 : i32
    %swap3A_70 = arith.index_cast %swap3A_69 : i32 to index
    %swap3A_71 = arith.constant 16 : index
    %swap3A_72 = tpu.vector_load %arg14[%swap3A_70, %swap3A_71] {strides = array<i32>} : memref<80x128xf32, #tpu.memory_space<vmem>>, vector<16xf32>,
    tpu.vector_store %arg14[%swap3A_70, %swap3A_71], %broadcast_in_dim3A_64 {strides = array<i32>} : memref<80x128xf32, #tpu.memory_space<vmem>>, vector<16xf32>,
    %swap3A_73 = arith.constant 78 : i32
    %swap3A_74 = arith.index_cast %swap3A_73 : i32 to index
    %swap3A_75 = arith.constant 32 : index
    %swap3A_76 = tpu.vector_load %arg11[%swap3A_74, %swap3A_75] {strides = array<i32>} : memref<80x128xf32, #tpu.memory_space<vmem>>, vector<16xf32>,
    tpu.vector_store %arg11[%swap3A_74, %swap3A_75], %broadcast_in_dim3A_64 {strides = array<i32>} : memref<80x128xf32, #tpu.memory_space<vmem>>, vector<16xf32>,
    %swap3A_77 = arith.constant 78 : i32
    %swap3A_78 = arith.index_cast %swap3A_77 : i32 to index
    %swap3A_79 = arith.constant 32 : index
    %swap3A_80 = tpu.vector_load %arg14[%swap3A_78, %swap3A_79] {strides = array<i32>} : memref<80x128xf32, #tpu.memory_space<vmem>>, vector<16xf32>,
    tpu.vector_store %arg14[%swap3A_78, %swap3A_79], %broadcast_in_dim3A_64 {strides = array<i32>} : memref<80x128xf32, #tpu.memory_space<vmem>>, vector<16xf32>,
    %swap3A_81 = arith.constant 78 : i32
    %swap3A_82 = arith.index_cast %swap3A_81 : i32 to index
    %swap3A_83 = arith.constant 48 : index
    %swap3A_84 = tpu.vector_load %arg11[%swap3A_82, %swap3A_83] {strides = array<i32>} : memref<80x128xf32, #tpu.memory_space<vmem>>, vector<16xf32>,
    tpu.vector_store %arg11[%swap3A_82, %swap3A_83], %broadcast_in_dim3A_64 {strides = array<i32>} : memref<80x128xf32, #tpu.memory_space<vmem>>, vector<16xf32>,
    %swap3A_85 = arith.constant 78 : i32
    %swap3A_86 = arith.index_cast %swap3A_85 : i32 to index
    %swap3A_87 = arith.constant 48 : index
    %swap3A_88 = tpu.vector_load %arg14[%swap3A_86, %swap3A_87] {strides = array<i32>} : memref<80x128xf32, #tpu.memory_space<vmem>>, vector<16xf32>,
    tpu.vector_store %arg14[%swap3A_86, %swap3A_87], %broadcast_in_dim3A_64 {strides = array<i32>} : memref<80x128xf32, #tpu.memory_space<vmem>>, vector<16xf32>,
    %swap3A_89 = arith.constant 78 : i32
    %swap3A_90 = arith.index_cast %swap3A_89 : i32 to index
    %swap3A_91 = arith.constant 64 : index
    %swap3A_92 = tpu.vector_load %arg11[%swap3A_90, %swap3A_91] {strides = array<i32>} : memref<80x128xf32, #tpu.memory_space<vmem>>, vector<16xf32>,
    tpu.vector_store %arg11[%swap3A_90, %swap3A_91], %broadcast_in_dim3A_64 {strides = array<i32>} : memref<80x128xf32, #tpu.memory_space<vmem>>, vector<16xf32>,
    %swap3A_93 = arith.constant 78 : i32
    %swap3A_94 = arith.index_cast %swap3A_93 : i32 to index
    %swap3A_95 = arith.constant 64 : index
    %swap3A_96 = tpu.vector_load %arg14[%swap3A_94, %swap3A_95] {strides = array<i32>} : memref<80x128xf32, #tpu.memory_space<vmem>>, vector<16xf32>,
    tpu.vector_store %arg14[%swap3A_94, %swap3A_95], %broadcast_in_dim3A_64 {strides = array<i32>} : memref<80x128xf32, #tpu.memory_space<vmem>>, vector<16xf32>,
    %swap3A_97 = arith.constant 78 : i32
    %swap3A_98 = arith.index_cast %swap3A_97 : i32 to index
    %swap3A_99 = arith.constant 80 : index
    %swap3A_100 = tpu.vector_load %arg11[%swap3A_98, %swap3A_99] {strides = array<i32>} : memref<80x128xf32, #tpu.memory_space<vmem>>, vector<16xf32>,
    tpu.vector_store %arg11[%swap3A_98, %swap3A_99], %broadcast_in_dim3A_64 {strides = array<i32>} : memref<80x128xf32, #tpu.memory_space<vmem>>, vector<16xf32>,
    %swap3A_101 = arith.constant 78 : i32
    %swap3A_102 = arith.index_cast %swap3A_101 : i32 to index
    %swap3A_103 = arith.constant 80 : index
    %swap3A_104 = tpu.vector_load %arg14[%swap3A_102, %swap3A_103] {strides = array<i32>} : memref<80x128xf32, #tpu.memory_space<vmem>>, vector<16xf32>,
    tpu.vector_store %arg14[%swap3A_102, %swap3A_103], %broadcast_in_dim3A_64 {strides = array<i32>} : memref<80x128xf32, #tpu.memory_space<vmem>>, vector<16xf32>,
    %swap3A_105 = arith.constant 78 : i32
    %swap3A_106 = arith.index_cast %swap3A_105 : i32 to index
    %swap3A_107 = arith.constant 96 : index
    %swap3A_108 = tpu.vector_load %arg11[%swap3A_106, %swap3A_107] {strides = array<i32>} : memref<80x128xf32, #tpu.memory_space<vmem>>, vector<16xf32>,
    tpu.vector_store %arg11[%swap3A_106, %swap3A_107], %broadcast_in_dim3A_64 {strides = array<i32>} : memref<80x128xf32, #tpu.memory_space<vmem>>, vector<16xf32>,
    %swap3A_109 = arith.constant 78 : i32
    %swap3A_110 = arith.index_cast %swap3A_109 : i32 to index
    %swap3A_111 = arith.constant 96 : index
    %swap3A_112 = tpu.vector_load %arg14[%swap3A_110, %swap3A_111] {strides = array<i32>} : memref<80x128xf32, #tpu.memory_space<vmem>>, vector<16xf32>,
    tpu.vector_store %arg14[%swap3A_110, %swap3A_111], %broadcast_in_dim3A_64 {strides = array<i32>} : memref<80x128xf32, #tpu.memory_space<vmem>>, vector<16xf32>,
    %swap3A_113 = arith.constant 78 : i32
    %swap3A_114 = arith.index_cast %swap3A_113 : i32 to index
    %swap3A_115 = arith.constant 112 : index
    %swap3A_116 = tpu.vector_load %arg11[%swap3A_114, %swap3A_115] {strides = array<i32>} : memref<80x128xf32, #tpu.memory_space<vmem>>, vector<16xf32>,
    tpu.vector_store %arg11[%swap3A_114, %swap3A_115], %broadcast_in_dim3A_64 {strides = array<i32>} : memref<80x128xf32, #tpu.memory_space<vmem>>, vector<16xf32>,
    %swap3A_117 = arith.constant 78 : i32
    %swap3A_118 = arith.index_cast %swap3A_117 : i32 to index
    %swap3A_119 = arith.constant 112 : index
    %swap3A_120 = tpu.vector_load %arg14[%swap3A_118, %swap3A_119] {strides = array<i32>} : memref<80x128xf32, #tpu.memory_space<vmem>>, vector<16xf32>,
    tpu.vector_store %arg14[%swap3A_118, %swap3A_119], %broadcast_in_dim3A_64 {strides = array<i32>} : memref<80x128xf32, #tpu.memory_space<vmem>>, vector<16xf32>,
    %broadcast_in_dim3A_121 = arith.constant 0.000000e+00 : f32
    %broadcast_in_dim3A_122 = vector.broadcast %broadcast_in_dim3A_121 : f32 to vector<16xf32>
    %parallel_loop3A_123 = arith.constant 79 : i32
    %parallel_loop3A_124 = arith.constant 80 : i32
    %parallel_loop3A_125 = arith.constant 1 : i32
    scf.for %parallel_loop3A_153 = %parallel_loop3A_123 to %parallel_loop3A_124 step %parallel_loop3A_125  : i32 {
      %parallel_loop3A_154 = arith.index_cast %parallel_loop3A_153 : i32 to index
      %parallel_loop3A_155 = arith.constant 0 : index
      %parallel_loop3A_156 = tpu.vector_load %arg11[%parallel_loop3A_154, %parallel_loop3A_155] {strides = array<i32>} : memref<80x128xf32, #tpu.memory_space<vmem>>, vector<16xf32>,
      tpu.vector_store %arg11[%parallel_loop3A_154, %parallel_loop3A_155], %broadcast_in_dim3A_122 {strides = array<i32>} : memref<80x128xf32, #tpu.memory_space<vmem>>, vector<16xf32>,
      %parallel_loop3A_157 = arith.index_cast %parallel_loop3A_153 : i32 to index
      %parallel_loop3A_158 = arith.constant 16 : index
      %parallel_loop3A_159 = tpu.vector_load %arg11[%parallel_loop3A_157, %parallel_loop3A_158] {strides = array<i32>} : memref<80x128xf32, #tpu.memory_space<vmem>>, vector<16xf32>,
      tpu.vector_store %arg11[%parallel_loop3A_157, %parallel_loop3A_158], %broadcast_in_dim3A_122 {strides = array<i32>} : memref<80x128xf32, #tpu.memory_space<vmem>>, vector<16xf32>,
      %parallel_loop3A_160 = arith.index_cast %parallel_loop3A_153 : i32 to index
      %parallel_loop3A_161 = arith.constant 32 : index
      %parallel_loop3A_162 = tpu.vector_load %arg11[%parallel_loop3A_160, %parallel_loop3A_161] {strides = array<i32>} : memref<80x128xf32, #tpu.memory_space<vmem>>, vector<16xf32>,
      tpu.vector_store %arg11[%parallel_loop3A_160, %parallel_loop3A_161], %broadcast_in_dim3A_122 {strides = array<i32>} : memref<80x128xf32, #tpu.memory_space<vmem>>, vector<16xf32>,
      %parallel_loop3A_163 = arith.index_cast %parallel_loop3A_153 : i32 to index
      %parallel_loop3A_164 = arith.constant 48 : index
      %parallel_loop3A_165 = tpu.vector_load %arg11[%parallel_loop3A_163, %parallel_loop3A_164] {strides = array<i32>} : memref<80x128xf32, #tpu.memory_space<vmem>>, vector<16xf32>,
      tpu.vector_store %arg11[%parallel_loop3A_163, %parallel_loop3A_164], %broadcast_in_dim3A_122 {strides = array<i32>} : memref<80x128xf32, #tpu.memory_space<vmem>>, vector<16xf32>,
      %parallel_loop3A_166 = arith.index_cast %parallel_loop3A_153 : i32 to index
      %parallel_loop3A_167 = arith.constant 64 : index
      %parallel_loop3A_168 = tpu.vector_load %arg11[%parallel_loop3A_166, %parallel_loop3A_167] {strides = array<i32>} : memref<80x128xf32, #tpu.memory_space<vmem>>, vector<16xf32>,
      tpu.vector_store %arg11[%parallel_loop3A_166, %parallel_loop3A_167], %broadcast_in_dim3A_122 {strides = array<i32>} : memref<80x128xf32, #tpu.memory_space<vmem>>, vector<16xf32>,
      %parallel_loop3A_169 = arith.index_cast %parallel_loop3A_153 : i32 to index
      %parallel_loop3A_170 = arith.constant 80 : index
      %parallel_loop3A_171 = tpu.vector_load %arg11[%parallel_loop3A_169, %parallel_loop3A_170] {strides = array<i32>} : memref<80x128xf32, #tpu.memory_space<vmem>>, vector<16xf32>,
      tpu.vector_store %arg11[%parallel_loop3A_169, %parallel_loop3A_170], %broadcast_in_dim3A_122 {strides = array<i32>} : memref<80x128xf32, #tpu.memory_space<vmem>>, vector<16xf32>,
      %parallel_loop3A_172 = arith.index_cast %parallel_loop3A_153 : i32 to index
      %parallel_loop3A_173 = arith.constant 96 : index
      %parallel_loop3A_174 = tpu.vector_load %arg11[%parallel_loop3A_172, %parallel_loop3A_173] {strides = array<i32>} : memref<80x128xf32, #tpu.memory_space<vmem>>, vector<16xf32>,
      tpu.vector_store %arg11[%parallel_loop3A_172, %parallel_loop3A_173], %broadcast_in_dim3A_122 {strides = array<i32>} : memref<80x128xf32, #tpu.memory_space<vmem>>, vector<16xf32>,
      %parallel_loop3A_175 = arith.index_cast %parallel_loop3A_153 : i32 to index
      %parallel_loop3A_176 = arith.constant 112 : index
      %parallel_loop3A_177 = tpu.vector_load %arg11[%parallel_loop3A_175, %parallel_loop3A_176] {strides = array<i32>} : memref<80x128xf32, #tpu.memory_space<vmem>>, vector<16xf32>,
      tpu.vector_store %arg11[%parallel_loop3A_175, %parallel_loop3A_176], %broadcast_in_dim3A_122 {strides = array<i32>} : memref<80x128xf32, #tpu.memory_space<vmem>>, vector<16xf32>,
    } {sc.loop_unroll_factor = 2 : i64, sc.parallel_access}
    %broadcast_in_dim3A_126 = arith.constant 0.000000e+00 : f32
    %broadcast_in_dim3A_127 = vector.broadcast %broadcast_in_dim3A_126 : f32 to vector<16xf32>
    %parallel_loop3A_128 = arith.constant 79 : i32
    %parallel_loop3A_129 = arith.constant 80 : i32
    %parallel_loop3A_130 = arith.constant 1 : i32
    scf.for %parallel_loop3A_153 = %parallel_loop3A_128 to %parallel_loop3A_129 step %parallel_loop3A_130  : i32 {
      %parallel_loop3A_154 = arith.index_cast %parallel_loop3A_153 : i32 to index
      %parallel_loop3A_155 = arith.constant 0 : index
      %parallel_loop3A_156 = tpu.vector_load %arg14[%parallel_loop3A_154, %parallel_loop3A_155] {strides = array<i32>} : memref<80x128xf32, #tpu.memory_space<vmem>>, vector<16xf32>,
      tpu.vector_store %arg14[%parallel_loop3A_154, %parallel_loop3A_155], %broadcast_in_dim3A_127 {strides = array<i32>} : memref<80x128xf32, #tpu.memory_space<vmem>>, vector<16xf32>,
      %parallel_loop3A_157 = arith.index_cast %parallel_loop3A_153 : i32 to index
      %parallel_loop3A_158 = arith.constant 16 : index
      %parallel_loop3A_159 = tpu.vector_load %arg14[%parallel_loop3A_157, %parallel_loop3A_158] {strides = array<i32>} : memref<80x128xf32, #tpu.memory_space<vmem>>, vector<16xf32>,
      tpu.vector_store %arg14[%parallel_loop3A_157, %parallel_loop3A_158], %broadcast_in_dim3A_127 {strides = array<i32>} : memref<80x128xf32, #tpu.memory_space<vmem>>, vector<16xf32>,
      %parallel_loop3A_160 = arith.index_cast %parallel_loop3A_153 : i32 to index
      %parallel_loop3A_161 = arith.constant 32 : index
      %parallel_loop3A_162 = tpu.vector_load %arg14[%parallel_loop3A_160, %parallel_loop3A_161] {strides = array<i32>} : memref<80x128xf32, #tpu.memory_space<vmem>>, vector<16xf32>,
      tpu.vector_store %arg14[%parallel_loop3A_160, %parallel_loop3A_161], %broadcast_in_dim3A_127 {strides = array<i32>} : memref<80x128xf32, #tpu.memory_space<vmem>>, vector<16xf32>,
      %parallel_loop3A_163 = arith.index_cast %parallel_loop3A_153 : i32 to index
      %parallel_loop3A_164 = arith.constant 48 : index
      %parallel_loop3A_165 = tpu.vector_load %arg14[%parallel_loop3A_163, %parallel_loop3A_164] {strides = array<i32>} : memref<80x128xf32, #tpu.memory_space<vmem>>, vector<16xf32>,
      tpu.vector_store %arg14[%parallel_loop3A_163, %parallel_loop3A_164], %broadcast_in_dim3A_127 {strides = array<i32>} : memref<80x128xf32, #tpu.memory_space<vmem>>, vector<16xf32>,
      %parallel_loop3A_166 = arith.index_cast %parallel_loop3A_153 : i32 to index
      %parallel_loop3A_167 = arith.constant 64 : index
      %parallel_loop3A_168 = tpu.vector_load %arg14[%parallel_loop3A_166, %parallel_loop3A_167] {strides = array<i32>} : memref<80x128xf32, #tpu.memory_space<vmem>>, vector<16xf32>,
      tpu.vector_store %arg14[%parallel_loop3A_166, %parallel_loop3A_167], %broadcast_in_dim3A_127 {strides = array<i32>} : memref<80x128xf32, #tpu.memory_space<vmem>>, vector<16xf32>,
      %parallel_loop3A_169 = arith.index_cast %parallel_loop3A_153 : i32 to index
      %parallel_loop3A_170 = arith.constant 80 : index
      %parallel_loop3A_171 = tpu.vector_load %arg14[%parallel_loop3A_169, %parallel_loop3A_170] {strides = array<i32>} : memref<80x128xf32, #tpu.memory_space<vmem>>, vector<16xf32>,
      tpu.vector_store %arg14[%parallel_loop3A_169, %parallel_loop3A_170], %broadcast_in_dim3A_127 {strides = array<i32>} : memref<80x128xf32, #tpu.memory_space<vmem>>, vector<16xf32>,
      %parallel_loop3A_172 = arith.index_cast %parallel_loop3A_153 : i32 to index
      %parallel_loop3A_173 = arith.constant 96 : index
      %parallel_loop3A_174 = tpu.vector_load %arg14[%parallel_loop3A_172, %parallel_loop3A_173] {strides = array<i32>} : memref<80x128xf32, #tpu.memory_space<vmem>>, vector<16xf32>,
      tpu.vector_store %arg14[%parallel_loop3A_172, %parallel_loop3A_173], %broadcast_in_dim3A_127 {strides = array<i32>} : memref<80x128xf32, #tpu.memory_space<vmem>>, vector<16xf32>,
      %parallel_loop3A_175 = arith.index_cast %parallel_loop3A_153 : i32 to index
      %parallel_loop3A_176 = arith.constant 112 : index
      %parallel_loop3A_177 = tpu.vector_load %arg14[%parallel_loop3A_175, %parallel_loop3A_176] {strides = array<i32>} : memref<80x128xf32, #tpu.memory_space<vmem>>, vector<16xf32>,
      tpu.vector_store %arg14[%parallel_loop3A_175, %parallel_loop3A_176], %broadcast_in_dim3A_127 {strides = array<i32>} : memref<80x128xf32, #tpu.memory_space<vmem>>, vector<16xf32>,
    } {sc.loop_unroll_factor = 2 : i64, sc.parallel_access}
    %eq3A = arith.constant 0 : i32
    %eq3A_131 = arith.cmpi eq, %arg0, %eq3A : i32
    %lt3A = arith.constant 10 : i32
    %lt3A_132 = arith.cmpi slt, %arg1, %lt3A : i32
    %and3A = arith.andi %eq3A_131, %lt3A_132 : i1
    %convert_element_type3A = arith.extui %and3A : i1 to i32
    %cond3A = arith.constant 0 : i32
    %cond3A_133 = arith.cmpi ne, %convert_element_type3A, %cond3A : i32
    scf.if %cond3A_133 {
      "tpu.region"() ({
        %run_scoped3A_153 = tpu.sem_alloc : memref<!tpu.dma_semaphore, #tpu.memory_space<semaphore_mem>>
        %dma_start3A = arith.constant 0 : i32
        %dma_start3A_154 = tpu.memref_slice %arg11[%mul3A_2, %dma_start3A] : memref<80x128xf32, #tpu.memory_space<vmem>> -> memref<8x128xf32, #tpu.memory_space<vmem>>
        %dma_start3A_155 = arith.constant 0 : i32
        %dma_start3A_156 = tpu.memref_slice %arg7[%mul3A_2, %dma_start3A_155] : memref<80x128xf32, #tpu.memory_space<hbm>> -> memref<8x128xf32, #tpu.memory_space<hbm>>
        %dma_start3A_157 = arith.constant 0 : i32
        %dma_start3A_158 = tpu.memref_slice %arg7[%mul3A_2, %dma_start3A_157] : memref<80x128xf32, #tpu.memory_space<hbm>> -> memref<8x128xf32, #tpu.memory_space<hbm>>
        %dma_start3A_159 = arith.constant 0 : i32
        %dma_start3A_160 = tpu.memref_slice %arg11[%mul3A_2, %dma_start3A_159] : memref<80x128xf32, #tpu.memory_space<vmem>> -> memref<8x128xf32, #tpu.memory_space<vmem>>
        tpu.enqueue_dma source(%dma_start3A_160 : memref<8x128xf32, #tpu.memory_space<vmem>>) target(%dma_start3A_158 : memref<8x128xf32, #tpu.memory_space<hbm>>) target_semaphore(%run_scoped3A_153 : memref<!tpu.dma_semaphore, #tpu.memory_space<semaphore_mem>>)
        %dma_wait3A = arith.constant 0 : i32
        %dma_wait3A_161 = tpu.memref_slice %arg11[%mul3A_2, %dma_wait3A] : memref<80x128xf32, #tpu.memory_space<vmem>> -> memref<8x128xf32, #tpu.memory_space<vmem>>
        %dma_wait3A_162 = arith.constant 0 : i32
        %dma_wait3A_163 = tpu.memref_slice %arg7[%mul3A_2, %dma_wait3A_162] : memref<80x128xf32, #tpu.memory_space<hbm>> -> memref<8x128xf32, #tpu.memory_space<hbm>>
        %dma_wait3A_164 = arith.constant 0 : i32
        %dma_wait3A_165 = tpu.memref_slice %arg7[%mul3A_2, %dma_wait3A_164] : memref<80x128xf32, #tpu.memory_space<hbm>> -> memref<8x128xf32, #tpu.memory_space<hbm>>
        %dma_wait3A_166 = arith.constant 0 : i32
        %dma_wait3A_167 = tpu.memref_slice %arg11[%mul3A_2, %dma_wait3A_166] : memref<80x128xf32, #tpu.memory_space<vmem>> -> memref<8x128xf32, #tpu.memory_space<vmem>>
        tpu.wait_dma2 semaphore(%run_scoped3A_153 : memref<!tpu.dma_semaphore, #tpu.memory_space<semaphore_mem>>) src(%dma_wait3A_167 : memref<8x128xf32, #tpu.memory_space<vmem>>) dst(%dma_wait3A_165 : memref<8x128xf32, #tpu.memory_space<hbm>>)
        tpu.yield
      }) : () -> ()
    } else {
    }
    %broadcast_in_dim3A_134 = arith.constant 0.000000e+00 : f32
    %broadcast_in_dim3A_135 = vector.broadcast %broadcast_in_dim3A_134 : f32 to vector<16xf32>
    %parallel_loop3A_136 = arith.constant 0 : i32
    %parallel_loop3A_137 = arith.constant 80 : i32
    %parallel_loop3A_138 = arith.constant 1 : i32
    scf.for %parallel_loop3A_153 = %parallel_loop3A_136 to %parallel_loop3A_137 step %parallel_loop3A_138  : i32 {
      %parallel_loop3A_154 = arith.index_cast %parallel_loop3A_153 : i32 to index
      %parallel_loop3A_155 = arith.constant 0 : index
      %parallel_loop3A_156 = tpu.vector_load %arg15[%parallel_loop3A_154, %parallel_loop3A_155] {strides = array<i32>} : memref<80x128xf32, #tpu.memory_space<vmem>>, vector<16xf32>,
      tpu.vector_store %arg15[%parallel_loop3A_154, %parallel_loop3A_155], %broadcast_in_dim3A_135 {strides = array<i32>} : memref<80x128xf32, #tpu.memory_space<vmem>>, vector<16xf32>,
      %parallel_loop3A_157 = arith.index_cast %parallel_loop3A_153 : i32 to index
      %parallel_loop3A_158 = arith.constant 16 : index
      %parallel_loop3A_159 = tpu.vector_load %arg15[%parallel_loop3A_157, %parallel_loop3A_158] {strides = array<i32>} : memref<80x128xf32, #tpu.memory_space<vmem>>, vector<16xf32>,
      tpu.vector_store %arg15[%parallel_loop3A_157, %parallel_loop3A_158], %broadcast_in_dim3A_135 {strides = array<i32>} : memref<80x128xf32, #tpu.memory_space<vmem>>, vector<16xf32>,
      %parallel_loop3A_160 = arith.index_cast %parallel_loop3A_153 : i32 to index
      %parallel_loop3A_161 = arith.constant 32 : index
      %parallel_loop3A_162 = tpu.vector_load %arg15[%parallel_loop3A_160, %parallel_loop3A_161] {strides = array<i32>} : memref<80x128xf32, #tpu.memory_space<vmem>>, vector<16xf32>,
      tpu.vector_store %arg15[%parallel_loop3A_160, %parallel_loop3A_161], %broadcast_in_dim3A_135 {strides = array<i32>} : memref<80x128xf32, #tpu.memory_space<vmem>>, vector<16xf32>,
      %parallel_loop3A_163 = arith.index_cast %parallel_loop3A_153 : i32 to index
      %parallel_loop3A_164 = arith.constant 48 : index
      %parallel_loop3A_165 = tpu.vector_load %arg15[%parallel_loop3A_163, %parallel_loop3A_164] {strides = array<i32>} : memref<80x128xf32, #tpu.memory_space<vmem>>, vector<16xf32>,
      tpu.vector_store %arg15[%parallel_loop3A_163, %parallel_loop3A_164], %broadcast_in_dim3A_135 {strides = array<i32>} : memref<80x128xf32, #tpu.memory_space<vmem>>, vector<16xf32>,
      %parallel_loop3A_166 = arith.index_cast %parallel_loop3A_153 : i32 to index
      %parallel_loop3A_167 = arith.constant 64 : index
      %parallel_loop3A_168 = tpu.vector_load %arg15[%parallel_loop3A_166, %parallel_loop3A_167] {strides = array<i32>} : memref<80x128xf32, #tpu.memory_space<vmem>>, vector<16xf32>,
      tpu.vector_store %arg15[%parallel_loop3A_166, %parallel_loop3A_167], %broadcast_in_dim3A_135 {strides = array<i32>} : memref<80x128xf32, #tpu.memory_space<vmem>>, vector<16xf32>,
      %parallel_loop3A_169 = arith.index_cast %parallel_loop3A_153 : i32 to index
      %parallel_loop3A_170 = arith.constant 80 : index
      %parallel_loop3A_171 = tpu.vector_load %arg15[%parallel_loop3A_169, %parallel_loop3A_170] {strides = array<i32>} : memref<80x128xf32, #tpu.memory_space<vmem>>, vector<16xf32>,
      tpu.vector_store %arg15[%parallel_loop3A_169, %parallel_loop3A_170], %broadcast_in_dim3A_135 {strides = array<i32>} : memref<80x128xf32, #tpu.memory_space<vmem>>, vector<16xf32>,
      %parallel_loop3A_172 = arith.index_cast %parallel_loop3A_153 : i32 to index
      %parallel_loop3A_173 = arith.constant 96 : index
      %parallel_loop3A_174 = tpu.vector_load %arg15[%parallel_loop3A_172, %parallel_loop3A_173] {strides = array<i32>} : memref<80x128xf32, #tpu.memory_space<vmem>>, vector<16xf32>,
      tpu.vector_store %arg15[%parallel_loop3A_172, %parallel_loop3A_173], %broadcast_in_dim3A_135 {strides = array<i32>} : memref<80x128xf32, #tpu.memory_space<vmem>>, vector<16xf32>,
      %parallel_loop3A_175 = arith.index_cast %parallel_loop3A_153 : i32 to index
      %parallel_loop3A_176 = arith.constant 112 : index
      %parallel_loop3A_177 = tpu.vector_load %arg15[%parallel_loop3A_175, %parallel_loop3A_176] {strides = array<i32>} : memref<80x128xf32, #tpu.memory_space<vmem>>, vector<16xf32>,
      tpu.vector_store %arg15[%parallel_loop3A_175, %parallel_loop3A_176], %broadcast_in_dim3A_135 {strides = array<i32>} : memref<80x128xf32, #tpu.memory_space<vmem>>, vector<16xf32>,
    } {sc.loop_unroll_factor = 2 : i64, sc.parallel_access}
    %eq3A_139 = arith.constant 0 : i32
    %eq3A_140 = arith.cmpi eq, %arg1, %eq3A_139 : i32
    %convert_element_type3A_141 = arith.extui %eq3A_140 : i1 to i32
    %cond3A_142 = arith.constant 0 : i32
    %cond3A_143 = arith.cmpi ne, %convert_element_type3A_141, %cond3A_142 : i32
    scf.if %cond3A_143 {
      "tpu.region"() ({
        %run_scoped3A_153 = tpu.sem_alloc : memref<!tpu.dma_semaphore, #tpu.memory_space<semaphore_mem>>
        tpu.enqueue_dma source(%arg15 : memref<80x128xf32, #tpu.memory_space<vmem>>) target(%arg17 : memref<80x128xf32, #tpu.memory_space<vmem_shared>>) target_semaphore(%run_scoped3A_153 : memref<!tpu.dma_semaphore, #tpu.memory_space<semaphore_mem>>)
        tpu.wait_dma2 semaphore(%run_scoped3A_153 : memref<!tpu.dma_semaphore, #tpu.memory_space<semaphore_mem>>) src(%arg15 : memref<80x128xf32, #tpu.memory_space<vmem>>) dst(%arg17 : memref<80x128xf32, #tpu.memory_space<vmem_shared>>)
        tpu.yield
      }) : () -> ()
    } else {
    }
    %barrier3A = arith.constant 0 : index
    tpu.barrier barrier_id(%barrier3A)
    %parallel_loop3A_144 = arith.constant 0 : i32
    %parallel_loop3A_145 = arith.constant 625 : i32
    %parallel_loop3A_146 = arith.constant 1 : i32
    scf.for %parallel_loop3A_153 = %parallel_loop3A_144 to %parallel_loop3A_145 step %parallel_loop3A_146  : i32 {
      %parallel_loop3A_154 = arith.constant 16 : i32
      %parallel_loop3A_155 = arith.muli %parallel_loop3A_153, %parallel_loop3A_154 : i32
      %parallel_loop3A_156 = arith.index_cast %parallel_loop3A_155 : i32 to index
      %parallel_loop3A_157 = tpu.vector_load %arg10[%parallel_loop3A_156] {strides = array<i32>} : memref<10000xi32, #tpu.memory_space<vmem>>, vector<16xi32>,
      %parallel_loop3A_158 = arith.constant 16 : i32
      %parallel_loop3A_159 = arith.muli %parallel_loop3A_153, %parallel_loop3A_158 : i32
      %parallel_loop3A_160 = arith.index_cast %parallel_loop3A_159 : i32 to index
      %parallel_loop3A_161 = tpu.vector_load %arg9[%parallel_loop3A_160] {strides = array<i32>} : memref<10000xi32, #tpu.memory_space<vmem>>, vector<16xi32>,
      %parallel_loop3A_162 = arith.constant 7 : i32
      %parallel_loop3A_163 = vector.broadcast %parallel_loop3A_162 : i32 to vector<16xi32>
      %parallel_loop3A_164 = arith.shrsi %parallel_loop3A_161, %parallel_loop3A_163 : vector<16xi32>
      %parallel_loop3A_165 = arith.constant 127 : i32
      %parallel_loop3A_166 = vector.broadcast %parallel_loop3A_165 : i32 to vector<16xi32>
      %parallel_loop3A_167 = arith.andi %parallel_loop3A_161, %parallel_loop3A_166 : vector<16xi32>
      %parallel_loop3A_168 = tpu.vector_load_idx %arg14[%parallel_loop3A_164, %parallel_loop3A_167] : memref<80x128xf32, #tpu.memory_space<vmem>>[vector<16xi32>, vector<16xi32>], vector<16xf32>,
      %parallel_loop3A_169 = arith.constant 7 : i32
      %parallel_loop3A_170 = vector.broadcast %parallel_loop3A_169 : i32 to vector<16xi32>
      %parallel_loop3A_171 = arith.shrsi %parallel_loop3A_157, %parallel_loop3A_170 : vector<16xi32>
      %parallel_loop3A_172 = arith.constant 127 : i32
      %parallel_loop3A_173 = vector.broadcast %parallel_loop3A_172 : i32 to vector<16xi32>
      %parallel_loop3A_174 = arith.andi %parallel_loop3A_157, %parallel_loop3A_173 : vector<16xi32>
      tpu.vector_store_idx %arg15[%parallel_loop3A_171, %parallel_loop3A_174], %parallel_loop3A_168 {add = true} : memref<80x128xf32, #tpu.memory_space<vmem>>[vector<16xi32>, vector<16xi32>], vector<16xf32>,
    } {sc.loop_unroll_factor = 25 : i64, sc.parallel_access}
    "tpu.region"() ({
      %run_scoped3A_153 = tpu.sem_alloc : memref<!tpu.dma_semaphore, #tpu.memory_space<semaphore_mem>>
      %dma_start3A = arith.constant 0 : i32
      %dma_start3A_154 = arith.constant 0 : i32
      %dma_start3A_155 = tpu.memref_slice %arg17[%dma_start3A, %dma_start3A_154] : memref<80x128xf32, #tpu.memory_space<vmem_shared>> -> memref<80x128xf32, #tpu.memory_space<vmem_shared>>
      tpu.enqueue_indirect_dma source(%arg15 : memref<80x128xf32, #tpu.memory_space<vmem>>) target(%dma_start3A_155 : memref<80x128xf32, #tpu.memory_space<vmem_shared>>) offsets(%arg16 : memref<80xi32, #tpu.memory_space<vmem>>) semaphore(%run_scoped3A_153 : memref<!tpu.dma_semaphore, #tpu.memory_space<semaphore_mem>>) {add = true}
      %dma_wait3A = arith.constant 0 : i32
      %dma_wait3A_156 = arith.constant 0 : i32
      %dma_wait3A_157 = tpu.memref_slice %arg17[%dma_wait3A, %dma_wait3A_156] : memref<80x128xf32, #tpu.memory_space<vmem_shared>> -> memref<80x128xf32, #tpu.memory_space<vmem_shared>>
      tpu.wait_indirect_dma semaphore(%run_scoped3A_153 : memref<!tpu.dma_semaphore, #tpu.memory_space<semaphore_mem>>) src(%arg15 : memref<80x128xf32, #tpu.memory_space<vmem>>) dst(%dma_wait3A_157 : memref<80x128xf32, #tpu.memory_space<vmem_shared>>)
      tpu.yield
    }) : () -> ()
    %barrier3A_147 = arith.constant 0 : index
    tpu.barrier barrier_id(%barrier3A_147)
    %lt3A_148 = arith.constant 10 : i32
    %lt3A_149 = arith.cmpi slt, %arg1, %lt3A_148 : i32
    %convert_element_type3A_150 = arith.extui %lt3A_149 : i1 to i32
    %cond3A_151 = arith.constant 0 : i32
    %cond3A_152 = arith.cmpi ne, %convert_element_type3A_150, %cond3A_151 : i32
    scf.if %cond3A_152 {
      %mul3A_153 = arith.constant 8 : i32
      %mul3A_154 = arith.muli %arg1, %mul3A_153 : i32
      "tpu.region"() ({
        %run_scoped3A_155 = tpu.sem_alloc : memref<!tpu.dma_semaphore, #tpu.memory_space<semaphore_mem>>
        %dma_start3A = arith.constant 0 : i32
        %dma_start3A_156 = tpu.memref_slice %arg8[%arg0, %mul3A_154, %dma_start3A] : memref<2x80x128xf32, #tpu.memory_space<hbm>> -> memref<1x8x128xf32, #tpu.memory_space<hbm>>
        %dma_start3A_157 = tpu.memref_squeeze %dma_start3A_156 : memref<1x8x128xf32, #tpu.memory_space<hbm>> -> memref<8x128xf32, #tpu.memory_space<hbm>>
        %dma_start3A_158 = arith.constant 0 : i32
        %dma_start3A_159 = tpu.memref_slice %arg17[%mul3A_154, %dma_start3A_158] : memref<80x128xf32, #tpu.memory_space<vmem_shared>> -> memref<8x128xf32, #tpu.memory_space<vmem_shared>>
        tpu.enqueue_dma source(%dma_start3A_159 : memref<8x128xf32, #tpu.memory_space<vmem_shared>>) target(%dma_start3A_157 : memref<8x128xf32, #tpu.memory_space<hbm>>) target_semaphore(%run_scoped3A_155 : memref<!tpu.dma_semaphore, #tpu.memory_space<semaphore_mem>>)
        %dma_wait3A = arith.constant 0 : i32
        %dma_wait3A_160 = tpu.memref_slice %arg8[%arg0, %mul3A_154, %dma_wait3A] : memref<2x80x128xf32, #tpu.memory_space<hbm>> -> memref<1x8x128xf32, #tpu.memory_space<hbm>>
        %dma_wait3A_161 = tpu.memref_squeeze %dma_wait3A_160 : memref<1x8x128xf32, #tpu.memory_space<hbm>> -> memref<8x128xf32, #tpu.memory_space<hbm>>
        %dma_wait3A_162 = arith.constant 0 : i32
        %dma_wait3A_163 = tpu.memref_slice %arg17[%mul3A_154, %dma_wait3A_162] : memref<80x128xf32, #tpu.memory_space<vmem_shared>> -> memref<8x128xf32, #tpu.memory_space<vmem_shared>>
        tpu.wait_dma2 semaphore(%run_scoped3A_155 : memref<!tpu.dma_semaphore, #tpu.memory_space<semaphore_mem>>) src(%dma_wait3A_163 : memref<8x128xf32, #tpu.memory_space<vmem_shared>>) dst(%dma_wait3A_161 : memref<8x128xf32, #tpu.memory_space<hbm>>)
        tpu.yield
      }) : () -> ()
    } else {
    }
    return
  }
}

#map = affine_map<(d0, d1) -> (0)>
#map1 = affine_map<(d0, d1) -> (0, 0, 0)>
#map2 = affine_map<(d0, d1) -> (0, 0)>
module attributes {stable_mosaic.version = 14 : i64} {
  func.func @round_fn(%arg0: i32, %arg1: i32, %arg2: memref<320000xi32, #tpu.memory_space<hbm>>, %arg3: memref<320000xi32, #tpu.memory_space<hbm>>, %arg4: memref<2x80x128xf32, #tpu.memory_space<hbm>>, %arg5: memref<80x128xf32, #tpu.memory_space<hbm>>, %arg6: memref<2x80x128xf32, #tpu.memory_space<hbm>>, %arg7: memref<10000xi32, #tpu.memory_space<vmem>>, %arg8: memref<10000xi32, #tpu.memory_space<vmem>>, %arg9: memref<80x128xf32, #tpu.memory_space<vmem>>, %arg10: memref<80x128xf32, #tpu.memory_space<vmem>>, %arg11: memref<80x128xf32, #tpu.memory_space<vmem>>, %arg12: memref<80x128xf32, #tpu.memory_space<vmem>>, %arg13: memref<80x128xf32, #tpu.memory_space<vmem>>, %arg14: memref<80xi32, #tpu.memory_space<vmem>>, %arg15: memref<80x128xf32, #tpu.memory_space<vmem_shared>>) attributes {dimension_semantics = [#tpu.dimension_semantics<core_parallel>, #tpu.dimension_semantics<subcore_parallel>], iteration_bounds = array<i64: 2, 16>, scalar_prefetch = 0 : i64, scratch_operands = 9 : i64, tpu.core_type = #tpu.core_type<sc_vector_subcore>, window_params = [{transform_indices = #map}, {transform_indices = #map}, {transform_indices = #map1}, {transform_indices = #map2}, {transform_indices = #map1}]} {
    %mul3A = arith.constant 2 : i32
    %mul3A_0 = arith.muli %arg1, %mul3A : i32
    %add3A = arith.addi %mul3A_0, %arg0 : i32
    %mul3A_1 = arith.constant 8 : i32
    %mul3A_2 = arith.muli %arg1, %mul3A_1 : i32
    %mul3A_3 = arith.constant 10000 : i32
    %mul3A_4 = arith.muli %add3A, %mul3A_3 : i32
    "tpu.region"() ({
      %run_scoped3A_59 = tpu.sem_alloc : memref<!tpu.dma_semaphore, #tpu.memory_space<semaphore_mem>>
      %dma_start3A = tpu.memref_slice %arg3[%mul3A_4] : memref<320000xi32, #tpu.memory_space<hbm>> -> memref<10000xi32, #tpu.memory_space<hbm>>
      %dma_start3A_60 = tpu.memref_slice %arg3[%mul3A_4] : memref<320000xi32, #tpu.memory_space<hbm>> -> memref<10000xi32, #tpu.memory_space<hbm>>
      tpu.enqueue_dma source(%dma_start3A_60 : memref<10000xi32, #tpu.memory_space<hbm>>) target(%arg7 : memref<10000xi32, #tpu.memory_space<vmem>>) target_semaphore(%run_scoped3A_59 : memref<!tpu.dma_semaphore, #tpu.memory_space<semaphore_mem>>)
      %dma_wait3A = tpu.memref_slice %arg3[%mul3A_4] : memref<320000xi32, #tpu.memory_space<hbm>> -> memref<10000xi32, #tpu.memory_space<hbm>>
      %dma_wait3A_61 = tpu.memref_slice %arg3[%mul3A_4] : memref<320000xi32, #tpu.memory_space<hbm>> -> memref<10000xi32, #tpu.memory_space<hbm>>
      tpu.wait_dma2 semaphore(%run_scoped3A_59 : memref<!tpu.dma_semaphore, #tpu.memory_space<semaphore_mem>>) src(%dma_wait3A_61 : memref<10000xi32, #tpu.memory_space<hbm>>) dst(%arg7 : memref<10000xi32, #tpu.memory_space<vmem>>)
      tpu.yield
    }) : () -> ()
    %mul3A_5 = arith.constant 10000 : i32
    %mul3A_6 = arith.muli %add3A, %mul3A_5 : i32
    "tpu.region"() ({
      %run_scoped3A_59 = tpu.sem_alloc : memref<!tpu.dma_semaphore, #tpu.memory_space<semaphore_mem>>
      %dma_start3A = tpu.memref_slice %arg2[%mul3A_6] : memref<320000xi32, #tpu.memory_space<hbm>> -> memref<10000xi32, #tpu.memory_space<hbm>>
      %dma_start3A_60 = tpu.memref_slice %arg2[%mul3A_6] : memref<320000xi32, #tpu.memory_space<hbm>> -> memref<10000xi32, #tpu.memory_space<hbm>>
      tpu.enqueue_dma source(%dma_start3A_60 : memref<10000xi32, #tpu.memory_space<hbm>>) target(%arg8 : memref<10000xi32, #tpu.memory_space<vmem>>) target_semaphore(%run_scoped3A_59 : memref<!tpu.dma_semaphore, #tpu.memory_space<semaphore_mem>>)
      %dma_wait3A = tpu.memref_slice %arg2[%mul3A_6] : memref<320000xi32, #tpu.memory_space<hbm>> -> memref<10000xi32, #tpu.memory_space<hbm>>
      %dma_wait3A_61 = tpu.memref_slice %arg2[%mul3A_6] : memref<320000xi32, #tpu.memory_space<hbm>> -> memref<10000xi32, #tpu.memory_space<hbm>>
      tpu.wait_dma2 semaphore(%run_scoped3A_59 : memref<!tpu.dma_semaphore, #tpu.memory_space<semaphore_mem>>) src(%dma_wait3A_61 : memref<10000xi32, #tpu.memory_space<hbm>>) dst(%arg8 : memref<10000xi32, #tpu.memory_space<vmem>>)
      tpu.yield
    }) : () -> ()
    %run_scoped3A = arith.constant 0 : i32
    "tpu.region"() ({
      %run_scoped3A_59 = tpu.sem_alloc : memref<!tpu.dma_semaphore, #tpu.memory_space<semaphore_mem>>
      %dma_start3A = arith.constant 0 : i32
      %dma_start3A_60 = arith.constant 0 : i32
      %dma_start3A_61 = tpu.memref_slice %arg4[%run_scoped3A, %dma_start3A, %dma_start3A_60] : memref<2x80x128xf32, #tpu.memory_space<hbm>> -> memref<1x80x128xf32, #tpu.memory_space<hbm>>
      %dma_start3A_62 = tpu.memref_squeeze %dma_start3A_61 : memref<1x80x128xf32, #tpu.memory_space<hbm>> -> memref<80x128xf32, #tpu.memory_space<hbm>>
      %dma_start3A_63 = arith.constant 0 : i32
      %dma_start3A_64 = arith.constant 0 : i32
      %dma_start3A_65 = tpu.memref_slice %arg4[%run_scoped3A, %dma_start3A_63, %dma_start3A_64] : memref<2x80x128xf32, #tpu.memory_space<hbm>> -> memref<1x80x128xf32, #tpu.memory_space<hbm>>
      %dma_start3A_66 = tpu.memref_squeeze %dma_start3A_65 : memref<1x80x128xf32, #tpu.memory_space<hbm>> -> memref<80x128xf32, #tpu.memory_space<hbm>>
      tpu.enqueue_dma source(%dma_start3A_66 : memref<80x128xf32, #tpu.memory_space<hbm>>) target(%arg9 : memref<80x128xf32, #tpu.memory_space<vmem>>) target_semaphore(%run_scoped3A_59 : memref<!tpu.dma_semaphore, #tpu.memory_space<semaphore_mem>>)
      %dma_wait3A = arith.constant 0 : i32
      %dma_wait3A_67 = arith.constant 0 : i32
      %dma_wait3A_68 = tpu.memref_slice %arg4[%run_scoped3A, %dma_wait3A, %dma_wait3A_67] : memref<2x80x128xf32, #tpu.memory_space<hbm>> -> memref<1x80x128xf32, #tpu.memory_space<hbm>>
      %dma_wait3A_69 = tpu.memref_squeeze %dma_wait3A_68 : memref<1x80x128xf32, #tpu.memory_space<hbm>> -> memref<80x128xf32, #tpu.memory_space<hbm>>
      %dma_wait3A_70 = arith.constant 0 : i32
      %dma_wait3A_71 = arith.constant 0 : i32
      %dma_wait3A_72 = tpu.memref_slice %arg4[%run_scoped3A, %dma_wait3A_70, %dma_wait3A_71] : memref<2x80x128xf32, #tpu.memory_space<hbm>> -> memref<1x80x128xf32, #tpu.memory_space<hbm>>
      %dma_wait3A_73 = tpu.memref_squeeze %dma_wait3A_72 : memref<1x80x128xf32, #tpu.memory_space<hbm>> -> memref<80x128xf32, #tpu.memory_space<hbm>>
      tpu.wait_dma2 semaphore(%run_scoped3A_59 : memref<!tpu.dma_semaphore, #tpu.memory_space<semaphore_mem>>) src(%dma_wait3A_73 : memref<80x128xf32, #tpu.memory_space<hbm>>) dst(%arg9 : memref<80x128xf32, #tpu.memory_space<vmem>>)
      tpu.yield
    }) : () -> ()
    %run_scoped3A_7 = arith.constant 1 : i32
    "tpu.region"() ({
      %run_scoped3A_59 = tpu.sem_alloc : memref<!tpu.dma_semaphore, #tpu.memory_space<semaphore_mem>>
      %dma_start3A = arith.constant 0 : i32
      %dma_start3A_60 = arith.constant 0 : i32
      %dma_start3A_61 = tpu.memref_slice %arg4[%run_scoped3A_7, %dma_start3A, %dma_start3A_60] : memref<2x80x128xf32, #tpu.memory_space<hbm>> -> memref<1x80x128xf32, #tpu.memory_space<hbm>>
      %dma_start3A_62 = tpu.memref_squeeze %dma_start3A_61 : memref<1x80x128xf32, #tpu.memory_space<hbm>> -> memref<80x128xf32, #tpu.memory_space<hbm>>
      %dma_start3A_63 = arith.constant 0 : i32
      %dma_start3A_64 = arith.constant 0 : i32
      %dma_start3A_65 = tpu.memref_slice %arg4[%run_scoped3A_7, %dma_start3A_63, %dma_start3A_64] : memref<2x80x128xf32, #tpu.memory_space<hbm>> -> memref<1x80x128xf32, #tpu.memory_space<hbm>>
      %dma_start3A_66 = tpu.memref_squeeze %dma_start3A_65 : memref<1x80x128xf32, #tpu.memory_space<hbm>> -> memref<80x128xf32, #tpu.memory_space<hbm>>
      tpu.enqueue_dma source(%dma_start3A_66 : memref<80x128xf32, #tpu.memory_space<hbm>>) target(%arg10 : memref<80x128xf32, #tpu.memory_space<vmem>>) target_semaphore(%run_scoped3A_59 : memref<!tpu.dma_semaphore, #tpu.memory_space<semaphore_mem>>)
      %dma_wait3A = arith.constant 0 : i32
      %dma_wait3A_67 = arith.constant 0 : i32
      %dma_wait3A_68 = tpu.memref_slice %arg4[%run_scoped3A_7, %dma_wait3A, %dma_wait3A_67] : memref<2x80x128xf32, #tpu.memory_space<hbm>> -> memref<1x80x128xf32, #tpu.memory_space<hbm>>
      %dma_wait3A_69 = tpu.memref_squeeze %dma_wait3A_68 : memref<1x80x128xf32, #tpu.memory_space<hbm>> -> memref<80x128xf32, #tpu.memory_space<hbm>>
      %dma_wait3A_70 = arith.constant 0 : i32
      %dma_wait3A_71 = arith.constant 0 : i32
      %dma_wait3A_72 = tpu.memref_slice %arg4[%run_scoped3A_7, %dma_wait3A_70, %dma_wait3A_71] : memref<2x80x128xf32, #tpu.memory_space<hbm>> -> memref<1x80x128xf32, #tpu.memory_space<hbm>>
      %dma_wait3A_73 = tpu.memref_squeeze %dma_wait3A_72 : memref<1x80x128xf32, #tpu.memory_space<hbm>> -> memref<80x128xf32, #tpu.memory_space<hbm>>
      tpu.wait_dma2 semaphore(%run_scoped3A_59 : memref<!tpu.dma_semaphore, #tpu.memory_space<semaphore_mem>>) src(%dma_wait3A_73 : memref<80x128xf32, #tpu.memory_space<hbm>>) dst(%arg10 : memref<80x128xf32, #tpu.memory_space<vmem>>)
      tpu.yield
    }) : () -> ()
    %iota3A = tpu.iota {dimensions = array<i32: 0>} : vector<16xi32>
    %add3A_8 = arith.constant 0 : i32
    %add3A_9 = vector.broadcast %add3A_8 : i32 to vector<16xi32>
    %add3A_10 = arith.addi %iota3A, %add3A_9 : vector<16xi32>
    %swap3A = arith.constant 0 : index
    %swap3A_11 = tpu.vector_load %arg14[%swap3A] {strides = array<i32>} : memref<80xi32, #tpu.memory_space<vmem>>, vector<16xi32>,
    tpu.vector_store %arg14[%swap3A], %add3A_10 {strides = array<i32>} : memref<80xi32, #tpu.memory_space<vmem>>, vector<16xi32>,
    %iota3A_12 = tpu.iota {dimensions = array<i32: 0>} : vector<16xi32>
    %add3A_13 = arith.constant 16 : i32
    %add3A_14 = vector.broadcast %add3A_13 : i32 to vector<16xi32>
    %add3A_15 = arith.addi %iota3A_12, %add3A_14 : vector<16xi32>
    %swap3A_16 = arith.constant 16 : index
    %swap3A_17 = tpu.vector_load %arg14[%swap3A_16] {strides = array<i32>} : memref<80xi32, #tpu.memory_space<vmem>>, vector<16xi32>,
    tpu.vector_store %arg14[%swap3A_16], %add3A_15 {strides = array<i32>} : memref<80xi32, #tpu.memory_space<vmem>>, vector<16xi32>,
    %iota3A_18 = tpu.iota {dimensions = array<i32: 0>} : vector<16xi32>
    %add3A_19 = arith.constant 32 : i32
    %add3A_20 = vector.broadcast %add3A_19 : i32 to vector<16xi32>
    %add3A_21 = arith.addi %iota3A_18, %add3A_20 : vector<16xi32>
    %swap3A_22 = arith.constant 32 : index
    %swap3A_23 = tpu.vector_load %arg14[%swap3A_22] {strides = array<i32>} : memref<80xi32, #tpu.memory_space<vmem>>, vector<16xi32>,
    tpu.vector_store %arg14[%swap3A_22], %add3A_21 {strides = array<i32>} : memref<80xi32, #tpu.memory_space<vmem>>, vector<16xi32>,
    %iota3A_24 = tpu.iota {dimensions = array<i32: 0>} : vector<16xi32>
    %add3A_25 = arith.constant 48 : i32
    %add3A_26 = vector.broadcast %add3A_25 : i32 to vector<16xi32>
    %add3A_27 = arith.addi %iota3A_24, %add3A_26 : vector<16xi32>
    %swap3A_28 = arith.constant 48 : index
    %swap3A_29 = tpu.vector_load %arg14[%swap3A_28] {strides = array<i32>} : memref<80xi32, #tpu.memory_space<vmem>>, vector<16xi32>,
    tpu.vector_store %arg14[%swap3A_28], %add3A_27 {strides = array<i32>} : memref<80xi32, #tpu.memory_space<vmem>>, vector<16xi32>,
    %iota3A_30 = tpu.iota {dimensions = array<i32: 0>} : vector<16xi32>
    %add3A_31 = arith.constant 64 : i32
    %add3A_32 = vector.broadcast %add3A_31 : i32 to vector<16xi32>
    %add3A_33 = arith.addi %iota3A_30, %add3A_32 : vector<16xi32>
    %swap3A_34 = arith.constant 64 : index
    %swap3A_35 = tpu.vector_load %arg14[%swap3A_34] {strides = array<i32>} : memref<80xi32, #tpu.memory_space<vmem>>, vector<16xi32>,
    tpu.vector_store %arg14[%swap3A_34], %add3A_33 {strides = array<i32>} : memref<80xi32, #tpu.memory_space<vmem>>, vector<16xi32>,
    %parallel_loop3A = arith.constant 0 : i32
    %parallel_loop3A_36 = arith.constant 80 : i32
    %parallel_loop3A_37 = arith.constant 1 : i32
    scf.for %parallel_loop3A_59 = %parallel_loop3A to %parallel_loop3A_36 step %parallel_loop3A_37  : i32 {
      %parallel_loop3A_60 = arith.index_cast %parallel_loop3A_59 : i32 to index
      %parallel_loop3A_61 = arith.constant 0 : index
      %parallel_loop3A_62 = tpu.vector_load %arg9[%parallel_loop3A_60, %parallel_loop3A_61] {strides = array<i32>} : memref<80x128xf32, #tpu.memory_space<vmem>>, vector<16xf32>,
      %parallel_loop3A_63 = arith.index_cast %parallel_loop3A_59 : i32 to index
      %parallel_loop3A_64 = arith.constant 0 : index
      %parallel_loop3A_65 = tpu.vector_load %arg10[%parallel_loop3A_63, %parallel_loop3A_64] {strides = array<i32>} : memref<80x128xf32, #tpu.memory_space<vmem>>, vector<16xf32>,
      %parallel_loop3A_66 = arith.addf %parallel_loop3A_62, %parallel_loop3A_65 : vector<16xf32>
      %parallel_loop3A_67 = arith.constant 1.000000e+00 : f32
      %parallel_loop3A_68 = vector.broadcast %parallel_loop3A_67 : f32 to vector<16xf32>
      %parallel_loop3A_69 = arith.maximumf %parallel_loop3A_66, %parallel_loop3A_68 : vector<16xf32>
      %parallel_loop3A_70 = arith.constant 1.000000e+00 : f32
      %parallel_loop3A_71 = vector.broadcast %parallel_loop3A_70 : f32 to vector<16xf32>
      %parallel_loop3A_72 = arith.divf %parallel_loop3A_71, %parallel_loop3A_69 : vector<16xf32>
      %parallel_loop3A_73 = arith.index_cast %parallel_loop3A_59 : i32 to index
      %parallel_loop3A_74 = arith.constant 0 : index
      %parallel_loop3A_75 = tpu.vector_load %arg12[%parallel_loop3A_73, %parallel_loop3A_74] {strides = array<i32>} : memref<80x128xf32, #tpu.memory_space<vmem>>, vector<16xf32>,
      tpu.vector_store %arg12[%parallel_loop3A_73, %parallel_loop3A_74], %parallel_loop3A_72 {strides = array<i32>} : memref<80x128xf32, #tpu.memory_space<vmem>>, vector<16xf32>,
      %parallel_loop3A_76 = arith.index_cast %parallel_loop3A_59 : i32 to index
      %parallel_loop3A_77 = arith.constant 16 : index
      %parallel_loop3A_78 = tpu.vector_load %arg9[%parallel_loop3A_76, %parallel_loop3A_77] {strides = array<i32>} : memref<80x128xf32, #tpu.memory_space<vmem>>, vector<16xf32>,
      %parallel_loop3A_79 = arith.index_cast %parallel_loop3A_59 : i32 to index
      %parallel_loop3A_80 = arith.constant 16 : index
      %parallel_loop3A_81 = tpu.vector_load %arg10[%parallel_loop3A_79, %parallel_loop3A_80] {strides = array<i32>} : memref<80x128xf32, #tpu.memory_space<vmem>>, vector<16xf32>,
      %parallel_loop3A_82 = arith.addf %parallel_loop3A_78, %parallel_loop3A_81 : vector<16xf32>
      %parallel_loop3A_83 = arith.constant 1.000000e+00 : f32
      %parallel_loop3A_84 = vector.broadcast %parallel_loop3A_83 : f32 to vector<16xf32>
      %parallel_loop3A_85 = arith.maximumf %parallel_loop3A_82, %parallel_loop3A_84 : vector<16xf32>
      %parallel_loop3A_86 = arith.constant 1.000000e+00 : f32
      %parallel_loop3A_87 = vector.broadcast %parallel_loop3A_86 : f32 to vector<16xf32>
      %parallel_loop3A_88 = arith.divf %parallel_loop3A_87, %parallel_loop3A_85 : vector<16xf32>
      %parallel_loop3A_89 = arith.index_cast %parallel_loop3A_59 : i32 to index
      %parallel_loop3A_90 = arith.constant 16 : index
      %parallel_loop3A_91 = tpu.vector_load %arg12[%parallel_loop3A_89, %parallel_loop3A_90] {strides = array<i32>} : memref<80x128xf32, #tpu.memory_space<vmem>>, vector<16xf32>,
      tpu.vector_store %arg12[%parallel_loop3A_89, %parallel_loop3A_90], %parallel_loop3A_88 {strides = array<i32>} : memref<80x128xf32, #tpu.memory_space<vmem>>, vector<16xf32>,
      %parallel_loop3A_92 = arith.index_cast %parallel_loop3A_59 : i32 to index
      %parallel_loop3A_93 = arith.constant 32 : index
      %parallel_loop3A_94 = tpu.vector_load %arg9[%parallel_loop3A_92, %parallel_loop3A_93] {strides = array<i32>} : memref<80x128xf32, #tpu.memory_space<vmem>>, vector<16xf32>,
      %parallel_loop3A_95 = arith.index_cast %parallel_loop3A_59 : i32 to index
      %parallel_loop3A_96 = arith.constant 32 : index
      %parallel_loop3A_97 = tpu.vector_load %arg10[%parallel_loop3A_95, %parallel_loop3A_96] {strides = array<i32>} : memref<80x128xf32, #tpu.memory_space<vmem>>, vector<16xf32>,
      %parallel_loop3A_98 = arith.addf %parallel_loop3A_94, %parallel_loop3A_97 : vector<16xf32>
      %parallel_loop3A_99 = arith.constant 1.000000e+00 : f32
      %parallel_loop3A_100 = vector.broadcast %parallel_loop3A_99 : f32 to vector<16xf32>
      %parallel_loop3A_101 = arith.maximumf %parallel_loop3A_98, %parallel_loop3A_100 : vector<16xf32>
      %parallel_loop3A_102 = arith.constant 1.000000e+00 : f32
      %parallel_loop3A_103 = vector.broadcast %parallel_loop3A_102 : f32 to vector<16xf32>
      %parallel_loop3A_104 = arith.divf %parallel_loop3A_103, %parallel_loop3A_101 : vector<16xf32>
      %parallel_loop3A_105 = arith.index_cast %parallel_loop3A_59 : i32 to index
      %parallel_loop3A_106 = arith.constant 32 : index
      %parallel_loop3A_107 = tpu.vector_load %arg12[%parallel_loop3A_105, %parallel_loop3A_106] {strides = array<i32>} : memref<80x128xf32, #tpu.memory_space<vmem>>, vector<16xf32>,
      tpu.vector_store %arg12[%parallel_loop3A_105, %parallel_loop3A_106], %parallel_loop3A_104 {strides = array<i32>} : memref<80x128xf32, #tpu.memory_space<vmem>>, vector<16xf32>,
      %parallel_loop3A_108 = arith.index_cast %parallel_loop3A_59 : i32 to index
      %parallel_loop3A_109 = arith.constant 48 : index
      %parallel_loop3A_110 = tpu.vector_load %arg9[%parallel_loop3A_108, %parallel_loop3A_109] {strides = array<i32>} : memref<80x128xf32, #tpu.memory_space<vmem>>, vector<16xf32>,
      %parallel_loop3A_111 = arith.index_cast %parallel_loop3A_59 : i32 to index
      %parallel_loop3A_112 = arith.constant 48 : index
      %parallel_loop3A_113 = tpu.vector_load %arg10[%parallel_loop3A_111, %parallel_loop3A_112] {strides = array<i32>} : memref<80x128xf32, #tpu.memory_space<vmem>>, vector<16xf32>,
      %parallel_loop3A_114 = arith.addf %parallel_loop3A_110, %parallel_loop3A_113 : vector<16xf32>
      %parallel_loop3A_115 = arith.constant 1.000000e+00 : f32
      %parallel_loop3A_116 = vector.broadcast %parallel_loop3A_115 : f32 to vector<16xf32>
      %parallel_loop3A_117 = arith.maximumf %parallel_loop3A_114, %parallel_loop3A_116 : vector<16xf32>
      %parallel_loop3A_118 = arith.constant 1.000000e+00 : f32
      %parallel_loop3A_119 = vector.broadcast %parallel_loop3A_118 : f32 to vector<16xf32>
      %parallel_loop3A_120 = arith.divf %parallel_loop3A_119, %parallel_loop3A_117 : vector<16xf32>
      %parallel_loop3A_121 = arith.index_cast %parallel_loop3A_59 : i32 to index
      %parallel_loop3A_122 = arith.constant 48 : index
      %parallel_loop3A_123 = tpu.vector_load %arg12[%parallel_loop3A_121, %parallel_loop3A_122] {strides = array<i32>} : memref<80x128xf32, #tpu.memory_space<vmem>>, vector<16xf32>,
      tpu.vector_store %arg12[%parallel_loop3A_121, %parallel_loop3A_122], %parallel_loop3A_120 {strides = array<i32>} : memref<80x128xf32, #tpu.memory_space<vmem>>, vector<16xf32>,
      %parallel_loop3A_124 = arith.index_cast %parallel_loop3A_59 : i32 to index
      %parallel_loop3A_125 = arith.constant 64 : index
      %parallel_loop3A_126 = tpu.vector_load %arg9[%parallel_loop3A_124, %parallel_loop3A_125] {strides = array<i32>} : memref<80x128xf32, #tpu.memory_space<vmem>>, vector<16xf32>,
      %parallel_loop3A_127 = arith.index_cast %parallel_loop3A_59 : i32 to index
      %parallel_loop3A_128 = arith.constant 64 : index
      %parallel_loop3A_129 = tpu.vector_load %arg10[%parallel_loop3A_127, %parallel_loop3A_128] {strides = array<i32>} : memref<80x128xf32, #tpu.memory_space<vmem>>, vector<16xf32>,
      %parallel_loop3A_130 = arith.addf %parallel_loop3A_126, %parallel_loop3A_129 : vector<16xf32>
      %parallel_loop3A_131 = arith.constant 1.000000e+00 : f32
      %parallel_loop3A_132 = vector.broadcast %parallel_loop3A_131 : f32 to vector<16xf32>
      %parallel_loop3A_133 = arith.maximumf %parallel_loop3A_130, %parallel_loop3A_132 : vector<16xf32>
      %parallel_loop3A_134 = arith.constant 1.000000e+00 : f32
      %parallel_loop3A_135 = vector.broadcast %parallel_loop3A_134 : f32 to vector<16xf32>
      %parallel_loop3A_136 = arith.divf %parallel_loop3A_135, %parallel_loop3A_133 : vector<16xf32>
      %parallel_loop3A_137 = arith.index_cast %parallel_loop3A_59 : i32 to index
      %parallel_loop3A_138 = arith.constant 64 : index
      %parallel_loop3A_139 = tpu.vector_load %arg12[%parallel_loop3A_137, %parallel_loop3A_138] {strides = array<i32>} : memref<80x128xf32, #tpu.memory_space<vmem>>, vector<16xf32>,
      tpu.vector_store %arg12[%parallel_loop3A_137, %parallel_loop3A_138], %parallel_loop3A_136 {strides = array<i32>} : memref<80x128xf32, #tpu.memory_space<vmem>>, vector<16xf32>,
      %parallel_loop3A_140 = arith.index_cast %parallel_loop3A_59 : i32 to index
      %parallel_loop3A_141 = arith.constant 80 : index
      %parallel_loop3A_142 = tpu.vector_load %arg9[%parallel_loop3A_140, %parallel_loop3A_141] {strides = array<i32>} : memref<80x128xf32, #tpu.memory_space<vmem>>, vector<16xf32>,
      %parallel_loop3A_143 = arith.index_cast %parallel_loop3A_59 : i32 to index
      %parallel_loop3A_144 = arith.constant 80 : index
      %parallel_loop3A_145 = tpu.vector_load %arg10[%parallel_loop3A_143, %parallel_loop3A_144] {strides = array<i32>} : memref<80x128xf32, #tpu.memory_space<vmem>>, vector<16xf32>,
      %parallel_loop3A_146 = arith.addf %parallel_loop3A_142, %parallel_loop3A_145 : vector<16xf32>
      %parallel_loop3A_147 = arith.constant 1.000000e+00 : f32
      %parallel_loop3A_148 = vector.broadcast %parallel_loop3A_147 : f32 to vector<16xf32>
      %parallel_loop3A_149 = arith.maximumf %parallel_loop3A_146, %parallel_loop3A_148 : vector<16xf32>
      %parallel_loop3A_150 = arith.constant 1.000000e+00 : f32
      %parallel_loop3A_151 = vector.broadcast %parallel_loop3A_150 : f32 to vector<16xf32>
      %parallel_loop3A_152 = arith.divf %parallel_loop3A_151, %parallel_loop3A_149 : vector<16xf32>
      %parallel_loop3A_153 = arith.index_cast %parallel_loop3A_59 : i32 to index
      %parallel_loop3A_154 = arith.constant 80 : index
      %parallel_loop3A_155 = tpu.vector_load %arg12[%parallel_loop3A_153, %parallel_loop3A_154] {strides = array<i32>} : memref<80x128xf32, #tpu.memory_space<vmem>>, vector<16xf32>,
      tpu.vector_store %arg12[%parallel_loop3A_153, %parallel_loop3A_154], %parallel_loop3A_152 {strides = array<i32>} : memref<80x128xf32, #tpu.memory_space<vmem>>, vector<16xf32>,
      %parallel_loop3A_156 = arith.index_cast %parallel_loop3A_59 : i32 to index
      %parallel_loop3A_157 = arith.constant 96 : index
      %parallel_loop3A_158 = tpu.vector_load %arg9[%parallel_loop3A_156, %parallel_loop3A_157] {strides = array<i32>} : memref<80x128xf32, #tpu.memory_space<vmem>>, vector<16xf32>,
      %parallel_loop3A_159 = arith.index_cast %parallel_loop3A_59 : i32 to index
      %parallel_loop3A_160 = arith.constant 96 : index
      %parallel_loop3A_161 = tpu.vector_load %arg10[%parallel_loop3A_159, %parallel_loop3A_160] {strides = array<i32>} : memref<80x128xf32, #tpu.memory_space<vmem>>, vector<16xf32>,
      %parallel_loop3A_162 = arith.addf %parallel_loop3A_158, %parallel_loop3A_161 : vector<16xf32>
      %parallel_loop3A_163 = arith.constant 1.000000e+00 : f32
      %parallel_loop3A_164 = vector.broadcast %parallel_loop3A_163 : f32 to vector<16xf32>
      %parallel_loop3A_165 = arith.maximumf %parallel_loop3A_162, %parallel_loop3A_164 : vector<16xf32>
      %parallel_loop3A_166 = arith.constant 1.000000e+00 : f32
      %parallel_loop3A_167 = vector.broadcast %parallel_loop3A_166 : f32 to vector<16xf32>
      %parallel_loop3A_168 = arith.divf %parallel_loop3A_167, %parallel_loop3A_165 : vector<16xf32>
      %parallel_loop3A_169 = arith.index_cast %parallel_loop3A_59 : i32 to index
      %parallel_loop3A_170 = arith.constant 96 : index
      %parallel_loop3A_171 = tpu.vector_load %arg12[%parallel_loop3A_169, %parallel_loop3A_170] {strides = array<i32>} : memref<80x128xf32, #tpu.memory_space<vmem>>, vector<16xf32>,
      tpu.vector_store %arg12[%parallel_loop3A_169, %parallel_loop3A_170], %parallel_loop3A_168 {strides = array<i32>} : memref<80x128xf32, #tpu.memory_space<vmem>>, vector<16xf32>,
      %parallel_loop3A_172 = arith.index_cast %parallel_loop3A_59 : i32 to index
      %parallel_loop3A_173 = arith.constant 112 : index
      %parallel_loop3A_174 = tpu.vector_load %arg9[%parallel_loop3A_172, %parallel_loop3A_173] {strides = array<i32>} : memref<80x128xf32, #tpu.memory_space<vmem>>, vector<16xf32>,
      %parallel_loop3A_175 = arith.index_cast %parallel_loop3A_59 : i32 to index
      %parallel_loop3A_176 = arith.constant 112 : index
      %parallel_loop3A_177 = tpu.vector_load %arg10[%parallel_loop3A_175, %parallel_loop3A_176] {strides = array<i32>} : memref<80x128xf32, #tpu.memory_space<vmem>>, vector<16xf32>,
      %parallel_loop3A_178 = arith.addf %parallel_loop3A_174, %parallel_loop3A_177 : vector<16xf32>
      %parallel_loop3A_179 = arith.constant 1.000000e+00 : f32
      %parallel_loop3A_180 = vector.broadcast %parallel_loop3A_179 : f32 to vector<16xf32>
      %parallel_loop3A_181 = arith.maximumf %parallel_loop3A_178, %parallel_loop3A_180 : vector<16xf32>
      %parallel_loop3A_182 = arith.constant 1.000000e+00 : f32
      %parallel_loop3A_183 = vector.broadcast %parallel_loop3A_182 : f32 to vector<16xf32>
      %parallel_loop3A_184 = arith.divf %parallel_loop3A_183, %parallel_loop3A_181 : vector<16xf32>
      %parallel_loop3A_185 = arith.index_cast %parallel_loop3A_59 : i32 to index
      %parallel_loop3A_186 = arith.constant 112 : index
      %parallel_loop3A_187 = tpu.vector_load %arg12[%parallel_loop3A_185, %parallel_loop3A_186] {strides = array<i32>} : memref<80x128xf32, #tpu.memory_space<vmem>>, vector<16xf32>,
      tpu.vector_store %arg12[%parallel_loop3A_185, %parallel_loop3A_186], %parallel_loop3A_184 {strides = array<i32>} : memref<80x128xf32, #tpu.memory_space<vmem>>, vector<16xf32>,
    } {sc.loop_unroll_factor = 2 : i64, sc.parallel_access}
    %eq3A = arith.constant 0 : i32
    %eq3A_38 = arith.cmpi eq, %arg0, %eq3A : i32
    %lt3A = arith.constant 10 : i32
    %lt3A_39 = arith.cmpi slt, %arg1, %lt3A : i32
    %and3A = arith.andi %eq3A_38, %lt3A_39 : i1
    %convert_element_type3A = arith.extui %and3A : i1 to i32
    %cond3A = arith.constant 0 : i32
    %cond3A_40 = arith.cmpi ne, %convert_element_type3A, %cond3A : i32
    scf.if %cond3A_40 {
      "tpu.region"() ({
        %run_scoped3A_59 = tpu.sem_alloc : memref<!tpu.dma_semaphore, #tpu.memory_space<semaphore_mem>>
        %dma_start3A = arith.constant 0 : i32
        %dma_start3A_60 = tpu.memref_slice %arg12[%mul3A_2, %dma_start3A] : memref<80x128xf32, #tpu.memory_space<vmem>> -> memref<8x128xf32, #tpu.memory_space<vmem>>
        %dma_start3A_61 = arith.constant 0 : i32
        %dma_start3A_62 = tpu.memref_slice %arg5[%mul3A_2, %dma_start3A_61] : memref<80x128xf32, #tpu.memory_space<hbm>> -> memref<8x128xf32, #tpu.memory_space<hbm>>
        %dma_start3A_63 = arith.constant 0 : i32
        %dma_start3A_64 = tpu.memref_slice %arg5[%mul3A_2, %dma_start3A_63] : memref<80x128xf32, #tpu.memory_space<hbm>> -> memref<8x128xf32, #tpu.memory_space<hbm>>
        %dma_start3A_65 = arith.constant 0 : i32
        %dma_start3A_66 = tpu.memref_slice %arg12[%mul3A_2, %dma_start3A_65] : memref<80x128xf32, #tpu.memory_space<vmem>> -> memref<8x128xf32, #tpu.memory_space<vmem>>
        tpu.enqueue_dma source(%dma_start3A_66 : memref<8x128xf32, #tpu.memory_space<vmem>>) target(%dma_start3A_64 : memref<8x128xf32, #tpu.memory_space<hbm>>) target_semaphore(%run_scoped3A_59 : memref<!tpu.dma_semaphore, #tpu.memory_space<semaphore_mem>>)
        %dma_wait3A = arith.constant 0 : i32
        %dma_wait3A_67 = tpu.memref_slice %arg12[%mul3A_2, %dma_wait3A] : memref<80x128xf32, #tpu.memory_space<vmem>> -> memref<8x128xf32, #tpu.memory_space<vmem>>
        %dma_wait3A_68 = arith.constant 0 : i32
        %dma_wait3A_69 = tpu.memref_slice %arg5[%mul3A_2, %dma_wait3A_68] : memref<80x128xf32, #tpu.memory_space<hbm>> -> memref<8x128xf32, #tpu.memory_space<hbm>>
        %dma_wait3A_70 = arith.constant 0 : i32
        %dma_wait3A_71 = tpu.memref_slice %arg5[%mul3A_2, %dma_wait3A_70] : memref<80x128xf32, #tpu.memory_space<hbm>> -> memref<8x128xf32, #tpu.memory_space<hbm>>
        %dma_wait3A_72 = arith.constant 0 : i32
        %dma_wait3A_73 = tpu.memref_slice %arg12[%mul3A_2, %dma_wait3A_72] : memref<80x128xf32, #tpu.memory_space<vmem>> -> memref<8x128xf32, #tpu.memory_space<vmem>>
        tpu.wait_dma2 semaphore(%run_scoped3A_59 : memref<!tpu.dma_semaphore, #tpu.memory_space<semaphore_mem>>) src(%dma_wait3A_73 : memref<8x128xf32, #tpu.memory_space<vmem>>) dst(%dma_wait3A_71 : memref<8x128xf32, #tpu.memory_space<hbm>>)
        tpu.yield
      }) : () -> ()
    } else {
    }
    %broadcast_in_dim3A = arith.constant 0.000000e+00 : f32
    %broadcast_in_dim3A_41 = vector.broadcast %broadcast_in_dim3A : f32 to vector<16xf32>
    %parallel_loop3A_42 = arith.constant 0 : i32
    %parallel_loop3A_43 = arith.constant 80 : i32
    %parallel_loop3A_44 = arith.constant 1 : i32
    scf.for %parallel_loop3A_59 = %parallel_loop3A_42 to %parallel_loop3A_43 step %parallel_loop3A_44  : i32 {
      %parallel_loop3A_60 = arith.index_cast %parallel_loop3A_59 : i32 to index
      %parallel_loop3A_61 = arith.constant 0 : index
      %parallel_loop3A_62 = tpu.vector_load %arg13[%parallel_loop3A_60, %parallel_loop3A_61] {strides = array<i32>} : memref<80x128xf32, #tpu.memory_space<vmem>>, vector<16xf32>,
      tpu.vector_store %arg13[%parallel_loop3A_60, %parallel_loop3A_61], %broadcast_in_dim3A_41 {strides = array<i32>} : memref<80x128xf32, #tpu.memory_space<vmem>>, vector<16xf32>,
      %parallel_loop3A_63 = arith.index_cast %parallel_loop3A_59 : i32 to index
      %parallel_loop3A_64 = arith.constant 16 : index
      %parallel_loop3A_65 = tpu.vector_load %arg13[%parallel_loop3A_63, %parallel_loop3A_64] {strides = array<i32>} : memref<80x128xf32, #tpu.memory_space<vmem>>, vector<16xf32>,
      tpu.vector_store %arg13[%parallel_loop3A_63, %parallel_loop3A_64], %broadcast_in_dim3A_41 {strides = array<i32>} : memref<80x128xf32, #tpu.memory_space<vmem>>, vector<16xf32>,
      %parallel_loop3A_66 = arith.index_cast %parallel_loop3A_59 : i32 to index
      %parallel_loop3A_67 = arith.constant 32 : index
      %parallel_loop3A_68 = tpu.vector_load %arg13[%parallel_loop3A_66, %parallel_loop3A_67] {strides = array<i32>} : memref<80x128xf32, #tpu.memory_space<vmem>>, vector<16xf32>,
      tpu.vector_store %arg13[%parallel_loop3A_66, %parallel_loop3A_67], %broadcast_in_dim3A_41 {strides = array<i32>} : memref<80x128xf32, #tpu.memory_space<vmem>>, vector<16xf32>,
      %parallel_loop3A_69 = arith.index_cast %parallel_loop3A_59 : i32 to index
      %parallel_loop3A_70 = arith.constant 48 : index
      %parallel_loop3A_71 = tpu.vector_load %arg13[%parallel_loop3A_69, %parallel_loop3A_70] {strides = array<i32>} : memref<80x128xf32, #tpu.memory_space<vmem>>, vector<16xf32>,
      tpu.vector_store %arg13[%parallel_loop3A_69, %parallel_loop3A_70], %broadcast_in_dim3A_41 {strides = array<i32>} : memref<80x128xf32, #tpu.memory_space<vmem>>, vector<16xf32>,
      %parallel_loop3A_72 = arith.index_cast %parallel_loop3A_59 : i32 to index
      %parallel_loop3A_73 = arith.constant 64 : index
      %parallel_loop3A_74 = tpu.vector_load %arg13[%parallel_loop3A_72, %parallel_loop3A_73] {strides = array<i32>} : memref<80x128xf32, #tpu.memory_space<vmem>>, vector<16xf32>,
      tpu.vector_store %arg13[%parallel_loop3A_72, %parallel_loop3A_73], %broadcast_in_dim3A_41 {strides = array<i32>} : memref<80x128xf32, #tpu.memory_space<vmem>>, vector<16xf32>,
      %parallel_loop3A_75 = arith.index_cast %parallel_loop3A_59 : i32 to index
      %parallel_loop3A_76 = arith.constant 80 : index
      %parallel_loop3A_77 = tpu.vector_load %arg13[%parallel_loop3A_75, %parallel_loop3A_76] {strides = array<i32>} : memref<80x128xf32, #tpu.memory_space<vmem>>, vector<16xf32>,
      tpu.vector_store %arg13[%parallel_loop3A_75, %parallel_loop3A_76], %broadcast_in_dim3A_41 {strides = array<i32>} : memref<80x128xf32, #tpu.memory_space<vmem>>, vector<16xf32>,
      %parallel_loop3A_78 = arith.index_cast %parallel_loop3A_59 : i32 to index
      %parallel_loop3A_79 = arith.constant 96 : index
      %parallel_loop3A_80 = tpu.vector_load %arg13[%parallel_loop3A_78, %parallel_loop3A_79] {strides = array<i32>} : memref<80x128xf32, #tpu.memory_space<vmem>>, vector<16xf32>,
      tpu.vector_store %arg13[%parallel_loop3A_78, %parallel_loop3A_79], %broadcast_in_dim3A_41 {strides = array<i32>} : memref<80x128xf32, #tpu.memory_space<vmem>>, vector<16xf32>,
      %parallel_loop3A_81 = arith.index_cast %parallel_loop3A_59 : i32 to index
      %parallel_loop3A_82 = arith.constant 112 : index
      %parallel_loop3A_83 = tpu.vector_load %arg13[%parallel_loop3A_81, %parallel_loop3A_82] {strides = array<i32>} : memref<80x128xf32, #tpu.memory_space<vmem>>, vector<16xf32>,
      tpu.vector_store %arg13[%parallel_loop3A_81, %parallel_loop3A_82], %broadcast_in_dim3A_41 {strides = array<i32>} : memref<80x128xf32, #tpu.memory_space<vmem>>, vector<16xf32>,
    } {sc.loop_unroll_factor = 2 : i64, sc.parallel_access}
    %eq3A_45 = arith.constant 0 : i32
    %eq3A_46 = arith.cmpi eq, %arg1, %eq3A_45 : i32
    %convert_element_type3A_47 = arith.extui %eq3A_46 : i1 to i32
    %cond3A_48 = arith.constant 0 : i32
    %cond3A_49 = arith.cmpi ne, %convert_element_type3A_47, %cond3A_48 : i32
    scf.if %cond3A_49 {
      "tpu.region"() ({
        %run_scoped3A_59 = tpu.sem_alloc : memref<!tpu.dma_semaphore, #tpu.memory_space<semaphore_mem>>
        tpu.enqueue_dma source(%arg13 : memref<80x128xf32, #tpu.memory_space<vmem>>) target(%arg15 : memref<80x128xf32, #tpu.memory_space<vmem_shared>>) target_semaphore(%run_scoped3A_59 : memref<!tpu.dma_semaphore, #tpu.memory_space<semaphore_mem>>)
        tpu.wait_dma2 semaphore(%run_scoped3A_59 : memref<!tpu.dma_semaphore, #tpu.memory_space<semaphore_mem>>) src(%arg13 : memref<80x128xf32, #tpu.memory_space<vmem>>) dst(%arg15 : memref<80x128xf32, #tpu.memory_space<vmem_shared>>)
        tpu.yield
      }) : () -> ()
    } else {
    }
    %barrier3A = arith.constant 0 : index
    tpu.barrier barrier_id(%barrier3A)
    %parallel_loop3A_50 = arith.constant 0 : i32
    %parallel_loop3A_51 = arith.constant 625 : i32
    %parallel_loop3A_52 = arith.constant 1 : i32
    scf.for %parallel_loop3A_59 = %parallel_loop3A_50 to %parallel_loop3A_51 step %parallel_loop3A_52  : i32 {
      %parallel_loop3A_60 = arith.constant 16 : i32
      %parallel_loop3A_61 = arith.muli %parallel_loop3A_59, %parallel_loop3A_60 : i32
      %parallel_loop3A_62 = arith.index_cast %parallel_loop3A_61 : i32 to index
      %parallel_loop3A_63 = tpu.vector_load %arg8[%parallel_loop3A_62] {strides = array<i32>} : memref<10000xi32, #tpu.memory_space<vmem>>, vector<16xi32>,
      %parallel_loop3A_64 = arith.constant 16 : i32
      %parallel_loop3A_65 = arith.muli %parallel_loop3A_59, %parallel_loop3A_64 : i32
      %parallel_loop3A_66 = arith.index_cast %parallel_loop3A_65 : i32 to index
      %parallel_loop3A_67 = tpu.vector_load %arg7[%parallel_loop3A_66] {strides = array<i32>} : memref<10000xi32, #tpu.memory_space<vmem>>, vector<16xi32>,
      %parallel_loop3A_68 = arith.constant 7 : i32
      %parallel_loop3A_69 = vector.broadcast %parallel_loop3A_68 : i32 to vector<16xi32>
      %parallel_loop3A_70 = arith.shrsi %parallel_loop3A_67, %parallel_loop3A_69 : vector<16xi32>
      %parallel_loop3A_71 = arith.constant 127 : i32
      %parallel_loop3A_72 = vector.broadcast %parallel_loop3A_71 : i32 to vector<16xi32>
      %parallel_loop3A_73 = arith.andi %parallel_loop3A_67, %parallel_loop3A_72 : vector<16xi32>
      %parallel_loop3A_74 = tpu.vector_load_idx %arg12[%parallel_loop3A_70, %parallel_loop3A_73] : memref<80x128xf32, #tpu.memory_space<vmem>>[vector<16xi32>, vector<16xi32>], vector<16xf32>,
      %parallel_loop3A_75 = arith.constant 7 : i32
      %parallel_loop3A_76 = vector.broadcast %parallel_loop3A_75 : i32 to vector<16xi32>
      %parallel_loop3A_77 = arith.shrsi %parallel_loop3A_63, %parallel_loop3A_76 : vector<16xi32>
      %parallel_loop3A_78 = arith.constant 127 : i32
      %parallel_loop3A_79 = vector.broadcast %parallel_loop3A_78 : i32 to vector<16xi32>
      %parallel_loop3A_80 = arith.andi %parallel_loop3A_63, %parallel_loop3A_79 : vector<16xi32>
      tpu.vector_store_idx %arg13[%parallel_loop3A_77, %parallel_loop3A_80], %parallel_loop3A_74 {add = true} : memref<80x128xf32, #tpu.memory_space<vmem>>[vector<16xi32>, vector<16xi32>], vector<16xf32>,
    } {sc.loop_unroll_factor = 25 : i64, sc.parallel_access}
    "tpu.region"() ({
      %run_scoped3A_59 = tpu.sem_alloc : memref<!tpu.dma_semaphore, #tpu.memory_space<semaphore_mem>>
      %dma_start3A = arith.constant 0 : i32
      %dma_start3A_60 = arith.constant 0 : i32
      %dma_start3A_61 = tpu.memref_slice %arg15[%dma_start3A, %dma_start3A_60] : memref<80x128xf32, #tpu.memory_space<vmem_shared>> -> memref<80x128xf32, #tpu.memory_space<vmem_shared>>
      tpu.enqueue_indirect_dma source(%arg13 : memref<80x128xf32, #tpu.memory_space<vmem>>) target(%dma_start3A_61 : memref<80x128xf32, #tpu.memory_space<vmem_shared>>) offsets(%arg14 : memref<80xi32, #tpu.memory_space<vmem>>) semaphore(%run_scoped3A_59 : memref<!tpu.dma_semaphore, #tpu.memory_space<semaphore_mem>>) {add = true}
      %dma_wait3A = arith.constant 0 : i32
      %dma_wait3A_62 = arith.constant 0 : i32
      %dma_wait3A_63 = tpu.memref_slice %arg15[%dma_wait3A, %dma_wait3A_62] : memref<80x128xf32, #tpu.memory_space<vmem_shared>> -> memref<80x128xf32, #tpu.memory_space<vmem_shared>>
      tpu.wait_indirect_dma semaphore(%run_scoped3A_59 : memref<!tpu.dma_semaphore, #tpu.memory_space<semaphore_mem>>) src(%arg13 : memref<80x128xf32, #tpu.memory_space<vmem>>) dst(%dma_wait3A_63 : memref<80x128xf32, #tpu.memory_space<vmem_shared>>)
      tpu.yield
    }) : () -> ()
    %barrier3A_53 = arith.constant 0 : index
    tpu.barrier barrier_id(%barrier3A_53)
    %lt3A_54 = arith.constant 10 : i32
    %lt3A_55 = arith.cmpi slt, %arg1, %lt3A_54 : i32
    %convert_element_type3A_56 = arith.extui %lt3A_55 : i1 to i32
    %cond3A_57 = arith.constant 0 : i32
    %cond3A_58 = arith.cmpi ne, %convert_element_type3A_56, %cond3A_57 : i32
    scf.if %cond3A_58 {
      %mul3A_59 = arith.constant 8 : i32
      %mul3A_60 = arith.muli %arg1, %mul3A_59 : i32
      "tpu.region"() ({
        %run_scoped3A_61 = tpu.sem_alloc : memref<!tpu.dma_semaphore, #tpu.memory_space<semaphore_mem>>
        %dma_start3A = arith.constant 0 : i32
        %dma_start3A_62 = tpu.memref_slice %arg6[%arg0, %mul3A_60, %dma_start3A] : memref<2x80x128xf32, #tpu.memory_space<hbm>> -> memref<1x8x128xf32, #tpu.memory_space<hbm>>
        %dma_start3A_63 = tpu.memref_squeeze %dma_start3A_62 : memref<1x8x128xf32, #tpu.memory_space<hbm>> -> memref<8x128xf32, #tpu.memory_space<hbm>>
        %dma_start3A_64 = arith.constant 0 : i32
        %dma_start3A_65 = tpu.memref_slice %arg15[%mul3A_60, %dma_start3A_64] : memref<80x128xf32, #tpu.memory_space<vmem_shared>> -> memref<8x128xf32, #tpu.memory_space<vmem_shared>>
        tpu.enqueue_dma source(%dma_start3A_65 : memref<8x128xf32, #tpu.memory_space<vmem_shared>>) target(%dma_start3A_63 : memref<8x128xf32, #tpu.memory_space<hbm>>) target_semaphore(%run_scoped3A_61 : memref<!tpu.dma_semaphore, #tpu.memory_space<semaphore_mem>>)
        %dma_wait3A = arith.constant 0 : i32
        %dma_wait3A_66 = tpu.memref_slice %arg6[%arg0, %mul3A_60, %dma_wait3A] : memref<2x80x128xf32, #tpu.memory_space<hbm>> -> memref<1x8x128xf32, #tpu.memory_space<hbm>>
        %dma_wait3A_67 = tpu.memref_squeeze %dma_wait3A_66 : memref<1x8x128xf32, #tpu.memory_space<hbm>> -> memref<8x128xf32, #tpu.memory_space<hbm>>
        %dma_wait3A_68 = arith.constant 0 : i32
        %dma_wait3A_69 = tpu.memref_slice %arg15[%mul3A_60, %dma_wait3A_68] : memref<80x128xf32, #tpu.memory_space<vmem_shared>> -> memref<8x128xf32, #tpu.memory_space<vmem_shared>>
        tpu.wait_dma2 semaphore(%run_scoped3A_61 : memref<!tpu.dma_semaphore, #tpu.memory_space<semaphore_mem>>) src(%dma_wait3A_69 : memref<8x128xf32, #tpu.memory_space<vmem_shared>>) dst(%dma_wait3A_67 : memref<8x128xf32, #tpu.memory_space<hbm>>)
        tpu.yield
      }) : () -> ()
    } else {
    }
    return
  }
}

#map = affine_map<(d0, d1) -> (0)>
#map1 = affine_map<(d0, d1) -> (0, 0)>
#map2 = affine_map<(d0, d1) -> (0, 0, 0)>
module attributes {stable_mosaic.version = 14 : i64} {
  func.func @round_fn(%arg0: i32, %arg1: i32, %arg2: memref<320000xi32, #tpu.memory_space<hbm>>, %arg3: memref<320000xi32, #tpu.memory_space<hbm>>, %arg4: memref<80x128xf32, #tpu.memory_space<hbm>>, %arg5: memref<2x80x128xf32, #tpu.memory_space<hbm>>, %arg6: memref<80x128xf32, #tpu.memory_space<hbm>>, %arg7: memref<2x80x128xf32, #tpu.memory_space<hbm>>, %arg8: memref<10000xi32, #tpu.memory_space<vmem>>, %arg9: memref<10000xi32, #tpu.memory_space<vmem>>, %arg10: memref<80x128xf32, #tpu.memory_space<vmem>>, %arg11: memref<80x128xf32, #tpu.memory_space<vmem>>, %arg12: memref<80x128xf32, #tpu.memory_space<vmem>>, %arg13: memref<80x128xf32, #tpu.memory_space<vmem>>, %arg14: memref<80x128xf32, #tpu.memory_space<vmem>>, %arg15: memref<80xi32, #tpu.memory_space<vmem>>, %arg16: memref<80x128xf32, #tpu.memory_space<vmem_shared>>) attributes {dimension_semantics = [#tpu.dimension_semantics<core_parallel>, #tpu.dimension_semantics<subcore_parallel>], iteration_bounds = array<i64: 2, 16>, scalar_prefetch = 0 : i64, scratch_operands = 9 : i64, tpu.core_type = #tpu.core_type<sc_vector_subcore>, window_params = [{transform_indices = #map}, {transform_indices = #map}, {transform_indices = #map1}, {transform_indices = #map2}, {transform_indices = #map1}, {transform_indices = #map2}]} {
    %mul3A = arith.constant 2 : i32
    %mul3A_0 = arith.muli %arg1, %mul3A : i32
    %add3A = arith.addi %mul3A_0, %arg0 : i32
    %mul3A_1 = arith.constant 8 : i32
    %mul3A_2 = arith.muli %arg1, %mul3A_1 : i32
    %mul3A_3 = arith.constant 10000 : i32
    %mul3A_4 = arith.muli %add3A, %mul3A_3 : i32
    "tpu.region"() ({
      %run_scoped3A_151 = tpu.sem_alloc : memref<!tpu.dma_semaphore, #tpu.memory_space<semaphore_mem>>
      %dma_start3A = tpu.memref_slice %arg3[%mul3A_4] : memref<320000xi32, #tpu.memory_space<hbm>> -> memref<10000xi32, #tpu.memory_space<hbm>>
      %dma_start3A_152 = tpu.memref_slice %arg3[%mul3A_4] : memref<320000xi32, #tpu.memory_space<hbm>> -> memref<10000xi32, #tpu.memory_space<hbm>>
      tpu.enqueue_dma source(%dma_start3A_152 : memref<10000xi32, #tpu.memory_space<hbm>>) target(%arg8 : memref<10000xi32, #tpu.memory_space<vmem>>) target_semaphore(%run_scoped3A_151 : memref<!tpu.dma_semaphore, #tpu.memory_space<semaphore_mem>>)
      %dma_wait3A = tpu.memref_slice %arg3[%mul3A_4] : memref<320000xi32, #tpu.memory_space<hbm>> -> memref<10000xi32, #tpu.memory_space<hbm>>
      %dma_wait3A_153 = tpu.memref_slice %arg3[%mul3A_4] : memref<320000xi32, #tpu.memory_space<hbm>> -> memref<10000xi32, #tpu.memory_space<hbm>>
      tpu.wait_dma2 semaphore(%run_scoped3A_151 : memref<!tpu.dma_semaphore, #tpu.memory_space<semaphore_mem>>) src(%dma_wait3A_153 : memref<10000xi32, #tpu.memory_space<hbm>>) dst(%arg8 : memref<10000xi32, #tpu.memory_space<vmem>>)
      tpu.yield
    }) : () -> ()
    %mul3A_5 = arith.constant 10000 : i32
    %mul3A_6 = arith.muli %add3A, %mul3A_5 : i32
    "tpu.region"() ({
      %run_scoped3A_151 = tpu.sem_alloc : memref<!tpu.dma_semaphore, #tpu.memory_space<semaphore_mem>>
      %dma_start3A = tpu.memref_slice %arg2[%mul3A_6] : memref<320000xi32, #tpu.memory_space<hbm>> -> memref<10000xi32, #tpu.memory_space<hbm>>
      %dma_start3A_152 = tpu.memref_slice %arg2[%mul3A_6] : memref<320000xi32, #tpu.memory_space<hbm>> -> memref<10000xi32, #tpu.memory_space<hbm>>
      tpu.enqueue_dma source(%dma_start3A_152 : memref<10000xi32, #tpu.memory_space<hbm>>) target(%arg9 : memref<10000xi32, #tpu.memory_space<vmem>>) target_semaphore(%run_scoped3A_151 : memref<!tpu.dma_semaphore, #tpu.memory_space<semaphore_mem>>)
      %dma_wait3A = tpu.memref_slice %arg2[%mul3A_6] : memref<320000xi32, #tpu.memory_space<hbm>> -> memref<10000xi32, #tpu.memory_space<hbm>>
      %dma_wait3A_153 = tpu.memref_slice %arg2[%mul3A_6] : memref<320000xi32, #tpu.memory_space<hbm>> -> memref<10000xi32, #tpu.memory_space<hbm>>
      tpu.wait_dma2 semaphore(%run_scoped3A_151 : memref<!tpu.dma_semaphore, #tpu.memory_space<semaphore_mem>>) src(%dma_wait3A_153 : memref<10000xi32, #tpu.memory_space<hbm>>) dst(%arg9 : memref<10000xi32, #tpu.memory_space<vmem>>)
      tpu.yield
    }) : () -> ()
    %run_scoped3A = arith.constant 0 : i32
    "tpu.region"() ({
      %run_scoped3A_151 = tpu.sem_alloc : memref<!tpu.dma_semaphore, #tpu.memory_space<semaphore_mem>>
      %dma_start3A = arith.constant 0 : i32
      %dma_start3A_152 = arith.constant 0 : i32
      %dma_start3A_153 = tpu.memref_slice %arg5[%run_scoped3A, %dma_start3A, %dma_start3A_152] : memref<2x80x128xf32, #tpu.memory_space<hbm>> -> memref<1x80x128xf32, #tpu.memory_space<hbm>>
      %dma_start3A_154 = tpu.memref_squeeze %dma_start3A_153 : memref<1x80x128xf32, #tpu.memory_space<hbm>> -> memref<80x128xf32, #tpu.memory_space<hbm>>
      %dma_start3A_155 = arith.constant 0 : i32
      %dma_start3A_156 = arith.constant 0 : i32
      %dma_start3A_157 = tpu.memref_slice %arg5[%run_scoped3A, %dma_start3A_155, %dma_start3A_156] : memref<2x80x128xf32, #tpu.memory_space<hbm>> -> memref<1x80x128xf32, #tpu.memory_space<hbm>>
      %dma_start3A_158 = tpu.memref_squeeze %dma_start3A_157 : memref<1x80x128xf32, #tpu.memory_space<hbm>> -> memref<80x128xf32, #tpu.memory_space<hbm>>
      tpu.enqueue_dma source(%dma_start3A_158 : memref<80x128xf32, #tpu.memory_space<hbm>>) target(%arg10 : memref<80x128xf32, #tpu.memory_space<vmem>>) target_semaphore(%run_scoped3A_151 : memref<!tpu.dma_semaphore, #tpu.memory_space<semaphore_mem>>)
      %dma_wait3A = arith.constant 0 : i32
      %dma_wait3A_159 = arith.constant 0 : i32
      %dma_wait3A_160 = tpu.memref_slice %arg5[%run_scoped3A, %dma_wait3A, %dma_wait3A_159] : memref<2x80x128xf32, #tpu.memory_space<hbm>> -> memref<1x80x128xf32, #tpu.memory_space<hbm>>
      %dma_wait3A_161 = tpu.memref_squeeze %dma_wait3A_160 : memref<1x80x128xf32, #tpu.memory_space<hbm>> -> memref<80x128xf32, #tpu.memory_space<hbm>>
      %dma_wait3A_162 = arith.constant 0 : i32
      %dma_wait3A_163 = arith.constant 0 : i32
      %dma_wait3A_164 = tpu.memref_slice %arg5[%run_scoped3A, %dma_wait3A_162, %dma_wait3A_163] : memref<2x80x128xf32, #tpu.memory_space<hbm>> -> memref<1x80x128xf32, #tpu.memory_space<hbm>>
      %dma_wait3A_165 = tpu.memref_squeeze %dma_wait3A_164 : memref<1x80x128xf32, #tpu.memory_space<hbm>> -> memref<80x128xf32, #tpu.memory_space<hbm>>
      tpu.wait_dma2 semaphore(%run_scoped3A_151 : memref<!tpu.dma_semaphore, #tpu.memory_space<semaphore_mem>>) src(%dma_wait3A_165 : memref<80x128xf32, #tpu.memory_space<hbm>>) dst(%arg10 : memref<80x128xf32, #tpu.memory_space<vmem>>)
      tpu.yield
    }) : () -> ()
    %run_scoped3A_7 = arith.constant 1 : i32
    "tpu.region"() ({
      %run_scoped3A_151 = tpu.sem_alloc : memref<!tpu.dma_semaphore, #tpu.memory_space<semaphore_mem>>
      %dma_start3A = arith.constant 0 : i32
      %dma_start3A_152 = arith.constant 0 : i32
      %dma_start3A_153 = tpu.memref_slice %arg5[%run_scoped3A_7, %dma_start3A, %dma_start3A_152] : memref<2x80x128xf32, #tpu.memory_space<hbm>> -> memref<1x80x128xf32, #tpu.memory_space<hbm>>
      %dma_start3A_154 = tpu.memref_squeeze %dma_start3A_153 : memref<1x80x128xf32, #tpu.memory_space<hbm>> -> memref<80x128xf32, #tpu.memory_space<hbm>>
      %dma_start3A_155 = arith.constant 0 : i32
      %dma_start3A_156 = arith.constant 0 : i32
      %dma_start3A_157 = tpu.memref_slice %arg5[%run_scoped3A_7, %dma_start3A_155, %dma_start3A_156] : memref<2x80x128xf32, #tpu.memory_space<hbm>> -> memref<1x80x128xf32, #tpu.memory_space<hbm>>
      %dma_start3A_158 = tpu.memref_squeeze %dma_start3A_157 : memref<1x80x128xf32, #tpu.memory_space<hbm>> -> memref<80x128xf32, #tpu.memory_space<hbm>>
      tpu.enqueue_dma source(%dma_start3A_158 : memref<80x128xf32, #tpu.memory_space<hbm>>) target(%arg11 : memref<80x128xf32, #tpu.memory_space<vmem>>) target_semaphore(%run_scoped3A_151 : memref<!tpu.dma_semaphore, #tpu.memory_space<semaphore_mem>>)
      %dma_wait3A = arith.constant 0 : i32
      %dma_wait3A_159 = arith.constant 0 : i32
      %dma_wait3A_160 = tpu.memref_slice %arg5[%run_scoped3A_7, %dma_wait3A, %dma_wait3A_159] : memref<2x80x128xf32, #tpu.memory_space<hbm>> -> memref<1x80x128xf32, #tpu.memory_space<hbm>>
      %dma_wait3A_161 = tpu.memref_squeeze %dma_wait3A_160 : memref<1x80x128xf32, #tpu.memory_space<hbm>> -> memref<80x128xf32, #tpu.memory_space<hbm>>
      %dma_wait3A_162 = arith.constant 0 : i32
      %dma_wait3A_163 = arith.constant 0 : i32
      %dma_wait3A_164 = tpu.memref_slice %arg5[%run_scoped3A_7, %dma_wait3A_162, %dma_wait3A_163] : memref<2x80x128xf32, #tpu.memory_space<hbm>> -> memref<1x80x128xf32, #tpu.memory_space<hbm>>
      %dma_wait3A_165 = tpu.memref_squeeze %dma_wait3A_164 : memref<1x80x128xf32, #tpu.memory_space<hbm>> -> memref<80x128xf32, #tpu.memory_space<hbm>>
      tpu.wait_dma2 semaphore(%run_scoped3A_151 : memref<!tpu.dma_semaphore, #tpu.memory_space<semaphore_mem>>) src(%dma_wait3A_165 : memref<80x128xf32, #tpu.memory_space<hbm>>) dst(%arg11 : memref<80x128xf32, #tpu.memory_space<vmem>>)
      tpu.yield
    }) : () -> ()
    %iota3A = tpu.iota {dimensions = array<i32: 0>} : vector<16xi32>
    %add3A_8 = arith.constant 0 : i32
    %add3A_9 = vector.broadcast %add3A_8 : i32 to vector<16xi32>
    %add3A_10 = arith.addi %iota3A, %add3A_9 : vector<16xi32>
    %swap3A = arith.constant 0 : index
    %swap3A_11 = tpu.vector_load %arg15[%swap3A] {strides = array<i32>} : memref<80xi32, #tpu.memory_space<vmem>>, vector<16xi32>,
    tpu.vector_store %arg15[%swap3A], %add3A_10 {strides = array<i32>} : memref<80xi32, #tpu.memory_space<vmem>>, vector<16xi32>,
    %iota3A_12 = tpu.iota {dimensions = array<i32: 0>} : vector<16xi32>
    %add3A_13 = arith.constant 16 : i32
    %add3A_14 = vector.broadcast %add3A_13 : i32 to vector<16xi32>
    %add3A_15 = arith.addi %iota3A_12, %add3A_14 : vector<16xi32>
    %swap3A_16 = arith.constant 16 : index
    %swap3A_17 = tpu.vector_load %arg15[%swap3A_16] {strides = array<i32>} : memref<80xi32, #tpu.memory_space<vmem>>, vector<16xi32>,
    tpu.vector_store %arg15[%swap3A_16], %add3A_15 {strides = array<i32>} : memref<80xi32, #tpu.memory_space<vmem>>, vector<16xi32>,
    %iota3A_18 = tpu.iota {dimensions = array<i32: 0>} : vector<16xi32>
    %add3A_19 = arith.constant 32 : i32
    %add3A_20 = vector.broadcast %add3A_19 : i32 to vector<16xi32>
    %add3A_21 = arith.addi %iota3A_18, %add3A_20 : vector<16xi32>
    %swap3A_22 = arith.constant 32 : index
    %swap3A_23 = tpu.vector_load %arg15[%swap3A_22] {strides = array<i32>} : memref<80xi32, #tpu.memory_space<vmem>>, vector<16xi32>,
    tpu.vector_store %arg15[%swap3A_22], %add3A_21 {strides = array<i32>} : memref<80xi32, #tpu.memory_space<vmem>>, vector<16xi32>,
    %iota3A_24 = tpu.iota {dimensions = array<i32: 0>} : vector<16xi32>
    %add3A_25 = arith.constant 48 : i32
    %add3A_26 = vector.broadcast %add3A_25 : i32 to vector<16xi32>
    %add3A_27 = arith.addi %iota3A_24, %add3A_26 : vector<16xi32>
    %swap3A_28 = arith.constant 48 : index
    %swap3A_29 = tpu.vector_load %arg15[%swap3A_28] {strides = array<i32>} : memref<80xi32, #tpu.memory_space<vmem>>, vector<16xi32>,
    tpu.vector_store %arg15[%swap3A_28], %add3A_27 {strides = array<i32>} : memref<80xi32, #tpu.memory_space<vmem>>, vector<16xi32>,
    %iota3A_30 = tpu.iota {dimensions = array<i32: 0>} : vector<16xi32>
    %add3A_31 = arith.constant 64 : i32
    %add3A_32 = vector.broadcast %add3A_31 : i32 to vector<16xi32>
    %add3A_33 = arith.addi %iota3A_30, %add3A_32 : vector<16xi32>
    %swap3A_34 = arith.constant 64 : index
    %swap3A_35 = tpu.vector_load %arg15[%swap3A_34] {strides = array<i32>} : memref<80xi32, #tpu.memory_space<vmem>>, vector<16xi32>,
    tpu.vector_store %arg15[%swap3A_34], %add3A_33 {strides = array<i32>} : memref<80xi32, #tpu.memory_space<vmem>>, vector<16xi32>,
    "tpu.region"() ({
      %run_scoped3A_151 = tpu.sem_alloc : memref<!tpu.dma_semaphore, #tpu.memory_space<semaphore_mem>>
      tpu.enqueue_dma source(%arg4 : memref<80x128xf32, #tpu.memory_space<hbm>>) target(%arg12 : memref<80x128xf32, #tpu.memory_space<vmem>>) target_semaphore(%run_scoped3A_151 : memref<!tpu.dma_semaphore, #tpu.memory_space<semaphore_mem>>)
      tpu.wait_dma2 semaphore(%run_scoped3A_151 : memref<!tpu.dma_semaphore, #tpu.memory_space<semaphore_mem>>) src(%arg4 : memref<80x128xf32, #tpu.memory_space<hbm>>) dst(%arg12 : memref<80x128xf32, #tpu.memory_space<vmem>>)
      tpu.yield
    }) : () -> ()
    %parallel_loop3A = arith.constant 0 : i32
    %parallel_loop3A_36 = arith.constant 78 : i32
    %parallel_loop3A_37 = arith.constant 1 : i32
    scf.for %parallel_loop3A_151 = %parallel_loop3A to %parallel_loop3A_36 step %parallel_loop3A_37  : i32 {
      %parallel_loop3A_152 = arith.index_cast %parallel_loop3A_151 : i32 to index
      %parallel_loop3A_153 = arith.constant 0 : index
      %parallel_loop3A_154 = tpu.vector_load %arg10[%parallel_loop3A_152, %parallel_loop3A_153] {strides = array<i32>} : memref<80x128xf32, #tpu.memory_space<vmem>>, vector<16xf32>,
      %parallel_loop3A_155 = arith.index_cast %parallel_loop3A_151 : i32 to index
      %parallel_loop3A_156 = arith.constant 0 : index
      %parallel_loop3A_157 = tpu.vector_load %arg11[%parallel_loop3A_155, %parallel_loop3A_156] {strides = array<i32>} : memref<80x128xf32, #tpu.memory_space<vmem>>, vector<16xf32>,
      %parallel_loop3A_158 = arith.addf %parallel_loop3A_154, %parallel_loop3A_157 : vector<16xf32>
      %parallel_loop3A_159 = arith.constant 1.000000e+00 : f32
      %parallel_loop3A_160 = vector.broadcast %parallel_loop3A_159 : f32 to vector<16xf32>
      %parallel_loop3A_161 = arith.addf %parallel_loop3A_160, %parallel_loop3A_158 : vector<16xf32>
      %parallel_loop3A_162 = arith.index_cast %parallel_loop3A_151 : i32 to index
      %parallel_loop3A_163 = arith.constant 0 : index
      %parallel_loop3A_164 = tpu.vector_load %arg10[%parallel_loop3A_162, %parallel_loop3A_163] {strides = array<i32>} : memref<80x128xf32, #tpu.memory_space<vmem>>, vector<16xf32>,
      tpu.vector_store %arg10[%parallel_loop3A_162, %parallel_loop3A_163], %parallel_loop3A_161 {strides = array<i32>} : memref<80x128xf32, #tpu.memory_space<vmem>>, vector<16xf32>,
      %parallel_loop3A_165 = arith.index_cast %parallel_loop3A_151 : i32 to index
      %parallel_loop3A_166 = arith.constant 0 : index
      %parallel_loop3A_167 = tpu.vector_load %arg12[%parallel_loop3A_165, %parallel_loop3A_166] {strides = array<i32>} : memref<80x128xf32, #tpu.memory_space<vmem>>, vector<16xf32>,
      %parallel_loop3A_168 = arith.mulf %parallel_loop3A_161, %parallel_loop3A_167 : vector<16xf32>
      %parallel_loop3A_169 = arith.index_cast %parallel_loop3A_151 : i32 to index
      %parallel_loop3A_170 = arith.constant 0 : index
      %parallel_loop3A_171 = tpu.vector_load %arg13[%parallel_loop3A_169, %parallel_loop3A_170] {strides = array<i32>} : memref<80x128xf32, #tpu.memory_space<vmem>>, vector<16xf32>,
      tpu.vector_store %arg13[%parallel_loop3A_169, %parallel_loop3A_170], %parallel_loop3A_168 {strides = array<i32>} : memref<80x128xf32, #tpu.memory_space<vmem>>, vector<16xf32>,
      %parallel_loop3A_172 = arith.index_cast %parallel_loop3A_151 : i32 to index
      %parallel_loop3A_173 = arith.constant 16 : index
      %parallel_loop3A_174 = tpu.vector_load %arg10[%parallel_loop3A_172, %parallel_loop3A_173] {strides = array<i32>} : memref<80x128xf32, #tpu.memory_space<vmem>>, vector<16xf32>,
      %parallel_loop3A_175 = arith.index_cast %parallel_loop3A_151 : i32 to index
      %parallel_loop3A_176 = arith.constant 16 : index
      %parallel_loop3A_177 = tpu.vector_load %arg11[%parallel_loop3A_175, %parallel_loop3A_176] {strides = array<i32>} : memref<80x128xf32, #tpu.memory_space<vmem>>, vector<16xf32>,
      %parallel_loop3A_178 = arith.addf %parallel_loop3A_174, %parallel_loop3A_177 : vector<16xf32>
      %parallel_loop3A_179 = arith.constant 1.000000e+00 : f32
      %parallel_loop3A_180 = vector.broadcast %parallel_loop3A_179 : f32 to vector<16xf32>
      %parallel_loop3A_181 = arith.addf %parallel_loop3A_180, %parallel_loop3A_178 : vector<16xf32>
      %parallel_loop3A_182 = arith.index_cast %parallel_loop3A_151 : i32 to index
      %parallel_loop3A_183 = arith.constant 16 : index
      %parallel_loop3A_184 = tpu.vector_load %arg10[%parallel_loop3A_182, %parallel_loop3A_183] {strides = array<i32>} : memref<80x128xf32, #tpu.memory_space<vmem>>, vector<16xf32>,
      tpu.vector_store %arg10[%parallel_loop3A_182, %parallel_loop3A_183], %parallel_loop3A_181 {strides = array<i32>} : memref<80x128xf32, #tpu.memory_space<vmem>>, vector<16xf32>,
      %parallel_loop3A_185 = arith.index_cast %parallel_loop3A_151 : i32 to index
      %parallel_loop3A_186 = arith.constant 16 : index
      %parallel_loop3A_187 = tpu.vector_load %arg12[%parallel_loop3A_185, %parallel_loop3A_186] {strides = array<i32>} : memref<80x128xf32, #tpu.memory_space<vmem>>, vector<16xf32>,
      %parallel_loop3A_188 = arith.mulf %parallel_loop3A_181, %parallel_loop3A_187 : vector<16xf32>
      %parallel_loop3A_189 = arith.index_cast %parallel_loop3A_151 : i32 to index
      %parallel_loop3A_190 = arith.constant 16 : index
      %parallel_loop3A_191 = tpu.vector_load %arg13[%parallel_loop3A_189, %parallel_loop3A_190] {strides = array<i32>} : memref<80x128xf32, #tpu.memory_space<vmem>>, vector<16xf32>,
      tpu.vector_store %arg13[%parallel_loop3A_189, %parallel_loop3A_190], %parallel_loop3A_188 {strides = array<i32>} : memref<80x128xf32, #tpu.memory_space<vmem>>, vector<16xf32>,
      %parallel_loop3A_192 = arith.index_cast %parallel_loop3A_151 : i32 to index
      %parallel_loop3A_193 = arith.constant 32 : index
      %parallel_loop3A_194 = tpu.vector_load %arg10[%parallel_loop3A_192, %parallel_loop3A_193] {strides = array<i32>} : memref<80x128xf32, #tpu.memory_space<vmem>>, vector<16xf32>,
      %parallel_loop3A_195 = arith.index_cast %parallel_loop3A_151 : i32 to index
      %parallel_loop3A_196 = arith.constant 32 : index
      %parallel_loop3A_197 = tpu.vector_load %arg11[%parallel_loop3A_195, %parallel_loop3A_196] {strides = array<i32>} : memref<80x128xf32, #tpu.memory_space<vmem>>, vector<16xf32>,
      %parallel_loop3A_198 = arith.addf %parallel_loop3A_194, %parallel_loop3A_197 : vector<16xf32>
      %parallel_loop3A_199 = arith.constant 1.000000e+00 : f32
      %parallel_loop3A_200 = vector.broadcast %parallel_loop3A_199 : f32 to vector<16xf32>
      %parallel_loop3A_201 = arith.addf %parallel_loop3A_200, %parallel_loop3A_198 : vector<16xf32>
      %parallel_loop3A_202 = arith.index_cast %parallel_loop3A_151 : i32 to index
      %parallel_loop3A_203 = arith.constant 32 : index
      %parallel_loop3A_204 = tpu.vector_load %arg10[%parallel_loop3A_202, %parallel_loop3A_203] {strides = array<i32>} : memref<80x128xf32, #tpu.memory_space<vmem>>, vector<16xf32>,
      tpu.vector_store %arg10[%parallel_loop3A_202, %parallel_loop3A_203], %parallel_loop3A_201 {strides = array<i32>} : memref<80x128xf32, #tpu.memory_space<vmem>>, vector<16xf32>,
      %parallel_loop3A_205 = arith.index_cast %parallel_loop3A_151 : i32 to index
      %parallel_loop3A_206 = arith.constant 32 : index
      %parallel_loop3A_207 = tpu.vector_load %arg12[%parallel_loop3A_205, %parallel_loop3A_206] {strides = array<i32>} : memref<80x128xf32, #tpu.memory_space<vmem>>, vector<16xf32>,
      %parallel_loop3A_208 = arith.mulf %parallel_loop3A_201, %parallel_loop3A_207 : vector<16xf32>
      %parallel_loop3A_209 = arith.index_cast %parallel_loop3A_151 : i32 to index
      %parallel_loop3A_210 = arith.constant 32 : index
      %parallel_loop3A_211 = tpu.vector_load %arg13[%parallel_loop3A_209, %parallel_loop3A_210] {strides = array<i32>} : memref<80x128xf32, #tpu.memory_space<vmem>>, vector<16xf32>,
      tpu.vector_store %arg13[%parallel_loop3A_209, %parallel_loop3A_210], %parallel_loop3A_208 {strides = array<i32>} : memref<80x128xf32, #tpu.memory_space<vmem>>, vector<16xf32>,
      %parallel_loop3A_212 = arith.index_cast %parallel_loop3A_151 : i32 to index
      %parallel_loop3A_213 = arith.constant 48 : index
      %parallel_loop3A_214 = tpu.vector_load %arg10[%parallel_loop3A_212, %parallel_loop3A_213] {strides = array<i32>} : memref<80x128xf32, #tpu.memory_space<vmem>>, vector<16xf32>,
      %parallel_loop3A_215 = arith.index_cast %parallel_loop3A_151 : i32 to index
      %parallel_loop3A_216 = arith.constant 48 : index
      %parallel_loop3A_217 = tpu.vector_load %arg11[%parallel_loop3A_215, %parallel_loop3A_216] {strides = array<i32>} : memref<80x128xf32, #tpu.memory_space<vmem>>, vector<16xf32>,
      %parallel_loop3A_218 = arith.addf %parallel_loop3A_214, %parallel_loop3A_217 : vector<16xf32>
      %parallel_loop3A_219 = arith.constant 1.000000e+00 : f32
      %parallel_loop3A_220 = vector.broadcast %parallel_loop3A_219 : f32 to vector<16xf32>
      %parallel_loop3A_221 = arith.addf %parallel_loop3A_220, %parallel_loop3A_218 : vector<16xf32>
      %parallel_loop3A_222 = arith.index_cast %parallel_loop3A_151 : i32 to index
      %parallel_loop3A_223 = arith.constant 48 : index
      %parallel_loop3A_224 = tpu.vector_load %arg10[%parallel_loop3A_222, %parallel_loop3A_223] {strides = array<i32>} : memref<80x128xf32, #tpu.memory_space<vmem>>, vector<16xf32>,
      tpu.vector_store %arg10[%parallel_loop3A_222, %parallel_loop3A_223], %parallel_loop3A_221 {strides = array<i32>} : memref<80x128xf32, #tpu.memory_space<vmem>>, vector<16xf32>,
      %parallel_loop3A_225 = arith.index_cast %parallel_loop3A_151 : i32 to index
      %parallel_loop3A_226 = arith.constant 48 : index
      %parallel_loop3A_227 = tpu.vector_load %arg12[%parallel_loop3A_225, %parallel_loop3A_226] {strides = array<i32>} : memref<80x128xf32, #tpu.memory_space<vmem>>, vector<16xf32>,
      %parallel_loop3A_228 = arith.mulf %parallel_loop3A_221, %parallel_loop3A_227 : vector<16xf32>
      %parallel_loop3A_229 = arith.index_cast %parallel_loop3A_151 : i32 to index
      %parallel_loop3A_230 = arith.constant 48 : index
      %parallel_loop3A_231 = tpu.vector_load %arg13[%parallel_loop3A_229, %parallel_loop3A_230] {strides = array<i32>} : memref<80x128xf32, #tpu.memory_space<vmem>>, vector<16xf32>,
      tpu.vector_store %arg13[%parallel_loop3A_229, %parallel_loop3A_230], %parallel_loop3A_228 {strides = array<i32>} : memref<80x128xf32, #tpu.memory_space<vmem>>, vector<16xf32>,
      %parallel_loop3A_232 = arith.index_cast %parallel_loop3A_151 : i32 to index
      %parallel_loop3A_233 = arith.constant 64 : index
      %parallel_loop3A_234 = tpu.vector_load %arg10[%parallel_loop3A_232, %parallel_loop3A_233] {strides = array<i32>} : memref<80x128xf32, #tpu.memory_space<vmem>>, vector<16xf32>,
      %parallel_loop3A_235 = arith.index_cast %parallel_loop3A_151 : i32 to index
      %parallel_loop3A_236 = arith.constant 64 : index
      %parallel_loop3A_237 = tpu.vector_load %arg11[%parallel_loop3A_235, %parallel_loop3A_236] {strides = array<i32>} : memref<80x128xf32, #tpu.memory_space<vmem>>, vector<16xf32>,
      %parallel_loop3A_238 = arith.addf %parallel_loop3A_234, %parallel_loop3A_237 : vector<16xf32>
      %parallel_loop3A_239 = arith.constant 1.000000e+00 : f32
      %parallel_loop3A_240 = vector.broadcast %parallel_loop3A_239 : f32 to vector<16xf32>
      %parallel_loop3A_241 = arith.addf %parallel_loop3A_240, %parallel_loop3A_238 : vector<16xf32>
      %parallel_loop3A_242 = arith.index_cast %parallel_loop3A_151 : i32 to index
      %parallel_loop3A_243 = arith.constant 64 : index
      %parallel_loop3A_244 = tpu.vector_load %arg10[%parallel_loop3A_242, %parallel_loop3A_243] {strides = array<i32>} : memref<80x128xf32, #tpu.memory_space<vmem>>, vector<16xf32>,
      tpu.vector_store %arg10[%parallel_loop3A_242, %parallel_loop3A_243], %parallel_loop3A_241 {strides = array<i32>} : memref<80x128xf32, #tpu.memory_space<vmem>>, vector<16xf32>,
      %parallel_loop3A_245 = arith.index_cast %parallel_loop3A_151 : i32 to index
      %parallel_loop3A_246 = arith.constant 64 : index
      %parallel_loop3A_247 = tpu.vector_load %arg12[%parallel_loop3A_245, %parallel_loop3A_246] {strides = array<i32>} : memref<80x128xf32, #tpu.memory_space<vmem>>, vector<16xf32>,
      %parallel_loop3A_248 = arith.mulf %parallel_loop3A_241, %parallel_loop3A_247 : vector<16xf32>
      %parallel_loop3A_249 = arith.index_cast %parallel_loop3A_151 : i32 to index
      %parallel_loop3A_250 = arith.constant 64 : index
      %parallel_loop3A_251 = tpu.vector_load %arg13[%parallel_loop3A_249, %parallel_loop3A_250] {strides = array<i32>} : memref<80x128xf32, #tpu.memory_space<vmem>>, vector<16xf32>,
      tpu.vector_store %arg13[%parallel_loop3A_249, %parallel_loop3A_250], %parallel_loop3A_248 {strides = array<i32>} : memref<80x128xf32, #tpu.memory_space<vmem>>, vector<16xf32>,
      %parallel_loop3A_252 = arith.index_cast %parallel_loop3A_151 : i32 to index
      %parallel_loop3A_253 = arith.constant 80 : index
      %parallel_loop3A_254 = tpu.vector_load %arg10[%parallel_loop3A_252, %parallel_loop3A_253] {strides = array<i32>} : memref<80x128xf32, #tpu.memory_space<vmem>>, vector<16xf32>,
      %parallel_loop3A_255 = arith.index_cast %parallel_loop3A_151 : i32 to index
      %parallel_loop3A_256 = arith.constant 80 : index
      %parallel_loop3A_257 = tpu.vector_load %arg11[%parallel_loop3A_255, %parallel_loop3A_256] {strides = array<i32>} : memref<80x128xf32, #tpu.memory_space<vmem>>, vector<16xf32>,
      %parallel_loop3A_258 = arith.addf %parallel_loop3A_254, %parallel_loop3A_257 : vector<16xf32>
      %parallel_loop3A_259 = arith.constant 1.000000e+00 : f32
      %parallel_loop3A_260 = vector.broadcast %parallel_loop3A_259 : f32 to vector<16xf32>
      %parallel_loop3A_261 = arith.addf %parallel_loop3A_260, %parallel_loop3A_258 : vector<16xf32>
      %parallel_loop3A_262 = arith.index_cast %parallel_loop3A_151 : i32 to index
      %parallel_loop3A_263 = arith.constant 80 : index
      %parallel_loop3A_264 = tpu.vector_load %arg10[%parallel_loop3A_262, %parallel_loop3A_263] {strides = array<i32>} : memref<80x128xf32, #tpu.memory_space<vmem>>, vector<16xf32>,
      tpu.vector_store %arg10[%parallel_loop3A_262, %parallel_loop3A_263], %parallel_loop3A_261 {strides = array<i32>} : memref<80x128xf32, #tpu.memory_space<vmem>>, vector<16xf32>,
      %parallel_loop3A_265 = arith.index_cast %parallel_loop3A_151 : i32 to index
      %parallel_loop3A_266 = arith.constant 80 : index
      %parallel_loop3A_267 = tpu.vector_load %arg12[%parallel_loop3A_265, %parallel_loop3A_266] {strides = array<i32>} : memref<80x128xf32, #tpu.memory_space<vmem>>, vector<16xf32>,
      %parallel_loop3A_268 = arith.mulf %parallel_loop3A_261, %parallel_loop3A_267 : vector<16xf32>
      %parallel_loop3A_269 = arith.index_cast %parallel_loop3A_151 : i32 to index
      %parallel_loop3A_270 = arith.constant 80 : index
      %parallel_loop3A_271 = tpu.vector_load %arg13[%parallel_loop3A_269, %parallel_loop3A_270] {strides = array<i32>} : memref<80x128xf32, #tpu.memory_space<vmem>>, vector<16xf32>,
      tpu.vector_store %arg13[%parallel_loop3A_269, %parallel_loop3A_270], %parallel_loop3A_268 {strides = array<i32>} : memref<80x128xf32, #tpu.memory_space<vmem>>, vector<16xf32>,
      %parallel_loop3A_272 = arith.index_cast %parallel_loop3A_151 : i32 to index
      %parallel_loop3A_273 = arith.constant 96 : index
      %parallel_loop3A_274 = tpu.vector_load %arg10[%parallel_loop3A_272, %parallel_loop3A_273] {strides = array<i32>} : memref<80x128xf32, #tpu.memory_space<vmem>>, vector<16xf32>,
      %parallel_loop3A_275 = arith.index_cast %parallel_loop3A_151 : i32 to index
      %parallel_loop3A_276 = arith.constant 96 : index
      %parallel_loop3A_277 = tpu.vector_load %arg11[%parallel_loop3A_275, %parallel_loop3A_276] {strides = array<i32>} : memref<80x128xf32, #tpu.memory_space<vmem>>, vector<16xf32>,
      %parallel_loop3A_278 = arith.addf %parallel_loop3A_274, %parallel_loop3A_277 : vector<16xf32>
      %parallel_loop3A_279 = arith.constant 1.000000e+00 : f32
      %parallel_loop3A_280 = vector.broadcast %parallel_loop3A_279 : f32 to vector<16xf32>
      %parallel_loop3A_281 = arith.addf %parallel_loop3A_280, %parallel_loop3A_278 : vector<16xf32>
      %parallel_loop3A_282 = arith.index_cast %parallel_loop3A_151 : i32 to index
      %parallel_loop3A_283 = arith.constant 96 : index
      %parallel_loop3A_284 = tpu.vector_load %arg10[%parallel_loop3A_282, %parallel_loop3A_283] {strides = array<i32>} : memref<80x128xf32, #tpu.memory_space<vmem>>, vector<16xf32>,
      tpu.vector_store %arg10[%parallel_loop3A_282, %parallel_loop3A_283], %parallel_loop3A_281 {strides = array<i32>} : memref<80x128xf32, #tpu.memory_space<vmem>>, vector<16xf32>,
      %parallel_loop3A_285 = arith.index_cast %parallel_loop3A_151 : i32 to index
      %parallel_loop3A_286 = arith.constant 96 : index
      %parallel_loop3A_287 = tpu.vector_load %arg12[%parallel_loop3A_285, %parallel_loop3A_286] {strides = array<i32>} : memref<80x128xf32, #tpu.memory_space<vmem>>, vector<16xf32>,
      %parallel_loop3A_288 = arith.mulf %parallel_loop3A_281, %parallel_loop3A_287 : vector<16xf32>
      %parallel_loop3A_289 = arith.index_cast %parallel_loop3A_151 : i32 to index
      %parallel_loop3A_290 = arith.constant 96 : index
      %parallel_loop3A_291 = tpu.vector_load %arg13[%parallel_loop3A_289, %parallel_loop3A_290] {strides = array<i32>} : memref<80x128xf32, #tpu.memory_space<vmem>>, vector<16xf32>,
      tpu.vector_store %arg13[%parallel_loop3A_289, %parallel_loop3A_290], %parallel_loop3A_288 {strides = array<i32>} : memref<80x128xf32, #tpu.memory_space<vmem>>, vector<16xf32>,
      %parallel_loop3A_292 = arith.index_cast %parallel_loop3A_151 : i32 to index
      %parallel_loop3A_293 = arith.constant 112 : index
      %parallel_loop3A_294 = tpu.vector_load %arg10[%parallel_loop3A_292, %parallel_loop3A_293] {strides = array<i32>} : memref<80x128xf32, #tpu.memory_space<vmem>>, vector<16xf32>,
      %parallel_loop3A_295 = arith.index_cast %parallel_loop3A_151 : i32 to index
      %parallel_loop3A_296 = arith.constant 112 : index
      %parallel_loop3A_297 = tpu.vector_load %arg11[%parallel_loop3A_295, %parallel_loop3A_296] {strides = array<i32>} : memref<80x128xf32, #tpu.memory_space<vmem>>, vector<16xf32>,
      %parallel_loop3A_298 = arith.addf %parallel_loop3A_294, %parallel_loop3A_297 : vector<16xf32>
      %parallel_loop3A_299 = arith.constant 1.000000e+00 : f32
      %parallel_loop3A_300 = vector.broadcast %parallel_loop3A_299 : f32 to vector<16xf32>
      %parallel_loop3A_301 = arith.addf %parallel_loop3A_300, %parallel_loop3A_298 : vector<16xf32>
      %parallel_loop3A_302 = arith.index_cast %parallel_loop3A_151 : i32 to index
      %parallel_loop3A_303 = arith.constant 112 : index
      %parallel_loop3A_304 = tpu.vector_load %arg10[%parallel_loop3A_302, %parallel_loop3A_303] {strides = array<i32>} : memref<80x128xf32, #tpu.memory_space<vmem>>, vector<16xf32>,
      tpu.vector_store %arg10[%parallel_loop3A_302, %parallel_loop3A_303], %parallel_loop3A_301 {strides = array<i32>} : memref<80x128xf32, #tpu.memory_space<vmem>>, vector<16xf32>,
      %parallel_loop3A_305 = arith.index_cast %parallel_loop3A_151 : i32 to index
      %parallel_loop3A_306 = arith.constant 112 : index
      %parallel_loop3A_307 = tpu.vector_load %arg12[%parallel_loop3A_305, %parallel_loop3A_306] {strides = array<i32>} : memref<80x128xf32, #tpu.memory_space<vmem>>, vector<16xf32>,
      %parallel_loop3A_308 = arith.mulf %parallel_loop3A_301, %parallel_loop3A_307 : vector<16xf32>
      %parallel_loop3A_309 = arith.index_cast %parallel_loop3A_151 : i32 to index
      %parallel_loop3A_310 = arith.constant 112 : index
      %parallel_loop3A_311 = tpu.vector_load %arg13[%parallel_loop3A_309, %parallel_loop3A_310] {strides = array<i32>} : memref<80x128xf32, #tpu.memory_space<vmem>>, vector<16xf32>,
      tpu.vector_store %arg13[%parallel_loop3A_309, %parallel_loop3A_310], %parallel_loop3A_308 {strides = array<i32>} : memref<80x128xf32, #tpu.memory_space<vmem>>, vector<16xf32>,
    } {sc.loop_unroll_factor = 2 : i64, sc.parallel_access}
    %get3A = arith.constant 78 : i32
    %get3A_38 = arith.index_cast %get3A : i32 to index
    %get3A_39 = arith.constant 0 : index
    %get3A_40 = tpu.vector_load %arg10[%get3A_38, %get3A_39] {strides = array<i32>} : memref<80x128xf32, #tpu.memory_space<vmem>>, vector<16xf32>,
    %get3A_41 = arith.constant 78 : i32
    %get3A_42 = arith.index_cast %get3A_41 : i32 to index
    %get3A_43 = arith.constant 0 : index
    %get3A_44 = tpu.vector_load %arg11[%get3A_42, %get3A_43] {strides = array<i32>} : memref<80x128xf32, #tpu.memory_space<vmem>>, vector<16xf32>,
    %add3A_45 = arith.addf %get3A_40, %get3A_44 : vector<16xf32>
    %add3A_46 = arith.constant 1.000000e+00 : f32
    %add3A_47 = vector.broadcast %add3A_46 : f32 to vector<16xf32>
    %add3A_48 = arith.addf %add3A_47, %add3A_45 : vector<16xf32>
    %swap3A_49 = arith.constant 78 : i32
    %swap3A_50 = arith.index_cast %swap3A_49 : i32 to index
    %swap3A_51 = arith.constant 0 : index
    %swap3A_52 = tpu.vector_load %arg10[%swap3A_50, %swap3A_51] {strides = array<i32>} : memref<80x128xf32, #tpu.memory_space<vmem>>, vector<16xf32>,
    tpu.vector_store %arg10[%swap3A_50, %swap3A_51], %add3A_48 {strides = array<i32>} : memref<80x128xf32, #tpu.memory_space<vmem>>, vector<16xf32>,
    %get3A_53 = arith.constant 78 : i32
    %get3A_54 = arith.index_cast %get3A_53 : i32 to index
    %get3A_55 = arith.constant 0 : index
    %get3A_56 = tpu.vector_load %arg12[%get3A_54, %get3A_55] {strides = array<i32>} : memref<80x128xf32, #tpu.memory_space<vmem>>, vector<16xf32>,
    %mul3A_57 = arith.mulf %add3A_48, %get3A_56 : vector<16xf32>
    %swap3A_58 = arith.constant 78 : i32
    %swap3A_59 = arith.index_cast %swap3A_58 : i32 to index
    %swap3A_60 = arith.constant 0 : index
    %swap3A_61 = tpu.vector_load %arg13[%swap3A_59, %swap3A_60] {strides = array<i32>} : memref<80x128xf32, #tpu.memory_space<vmem>>, vector<16xf32>,
    tpu.vector_store %arg13[%swap3A_59, %swap3A_60], %mul3A_57 {strides = array<i32>} : memref<80x128xf32, #tpu.memory_space<vmem>>, vector<16xf32>,
    %broadcast_in_dim3A = arith.constant 0.000000e+00 : f32
    %broadcast_in_dim3A_62 = vector.broadcast %broadcast_in_dim3A : f32 to vector<16xf32>
    %swap3A_63 = arith.constant 78 : i32
    %swap3A_64 = arith.index_cast %swap3A_63 : i32 to index
    %swap3A_65 = arith.constant 16 : index
    %swap3A_66 = tpu.vector_load %arg10[%swap3A_64, %swap3A_65] {strides = array<i32>} : memref<80x128xf32, #tpu.memory_space<vmem>>, vector<16xf32>,
    tpu.vector_store %arg10[%swap3A_64, %swap3A_65], %broadcast_in_dim3A_62 {strides = array<i32>} : memref<80x128xf32, #tpu.memory_space<vmem>>, vector<16xf32>,
    %swap3A_67 = arith.constant 78 : i32
    %swap3A_68 = arith.index_cast %swap3A_67 : i32 to index
    %swap3A_69 = arith.constant 16 : index
    %swap3A_70 = tpu.vector_load %arg13[%swap3A_68, %swap3A_69] {strides = array<i32>} : memref<80x128xf32, #tpu.memory_space<vmem>>, vector<16xf32>,
    tpu.vector_store %arg13[%swap3A_68, %swap3A_69], %broadcast_in_dim3A_62 {strides = array<i32>} : memref<80x128xf32, #tpu.memory_space<vmem>>, vector<16xf32>,
    %swap3A_71 = arith.constant 78 : i32
    %swap3A_72 = arith.index_cast %swap3A_71 : i32 to index
    %swap3A_73 = arith.constant 32 : index
    %swap3A_74 = tpu.vector_load %arg10[%swap3A_72, %swap3A_73] {strides = array<i32>} : memref<80x128xf32, #tpu.memory_space<vmem>>, vector<16xf32>,
    tpu.vector_store %arg10[%swap3A_72, %swap3A_73], %broadcast_in_dim3A_62 {strides = array<i32>} : memref<80x128xf32, #tpu.memory_space<vmem>>, vector<16xf32>,
    %swap3A_75 = arith.constant 78 : i32
    %swap3A_76 = arith.index_cast %swap3A_75 : i32 to index
    %swap3A_77 = arith.constant 32 : index
    %swap3A_78 = tpu.vector_load %arg13[%swap3A_76, %swap3A_77] {strides = array<i32>} : memref<80x128xf32, #tpu.memory_space<vmem>>, vector<16xf32>,
    tpu.vector_store %arg13[%swap3A_76, %swap3A_77], %broadcast_in_dim3A_62 {strides = array<i32>} : memref<80x128xf32, #tpu.memory_space<vmem>>, vector<16xf32>,
    %swap3A_79 = arith.constant 78 : i32
    %swap3A_80 = arith.index_cast %swap3A_79 : i32 to index
    %swap3A_81 = arith.constant 48 : index
    %swap3A_82 = tpu.vector_load %arg10[%swap3A_80, %swap3A_81] {strides = array<i32>} : memref<80x128xf32, #tpu.memory_space<vmem>>, vector<16xf32>,
    tpu.vector_store %arg10[%swap3A_80, %swap3A_81], %broadcast_in_dim3A_62 {strides = array<i32>} : memref<80x128xf32, #tpu.memory_space<vmem>>, vector<16xf32>,
    %swap3A_83 = arith.constant 78 : i32
    %swap3A_84 = arith.index_cast %swap3A_83 : i32 to index
    %swap3A_85 = arith.constant 48 : index
    %swap3A_86 = tpu.vector_load %arg13[%swap3A_84, %swap3A_85] {strides = array<i32>} : memref<80x128xf32, #tpu.memory_space<vmem>>, vector<16xf32>,
    tpu.vector_store %arg13[%swap3A_84, %swap3A_85], %broadcast_in_dim3A_62 {strides = array<i32>} : memref<80x128xf32, #tpu.memory_space<vmem>>, vector<16xf32>,
    %swap3A_87 = arith.constant 78 : i32
    %swap3A_88 = arith.index_cast %swap3A_87 : i32 to index
    %swap3A_89 = arith.constant 64 : index
    %swap3A_90 = tpu.vector_load %arg10[%swap3A_88, %swap3A_89] {strides = array<i32>} : memref<80x128xf32, #tpu.memory_space<vmem>>, vector<16xf32>,
    tpu.vector_store %arg10[%swap3A_88, %swap3A_89], %broadcast_in_dim3A_62 {strides = array<i32>} : memref<80x128xf32, #tpu.memory_space<vmem>>, vector<16xf32>,
    %swap3A_91 = arith.constant 78 : i32
    %swap3A_92 = arith.index_cast %swap3A_91 : i32 to index
    %swap3A_93 = arith.constant 64 : index
    %swap3A_94 = tpu.vector_load %arg13[%swap3A_92, %swap3A_93] {strides = array<i32>} : memref<80x128xf32, #tpu.memory_space<vmem>>, vector<16xf32>,
    tpu.vector_store %arg13[%swap3A_92, %swap3A_93], %broadcast_in_dim3A_62 {strides = array<i32>} : memref<80x128xf32, #tpu.memory_space<vmem>>, vector<16xf32>,
    %swap3A_95 = arith.constant 78 : i32
    %swap3A_96 = arith.index_cast %swap3A_95 : i32 to index
    %swap3A_97 = arith.constant 80 : index
    %swap3A_98 = tpu.vector_load %arg10[%swap3A_96, %swap3A_97] {strides = array<i32>} : memref<80x128xf32, #tpu.memory_space<vmem>>, vector<16xf32>,
    tpu.vector_store %arg10[%swap3A_96, %swap3A_97], %broadcast_in_dim3A_62 {strides = array<i32>} : memref<80x128xf32, #tpu.memory_space<vmem>>, vector<16xf32>,
    %swap3A_99 = arith.constant 78 : i32
    %swap3A_100 = arith.index_cast %swap3A_99 : i32 to index
    %swap3A_101 = arith.constant 80 : index
    %swap3A_102 = tpu.vector_load %arg13[%swap3A_100, %swap3A_101] {strides = array<i32>} : memref<80x128xf32, #tpu.memory_space<vmem>>, vector<16xf32>,
    tpu.vector_store %arg13[%swap3A_100, %swap3A_101], %broadcast_in_dim3A_62 {strides = array<i32>} : memref<80x128xf32, #tpu.memory_space<vmem>>, vector<16xf32>,
    %swap3A_103 = arith.constant 78 : i32
    %swap3A_104 = arith.index_cast %swap3A_103 : i32 to index
    %swap3A_105 = arith.constant 96 : index
    %swap3A_106 = tpu.vector_load %arg10[%swap3A_104, %swap3A_105] {strides = array<i32>} : memref<80x128xf32, #tpu.memory_space<vmem>>, vector<16xf32>,
    tpu.vector_store %arg10[%swap3A_104, %swap3A_105], %broadcast_in_dim3A_62 {strides = array<i32>} : memref<80x128xf32, #tpu.memory_space<vmem>>, vector<16xf32>,
    %swap3A_107 = arith.constant 78 : i32
    %swap3A_108 = arith.index_cast %swap3A_107 : i32 to index
    %swap3A_109 = arith.constant 96 : index
    %swap3A_110 = tpu.vector_load %arg13[%swap3A_108, %swap3A_109] {strides = array<i32>} : memref<80x128xf32, #tpu.memory_space<vmem>>, vector<16xf32>,
    tpu.vector_store %arg13[%swap3A_108, %swap3A_109], %broadcast_in_dim3A_62 {strides = array<i32>} : memref<80x128xf32, #tpu.memory_space<vmem>>, vector<16xf32>,
    %swap3A_111 = arith.constant 78 : i32
    %swap3A_112 = arith.index_cast %swap3A_111 : i32 to index
    %swap3A_113 = arith.constant 112 : index
    %swap3A_114 = tpu.vector_load %arg10[%swap3A_112, %swap3A_113] {strides = array<i32>} : memref<80x128xf32, #tpu.memory_space<vmem>>, vector<16xf32>,
    tpu.vector_store %arg10[%swap3A_112, %swap3A_113], %broadcast_in_dim3A_62 {strides = array<i32>} : memref<80x128xf32, #tpu.memory_space<vmem>>, vector<16xf32>,
    %swap3A_115 = arith.constant 78 : i32
    %swap3A_116 = arith.index_cast %swap3A_115 : i32 to index
    %swap3A_117 = arith.constant 112 : index
    %swap3A_118 = tpu.vector_load %arg13[%swap3A_116, %swap3A_117] {strides = array<i32>} : memref<80x128xf32, #tpu.memory_space<vmem>>, vector<16xf32>,
    tpu.vector_store %arg13[%swap3A_116, %swap3A_117], %broadcast_in_dim3A_62 {strides = array<i32>} : memref<80x128xf32, #tpu.memory_space<vmem>>, vector<16xf32>,
    %broadcast_in_dim3A_119 = arith.constant 0.000000e+00 : f32
    %broadcast_in_dim3A_120 = vector.broadcast %broadcast_in_dim3A_119 : f32 to vector<16xf32>
    %parallel_loop3A_121 = arith.constant 79 : i32
    %parallel_loop3A_122 = arith.constant 80 : i32
    %parallel_loop3A_123 = arith.constant 1 : i32
    scf.for %parallel_loop3A_151 = %parallel_loop3A_121 to %parallel_loop3A_122 step %parallel_loop3A_123  : i32 {
      %parallel_loop3A_152 = arith.index_cast %parallel_loop3A_151 : i32 to index
      %parallel_loop3A_153 = arith.constant 0 : index
      %parallel_loop3A_154 = tpu.vector_load %arg10[%parallel_loop3A_152, %parallel_loop3A_153] {strides = array<i32>} : memref<80x128xf32, #tpu.memory_space<vmem>>, vector<16xf32>,
      tpu.vector_store %arg10[%parallel_loop3A_152, %parallel_loop3A_153], %broadcast_in_dim3A_120 {strides = array<i32>} : memref<80x128xf32, #tpu.memory_space<vmem>>, vector<16xf32>,
      %parallel_loop3A_155 = arith.index_cast %parallel_loop3A_151 : i32 to index
      %parallel_loop3A_156 = arith.constant 16 : index
      %parallel_loop3A_157 = tpu.vector_load %arg10[%parallel_loop3A_155, %parallel_loop3A_156] {strides = array<i32>} : memref<80x128xf32, #tpu.memory_space<vmem>>, vector<16xf32>,
      tpu.vector_store %arg10[%parallel_loop3A_155, %parallel_loop3A_156], %broadcast_in_dim3A_120 {strides = array<i32>} : memref<80x128xf32, #tpu.memory_space<vmem>>, vector<16xf32>,
      %parallel_loop3A_158 = arith.index_cast %parallel_loop3A_151 : i32 to index
      %parallel_loop3A_159 = arith.constant 32 : index
      %parallel_loop3A_160 = tpu.vector_load %arg10[%parallel_loop3A_158, %parallel_loop3A_159] {strides = array<i32>} : memref<80x128xf32, #tpu.memory_space<vmem>>, vector<16xf32>,
      tpu.vector_store %arg10[%parallel_loop3A_158, %parallel_loop3A_159], %broadcast_in_dim3A_120 {strides = array<i32>} : memref<80x128xf32, #tpu.memory_space<vmem>>, vector<16xf32>,
      %parallel_loop3A_161 = arith.index_cast %parallel_loop3A_151 : i32 to index
      %parallel_loop3A_162 = arith.constant 48 : index
      %parallel_loop3A_163 = tpu.vector_load %arg10[%parallel_loop3A_161, %parallel_loop3A_162] {strides = array<i32>} : memref<80x128xf32, #tpu.memory_space<vmem>>, vector<16xf32>,
      tpu.vector_store %arg10[%parallel_loop3A_161, %parallel_loop3A_162], %broadcast_in_dim3A_120 {strides = array<i32>} : memref<80x128xf32, #tpu.memory_space<vmem>>, vector<16xf32>,
      %parallel_loop3A_164 = arith.index_cast %parallel_loop3A_151 : i32 to index
      %parallel_loop3A_165 = arith.constant 64 : index
      %parallel_loop3A_166 = tpu.vector_load %arg10[%parallel_loop3A_164, %parallel_loop3A_165] {strides = array<i32>} : memref<80x128xf32, #tpu.memory_space<vmem>>, vector<16xf32>,
      tpu.vector_store %arg10[%parallel_loop3A_164, %parallel_loop3A_165], %broadcast_in_dim3A_120 {strides = array<i32>} : memref<80x128xf32, #tpu.memory_space<vmem>>, vector<16xf32>,
      %parallel_loop3A_167 = arith.index_cast %parallel_loop3A_151 : i32 to index
      %parallel_loop3A_168 = arith.constant 80 : index
      %parallel_loop3A_169 = tpu.vector_load %arg10[%parallel_loop3A_167, %parallel_loop3A_168] {strides = array<i32>} : memref<80x128xf32, #tpu.memory_space<vmem>>, vector<16xf32>,
      tpu.vector_store %arg10[%parallel_loop3A_167, %parallel_loop3A_168], %broadcast_in_dim3A_120 {strides = array<i32>} : memref<80x128xf32, #tpu.memory_space<vmem>>, vector<16xf32>,
      %parallel_loop3A_170 = arith.index_cast %parallel_loop3A_151 : i32 to index
      %parallel_loop3A_171 = arith.constant 96 : index
      %parallel_loop3A_172 = tpu.vector_load %arg10[%parallel_loop3A_170, %parallel_loop3A_171] {strides = array<i32>} : memref<80x128xf32, #tpu.memory_space<vmem>>, vector<16xf32>,
      tpu.vector_store %arg10[%parallel_loop3A_170, %parallel_loop3A_171], %broadcast_in_dim3A_120 {strides = array<i32>} : memref<80x128xf32, #tpu.memory_space<vmem>>, vector<16xf32>,
      %parallel_loop3A_173 = arith.index_cast %parallel_loop3A_151 : i32 to index
      %parallel_loop3A_174 = arith.constant 112 : index
      %parallel_loop3A_175 = tpu.vector_load %arg10[%parallel_loop3A_173, %parallel_loop3A_174] {strides = array<i32>} : memref<80x128xf32, #tpu.memory_space<vmem>>, vector<16xf32>,
      tpu.vector_store %arg10[%parallel_loop3A_173, %parallel_loop3A_174], %broadcast_in_dim3A_120 {strides = array<i32>} : memref<80x128xf32, #tpu.memory_space<vmem>>, vector<16xf32>,
    } {sc.loop_unroll_factor = 2 : i64, sc.parallel_access}
    %broadcast_in_dim3A_124 = arith.constant 0.000000e+00 : f32
    %broadcast_in_dim3A_125 = vector.broadcast %broadcast_in_dim3A_124 : f32 to vector<16xf32>
    %parallel_loop3A_126 = arith.constant 79 : i32
    %parallel_loop3A_127 = arith.constant 80 : i32
    %parallel_loop3A_128 = arith.constant 1 : i32
    scf.for %parallel_loop3A_151 = %parallel_loop3A_126 to %parallel_loop3A_127 step %parallel_loop3A_128  : i32 {
      %parallel_loop3A_152 = arith.index_cast %parallel_loop3A_151 : i32 to index
      %parallel_loop3A_153 = arith.constant 0 : index
      %parallel_loop3A_154 = tpu.vector_load %arg13[%parallel_loop3A_152, %parallel_loop3A_153] {strides = array<i32>} : memref<80x128xf32, #tpu.memory_space<vmem>>, vector<16xf32>,
      tpu.vector_store %arg13[%parallel_loop3A_152, %parallel_loop3A_153], %broadcast_in_dim3A_125 {strides = array<i32>} : memref<80x128xf32, #tpu.memory_space<vmem>>, vector<16xf32>,
      %parallel_loop3A_155 = arith.index_cast %parallel_loop3A_151 : i32 to index
      %parallel_loop3A_156 = arith.constant 16 : index
      %parallel_loop3A_157 = tpu.vector_load %arg13[%parallel_loop3A_155, %parallel_loop3A_156] {strides = array<i32>} : memref<80x128xf32, #tpu.memory_space<vmem>>, vector<16xf32>,
      tpu.vector_store %arg13[%parallel_loop3A_155, %parallel_loop3A_156], %broadcast_in_dim3A_125 {strides = array<i32>} : memref<80x128xf32, #tpu.memory_space<vmem>>, vector<16xf32>,
      %parallel_loop3A_158 = arith.index_cast %parallel_loop3A_151 : i32 to index
      %parallel_loop3A_159 = arith.constant 32 : index
      %parallel_loop3A_160 = tpu.vector_load %arg13[%parallel_loop3A_158, %parallel_loop3A_159] {strides = array<i32>} : memref<80x128xf32, #tpu.memory_space<vmem>>, vector<16xf32>,
      tpu.vector_store %arg13[%parallel_loop3A_158, %parallel_loop3A_159], %broadcast_in_dim3A_125 {strides = array<i32>} : memref<80x128xf32, #tpu.memory_space<vmem>>, vector<16xf32>,
      %parallel_loop3A_161 = arith.index_cast %parallel_loop3A_151 : i32 to index
      %parallel_loop3A_162 = arith.constant 48 : index
      %parallel_loop3A_163 = tpu.vector_load %arg13[%parallel_loop3A_161, %parallel_loop3A_162] {strides = array<i32>} : memref<80x128xf32, #tpu.memory_space<vmem>>, vector<16xf32>,
      tpu.vector_store %arg13[%parallel_loop3A_161, %parallel_loop3A_162], %broadcast_in_dim3A_125 {strides = array<i32>} : memref<80x128xf32, #tpu.memory_space<vmem>>, vector<16xf32>,
      %parallel_loop3A_164 = arith.index_cast %parallel_loop3A_151 : i32 to index
      %parallel_loop3A_165 = arith.constant 64 : index
      %parallel_loop3A_166 = tpu.vector_load %arg13[%parallel_loop3A_164, %parallel_loop3A_165] {strides = array<i32>} : memref<80x128xf32, #tpu.memory_space<vmem>>, vector<16xf32>,
      tpu.vector_store %arg13[%parallel_loop3A_164, %parallel_loop3A_165], %broadcast_in_dim3A_125 {strides = array<i32>} : memref<80x128xf32, #tpu.memory_space<vmem>>, vector<16xf32>,
      %parallel_loop3A_167 = arith.index_cast %parallel_loop3A_151 : i32 to index
      %parallel_loop3A_168 = arith.constant 80 : index
      %parallel_loop3A_169 = tpu.vector_load %arg13[%parallel_loop3A_167, %parallel_loop3A_168] {strides = array<i32>} : memref<80x128xf32, #tpu.memory_space<vmem>>, vector<16xf32>,
      tpu.vector_store %arg13[%parallel_loop3A_167, %parallel_loop3A_168], %broadcast_in_dim3A_125 {strides = array<i32>} : memref<80x128xf32, #tpu.memory_space<vmem>>, vector<16xf32>,
      %parallel_loop3A_170 = arith.index_cast %parallel_loop3A_151 : i32 to index
      %parallel_loop3A_171 = arith.constant 96 : index
      %parallel_loop3A_172 = tpu.vector_load %arg13[%parallel_loop3A_170, %parallel_loop3A_171] {strides = array<i32>} : memref<80x128xf32, #tpu.memory_space<vmem>>, vector<16xf32>,
      tpu.vector_store %arg13[%parallel_loop3A_170, %parallel_loop3A_171], %broadcast_in_dim3A_125 {strides = array<i32>} : memref<80x128xf32, #tpu.memory_space<vmem>>, vector<16xf32>,
      %parallel_loop3A_173 = arith.index_cast %parallel_loop3A_151 : i32 to index
      %parallel_loop3A_174 = arith.constant 112 : index
      %parallel_loop3A_175 = tpu.vector_load %arg13[%parallel_loop3A_173, %parallel_loop3A_174] {strides = array<i32>} : memref<80x128xf32, #tpu.memory_space<vmem>>, vector<16xf32>,
      tpu.vector_store %arg13[%parallel_loop3A_173, %parallel_loop3A_174], %broadcast_in_dim3A_125 {strides = array<i32>} : memref<80x128xf32, #tpu.memory_space<vmem>>, vector<16xf32>,
    } {sc.loop_unroll_factor = 2 : i64, sc.parallel_access}
    %eq3A = arith.constant 0 : i32
    %eq3A_129 = arith.cmpi eq, %arg0, %eq3A : i32
    %lt3A = arith.constant 10 : i32
    %lt3A_130 = arith.cmpi slt, %arg1, %lt3A : i32
    %and3A = arith.andi %eq3A_129, %lt3A_130 : i1
    %convert_element_type3A = arith.extui %and3A : i1 to i32
    %cond3A = arith.constant 0 : i32
    %cond3A_131 = arith.cmpi ne, %convert_element_type3A, %cond3A : i32
    scf.if %cond3A_131 {
      "tpu.region"() ({
        %run_scoped3A_151 = tpu.sem_alloc : memref<!tpu.dma_semaphore, #tpu.memory_space<semaphore_mem>>
        %dma_start3A = arith.constant 0 : i32
        %dma_start3A_152 = tpu.memref_slice %arg10[%mul3A_2, %dma_start3A] : memref<80x128xf32, #tpu.memory_space<vmem>> -> memref<8x128xf32, #tpu.memory_space<vmem>>
        %dma_start3A_153 = arith.constant 0 : i32
        %dma_start3A_154 = tpu.memref_slice %arg6[%mul3A_2, %dma_start3A_153] : memref<80x128xf32, #tpu.memory_space<hbm>> -> memref<8x128xf32, #tpu.memory_space<hbm>>
        %dma_start3A_155 = arith.constant 0 : i32
        %dma_start3A_156 = tpu.memref_slice %arg6[%mul3A_2, %dma_start3A_155] : memref<80x128xf32, #tpu.memory_space<hbm>> -> memref<8x128xf32, #tpu.memory_space<hbm>>
        %dma_start3A_157 = arith.constant 0 : i32
        %dma_start3A_158 = tpu.memref_slice %arg10[%mul3A_2, %dma_start3A_157] : memref<80x128xf32, #tpu.memory_space<vmem>> -> memref<8x128xf32, #tpu.memory_space<vmem>>
        tpu.enqueue_dma source(%dma_start3A_158 : memref<8x128xf32, #tpu.memory_space<vmem>>) target(%dma_start3A_156 : memref<8x128xf32, #tpu.memory_space<hbm>>) target_semaphore(%run_scoped3A_151 : memref<!tpu.dma_semaphore, #tpu.memory_space<semaphore_mem>>)
        %dma_wait3A = arith.constant 0 : i32
        %dma_wait3A_159 = tpu.memref_slice %arg10[%mul3A_2, %dma_wait3A] : memref<80x128xf32, #tpu.memory_space<vmem>> -> memref<8x128xf32, #tpu.memory_space<vmem>>
        %dma_wait3A_160 = arith.constant 0 : i32
        %dma_wait3A_161 = tpu.memref_slice %arg6[%mul3A_2, %dma_wait3A_160] : memref<80x128xf32, #tpu.memory_space<hbm>> -> memref<8x128xf32, #tpu.memory_space<hbm>>
        %dma_wait3A_162 = arith.constant 0 : i32
        %dma_wait3A_163 = tpu.memref_slice %arg6[%mul3A_2, %dma_wait3A_162] : memref<80x128xf32, #tpu.memory_space<hbm>> -> memref<8x128xf32, #tpu.memory_space<hbm>>
        %dma_wait3A_164 = arith.constant 0 : i32
        %dma_wait3A_165 = tpu.memref_slice %arg10[%mul3A_2, %dma_wait3A_164] : memref<80x128xf32, #tpu.memory_space<vmem>> -> memref<8x128xf32, #tpu.memory_space<vmem>>
        tpu.wait_dma2 semaphore(%run_scoped3A_151 : memref<!tpu.dma_semaphore, #tpu.memory_space<semaphore_mem>>) src(%dma_wait3A_165 : memref<8x128xf32, #tpu.memory_space<vmem>>) dst(%dma_wait3A_163 : memref<8x128xf32, #tpu.memory_space<hbm>>)
        tpu.yield
      }) : () -> ()
    } else {
    }
    %broadcast_in_dim3A_132 = arith.constant 0.000000e+00 : f32
    %broadcast_in_dim3A_133 = vector.broadcast %broadcast_in_dim3A_132 : f32 to vector<16xf32>
    %parallel_loop3A_134 = arith.constant 0 : i32
    %parallel_loop3A_135 = arith.constant 80 : i32
    %parallel_loop3A_136 = arith.constant 1 : i32
    scf.for %parallel_loop3A_151 = %parallel_loop3A_134 to %parallel_loop3A_135 step %parallel_loop3A_136  : i32 {
      %parallel_loop3A_152 = arith.index_cast %parallel_loop3A_151 : i32 to index
      %parallel_loop3A_153 = arith.constant 0 : index
      %parallel_loop3A_154 = tpu.vector_load %arg14[%parallel_loop3A_152, %parallel_loop3A_153] {strides = array<i32>} : memref<80x128xf32, #tpu.memory_space<vmem>>, vector<16xf32>,
      tpu.vector_store %arg14[%parallel_loop3A_152, %parallel_loop3A_153], %broadcast_in_dim3A_133 {strides = array<i32>} : memref<80x128xf32, #tpu.memory_space<vmem>>, vector<16xf32>,
      %parallel_loop3A_155 = arith.index_cast %parallel_loop3A_151 : i32 to index
      %parallel_loop3A_156 = arith.constant 16 : index
      %parallel_loop3A_157 = tpu.vector_load %arg14[%parallel_loop3A_155, %parallel_loop3A_156] {strides = array<i32>} : memref<80x128xf32, #tpu.memory_space<vmem>>, vector<16xf32>,
      tpu.vector_store %arg14[%parallel_loop3A_155, %parallel_loop3A_156], %broadcast_in_dim3A_133 {strides = array<i32>} : memref<80x128xf32, #tpu.memory_space<vmem>>, vector<16xf32>,
      %parallel_loop3A_158 = arith.index_cast %parallel_loop3A_151 : i32 to index
      %parallel_loop3A_159 = arith.constant 32 : index
      %parallel_loop3A_160 = tpu.vector_load %arg14[%parallel_loop3A_158, %parallel_loop3A_159] {strides = array<i32>} : memref<80x128xf32, #tpu.memory_space<vmem>>, vector<16xf32>,
      tpu.vector_store %arg14[%parallel_loop3A_158, %parallel_loop3A_159], %broadcast_in_dim3A_133 {strides = array<i32>} : memref<80x128xf32, #tpu.memory_space<vmem>>, vector<16xf32>,
      %parallel_loop3A_161 = arith.index_cast %parallel_loop3A_151 : i32 to index
      %parallel_loop3A_162 = arith.constant 48 : index
      %parallel_loop3A_163 = tpu.vector_load %arg14[%parallel_loop3A_161, %parallel_loop3A_162] {strides = array<i32>} : memref<80x128xf32, #tpu.memory_space<vmem>>, vector<16xf32>,
      tpu.vector_store %arg14[%parallel_loop3A_161, %parallel_loop3A_162], %broadcast_in_dim3A_133 {strides = array<i32>} : memref<80x128xf32, #tpu.memory_space<vmem>>, vector<16xf32>,
      %parallel_loop3A_164 = arith.index_cast %parallel_loop3A_151 : i32 to index
      %parallel_loop3A_165 = arith.constant 64 : index
      %parallel_loop3A_166 = tpu.vector_load %arg14[%parallel_loop3A_164, %parallel_loop3A_165] {strides = array<i32>} : memref<80x128xf32, #tpu.memory_space<vmem>>, vector<16xf32>,
      tpu.vector_store %arg14[%parallel_loop3A_164, %parallel_loop3A_165], %broadcast_in_dim3A_133 {strides = array<i32>} : memref<80x128xf32, #tpu.memory_space<vmem>>, vector<16xf32>,
      %parallel_loop3A_167 = arith.index_cast %parallel_loop3A_151 : i32 to index
      %parallel_loop3A_168 = arith.constant 80 : index
      %parallel_loop3A_169 = tpu.vector_load %arg14[%parallel_loop3A_167, %parallel_loop3A_168] {strides = array<i32>} : memref<80x128xf32, #tpu.memory_space<vmem>>, vector<16xf32>,
      tpu.vector_store %arg14[%parallel_loop3A_167, %parallel_loop3A_168], %broadcast_in_dim3A_133 {strides = array<i32>} : memref<80x128xf32, #tpu.memory_space<vmem>>, vector<16xf32>,
      %parallel_loop3A_170 = arith.index_cast %parallel_loop3A_151 : i32 to index
      %parallel_loop3A_171 = arith.constant 96 : index
      %parallel_loop3A_172 = tpu.vector_load %arg14[%parallel_loop3A_170, %parallel_loop3A_171] {strides = array<i32>} : memref<80x128xf32, #tpu.memory_space<vmem>>, vector<16xf32>,
      tpu.vector_store %arg14[%parallel_loop3A_170, %parallel_loop3A_171], %broadcast_in_dim3A_133 {strides = array<i32>} : memref<80x128xf32, #tpu.memory_space<vmem>>, vector<16xf32>,
      %parallel_loop3A_173 = arith.index_cast %parallel_loop3A_151 : i32 to index
      %parallel_loop3A_174 = arith.constant 112 : index
      %parallel_loop3A_175 = tpu.vector_load %arg14[%parallel_loop3A_173, %parallel_loop3A_174] {strides = array<i32>} : memref<80x128xf32, #tpu.memory_space<vmem>>, vector<16xf32>,
      tpu.vector_store %arg14[%parallel_loop3A_173, %parallel_loop3A_174], %broadcast_in_dim3A_133 {strides = array<i32>} : memref<80x128xf32, #tpu.memory_space<vmem>>, vector<16xf32>,
    } {sc.loop_unroll_factor = 2 : i64, sc.parallel_access}
    %eq3A_137 = arith.constant 0 : i32
    %eq3A_138 = arith.cmpi eq, %arg1, %eq3A_137 : i32
    %convert_element_type3A_139 = arith.extui %eq3A_138 : i1 to i32
    %cond3A_140 = arith.constant 0 : i32
    %cond3A_141 = arith.cmpi ne, %convert_element_type3A_139, %cond3A_140 : i32
    scf.if %cond3A_141 {
      "tpu.region"() ({
        %run_scoped3A_151 = tpu.sem_alloc : memref<!tpu.dma_semaphore, #tpu.memory_space<semaphore_mem>>
        tpu.enqueue_dma source(%arg14 : memref<80x128xf32, #tpu.memory_space<vmem>>) target(%arg16 : memref<80x128xf32, #tpu.memory_space<vmem_shared>>) target_semaphore(%run_scoped3A_151 : memref<!tpu.dma_semaphore, #tpu.memory_space<semaphore_mem>>)
        tpu.wait_dma2 semaphore(%run_scoped3A_151 : memref<!tpu.dma_semaphore, #tpu.memory_space<semaphore_mem>>) src(%arg14 : memref<80x128xf32, #tpu.memory_space<vmem>>) dst(%arg16 : memref<80x128xf32, #tpu.memory_space<vmem_shared>>)
        tpu.yield
      }) : () -> ()
    } else {
    }
    %barrier3A = arith.constant 0 : index
    tpu.barrier barrier_id(%barrier3A)
    %parallel_loop3A_142 = arith.constant 0 : i32
    %parallel_loop3A_143 = arith.constant 625 : i32
    %parallel_loop3A_144 = arith.constant 1 : i32
    scf.for %parallel_loop3A_151 = %parallel_loop3A_142 to %parallel_loop3A_143 step %parallel_loop3A_144  : i32 {
      %parallel_loop3A_152 = arith.constant 16 : i32
      %parallel_loop3A_153 = arith.muli %parallel_loop3A_151, %parallel_loop3A_152 : i32
      %parallel_loop3A_154 = arith.index_cast %parallel_loop3A_153 : i32 to index
      %parallel_loop3A_155 = tpu.vector_load %arg9[%parallel_loop3A_154] {strides = array<i32>} : memref<10000xi32, #tpu.memory_space<vmem>>, vector<16xi32>,
      %parallel_loop3A_156 = arith.constant 16 : i32
      %parallel_loop3A_157 = arith.muli %parallel_loop3A_151, %parallel_loop3A_156 : i32
      %parallel_loop3A_158 = arith.index_cast %parallel_loop3A_157 : i32 to index
      %parallel_loop3A_159 = tpu.vector_load %arg8[%parallel_loop3A_158] {strides = array<i32>} : memref<10000xi32, #tpu.memory_space<vmem>>, vector<16xi32>,
      %parallel_loop3A_160 = arith.constant 7 : i32
      %parallel_loop3A_161 = vector.broadcast %parallel_loop3A_160 : i32 to vector<16xi32>
      %parallel_loop3A_162 = arith.shrsi %parallel_loop3A_159, %parallel_loop3A_161 : vector<16xi32>
      %parallel_loop3A_163 = arith.constant 127 : i32
      %parallel_loop3A_164 = vector.broadcast %parallel_loop3A_163 : i32 to vector<16xi32>
      %parallel_loop3A_165 = arith.andi %parallel_loop3A_159, %parallel_loop3A_164 : vector<16xi32>
      %parallel_loop3A_166 = tpu.vector_load_idx %arg13[%parallel_loop3A_162, %parallel_loop3A_165] : memref<80x128xf32, #tpu.memory_space<vmem>>[vector<16xi32>, vector<16xi32>], vector<16xf32>,
      %parallel_loop3A_167 = arith.constant 7 : i32
      %parallel_loop3A_168 = vector.broadcast %parallel_loop3A_167 : i32 to vector<16xi32>
      %parallel_loop3A_169 = arith.shrsi %parallel_loop3A_155, %parallel_loop3A_168 : vector<16xi32>
      %parallel_loop3A_170 = arith.constant 127 : i32
      %parallel_loop3A_171 = vector.broadcast %parallel_loop3A_170 : i32 to vector<16xi32>
      %parallel_loop3A_172 = arith.andi %parallel_loop3A_155, %parallel_loop3A_171 : vector<16xi32>
      tpu.vector_store_idx %arg14[%parallel_loop3A_169, %parallel_loop3A_172], %parallel_loop3A_166 {add = true} : memref<80x128xf32, #tpu.memory_space<vmem>>[vector<16xi32>, vector<16xi32>], vector<16xf32>,
    } {sc.loop_unroll_factor = 25 : i64, sc.parallel_access}
    "tpu.region"() ({
      %run_scoped3A_151 = tpu.sem_alloc : memref<!tpu.dma_semaphore, #tpu.memory_space<semaphore_mem>>
      %dma_start3A = arith.constant 0 : i32
      %dma_start3A_152 = arith.constant 0 : i32
      %dma_start3A_153 = tpu.memref_slice %arg16[%dma_start3A, %dma_start3A_152] : memref<80x128xf32, #tpu.memory_space<vmem_shared>> -> memref<80x128xf32, #tpu.memory_space<vmem_shared>>
      tpu.enqueue_indirect_dma source(%arg14 : memref<80x128xf32, #tpu.memory_space<vmem>>) target(%dma_start3A_153 : memref<80x128xf32, #tpu.memory_space<vmem_shared>>) offsets(%arg15 : memref<80xi32, #tpu.memory_space<vmem>>) semaphore(%run_scoped3A_151 : memref<!tpu.dma_semaphore, #tpu.memory_space<semaphore_mem>>) {add = true}
      %dma_wait3A = arith.constant 0 : i32
      %dma_wait3A_154 = arith.constant 0 : i32
      %dma_wait3A_155 = tpu.memref_slice %arg16[%dma_wait3A, %dma_wait3A_154] : memref<80x128xf32, #tpu.memory_space<vmem_shared>> -> memref<80x128xf32, #tpu.memory_space<vmem_shared>>
      tpu.wait_indirect_dma semaphore(%run_scoped3A_151 : memref<!tpu.dma_semaphore, #tpu.memory_space<semaphore_mem>>) src(%arg14 : memref<80x128xf32, #tpu.memory_space<vmem>>) dst(%dma_wait3A_155 : memref<80x128xf32, #tpu.memory_space<vmem_shared>>)
      tpu.yield
    }) : () -> ()
    %barrier3A_145 = arith.constant 0 : index
    tpu.barrier barrier_id(%barrier3A_145)
    %lt3A_146 = arith.constant 10 : i32
    %lt3A_147 = arith.cmpi slt, %arg1, %lt3A_146 : i32
    %convert_element_type3A_148 = arith.extui %lt3A_147 : i1 to i32
    %cond3A_149 = arith.constant 0 : i32
    %cond3A_150 = arith.cmpi ne, %convert_element_type3A_148, %cond3A_149 : i32
    scf.if %cond3A_150 {
      %mul3A_151 = arith.constant 8 : i32
      %mul3A_152 = arith.muli %arg1, %mul3A_151 : i32
      "tpu.region"() ({
        %run_scoped3A_153 = tpu.sem_alloc : memref<!tpu.dma_semaphore, #tpu.memory_space<semaphore_mem>>
        %dma_start3A = arith.constant 0 : i32
        %dma_start3A_154 = tpu.memref_slice %arg7[%arg0, %mul3A_152, %dma_start3A] : memref<2x80x128xf32, #tpu.memory_space<hbm>> -> memref<1x8x128xf32, #tpu.memory_space<hbm>>
        %dma_start3A_155 = tpu.memref_squeeze %dma_start3A_154 : memref<1x8x128xf32, #tpu.memory_space<hbm>> -> memref<8x128xf32, #tpu.memory_space<hbm>>
        %dma_start3A_156 = arith.constant 0 : i32
        %dma_start3A_157 = tpu.memref_slice %arg16[%mul3A_152, %dma_start3A_156] : memref<80x128xf32, #tpu.memory_space<vmem_shared>> -> memref<8x128xf32, #tpu.memory_space<vmem_shared>>
        tpu.enqueue_dma source(%dma_start3A_157 : memref<8x128xf32, #tpu.memory_space<vmem_shared>>) target(%dma_start3A_155 : memref<8x128xf32, #tpu.memory_space<hbm>>) target_semaphore(%run_scoped3A_153 : memref<!tpu.dma_semaphore, #tpu.memory_space<semaphore_mem>>)
        %dma_wait3A = arith.constant 0 : i32
        %dma_wait3A_158 = tpu.memref_slice %arg7[%arg0, %mul3A_152, %dma_wait3A] : memref<2x80x128xf32, #tpu.memory_space<hbm>> -> memref<1x8x128xf32, #tpu.memory_space<hbm>>
        %dma_wait3A_159 = tpu.memref_squeeze %dma_wait3A_158 : memref<1x8x128xf32, #tpu.memory_space<hbm>> -> memref<8x128xf32, #tpu.memory_space<hbm>>
        %dma_wait3A_160 = arith.constant 0 : i32
        %dma_wait3A_161 = tpu.memref_slice %arg16[%mul3A_152, %dma_wait3A_160] : memref<80x128xf32, #tpu.memory_space<vmem_shared>> -> memref<8x128xf32, #tpu.memory_space<vmem_shared>>
        tpu.wait_dma2 semaphore(%run_scoped3A_153 : memref<!tpu.dma_semaphore, #tpu.memory_space<semaphore_mem>>) src(%dma_wait3A_161 : memref<8x128xf32, #tpu.memory_space<vmem_shared>>) dst(%dma_wait3A_159 : memref<8x128xf32, #tpu.memory_space<hbm>>)
        tpu.yield
      }) : () -> ()
    } else {
    }
    return
  }
}

module attributes {stable_mosaic.version = 14 : i64} {
  func.func @_assemble_body(%arg0: memref<10240x128xf32, #tpu.memory_space<vmem>>, %arg1: memref<1x10240xf32, #tpu.memory_space<vmem>>, %arg2: memref<1x10240xf32, #tpu.memory_space<vmem>>, %arg3: memref<1x10240xf32, #tpu.memory_space<vmem>>, %arg4: memref<1x10240xf32, #tpu.memory_space<vmem>>, %arg5: memref<128x128xf32, #tpu.memory_space<vmem>>, %arg6: memref<1x128xf32, #tpu.memory_space<vmem>>, %arg7: memref<128x128xf32, #tpu.memory_space<vmem>>, %arg8: memref<1x128xf32, #tpu.memory_space<vmem>>, %arg9: memref<384x128xf32, #tpu.memory_space<vmem>>, %arg10: memref<1x128xf32, #tpu.memory_space<vmem>>, %arg11: memref<1x128xf32, #tpu.memory_space<vmem>>) attributes {dimension_semantics = [], scalar_prefetch = 0 : i64, scratch_operands = 0 : i64, tpu.core_type = #tpu.core_type<tc>} {
    %get3A = arith.constant 0 : index
    %get3A_0 = arith.constant 0 : index
    %get3A_1 = vector.load %arg1[%get3A, %get3A_0] : memref<1x10240xf32, #tpu.memory_space<vmem>>, vector<1x10240xf32>
    %get3A_2 = arith.constant 0 : index
    %get3A_3 = arith.constant 0 : index
    %get3A_4 = vector.load %arg2[%get3A_2, %get3A_3] : memref<1x10240xf32, #tpu.memory_space<vmem>>, vector<1x10240xf32>
    %get3A_5 = arith.constant 0 : index
    %get3A_6 = arith.constant 0 : index
    %get3A_7 = vector.load %arg3[%get3A_5, %get3A_6] : memref<1x10240xf32, #tpu.memory_space<vmem>>, vector<1x10240xf32>
    %add3A = arith.addf %get3A_4, %get3A_7 : vector<1x10240xf32>
    %get3A_8 = arith.constant 0 : index
    %get3A_9 = arith.constant 0 : index
    %get3A_10 = vector.load %arg4[%get3A_8, %get3A_9] : memref<1x10240xf32, #tpu.memory_space<vmem>>, vector<1x10240xf32>
    %add3A_11 = arith.addf %add3A, %get3A_10 : vector<1x10240xf32>
    %concatenate3A = tpu.concatenate %get3A_1, %get3A_4, %add3A_11 in 0 : vector<1x10240xf32>, vector<1x10240xf32>, vector<1x10240xf32> -> vector<3x10240xf32>
    %get3A_12 = arith.constant 0 : index
    %get3A_13 = arith.constant 0 : index
    %get3A_14 = vector.load %arg0[%get3A_12, %get3A_13] : memref<10240x128xf32, #tpu.memory_space<vmem>>, vector<10240x128xf32>
    %dot_general3A = arith.constant dense<0.000000e+00> : vector<3x128xf32>
    %dot_general3A_15 = tpu.matmul %concatenate3A, %get3A_14, %dot_general3A {dimension_numbers = #tpu.dot_dimension_numbers<[1], [0], [0], [1], [0, 0, 1, 1], [], []>, precision = #tpu.contract_precision<fp32>, transpose_lhs_hint = false} : vector<3x10240xf32>, vector<10240x128xf32>, vector<3x128xf32> -> vector<3x128xf32>
    %reduce_sum3A = vector.shape_cast %get3A_1 : vector<1x10240xf32> to vector<1x1x10240xf32>
    %reduce_sum3A_16 = arith.constant dense<0.000000e+00> : vector<1xf32>
    %reduce_sum3A_17 = vector.multi_reduction <add>, %reduce_sum3A, %reduce_sum3A_16 [1, 2] : vector<1x1x10240xf32> to vector<1xf32>
    %reduce_sum3A_18 = vector.shape_cast %reduce_sum3A_17 : vector<1xf32> to vector<1x1x1xf32>
    %reduce_sum3A_19 = vector.extract %reduce_sum3A_18[0, 0, 0] : f32 from vector<1x1x1xf32>
    %reduce_sum3A_20 = vector.shape_cast %get3A_4 : vector<1x10240xf32> to vector<1x1x10240xf32>
    %reduce_sum3A_21 = arith.constant dense<0.000000e+00> : vector<1xf32>
    %reduce_sum3A_22 = vector.multi_reduction <add>, %reduce_sum3A_20, %reduce_sum3A_21 [1, 2] : vector<1x1x10240xf32> to vector<1xf32>
    %reduce_sum3A_23 = vector.shape_cast %reduce_sum3A_22 : vector<1xf32> to vector<1x1x1xf32>
    %reduce_sum3A_24 = vector.extract %reduce_sum3A_23[0, 0, 0] : f32 from vector<1x1x1xf32>
    %reduce_sum3A_25 = vector.shape_cast %add3A_11 : vector<1x10240xf32> to vector<1x1x10240xf32>
    %reduce_sum3A_26 = arith.constant dense<0.000000e+00> : vector<1xf32>
    %reduce_sum3A_27 = vector.multi_reduction <add>, %reduce_sum3A_25, %reduce_sum3A_26 [1, 2] : vector<1x1x10240xf32> to vector<1xf32>
    %reduce_sum3A_28 = vector.shape_cast %reduce_sum3A_27 : vector<1xf32> to vector<1x1x1xf32>
    %reduce_sum3A_29 = vector.extract %reduce_sum3A_28[0, 0, 0] : f32 from vector<1x1x1xf32>
    %get3A_30 = arith.constant 0 : index
    %get3A_31 = arith.constant 0 : index
    %get3A_32 = vector.load %arg6[%get3A_30, %get3A_31] : memref<1x128xf32, #tpu.memory_space<vmem>>, vector<1x128xf32>
    %get3A_33 = arith.constant 0 : index
    %get3A_34 = arith.constant 0 : index
    %get3A_35 = vector.load %arg8[%get3A_33, %get3A_34] : memref<1x128xf32, #tpu.memory_space<vmem>>, vector<1x128xf32>
    %get3A_36 = arith.constant 0 : index
    %get3A_37 = arith.constant 0 : index
    %get3A_38 = vector.load %arg7[%get3A_36, %get3A_37] : memref<128x128xf32, #tpu.memory_space<vmem>>, vector<128x128xf32>
    %get3A_39 = arith.constant 0 : index
    %get3A_40 = arith.constant 0 : index
    %get3A_41 = vector.load %arg5[%get3A_39, %get3A_40] : memref<128x128xf32, #tpu.memory_space<vmem>>, vector<128x128xf32>
    %dot_general3A_42 = arith.constant dense<0.000000e+00> : vector<3x128xf32>
    %dot_general3A_43 = tpu.matmul %dot_general3A_15, %get3A_41, %dot_general3A_42 {dimension_numbers = #tpu.dot_dimension_numbers<[1], [0], [0], [1], [0, 0, 1, 1], [], []>, precision = #tpu.contract_precision<fp32>, transpose_lhs_hint = false} : vector<3x128xf32>, vector<128x128xf32>, vector<3x128xf32> -> vector<3x128xf32>
    %slice3A = vector.extract_strided_slice %dot_general3A_43 {offsets = [0, 0], sizes = [1, 128], strides = [1, 1]} : vector<3x128xf32> to vector<1x128xf32>
    %mul3A = vector.broadcast %reduce_sum3A_19 : f32 to vector<1x128xf32>
    %mul3A_44 = arith.mulf %mul3A, %get3A_32 : vector<1x128xf32>
    %add3A_45 = arith.addf %slice3A, %mul3A_44 : vector<1x128xf32>
    %slice3A_46 = vector.extract_strided_slice %dot_general3A_43 {offsets = [1, 0], sizes = [1, 128], strides = [1, 1]} : vector<3x128xf32> to vector<1x128xf32>
    %mul3A_47 = vector.broadcast %reduce_sum3A_24 : f32 to vector<1x128xf32>
    %mul3A_48 = arith.mulf %mul3A_47, %get3A_32 : vector<1x128xf32>
    %add3A_49 = arith.addf %slice3A_46, %mul3A_48 : vector<1x128xf32>
    %slice3A_50 = vector.extract_strided_slice %dot_general3A_43 {offsets = [2, 0], sizes = [1, 128], strides = [1, 1]} : vector<3x128xf32> to vector<1x128xf32>
    %mul3A_51 = vector.broadcast %reduce_sum3A_29 : f32 to vector<1x128xf32>
    %mul3A_52 = arith.mulf %mul3A_51, %get3A_32 : vector<1x128xf32>
    %add3A_53 = arith.addf %slice3A_50, %mul3A_52 : vector<1x128xf32>
    %dot_general3A_54 = arith.constant dense<0.000000e+00> : vector<1x128xf32>
    %dot_general3A_55 = tpu.matmul %add3A_45, %get3A_38, %dot_general3A_54 {dimension_numbers = #tpu.dot_dimension_numbers<[1], [0], [0], [1], [0, 0, 1, 1], [], []>, precision = #tpu.contract_precision<fp32>, transpose_lhs_hint = false} : vector<1x128xf32>, vector<128x128xf32>, vector<1x128xf32> -> vector<1x128xf32>
    %mul3A_56 = arith.constant 1.000000e+04 : f32
    %mul3A_57 = vector.broadcast %mul3A_56 : f32 to vector<1x128xf32>
    %mul3A_58 = arith.mulf %mul3A_57, %get3A_35 : vector<1x128xf32>
    %add3A_59 = arith.addf %dot_general3A_55, %mul3A_58 : vector<1x128xf32>
    %dot_general3A_60 = arith.constant dense<0.000000e+00> : vector<1x128xf32>
    %dot_general3A_61 = tpu.matmul %add3A_49, %get3A_38, %dot_general3A_60 {dimension_numbers = #tpu.dot_dimension_numbers<[1], [0], [0], [1], [0, 0, 1, 1], [], []>, precision = #tpu.contract_precision<fp32>, transpose_lhs_hint = false} : vector<1x128xf32>, vector<128x128xf32>, vector<1x128xf32> -> vector<1x128xf32>
    %mul3A_62 = vector.broadcast %reduce_sum3A_19 : f32 to vector<1x128xf32>
    %mul3A_63 = arith.mulf %mul3A_62, %get3A_35 : vector<1x128xf32>
    %add3A_64 = arith.addf %dot_general3A_61, %mul3A_63 : vector<1x128xf32>
    %dot_general3A_65 = arith.constant dense<0.000000e+00> : vector<1x128xf32>
    %dot_general3A_66 = tpu.matmul %add3A_64, %get3A_38, %dot_general3A_65 {dimension_numbers = #tpu.dot_dimension_numbers<[1], [0], [0], [1], [0, 0, 1, 1], [], []>, precision = #tpu.contract_precision<fp32>, transpose_lhs_hint = false} : vector<1x128xf32>, vector<128x128xf32>, vector<1x128xf32> -> vector<1x128xf32>
    %mul3A_67 = arith.constant 1.000000e+04 : f32
    %mul3A_68 = vector.broadcast %mul3A_67 : f32 to vector<1x128xf32>
    %mul3A_69 = arith.mulf %mul3A_68, %get3A_35 : vector<1x128xf32>
    %add3A_70 = arith.addf %dot_general3A_66, %mul3A_69 : vector<1x128xf32>
    %dot_general3A_71 = arith.constant dense<0.000000e+00> : vector<1x128xf32>
    %dot_general3A_72 = tpu.matmul %add3A_53, %get3A_38, %dot_general3A_71 {dimension_numbers = #tpu.dot_dimension_numbers<[1], [0], [0], [1], [0, 0, 1, 1], [], []>, precision = #tpu.contract_precision<fp32>, transpose_lhs_hint = false} : vector<1x128xf32>, vector<128x128xf32>, vector<1x128xf32> -> vector<1x128xf32>
    %mul3A_73 = vector.broadcast %reduce_sum3A_24 : f32 to vector<1x128xf32>
    %mul3A_74 = arith.mulf %mul3A_73, %get3A_35 : vector<1x128xf32>
    %add3A_75 = arith.addf %dot_general3A_72, %mul3A_74 : vector<1x128xf32>
    %dot_general3A_76 = arith.constant dense<0.000000e+00> : vector<1x128xf32>
    %dot_general3A_77 = tpu.matmul %add3A_75, %get3A_38, %dot_general3A_76 {dimension_numbers = #tpu.dot_dimension_numbers<[1], [0], [0], [1], [0, 0, 1, 1], [], []>, precision = #tpu.contract_precision<fp32>, transpose_lhs_hint = false} : vector<1x128xf32>, vector<128x128xf32>, vector<1x128xf32> -> vector<1x128xf32>
    %mul3A_78 = vector.broadcast %reduce_sum3A_19 : f32 to vector<1x128xf32>
    %mul3A_79 = arith.mulf %mul3A_78, %get3A_35 : vector<1x128xf32>
    %add3A_80 = arith.addf %dot_general3A_77, %mul3A_79 : vector<1x128xf32>
    %dot_general3A_81 = arith.constant dense<0.000000e+00> : vector<1x128xf32>
    %dot_general3A_82 = tpu.matmul %add3A_80, %get3A_38, %dot_general3A_81 {dimension_numbers = #tpu.dot_dimension_numbers<[1], [0], [0], [1], [0, 0, 1, 1], [], []>, precision = #tpu.contract_precision<fp32>, transpose_lhs_hint = false} : vector<1x128xf32>, vector<128x128xf32>, vector<1x128xf32> -> vector<1x128xf32>
    %mul3A_83 = arith.constant 1.000000e+04 : f32
    %mul3A_84 = vector.broadcast %mul3A_83 : f32 to vector<1x128xf32>
    %mul3A_85 = arith.mulf %mul3A_84, %get3A_35 : vector<1x128xf32>
    %add3A_86 = arith.addf %dot_general3A_82, %mul3A_85 : vector<1x128xf32>
    %concatenate3A_87 = tpu.concatenate %add3A_59, %add3A_70, %add3A_86 in 1 : vector<1x128xf32>, vector<1x128xf32>, vector<1x128xf32> -> vector<1x384xf32>
    %get3A_88 = arith.constant 0 : index
    %get3A_89 = arith.constant 0 : index
    %get3A_90 = vector.load %arg9[%get3A_88, %get3A_89] : memref<384x128xf32, #tpu.memory_space<vmem>>, vector<384x128xf32>
    %dot_general3A_91 = arith.constant dense<0.000000e+00> : vector<1x128xf32>
    %dot_general3A_92 = tpu.matmul %concatenate3A_87, %get3A_90, %dot_general3A_91 {dimension_numbers = #tpu.dot_dimension_numbers<[1], [0], [0], [1], [0, 0, 1, 1], [], []>, precision = #tpu.contract_precision<fp32>, transpose_lhs_hint = false} : vector<1x384xf32>, vector<384x128xf32>, vector<1x128xf32> -> vector<1x128xf32>
    %div3A = arith.constant 1.000000e+04 : f32
    %div3A_93 = vector.broadcast %div3A : f32 to vector<1x128xf32>
    %div3A_94 = arith.divf %dot_general3A_92, %div3A_93 : vector<1x128xf32>
    %get3A_95 = arith.constant 0 : index
    %get3A_96 = arith.constant 0 : index
    %get3A_97 = vector.load %arg10[%get3A_95, %get3A_96] : memref<1x128xf32, #tpu.memory_space<vmem>>, vector<1x128xf32>
    %add3A_98 = arith.addf %div3A_94, %get3A_97 : vector<1x128xf32>
    %swap3A = arith.constant 0 : index
    %swap3A_99 = arith.constant 0 : index
    %swap3A_100 = vector.load %arg11[%swap3A, %swap3A_99] : memref<1x128xf32, #tpu.memory_space<vmem>>, vector<1x128xf32>
    tpu.vector_store %arg11[%swap3A, %swap3A_99], %add3A_98 {strides = array<i32>} : memref<1x128xf32, #tpu.memory_space<vmem>>, vector<1x128xf32>,
    return
  }
}

</mosaic_0001>

<sc_bundles>
// kernel: kernel.10.cloned.1.call-start
scs
__scs_entry_jumppad:
0x0: {  	(pc) =	sbr.rel $0x88, $3  }
0x1: {  	(tag) =	ssettag $0x0;
	lr =	simm.s32 $0x1  }
0x2: {  	[smem:$0x3F99] =	sst lr;
	_ =	strace $0xD0000000  }
0x3: {  	_ = 	snop  }
0x4: {  	_ = 	snop  }
0x5: {  	_ = 	snop  }
0x6: {  	_ = 	snop  }
0x7: {  	_ = 	snop  }
__scs_overlays_trampoline_lowered:
0x8: {  	[smem:$0x3FA8] =	sst s0  }
0x9: {  	[smem:$0x3FA9] =	sst s1  }
0xa: {  	[smem:$0x3FAA] =	sst s2  }
0xb: {  	[smem:$0x3FAB] =	sst s3  }
0xc: {  	[smem:$0x3FAC] =	sst s4  }
0xd: {  	[smem:$0x3FAD] =	sst s5  }
0xe: {  	[smem:$0x3FAE] =	sst s6  }
0xf: {  	[smem:$0x3FAF] =	sst s7  }
0x10: {  	[smem:$0x3FB0] =	sst s8  }
0x11: {  	[smem:$0x3FB1] =	sst s9;
	s0 =	simm.s32 @!p0 $0x0  }
0x12: {  	s1 =	sld [smem:$0x3F97];
	s0 =	simm.s32 @p0 $0x1  }
0x13: {  	[smem:$0x3FB2] =	sst s0;
	s0 =	simm.s32 @!p1 $0x0  }
0x14: {  	s2 =	sld [smem:$0x3F96];
	s0 =	simm.s32 @p1 $0x1  }
0x15: {  	[smem:$0x3FB3] =	sst s0;
	s0 =	simm.s32 @!p2 $0x0  }
0x16: {  	s3 =	sld [smem:$0x3FDB];
	s0 =	simm.s32 @p2 $0x1  }
0x17: {  	s4 =	simm.s32 $0x1BF5;
	[smem:$0x3FB5] =	sst s0  }
0x18: {  	s0 =	sld [smem:$0x3F98];
	_ =	swait.ge [sflag:s4], $0x0  }
0x19: {  	s7 =	sld [smem:$0x3F99]  }
0x1a: {  	s8 =	sadd.s32 $0xFFFFE003, lr  }
0x1b: {  	s9 =	sadd.s32 $0xFFFFFEF7, lr;
	s5 =	simm.s32 $0xFFFFFFFF;
	p2 =	slt.u32 s8, $0xFFFFF086  }
0x1c: {  	p1 =	slt.u32 s9, $0xF7A;
	s5 =	simm.s32 @!p2 $0x0  }
0x1d: {  	s5 =	simm.s32 @p1 $0x1;
	p0 =	seq.s32 s7, s2  }
0x1e: {  	s7 =	smul.u32 @!p0 $0xF7A, s2;
	p2 =	seq.s32 @!p0 s5, $0x0  }
0x1f: {  	s9 =	smul.u32 $0xF7A, s1;
	s8 =	simm.s32 @!p0 $0x1BF5;
	p2 =	por !p2, p0  }
0x20: {  	[sflag:s8] =	ssyncset.s32 @!p0 $0xFFFFF086;
	s6 =	sadd.s32 @!p0 s3, s7;
	s7 =	simm.s32 @!p0 $0x108  }
0x21: {  	s3 =	sadd.s32 s3, s9;
	s6 =	sadd.s32 @!p0 $0x88, s6;
	s7 =	simm.s32 @p2 $0x1082  }
0x22: {  	[simem:s7], [sflag:s8] =	dma.local @!p0 [hbm:s6], $0xF7A  }
0x23: {  	s9 =	sor.u32 $0xD0000000, s2;
	s6 =	simm.s32 $0x108;
	_ =	swait.ge @!p0 [sflag:s8], $0x0  }
0x24: {  	s3 =	sadd.s32 $0x88, s3;
	s6 =	simm.s32 @!p1 $0x1082;
	[sflag:s4] =	ssyncset.s32 $0xFFFFF086  }
0x25: {  	[simem:s6], [sflag:s4] =	dma.local [hbm:s3], $0xF7A  }
0x26: {  	[smem:$0x3F99] =	sst s1;
	(tag) =	ssettag s2;
	_ =	strace s9  }
0x27: {  	s1 =	sld [smem:$0x3FA9]  }
0x28: {  	s2 =	sld [smem:$0x3FAA]  }
0x29: {  	s4 =	sld [smem:$0x3FAC]  }
0x2a: {  	p0 =	seq.s32 s5, $0x0;
	s5 =	sld [smem:$0x3FAD]  }
0x2b: {  	s6 =	sld [smem:$0x3FAE]  }
0x2c: {  	s7 =	sld [smem:$0x3FAF]  }
0x2d: {  	s3 =	simm.s32 $0x108;
	s8 =	sld [smem:$0x3FB0]  }
0x2e: {  	s3 =	simm.s32 @!p0 $0x1082;
	s9 =	sld [smem:$0x3FB1]  }
0x2f: {  	lr =	sadd.s32 s0, s3;
	s0 =	sld [smem:$0x3FA8]  }
0x30: {  	s3 =	sld [smem:$0x3FAB]  }
0x31: {  	[smem:$0x3FB4] =	sst s10  }
0x32: {  	s10 =	sld [smem:$0x3FB2];
	_ =	sdelay $0x3  }
0x33: {  	p0 =	seq.s32 s10, $0x1;
	s10 =	sld [smem:$0x3FB4];
	_ =	sdelay $0x3  }
0x34: {  	[smem:$0x3FB4] =	sst s10  }
0x35: {  	s10 =	sld [smem:$0x3FB3];
	_ =	sdelay $0x3  }
0x36: {  	p1 =	seq.s32 s10, $0x1;
	s10 =	sld [smem:$0x3FB4];
	_ =	sdelay $0x3  }
0x37: {  	[smem:$0x3FB4] =	sst s10  }
0x38: {  	s10 =	sld [smem:$0x3FB5]  }
0x39: {  	_ = 	snop;
	(pc) =	sbr.ind lr, $3  }
0x3a: {  	_ = 	snop  }
0x3b: {  	_ = 	snop  }
0x3c: {  	p2 =	seq.s32 s10, $0x1;
	s10 =	sld [smem:$0x3FB4]  }
0x3d: {  	_ =	shalt  }
0x3e: {  	_ =	shalt  }
0x3f: {  	_ =	shalt  }
0x40: {  	_ =	shalt  }
0x41: {  	_ =	shalt  }
0x42: {  	_ =	shalt  }
0x43: {  	_ =	shalt  }
0x44: {  	_ =	shalt  }
0x45: {  	_ =	shalt  }
0x46: {  	_ =	shalt  }
0x47: {  	_ =	shalt  }
0x48: {  	_ =	shalt  }
0x49: {  	_ =	shalt  }
0x4a: {  	_ =	shalt  }
0x4b: {  	_ =	shalt  }
0x4c: {  	_ =	shalt  }
0x4d: {  	_ =	shalt  }
0x4e: {  	_ =	shalt  }
0x4f: {  	_ =	shalt  }
0x50: {  	_ =	shalt  }
0x51: {  	_ =	shalt  }
0x52: {  	_ =	shalt  }
0x53: {  	_ =	shalt  }
0x54: {  	_ =	shalt  }
0x55: {  	_ =	shalt  }
0x56: {  	_ =	shalt  }
0x57: {  	_ =	shalt  }
0x58: {  	_ =	shalt  }
0x59: {  	_ =	shalt  }
0x5a: {  	_ =	shalt  }
0x5b: {  	_ =	shalt  }
0x5c: {  	_ =	shalt  }
0x5d: {  	_ =	shalt  }
0x5e: {  	_ =	shalt  }
0x5f: {  	_ =	shalt  }
0x60: {  	_ =	shalt  }
0x61: {  	_ =	shalt  }
0x62: {  	_ =	shalt  }
0x63: {  	_ =	shalt  }
0x64: {  	_ =	shalt  }
0x65: {  	_ =	shalt  }
0x66: {  	_ =	shalt  }
0x67: {  	_ =	shalt  }
0x68: {  	_ =	shalt  }
0x69: {  	_ =	shalt  }
0x6a: {  	_ =	shalt  }
0x6b: {  	_ =	shalt  }
0x6c: {  	_ =	shalt  }
0x6d: {  	_ =	shalt  }
0x6e: {  	_ =	shalt  }
0x6f: {  	_ =	shalt  }
0x70: {  	_ =	shalt  }
0x71: {  	_ =	shalt  }
0x72: {  	_ =	shalt  }
0x73: {  	_ =	shalt  }
0x74: {  	_ =	shalt  }
0x75: {  	_ =	shalt  }
0x76: {  	_ =	shalt  }
0x77: {  	_ =	shalt  }
0x78: {  	_ =	shalt  }
0x79: {  	_ =	shalt  }
0x7a: {  	_ =	shalt  }
0x7b: {  	_ =	shalt  }
0x7c: {  	_ =	shalt  }
0x7d: {  	_ =	shalt  }
0x7e: {  	_ =	shalt  }
0x7f: {  	_ =	shalt  }
0x80: {  	_ =	shalt  }
0x81: {  	_ =	shalt  }
0x82: {  	_ =	shalt  }
0x83: {  	_ =	shalt  }
0x84: {  	_ =	shalt  }
0x85: {  	_ =	shalt  }
0x86: {  	_ =	shalt  }
0x87: {  	_ =	shalt  }
.Lfunc_end0:
.L_simem_size_0:
called_computation.1_lowered:
.L_overlay_start_0:
0x88: {  	s2 =	sld [smem:$0x3FD9]  }
0x89: {  	s3 =	sld [smem:$0x3FFE];
	_ =	sdelay $0x1  }
0x8a: {  	s1 =	srdreg.scid  }
0x8b: {  	s0 =	sand.u32 $0x1, s1  }
0x8c: {  	s16 =	sshll.u32 s0, $0xA;
	s2 =	sadd.s32 s3, s2  }
0x8d: {  	s2 =	sadd.s32 s2, s16  }
0x8e: {  	[smem:$0x3FC0] =	sst s2  }
0x8f: {  	_ = 	snop  }
0x90: {  	(tm) =	ssettm $0x1  }
0x91: {  	s17 =	sld [smem:$0x3FFB];
	_ =	sdelay $0x3  }
0x92: {  	_ =	strace s17  }
0x93: {  	s2 =	sld [smem:$0x3FFC];
	_ =	sdelay $0x3  }
0x94: {  	_ =	strace s2  }
0x95: {  	s2 =	sld [smem:$0x3FFD];
	_ =	sdelay $0x3  }
0x96: {  	_ =	strace s2  }
0x97: {  	_ =	strace $0x8FFFFFFF  }
0x98: {  	s18 =	sld [smem:$0x3FDB];
	_ =	sdelay $0x1  }
0x99: {  	s19 =	simm.s32 $_scs_section_size  }
0x9a: {  	s4 =	simm.s32 $_size__tile_overlayer_lowered;
	s5 =	simm.s32 $_tile_overlayer_lowered  }
0x9b: {  	s22 =	simm.s32 $0x1BFF;
	s21 =	sshll.u32 s5, $0x1;
	s2 =	sadd.s32 s19, s18  }
0x9c: {  	s6 =	simm.s32 $0x0;
	s20 =	sshll.u32 s4, $0x1;
	s4 =	sadd.s32 s21, s2  }
0x9d: {  	[timem:s6], [sflag:s22] =	dma.local [hbm:s4], s20  }
0x9e: {  	_ =	swait.ge [sflag:s22], s20  }
0x9f: {  	s3 =	ssub.s32 $0x0, s20;
	[sflag:s22] =	ssyncset.done $0x0  }
0xa0: {  	[sflag:s22] =	ssyncadd.s32 s3;
	_ =	sdelay $0x1  }
0xa1: {  	s23 =	simm.s32 $0x1B8B  }
0xa2: {  	_ =	swait.ge [sflag:s23], $0x1  }
0xa3: {  	[sflag:s23] =	ssyncset.done $0x0  }
0xa4: {  	s25 =	simm.s32 $0x1B8E;
	s24 =	sld [smem:$0x3FFE];
	[sflag:s23] =	ssyncadd.s32 $0xFFFFFFFF  }
0xa5: {  	s26 =	simm.s32 $execute0_lowered;
	[smem:$0x3FD2] =	sst s25  }
0xa6: {  	s4 =	sshll.u32 s26, $0x1;
	_ =	strace $0x80000049;
	[dreg:$0x1] =	wrdreg $0xFFFFFFFF  }
0xa7: {  	s28 =	simm.s32 $_size_execute0_lowered;
	s2 =	sadd.s32 s2, s4;
	[dreg:$0x0] =	wrdreg $0x0  }
0xa8: {  	s4 =	sshll.u32 s28, $0x1;
	[dreg:$0x2] =	wrdreg s2  }
0xa9: {  	[dreg:$0x3] =	wrdreg s4  }
0xaa: {  	[dreg:$0x4] =	wrdreg $0xC0  }
0xab: {  	_ =	task [dreg:s6], $0x5FFFF  }
0xac: {  	[dreg:$0x1] =	wrdreg $0xFFFFFFFF  }
0xad: {  	[dreg:$0x0] =	wrdreg $0x60  }
0xae: {  	[dreg:$0x2] =	wrdreg s24  }
0xaf: {  	[dreg:$0x3] =	wrdreg $0xEF800  }
0xb0: {  	[dreg:$0x4] =	wrdreg $0x9  }
0xb1: {  	_ =	task.clear_ibuf [dreg:s6], $0x5FFFF;
	_ =	strace $0x90000049  }
0xb2: {  	s29 =	simm.s32 $0x9;
	_ =	strace $0x8000004B  }
0xb3: {  	_ =	swait.ge [sflag:s29], $0x1  }
0xb4: {  	[sflag:s29] =	ssyncadd.s32 $0xFFFFFFFF  }
0xb5: {  	_ =	strace $0x9000004B  }
0xb6: {  	_ =	sfence  }
0xb7: {  	s30 =	sld [smem:$0x0];
	_ =	sdelay $0x2  }
0xb8: {  	s31 =	sshll.u32 s1, $0xD;
	s1 =	sshrl.u32 s1, $0x2  }
0xb9: {  	s3 =	sand.u32 $0x4000, s31;
	s1 =	sadd.s32 s1, s30  }
0xba: {  	s0 =	sor.u32 s3, s0;
	s1 =	sshll.u32 s1, $0x11  }
0xbb: {  	s0 =	sor.u32 s1, s0  }
0xbc: {  	s0 =	sadd.s32 $0x8F2B, s0  }
0xbd: {  	[sflag:s0] =	ssyncadd.remote.s32 $0x1  }
0xbe: {  	_ =	sfence.sel $0xFFFF  }
0xbf: {  	[dreg:$0x0] =	wrdreg $0xFFFFFFFF;
	(pc) =	sbr.abs _section_cstart, $3  }
0xc0: {  	[dreg:$0x1] =	wrdreg $0xFFFFFFFF  }
0xc1: {  	_ =	task.clear_ibuf [dreg:s6], $0x2FFFF;
	_ =	strace $0x9FFFFFFF  }
0xc2: {  	(tm) =	ssettm $0x7FFFFFFF  }
0xc3: {  	_ =	shalt  }
tec
execute0_lowered:
.L_overlay_start_1:
0x0: {  	(tag) =	ssettag $0x1  }
0x1: {  	s0 =	srdreg.scid  }
0x2: {  	s14 =	stileid.u32;
	s1 =	rddreg [dreg:$0x0]  }
0x3: {  	s2 =	rddreg [dreg:$0x1];
	s16 =	simm.s32 $0x9F00;
	s17 =	simm.s32 $0xC700  }
0x4: {  	s21 =	simm.s32 $0x0;
	s0 =	sand.u32 $0x1, s0;
	s3 =	sshll.u32 s14, $0x1  }
0x5: {  	s11 =	sshll.u32 s14, $0xA;
	s8 =	sshll.u32 s14, $0x7;
	p1 =	slt.u32 s14, $0xA  }
0x6: {  	p2 =	sgt.u32 s14, $0x9;
	s4 =	sor.u32 s0, s3;
	s3 =	simm.s32 $0x0  }
0x7: {  	s5 =	smul.u32 $0x2800, s0;
	s7 =	ssub.s32 $0x2, s0;
	s10 =	sadd.s32 s8, s1  }
0x8: {  	p0 =	seq.s32 s0, $0x0;
	s8 =	sadd.s32 $0x9F00, s11;
	s0 =	sadd.s32 s11, s2  }
0x9: {  	s4 =	smul.u32 $0x4E2, s4;
	[smem:$0x7FF] =	sst s3;
	s9 =	sshrl.u32 s7, $0x1  }
0xa: {  	p0 =	por !p0, !p1;
	p1 =	sne.s32 s14, $0x0;
	s20 =	sshrl.u32 @!p2 s0, $0x3  }
0xb: {  	_ =	strace $0x8000004A;
	s5 =	sadd.s32 s11, s5;
	s13 =	ssub.s32 s7, s9  }
0xc: {  	s7 =	sadd.s32 $0x16F00, s1;
	p0 =	por !p0, !p0;
	s9 =	sadd.s32 $0x17E00, s10  }
0xd: {  	v0 =	vlaneseq.u32;
	s6 =	sadd.s32 s4, s1;
	s4 =	sadd.s32 $0x16A00, s1;
	s5 =	sshrl.u32 s5, $0x3  }
0xe: {  	v5 =	vimm.f32 $0.0e+00;
	v1 =	vor.u32 $0x10, v0;
	s11 =	smax.u32 s13, $0x1;
	s12 =	sadd.s32 s5, s1;
	s5 =	sadd.s32 $0x2E00, s6  }
0xf: {  	v2 =	vor.u32 $0x20, v0;
	v3 =	vor.u32 $0x30, v0;
	v4 =	vor.u32 $0x40, v0;
	s6 =	sadd.s32 $0xCC00, s6;
	s10 =	sadd.s32 $0x17400, s12;
	s12 =	simm.s32 $0x1  }
.LBB2_1:
0x10: {  	[tilespmem:s3], [sflag:$0x1] =	stream.linear.gather [hbm4b:s5+s3], $0x2710, $0x38;
	[tilespmem:$0xF200] =	vst v63  }
0x11: {  	_ =	swait.ge [sflag:s12], $0x2710  }
0x12: {  	[sflag:s12] =	ssyncset.done $0x0  }
0x13: {  	s0 =	simm.s32 $0x2780;
	[sflag:s12] =	ssyncadd.s32 $0xFFFFD8F0  }
0x14: {  	[tilespmem:s0], [sflag:$0x1] =	stream.linear.gather [hbm4b:s6+s3], $0x2710, $0x38;
	[tilespmem:$0xF200] =	vst v63  }
0x15: {  	_ =	swait.ge [sflag:s12], $0x2710  }
0x16: {  	[sflag:s12] =	ssyncset.done $0x0  }
0x17: {  	s25 =	simm.s32 $0x4F00;
	[sflag:s12] =	ssyncadd.s32 $0xFFFFD8F0  }
0x18: {  	[tilespmem:s25], [sflag:$0x1] =	stream.linear.gather [hbm4b:s4+s3], $0x2800, $0x38;
	[tilespmem:$0xF200] =	vst v63  }
0x19: {  	_ =	swait.ge [sflag:s12], $0x2800  }
0x1a: {  	[sflag:s12] =	ssyncset.done $0x0  }
0x1b: {  	s26 =	simm.s32 $0x7700;
	[sflag:s12] =	ssyncadd.s32 $0xFFFFD800  }
0x1c: {  	[tilespmem:s26], [sflag:$0x1] =	stream.linear.gather [hbm4b:s7+s3], $0x2800, $0x38;
	[tilespmem:$0xF200] =	vst v63  }
0x1d: {  	_ =	swait.ge [sflag:s12], $0x2800  }
0x1e: {  	[sflag:s12] =	ssyncset.done $0x0  }
0x1f: {  	[sflag:s12] =	ssyncadd.s32 $0xFFFFD800  }
0x20: {  	[tilespmem:$0xEF00] =	vst v0  }
0x21: {  	[tilespmem:$0xEF10] =	vst v1  }
0x22: {  	[tilespmem:$0xEF20] =	vst v2  }
0x23: {  	[tilespmem:$0xEF30] =	vst v3  }
0x24: {  	s15 =	simm.s32 $0x4F80;
	[tilespmem:$0xEF40] =	vst v4  }
0x25: {  	s14 =	simm.s32 $0x7780;
	v6 =	vld [tilespmem:s15+$0x0]  }
0x26: {  	v7 =	vld [tilespmem:s14+$0x0]  }
0x27: {  	v8 =	vld [tilespmem:s14+$0xFFFFFF80]  }
0x28: {  	v9 =	vld [tilespmem:s15+$0xFFFFFF80];
	_ =	sdelay $0x2  }
0x29: {  	v6 =	vadd.f32 v7, v6;
	_ =	sdelay $0x1  }
0x2a: {  	v7 =	vadd.f32 v8, v9;
	v6 =	vmax.f32 v6, $1.000000000e+00  }
0x2b: {  	(erf) = vrcp.f32 v6  }
0x2c: {  	v6 =	vmax.f32 v7, $1.000000000e+00  }
0x2d: {  	(erf) = vrcp.f32 v6;
	_ =	sdelay $0x6  }
0x2e: {  	s22 =	simm.s32 $0x9F80;
	v6 =	vpop (erf)  }
0x2f: {  	[tilespmem:s22+$0x0] =	vst v6  }
0x30: {  	v7 =	vpop (erf);
	v6 =	vld [tilespmem:s15+$0x10]  }
0x31: {  	[tilespmem:s22+$0xFFFFFF80] =	vst v7;
	v7 =	vld [tilespmem:s14+$0x10]  }
0x32: {  	v8 =	vld [tilespmem:s15+$0xFFFFFF90]  }
0x33: {  	v9 =	vld [tilespmem:s14+$0xFFFFFF90];
	_ =	sdelay $0x2  }
0x34: {  	v6 =	vadd.f32 v7, v6;
	_ =	sdelay $0x1  }
0x35: {  	v7 =	vadd.f32 v9, v8;
	v6 =	vmax.f32 v6, $1.000000000e+00  }
0x36: {  	(erf) = vrcp.f32 v6  }
0x37: {  	v6 =	vmax.f32 v7, $1.000000000e+00  }
0x38: {  	s31 =	simm.s32 $0x7880;
	(erf) = vrcp.f32 v6  }
0x39: {  	s30 =	simm.s32 $0x5080;
	v7 =	vld [tilespmem:s31+$0x0]  }
0x3a: {  	v6 =	vld [tilespmem:s30+$0x0]  }
0x3b: {  	v8 =	vld [tilespmem:s31+$0xFFFFFF80]  }
0x3c: {  	v9 =	vld [tilespmem:s30+$0xFFFFFF80];
	_ =	sdelay $0x2  }
0x3d: {  	v6 =	vadd.f32 v7, v6;
	v7 =	vpop (erf)  }
0x3e: {  	[tilespmem:s22+$0x10] =	vst v7  }
0x3f: {  	v6 =	vmax.f32 v6, $1.000000000e+00;
	v7 =	vadd.f32 v8, v9;
	v9 =	vpop (erf);
	v8 =	vld [tilespmem:s15+$0x20]  }
0x40: {  	(erf) = vrcp.f32 v6;
	[tilespmem:s22+$0xFFFFFF90] =	vst v9;
	v6 =	vld [tilespmem:s14+$0x20]  }
0x41: {  	v7 =	vmax.f32 v7, $1.000000000e+00;
	v9 =	vld [tilespmem:s15+$0xFFFFFFA0]  }
0x42: {  	(erf) = vrcp.f32 v7;
	v7 =	vld [tilespmem:s14+$0xFFFFFFA0];
	_ =	sdelay $0x2  }
0x43: {  	v6 =	vadd.f32 v6, v8;
	_ =	sdelay $0x1  }
0x44: {  	v7 =	vadd.f32 v7, v9;
	v6 =	vmax.f32 v6, $1.000000000e+00;
	_ =	sdelay $0x1  }
0x45: {  	(erf) = vrcp.f32 v6;
	v7 =	vmax.f32 v7, $1.000000000e+00  }
0x46: {  	s23 =	simm.s32 $0xA080;
	v6 =	vpop (erf)  }
0x47: {  	(erf) = vrcp.f32 v7;
	[tilespmem:s23+$0x0] =	vst v6  }
0x48: {  	v6 =	vld [tilespmem:s30+$0x10];
	v7 =	vpop (erf)  }
0x49: {  	[tilespmem:s23+$0xFFFFFF80] =	vst v7;
	v7 =	vld [tilespmem:s31+$0x10]  }
0x4a: {  	v8 =	vld [tilespmem:s30+$0xFFFFFF90]  }
0x4b: {  	v9 =	vld [tilespmem:s31+$0xFFFFFF90];
	_ =	sdelay $0x2  }
0x4c: {  	v6 =	vadd.f32 v7, v6;
	v7 =	vpop (erf)  }
0x4d: {  	[tilespmem:s22+$0x20] =	vst v7  }
0x4e: {  	v7 =	vadd.f32 v9, v8;
	v9 =	vpop (erf);
	v6 =	vmax.f32 v6, $1.000000000e+00;
	v8 =	vld [tilespmem:s15+$0x30]  }
0x4f: {  	[tilespmem:s22+$0xFFFFFFA0] =	vst v9;
	(erf) = vrcp.f32 v6;
	v6 =	vld [tilespmem:s14+$0x30]  }
0x50: {  	v7 =	vmax.f32 v7, $1.000000000e+00;
	v9 =	vld [tilespmem:s15+$0xFFFFFFB0]  }
0x51: {  	s25 =	simm.s32 $0x5180;
	(erf) = vrcp.f32 v7;
	v7 =	vld [tilespmem:s14+$0xFFFFFFB0]  }
0x52: {  	s26 =	simm.s32 $0x7980;
	v10 =	vld [tilespmem:s25+$0x0]  }
0x53: {  	v11 =	vld [tilespmem:s26+$0x0]  }
0x54: {  	v12 =	vld [tilespmem:s26+$0xFFFFFF80];
	v6 =	vadd.f32 v6, v8  }
0x55: {  	v8 =	vld [tilespmem:s25+$0xFFFFFF80]  }
0x56: {  	v7 =	vadd.f32 v7, v9;
	v6 =	vmax.f32 v6, $1.000000000e+00  }
0x57: {  	(erf) = vrcp.f32 v6  }
0x58: {  	v6 =	vadd.f32 v11, v10;
	v7 =	vmax.f32 v7, $1.000000000e+00;
	v9 =	vpop (erf)  }
0x59: {  	(erf) = vrcp.f32 v7;
	[tilespmem:s23+$0x10] =	vst v9  }
0x5a: {  	v7 =	vadd.f32 v12, v8;
	v6 =	vmax.f32 v6, $1.000000000e+00;
	v9 =	vpop (erf);
	v8 =	vld [tilespmem:s30+$0x20]  }
0x5b: {  	(erf) = vrcp.f32 v6;
	[tilespmem:s23+$0xFFFFFF90] =	vst v9;
	v6 =	vld [tilespmem:s31+$0x20]  }
0x5c: {  	v7 =	vmax.f32 v7, $1.000000000e+00;
	v9 =	vld [tilespmem:s30+$0xFFFFFFA0]  }
0x5d: {  	(erf) = vrcp.f32 v7;
	v7 =	vld [tilespmem:s31+$0xFFFFFFA0];
	_ =	sdelay $0x2  }
0x5e: {  	v6 =	vadd.f32 v6, v8;
	v8 =	vpop (erf)  }
0x5f: {  	[tilespmem:s22+$0x30] =	vst v8  }
0x60: {  	v7 =	vadd.f32 v7, v9;
	v6 =	vmax.f32 v6, $1.000000000e+00;
	v9 =	vpop (erf);
	v8 =	vld [tilespmem:s15+$0x40]  }
0x61: {  	(erf) = vrcp.f32 v6;
	[tilespmem:s22+$0xFFFFFFB0] =	vst v9;
	v6 =	vld [tilespmem:s14+$0x40]  }
0x62: {  	s24 =	simm.s32 $0xA180;
	v9 =	vpop (erf);
	v7 =	vmax.f32 v7, $1.000000000e+00;
	v10 =	vld [tilespmem:s15+$0xFFFFFFC0]  }
0x63: {  	[tilespmem:s24+$0x0] =	vst v9;
	(erf) = vrcp.f32 v7;
	v7 =	vld [tilespmem:s14+$0xFFFFFFC0]  }
0x64: {  	v9 =	vld [tilespmem:s25+$0x10];
	v11 =	vpop (erf)  }
0x65: {  	[tilespmem:s24+$0xFFFFFF80] =	vst v11;
	v11 =	vld [tilespmem:s26+$0x10]  }
0x66: {  	v12 =	vld [tilespmem:s25+$0xFFFFFF90];
	v6 =	vadd.f32 v6, v8  }
0x67: {  	v8 =	vld [tilespmem:s26+$0xFFFFFF90]  }
0x68: {  	v7 =	vadd.f32 v7, v10;
	v6 =	vmax.f32 v6, $1.000000000e+00  }
0x69: {  	(erf) = vrcp.f32 v6  }
0x6a: {  	v6 =	vadd.f32 v11, v9;
	v9 =	vpop (erf);
	v7 =	vmax.f32 v7, $1.000000000e+00  }
0x6b: {  	[tilespmem:s23+$0x20] =	vst v9;
	(erf) = vrcp.f32 v7  }
0x6c: {  	v7 =	vadd.f32 v8, v12;
	v6 =	vmax.f32 v6, $1.000000000e+00;
	v8 =	vld [tilespmem:s30+$0x30];
	v9 =	vpop (erf)  }
0x6d: {  	(erf) = vrcp.f32 v6;
	[tilespmem:s23+$0xFFFFFFA0] =	vst v9;
	v6 =	vld [tilespmem:s31+$0x30]  }
0x6e: {  	v7 =	vmax.f32 v7, $1.000000000e+00;
	v9 =	vld [tilespmem:s30+$0xFFFFFFB0]  }
0x6f: {  	s28 =	simm.s32 $0x5280;
	(erf) = vrcp.f32 v7;
	v7 =	vld [tilespmem:s31+$0xFFFFFFB0]  }
0x70: {  	s29 =	simm.s32 $0x7A80;
	v10 =	vld [tilespmem:s28+$0x0]  }
0x71: {  	v11 =	vld [tilespmem:s29+$0x0]  }
0x72: {  	v13 =	vld [tilespmem:s28+$0xFFFFFF80];
	v6 =	vadd.f32 v6, v8;
	v8 =	vpop (erf)  }
0x73: {  	v12 =	vld [tilespmem:s29+$0xFFFFFF80];
	[tilespmem:s22+$0x40] =	vst v8  }
0x74: {  	v7 =	vadd.f32 v7, v9;
	v6 =	vmax.f32 v6, $1.000000000e+00;
	v8 =	vld [tilespmem:s15+$0x50];
	v9 =	vpop (erf)  }
0x75: {  	(erf) = vrcp.f32 v6;
	[tilespmem:s22+$0xFFFFFFC0] =	vst v9;
	v6 =	vld [tilespmem:s14+$0x50]  }
0x76: {  	v9 =	vadd.f32 v11, v10;
	v7 =	vmax.f32 v7, $1.000000000e+00;
	v10 =	vpop (erf);
	v11 =	vld [tilespmem:s15+$0xFFFFFFD0]  }
0x77: {  	(erf) = vrcp.f32 v7;
	v7 =	vld [tilespmem:s14+$0xFFFFFFD0];
	[tilespmem:s24+$0x10] =	vst v10  }
0x78: {  	v10 =	vadd.f32 v12, v13;
	v9 =	vmax.f32 v9, $1.000000000e+00;
	v13 =	vpop (erf);
	v12 =	vld [tilespmem:s25+$0x20]  }
0x79: {  	(erf) = vrcp.f32 v9;
	[tilespmem:s24+$0xFFFFFF90] =	vst v13;
	v9 =	vld [tilespmem:s26+$0x20]  }
0x7a: {  	v10 =	vmax.f32 v10, $1.000000000e+00;
	v13 =	vld [tilespmem:s25+$0xFFFFFFA0];
	v6 =	vadd.f32 v6, v8  }
0x7b: {  	(erf) = vrcp.f32 v10;
	v8 =	vld [tilespmem:s26+$0xFFFFFFA0]  }
0x7c: {  	v7 =	vadd.f32 v7, v11;
	v6 =	vmax.f32 v6, $1.000000000e+00  }
0x7d: {  	(erf) = vrcp.f32 v6  }
0x7e: {  	v6 =	vadd.f32 v9, v12;
	v7 =	vmax.f32 v7, $1.000000000e+00;
	v9 =	vpop (erf)  }
0x7f: {  	(erf) = vrcp.f32 v7;
	[tilespmem:s23+$0x30] =	vst v9  }
0x80: {  	v7 =	vadd.f32 v8, v13;
	v6 =	vmax.f32 v6, $1.000000000e+00;
	v9 =	vpop (erf);
	v8 =	vld [tilespmem:s30+$0x40]  }
0x81: {  	(erf) = vrcp.f32 v6;
	[tilespmem:s23+$0xFFFFFFB0] =	vst v9;
	v6 =	vld [tilespmem:s31+$0x40]  }
0x82: {  	s1 =	simm.s32 $0xA280;
	v9 =	vpop (erf);
	v7 =	vmax.f32 v7, $1.000000000e+00;
	v10 =	vld [tilespmem:s30+$0xFFFFFFC0]  }
0x83: {  	[tilespmem:s1+$0x0] =	vst v9;
	(erf) = vrcp.f32 v7;
	v7 =	vld [tilespmem:s31+$0xFFFFFFC0]  }
0x84: {  	v9 =	vld [tilespmem:s28+$0x10];
	v11 =	vpop (erf)  }
0x85: {  	[tilespmem:s1+$0xFFFFFF80] =	vst v11;
	v11 =	vld [tilespmem:s29+$0x10]  }
0x86: {  	v12 =	vld [tilespmem:s28+$0xFFFFFF90];
	v6 =	vadd.f32 v6, v8;
	v8 =	vpop (erf)  }
0x87: {  	v13 =	vld [tilespmem:s29+$0xFFFFFF90];
	[tilespmem:s22+$0x50] =	vst v8  }
0x88: {  	v7 =	vadd.f32 v7, v10;
	v6 =	vmax.f32 v6, $1.000000000e+00;
	v10 =	vpop (erf);
	v8 =	vld [tilespmem:s15+$0x60]  }
0x89: {  	(erf) = vrcp.f32 v6;
	[tilespmem:s22+$0xFFFFFFD0] =	vst v10;
	v6 =	vld [tilespmem:s14+$0x60]  }
0x8a: {  	v9 =	vadd.f32 v11, v9;
	v10 =	vpop (erf);
	v7 =	vmax.f32 v7, $1.000000000e+00;
	v11 =	vld [tilespmem:s15+$0xFFFFFFE0]  }
0x8b: {  	[tilespmem:s24+$0x20] =	vst v10;
	(erf) = vrcp.f32 v7;
	v7 =	vld [tilespmem:s14+$0xFFFFFFE0]  }
0x8c: {  	v10 =	vadd.f32 v13, v12;
	v9 =	vmax.f32 v9, $1.000000000e+00;
	v12 =	vld [tilespmem:s25+$0x30];
	v13 =	vpop (erf)  }
0x8d: {  	(erf) = vrcp.f32 v9;
	[tilespmem:s24+$0xFFFFFFA0] =	vst v13;
	v9 =	vld [tilespmem:s26+$0x30]  }
0x8e: {  	v10 =	vmax.f32 v10, $1.000000000e+00;
	v13 =	vld [tilespmem:s25+$0xFFFFFFB0];
	v6 =	vadd.f32 v6, v8  }
0x8f: {  	s13 =	simm.s32 $0x5380;
	(erf) = vrcp.f32 v10;
	v8 =	vld [tilespmem:s26+$0xFFFFFFB0]  }
0x90: {  	s18 =	simm.s32 $0x7B80;
	v10 =	vld [tilespmem:s13+$0x0];
	v7 =	vadd.f32 v7, v11;
	v6 =	vmax.f32 v6, $1.000000000e+00  }
0x91: {  	v11 =	vld [tilespmem:s18+$0x0];
	(erf) = vrcp.f32 v6  }
0x92: {  	v14 =	vld [tilespmem:s13+$0xFFFFFF80];
	v9 =	vadd.f32 v9, v12;
	v12 =	vpop (erf);
	v7 =	vmax.f32 v7, $1.000000000e+00  }
0x93: {  	v6 =	vld [tilespmem:s18+$0xFFFFFF80];
	[tilespmem:s23+$0x40] =	vst v12;
	(erf) = vrcp.f32 v7  }
0x94: {  	v7 =	vadd.f32 v8, v13;
	v8 =	vmax.f32 v9, $1.000000000e+00;
	v9 =	vld [tilespmem:s30+$0x50];
	v12 =	vpop (erf)  }
0x95: {  	(erf) = vrcp.f32 v8;
	[tilespmem:s23+$0xFFFFFFC0] =	vst v12;
	v8 =	vld [tilespmem:s31+$0x50]  }
0x96: {  	v10 =	vadd.f32 v11, v10;
	v7 =	vmax.f32 v7, $1.000000000e+00;
	v11 =	vpop (erf);
	v12 =	vld [tilespmem:s30+$0xFFFFFFD0]  }
0x97: {  	(erf) = vrcp.f32 v7;
	v7 =	vld [tilespmem:s31+$0xFFFFFFD0];
	[tilespmem:s1+$0x10] =	vst v11  }
0x98: {  	v6 =	vadd.f32 v6, v14;
	v10 =	vmax.f32 v10, $1.000000000e+00;
	v13 =	vpop (erf);
	v11 =	vld [tilespmem:s28+$0x20]  }
0x99: {  	(erf) = vrcp.f32 v10;
	[tilespmem:s1+$0xFFFFFF90] =	vst v13;
	v10 =	vld [tilespmem:s29+$0x20]  }
0x9a: {  	v6 =	vmax.f32 v6, $1.000000000e+00;
	v13 =	vld [tilespmem:s28+$0xFFFFFFA0];
	v8 =	vadd.f32 v8, v9;
	v9 =	vpop (erf)  }
0x9b: {  	(erf) = vrcp.f32 v6;
	v6 =	vld [tilespmem:s29+$0xFFFFFFA0];
	[tilespmem:s22+$0x60] =	vst v9  }
0x9c: {  	v7 =	vadd.f32 v7, v12;
	v8 =	vmax.f32 v8, $1.000000000e+00;
	v9 =	vld [tilespmem:s15+$0x70];
	v12 =	vpop (erf)  }
0x9d: {  	(erf) = vrcp.f32 v8;
	[tilespmem:s22+$0xFFFFFFE0] =	vst v12;
	v8 =	vld [tilespmem:s14+$0x70]  }
0x9e: {  	v10 =	vadd.f32 v10, v11;
	v7 =	vmax.f32 v7, $1.000000000e+00;
	v11 =	vpop (erf);
	v12 =	vld [tilespmem:s15+$0xFFFFFFF0]  }
0x9f: {  	(erf) = vrcp.f32 v7;
	v7 =	vld [tilespmem:s14+$0xFFFFFFF0];
	[tilespmem:s24+$0x30] =	vst v11  }
0xa0: {  	v6 =	vadd.f32 v6, v13;
	v10 =	vmax.f32 v10, $1.000000000e+00;
	v13 =	vpop (erf);
	v11 =	vld [tilespmem:s25+$0x40]  }
0xa1: {  	(erf) = vrcp.f32 v10;
	[tilespmem:s24+$0xFFFFFFB0] =	vst v13;
	v10 =	vld [tilespmem:s26+$0x40]  }
0xa2: {  	s14 =	simm.s32 $0xA380;
	v13 =	vpop (erf);
	v6 =	vmax.f32 v6, $1.000000000e+00;
	v14 =	vld [tilespmem:s25+$0xFFFFFFC0];
	v8 =	vadd.f32 v8, v9  }
0xa3: {  	[tilespmem:s14+$0x0] =	vst v13;
	(erf) = vrcp.f32 v6;
	v6 =	vld [tilespmem:s26+$0xFFFFFFC0]  }
0xa4: {  	v13 =	vld [tilespmem:s13+$0x10];
	v9 =	vpop (erf);
	v7 =	vadd.f32 v7, v12;
	v8 =	vmax.f32 v8, $1.000000000e+00  }
0xa5: {  	v15 =	vld [tilespmem:s18+$0x10];
	[tilespmem:s14+$0xFFFFFF80] =	vst v9;
	(erf) = vrcp.f32 v8  }
0xa6: {  	v8 =	vld [tilespmem:s13+$0xFFFFFF90];
	v10 =	vadd.f32 v10, v11;
	v7 =	vmax.f32 v7, $1.000000000e+00;
	v9 =	vpop (erf)  }
0xa7: {  	v16 =	vld [tilespmem:s18+$0xFFFFFF90];
	(erf) = vrcp.f32 v7;
	[tilespmem:s23+$0x50] =	vst v9  }
0xa8: {  	v9 =	vpop (erf);
	v6 =	vadd.f32 v6, v14;
	v7 =	vmax.f32 v10, $1.000000000e+00;
	v12 =	vld [tilespmem:s30+$0x60]  }
0xa9: {  	[tilespmem:s23+$0xFFFFFFD0] =	vst v9;
	v17 =	vld [tilespmem:s31+$0x60];
	(erf) = vrcp.f32 v7  }
0xaa: {  	v13 =	vadd.f32 v15, v13;
	v11 =	vpop (erf);
	v9 =	vld [tilespmem:s30+$0xFFFFFFE0];
	v6 =	vmax.f32 v6, $1.000000000e+00  }
0xab: {  	[tilespmem:s1+$0x20] =	vst v11;
	v11 =	vld [tilespmem:s31+$0xFFFFFFE0];
	(erf) = vrcp.f32 v6  }
0xac: {  	v8 =	vadd.f32 v16, v8;
	v6 =	vmax.f32 v13, $1.000000000e+00;
	v7 =	vld [tilespmem:s28+$0x30];
	v10 =	vpop (erf)  }
0xad: {  	(erf) = vrcp.f32 v6;
	[tilespmem:s1+$0xFFFFFFA0] =	vst v10;
	v10 =	vld [tilespmem:s29+$0x30]  }
0xae: {  	v6 =	vmax.f32 v8, $1.000000000e+00;
	v8 =	vld [tilespmem:s28+$0xFFFFFFB0];
	v13 =	vadd.f32 v17, v12;
	v14 =	vpop (erf)  }
0xaf: {  	s19 =	simm.s32 $0x8;
	s0 =	simm.s32 $0x5480;
	s15 =	simm.s32 $0x7B80;
	(erf) = vrcp.f32 v6;
	v12 =	vld [tilespmem:s29+$0xFFFFFFB0];
	[tilespmem:s22+$0x70] =	vst v14  }
.LBB2_2:
0xb0: {  	v6 =	vld [tilespmem:s0+$0x0];
	s18 =	sadd.s32 $0x100, s18;
	v9 =	vadd.f32 v11, v9;
	v11 =	vmax.f32 v13, $1.000000000e+00;
	v13 =	vpop (erf)  }
0xb1: {  	v14 =	vld [tilespmem:s18+$0x0];
	(erf) = vrcp.f32 v11;
	[tilespmem:s22+$0xFFFFFFF0] =	vst v13;
	s22 =	smov.u32 s23;
	s23 =	smov.u32 s24;
	s24 =	smov.u32 s1  }
0xb2: {  	s1 =	smov.u32 s14;
	v11 =	vld [tilespmem:s18+$0xFFFFFF80];
	v7 =	vadd.f32 v10, v7;
	v10 =	vpop (erf);
	v9 =	vmax.f32 v9, $1.000000000e+00  }
0xb3: {  	v13 =	vld [tilespmem:s0+$0xFFFFFF80];
	[tilespmem:s23+$0x40] =	vst v10;
	(erf) = vrcp.f32 v9  }
0xb4: {  	v8 =	vadd.f32 v12, v8;
	v7 =	vmax.f32 v7, $1.000000000e+00;
	v9 =	vld [tilespmem:s25+$0x50];
	v10 =	vpop (erf)  }
0xb5: {  	(erf) = vrcp.f32 v7;
	[tilespmem:s23+$0xFFFFFFC0] =	vst v10;
	v7 =	vld [tilespmem:s26+$0x50]  }
0xb6: {  	v6 =	vadd.f32 v14, v6;
	v10 =	vpop (erf);
	v8 =	vmax.f32 v8, $1.000000000e+00;
	v12 =	vld [tilespmem:s25+$0xFFFFFFD0]  }
0xb7: {  	[tilespmem:s14+$0x10] =	vst v10;
	(erf) = vrcp.f32 v8;
	v8 =	vld [tilespmem:s26+$0xFFFFFFD0]  }
0xb8: {  	s19 =	sadd.s32 $0x2, s19;
	v10 =	vadd.f32 v11, v13;
	v6 =	vmax.f32 v6, $1.000000000e+00;
	v11 =	vld [tilespmem:s13+$0x20];
	v13 =	vpop (erf)  }
0xb9: {  	p3 =	slt.u32 s19, $0x4E;
	(erf) = vrcp.f32 v6;
	[tilespmem:s14+$0xFFFFFF90] =	vst v13;
	v6 =	vld [tilespmem:s15+$0x20]  }
0xba: {  	v10 =	vmax.f32 v10, $1.000000000e+00;
	v13 =	vld [tilespmem:s13+$0xFFFFFFA0];
	v7 =	vadd.f32 v7, v9;
	v9 =	vpop (erf)  }
0xbb: {  	(erf) = vrcp.f32 v10;
	v10 =	vld [tilespmem:s15+$0xFFFFFFA0];
	[tilespmem:s22+$0x60] =	vst v9  }
0xbc: {  	v8 =	vadd.f32 v8, v12;
	v7 =	vmax.f32 v7, $1.000000000e+00;
	v9 =	vld [tilespmem:s30+$0x70];
	v12 =	vpop (erf)  }
0xbd: {  	(erf) = vrcp.f32 v7;
	[tilespmem:s22+$0xFFFFFFE0] =	vst v12;
	v7 =	vld [tilespmem:s31+$0x70]  }
0xbe: {  	v6 =	vadd.f32 v6, v11;
	v11 =	vpop (erf);
	v8 =	vmax.f32 v8, $1.000000000e+00;
	v12 =	vld [tilespmem:s30+$0xFFFFFFF0];
	s30 =	smov.u32 s25;
	s25 =	smov.u32 s28;
	s28 =	smov.u32 s13  }
0xbf: {  	[tilespmem:s24+$0x30] =	vst v11;
	(erf) = vrcp.f32 v8;
	v8 =	vld [tilespmem:s31+$0xFFFFFFF0];
	s31 =	smov.u32 s26;
	s26 =	smov.u32 s29;
	s29 =	smov.u32 s15  }
0xc0: {  	s13 =	smov.u32 s0;
	s15 =	smov.u32 s18;
	v10 =	vadd.f32 v10, v13;
	v6 =	vmax.f32 v6, $1.000000000e+00;
	v11 =	vld [tilespmem:s25+$0x40];
	v13 =	vpop (erf)  }
0xc1: {  	(erf) = vrcp.f32 v6;
	[tilespmem:s24+$0xFFFFFFB0] =	vst v13;
	v6 =	vld [tilespmem:s26+$0x40]  }
0xc2: {  	s14 =	sadd.s32 $0x100, s14;
	v13 =	vpop (erf);
	v10 =	vmax.f32 v10, $1.000000000e+00;
	v14 =	vld [tilespmem:s25+$0xFFFFFFC0];
	v7 =	vadd.f32 v7, v9  }
0xc3: {  	[tilespmem:s14+$0x0] =	vst v13;
	(erf) = vrcp.f32 v10;
	v9 =	vld [tilespmem:s26+$0xFFFFFFC0]  }
0xc4: {  	v10 =	vld [tilespmem:s0+$0x10];
	v13 =	vpop (erf);
	v8 =	vadd.f32 v8, v12;
	v7 =	vmax.f32 v7, $1.000000000e+00  }
0xc5: {  	[tilespmem:s14+$0xFFFFFF80] =	vst v13;
	v12 =	vld [tilespmem:s18+$0x10];
	(erf) = vrcp.f32 v7  }
0xc6: {  	v7 =	vld [tilespmem:s0+$0xFFFFFF90];
	v6 =	vadd.f32 v6, v11;
	v11 =	vpop (erf);
	v8 =	vmax.f32 v8, $1.000000000e+00  }
0xc7: {  	v13 =	vld [tilespmem:s18+$0xFFFFFF90];
	[tilespmem:s23+$0x50] =	vst v11;
	(erf) = vrcp.f32 v8  }
0xc8: {  	v8 =	vadd.f32 v9, v14;
	v6 =	vmax.f32 v6, $1.000000000e+00;
	v14 =	vld [tilespmem:s30+$0x60];
	v9 =	vpop (erf)  }
0xc9: {  	(erf) = vrcp.f32 v6;
	[tilespmem:s23+$0xFFFFFFD0] =	vst v9;
	v6 =	vld [tilespmem:s31+$0x60]  }
0xca: {  	v10 =	vadd.f32 v12, v10;
	v11 =	vpop (erf);
	v8 =	vmax.f32 v8, $1.000000000e+00;
	v9 =	vld [tilespmem:s30+$0xFFFFFFE0]  }
.Ltmp0:
0xcb: {  	[tilespmem:s1+$0x20] =	vst v11;
	(erf) = vrcp.f32 v8;
	v11 =	vld [tilespmem:s31+$0xFFFFFFE0];
	(pc) =	sbr.rel @p3 .LBB2_2-.Ltmp0, $4  }
0xcc: {  	v8 =	vadd.f32 v13, v7;
	v10 =	vmax.f32 v10, $1.000000000e+00;
	v7 =	vld [tilespmem:s28+$0x30];
	v12 =	vpop (erf)  }
0xcd: {  	(erf) = vrcp.f32 v10;
	[tilespmem:s1+$0xFFFFFFA0] =	vst v12;
	v10 =	vld [tilespmem:s29+$0x30]  }
0xce: {  	v12 =	vmax.f32 v8, $1.000000000e+00;
	v8 =	vld [tilespmem:s28+$0xFFFFFFB0];
	v13 =	vadd.f32 v6, v14;
	v6 =	vpop (erf)  }
0xcf: {  	s0 =	sadd.s32 $0x100, s0;
	(erf) = vrcp.f32 v12;
	v12 =	vld [tilespmem:s29+$0xFFFFFFB0];
	[tilespmem:s22+$0x70] =	vst v6  }
0xd0: {  	_ = 	snop  }
0xd1: {  	v6 =	vpop (erf)  }
0xd2: {  	v14 =	vpop (erf)  }
0xd3: {  	[tilespmem:s24+$0x40] =	vst v14  }
0xd4: {  	v36 =	vld [tilespmem:s25+$0x50];
	v37 =	vpop (erf)  }
0xd5: {  	v9 =	vadd.f32 v11, v9;
	v35 =	vmax.f32 v13, $1.000000000e+00;
	v38 =	vld [tilespmem:s26+$0x50];
	[tilespmem:s24+$0xFFFFFFC0] =	vst v37  }
0xd6: {  	v7 =	vadd.f32 v10, v7;
	(erf) = vrcp.f32 v35;
	v39 =	vpop (erf);
	v14 =	vld [tilespmem:s25+$0xFFFFFFD0]  }
0xd7: {  	v9 =	vmax.f32 v9, $1.000000000e+00;
	v40 =	vld [tilespmem:s26+$0xFFFFFFD0];
	[tilespmem:s14+$0x10] =	vst v39  }
0xd8: {  	v7 =	vmax.f32 v7, $1.000000000e+00;
	(erf) = vrcp.f32 v9;
	v10 =	vld [tilespmem:s13+$0x20]  }
0xd9: {  	v8 =	vadd.f32 v12, v8;
	(erf) = vrcp.f32 v7;
	v7 =	vld [tilespmem:s15+$0x20]  }
0xda: {  	v41 =	vpop (erf)  }
0xdb: {  	v8 =	vmax.f32 v8, $1.000000000e+00;
	[tilespmem:s14+$0xFFFFFF90] =	vst v41;
	v11 =	vadd.f32 v38, v36  }
0xdc: {  	(erf) = vrcp.f32 v8;
	v12 =	vld [tilespmem:s13+$0xFFFFFFA0]  }
0xdd: {  	v42 =	vld [tilespmem:s15+$0xFFFFFFA0];
	v9 =	vadd.f32 v40, v14;
	v11 =	vmax.f32 v11, $1.000000000e+00  }
0xde: {  	(erf) = vrcp.f32 v11;
	v7 =	vadd.f32 v7, v10  }
0xdf: {  	v43 =	vpop (erf);
	v9 =	vmax.f32 v9, $1.000000000e+00  }
0xe0: {  	[tilespmem:s23+$0x60] =	vst v43;
	(erf) = vrcp.f32 v9;
	v7 =	vmax.f32 v7, $1.000000000e+00  }
0xe1: {  	v44 =	vld [tilespmem:s30+$0x70];
	v45 =	vpop (erf)  }
0xe2: {  	v8 =	vadd.f32 v42, v12;
	v46 =	vld [tilespmem:s31+$0x70];
	[tilespmem:s23+$0xFFFFFFE0] =	vst v45  }
0xe3: {  	(erf) = vrcp.f32 v7;
	v47 =	vld [tilespmem:s30+$0xFFFFFFF0];
	v7 =	vpop (erf)  }
0xe4: {  	v8 =	vmax.f32 v8, $1.000000000e+00;
	[tilespmem:s1+$0x30] =	vst v7;
	v7 =	vld [tilespmem:s31+$0xFFFFFFF0]  }
0xe5: {  	(erf) = vrcp.f32 v8;
	v49 =	vpop (erf);
	v48 =	vld [tilespmem:s28+$0x40]  }
0xe6: {  	[tilespmem:s1+$0xFFFFFFB0] =	vst v49;
	v50 =	vld [tilespmem:s29+$0x40]  }
0xe7: {  	v51 =	vld [tilespmem:s28+$0xFFFFFFC0];
	v52 =	vpop (erf)  }
0xe8: {  	v15 =	vld [tilespmem:s29+$0xFFFFFFC0];
	[tilespmem:s24+$0x50] =	vst v52  }
0xe9: {  	v53 =	vld [tilespmem:s25+$0x60];
	v54 =	vpop (erf)  }
0xea: {  	v9 =	vadd.f32 v46, v44;
	v55 =	vld [tilespmem:s26+$0x60];
	[tilespmem:s24+$0xFFFFFFD0] =	vst v54  }
0xeb: {  	v7 =	vadd.f32 v7, v47;
	v14 =	vld [tilespmem:s25+$0xFFFFFFE0]  }
0xec: {  	v9 =	vmax.f32 v9, $1.000000000e+00;
	v8 =	vadd.f32 v50, v48;
	v56 =	vpop (erf);
	v57 =	vld [tilespmem:s26+$0xFFFFFFE0]  }
0xed: {  	(erf) = vrcp.f32 v9;
	v7 =	vmax.f32 v7, $1.000000000e+00;
	[tilespmem:s14+$0x20] =	vst v56  }
0xee: {  	(erf) = vrcp.f32 v7;
	v7 =	vadd.f32 v15, v51;
	v8 =	vmax.f32 v8, $1.000000000e+00;
	v12 =	vld [tilespmem:s13+$0x30];
	v58 =	vpop (erf)  }
0xef: {  	v59 =	vld [tilespmem:s15+$0x30];
	(erf) = vrcp.f32 v8;
	[tilespmem:s14+$0xFFFFFFA0] =	vst v58  }
0xf0: {  	v10 =	vadd.f32 v55, v53;
	v7 =	vmax.f32 v7, $1.000000000e+00;
	v13 =	vld [tilespmem:s13+$0xFFFFFFB0]  }
0xf1: {  	(erf) = vrcp.f32 v7;
	v7 =	vld [tilespmem:s15+$0xFFFFFFB0];
	v9 =	vadd.f32 v57, v14  }
0xf2: {  	v10 =	vmax.f32 v10, $1.000000000e+00  }
0xf3: {  	(erf) = vrcp.f32 v10;
	v9 =	vmax.f32 v9, $1.000000000e+00  }
0xf4: {  	v8 =	vadd.f32 v59, v12  }
0xf5: {  	(erf) = vrcp.f32 v9  }
0xf6: {  	v8 =	vmax.f32 v8, $1.000000000e+00;
	v9 =	vpop (erf);
	v7 =	vadd.f32 v7, v13  }
0xf7: {  	(erf) = vrcp.f32 v8;
	v10 =	vpop (erf)  }
0xf8: {  	v60 =	vpop (erf);
	v7 =	vmax.f32 v7, $1.000000000e+00  }
0xf9: {  	[tilespmem:s1+$0x40] =	vst v60;
	(erf) = vrcp.f32 v7  }
0xfa: {  	v7 =	vld [tilespmem:s28+$0x50];
	v61 =	vpop (erf)  }
0xfb: {  	v62 =	vld [tilespmem:s29+$0x50];
	[tilespmem:s1+$0xFFFFFFC0] =	vst v61  }
0xfc: {  	v20 =	vpop (erf);
	v63 =	vld [tilespmem:s28+$0xFFFFFFD0]  }
0xfd: {  	v21 =	vld [tilespmem:s29+$0xFFFFFFD0];
	[tilespmem:s24+$0x60] =	vst v20  }
0xfe: {  	v12 =	vld [tilespmem:s25+$0x70];
	v22 =	vpop (erf)  }
0xff: {  	v23 =	vld [tilespmem:s26+$0x70];
	[tilespmem:s24+$0xFFFFFFE0] =	vst v22  }
0x100: {  	v24 =	vpop (erf);
	v16 =	vld [tilespmem:s25+$0xFFFFFFF0]  }
0x101: {  	v25 =	vld [tilespmem:s26+$0xFFFFFFF0];
	[tilespmem:s14+$0x30] =	vst v24  }
0x102: {  	v17 =	vld [tilespmem:s13+$0x40];
	v18 =	vpop (erf)  }
0x103: {  	v26 =	vld [tilespmem:s15+$0x40];
	[tilespmem:s14+$0xFFFFFFB0] =	vst v18  }
0x104: {  	v7 =	vadd.f32 v62, v7;
	v27 =	vld [tilespmem:s13+$0xFFFFFFC0]  }
0x105: {  	v11 =	vadd.f32 v21, v63;
	v28 =	vld [tilespmem:s15+$0xFFFFFFC0]  }
0x106: {  	v7 =	vmax.f32 v7, $1.000000000e+00;
	v12 =	vadd.f32 v23, v12  }
0x107: {  	(erf) = vrcp.f32 v7;
	v7 =	vmax.f32 v11, $1.000000000e+00;
	v29 =	vadd.f32 v25, v16  }
0x108: {  	(erf) = vrcp.f32 v7;
	v7 =	vmax.f32 v12, $1.000000000e+00;
	v30 =	vadd.f32 v26, v17  }
0x109: {  	(erf) = vrcp.f32 v7;
	v7 =	vmax.f32 v29, $1.000000000e+00  }
0x10a: {  	(erf) = vrcp.f32 v7;
	v31 =	vmax.f32 v30, $1.000000000e+00;
	v7 =	vadd.f32 v28, v27  }
0x10b: {  	(erf) = vrcp.f32 v31  }
0x10c: {  	v7 =	vmax.f32 v7, $1.000000000e+00  }
0x10d: {  	(erf) = vrcp.f32 v7;
	_ =	sdelay $0x2  }
0x10e: {  	v7 =	vpop (erf)  }
0x10f: {  	[tilespmem:s1+$0x50] =	vst v7;
	v7 =	vpop (erf)  }
0x110: {  	v32 =	vld [tilespmem:s28+$0x60];
	v33 =	vpop (erf)  }
0x111: {  	[tilespmem:s1+$0xFFFFFFD0] =	vst v7;
	v7 =	vld [tilespmem:s29+$0x60];
	v34 =	vpop (erf)  }
0x112: {  	v35 =	vld [tilespmem:s28+$0xFFFFFFE0];
	v36 =	vpop (erf)  }
0x113: {  	v37 =	vld [tilespmem:s29+$0xFFFFFFE0];
	[tilespmem:s14+$0x40] =	vst v36  }
0x114: {  	v14 =	vld [tilespmem:s13+$0x50];
	v38 =	vpop (erf)  }
0x115: {  	v39 =	vld [tilespmem:s15+$0x50];
	[tilespmem:s14+$0xFFFFFFC0] =	vst v38  }
0x116: {  	v7 =	vadd.f32 v7, v32;
	v40 =	vld [tilespmem:s13+$0xFFFFFFD0]  }
0x117: {  	v41 =	vld [tilespmem:s15+$0xFFFFFFD0]  }
0x118: {  	v13 =	vadd.f32 v37, v35;
	v7 =	vmax.f32 v7, $1.000000000e+00  }
0x119: {  	(erf) = vrcp.f32 v7  }
0x11a: {  	v7 =	vmax.f32 v13, $1.000000000e+00;
	v42 =	vadd.f32 v39, v14  }
0x11b: {  	(erf) = vrcp.f32 v7  }
0x11c: {  	v43 =	vmax.f32 v42, $1.000000000e+00;
	v7 =	vadd.f32 v41, v40  }
0x11d: {  	(erf) = vrcp.f32 v43  }
0x11e: {  	v7 =	vmax.f32 v7, $1.000000000e+00  }
0x11f: {  	(erf) = vrcp.f32 v7;
	_ =	sdelay $0x2  }
0x120: {  	v7 =	vpop (erf)  }
0x121: {  	[tilespmem:s1+$0x60] =	vst v7  }
0x122: {  	v44 =	vpop (erf);
	v7 =	vld [tilespmem:s28+$0x70]  }
0x123: {  	[tilespmem:s1+$0xFFFFFFE0] =	vst v44;
	v45 =	vld [tilespmem:s29+$0x70]  }
0x124: {  	v46 =	vld [tilespmem:s28+$0xFFFFFFF0];
	v47 =	vpop (erf)  }
0x125: {  	v48 =	vld [tilespmem:s29+$0xFFFFFFF0];
	[tilespmem:s14+$0x50] =	vst v47  }
0x126: {  	v14 =	vld [tilespmem:s13+$0x60];
	v49 =	vpop (erf)  }
0x127: {  	v50 =	vld [tilespmem:s15+$0x60];
	[tilespmem:s14+$0xFFFFFFD0] =	vst v49  }
0x128: {  	v51 =	vld [tilespmem:s13+$0xFFFFFFE0]  }
0x129: {  	v52 =	vld [tilespmem:s15+$0xFFFFFFE0]  }
0x12a: {  	v7 =	vadd.f32 v45, v7  }
0x12b: {  	v53 =	vadd.f32 v48, v46  }
0x12c: {  	v7 =	vmax.f32 v7, $1.000000000e+00;
	v54 =	vadd.f32 v50, v14  }
0x12d: {  	(erf) = vrcp.f32 v7;
	v7 =	vmax.f32 v53, $1.000000000e+00  }
0x12e: {  	(erf) = vrcp.f32 v7;
	v55 =	vmax.f32 v54, $1.000000000e+00;
	v7 =	vadd.f32 v52, v51  }
0x12f: {  	(erf) = vrcp.f32 v55  }
0x130: {  	v7 =	vmax.f32 v7, $1.000000000e+00  }
0x131: {  	(erf) = vrcp.f32 v7;
	_ =	sdelay $0x4  }
0x132: {  	v7 =	vpop (erf)  }
0x133: {  	v56 =	vpop (erf)  }
0x134: {  	v57 =	vpop (erf)  }
0x135: {  	[tilespmem:s14+$0x60] =	vst v57  }
0x136: {  	v13 =	vld [tilespmem:s13+$0x70];
	v58 =	vpop (erf)  }
0x137: {  	v59 =	vld [tilespmem:s15+$0x70];
	[tilespmem:s14+$0xFFFFFFE0] =	vst v58  }
0x138: {  	v60 =	vld [tilespmem:s13+$0xFFFFFFF0]  }
0x139: {  	v61 =	vld [tilespmem:s15+$0xFFFFFFF0];
	_ =	sdelay $0x3  }
0x13a: {  	v13 =	vadd.f32 v59, v13  }
0x13b: {  	v62 =	vadd.f32 v61, v60  }
0x13c: {  	v13 =	vmax.f32 v13, $1.000000000e+00  }
0x13d: {  	(erf) = vrcp.f32 v13;
	v63 =	vmax.f32 v62, $1.000000000e+00  }
0x13e: {  	(erf) = vrcp.f32 v63;
	_ =	sdelay $0x1  }
0x13f: {  	[tilespmem:s22+$0xFFFFFFF0] =	vst v6  }
0x140: {  	[tilespmem:s23+$0x70] =	vst v9  }
0x141: {  	[tilespmem:s23+$0xFFFFFFF0] =	vst v10  }
0x142: {  	[tilespmem:s24+$0x70] =	vst v33  }
0x143: {  	[tilespmem:s24+$0xFFFFFFF0] =	vst v34  }
0x144: {  	[tilespmem:s1+$0x70] =	vst v7  }
0x145: {  	[tilespmem:s1+$0xFFFFFFF0] =	vst v56;
	v6 =	vpop (erf)  }
0x146: {  	[tilespmem:s14+$0x70] =	vst v6;
	v6 =	vpop (erf)  }
0x147: {  	s0 =	simm.s32 @p0 $0x0;
	[tilespmem:s14+$0xFFFFFFF0] =	vst v6  }
0x148: {  	[hbm4b:s9+s0] =	stream.linear.scatter @p0 [tilespmem:s8], [sflag:$0x1], $0x400, $0x38;
	[tilespmem:$0xF200] =	vst v63  }
0x149: {  	s0 =	simm.s32 @p0 $0x1  }
0x14a: {  	_ =	swait.ge @p0 [sflag:s0], $0x400  }
0x14b: {  	[sflag:s0] =	ssyncset.done @p0 $0x0  }
0x14c: {  	[sflag:s0] =	ssyncadd.s32 @p0 $0xFFFFFC00;
	s0 =	simm.s32 $0xC780  }
0x14d: {  	[tilespmem:s0+$0xFFFFFF80] =	vst v5  }
0x14e: {  	[tilespmem:s0+$0x70] =	vst v5  }
0x14f: {  	[tilespmem:s0+$0x60] =	vst v5  }
0x150: {  	[tilespmem:s0+$0x50] =	vst v5  }
0x151: {  	[tilespmem:s0+$0x40] =	vst v5  }
0x152: {  	[tilespmem:s0+$0x30] =	vst v5  }
0x153: {  	[tilespmem:s0+$0x20] =	vst v5  }
0x154: {  	[tilespmem:s0+$0x10] =	vst v5  }
0x155: {  	[tilespmem:s0+$0x0] =	vst v5  }
0x156: {  	[tilespmem:s0+$0xFFFFFFF0] =	vst v5  }
0x157: {  	[tilespmem:s0+$0xFFFFFFE0] =	vst v5  }
0x158: {  	[tilespmem:s0+$0xFFFFFFD0] =	vst v5  }
0x159: {  	[tilespmem:s0+$0xFFFFFFC0] =	vst v5  }
0x15a: {  	[tilespmem:s0+$0xFFFFFFB0] =	vst v5  }
0x15b: {  	s1 =	simm.s32 $0x0;
	[tilespmem:s0+$0xFFFFFFA0] =	vst v5  }
.LBB2_4:
0x15c: {  	s1 =	sadd.s32 $0x2, s1;
	[tilespmem:s0+$0xFFFFFF90] =	vst v5;
	s0 =	sadd.s32 $0x100, s0  }
0x15d: {  	[tilespmem:s0+$0xFFFFFF80] =	vst v5;
	p3 =	slt.u32 s1, $0x4E  }
0x15e: {  	[tilespmem:s0+$0x70] =	vst v5  }
0x15f: {  	[tilespmem:s0+$0x60] =	vst v5  }
0x160: {  	[tilespmem:s0+$0x50] =	vst v5  }
0x161: {  	[tilespmem:s0+$0x40] =	vst v5  }
0x162: {  	[tilespmem:s0+$0x30] =	vst v5  }
0x163: {  	[tilespmem:s0+$0x20] =	vst v5  }
0x164: {  	[tilespmem:s0+$0x10] =	vst v5  }
0x165: {  	[tilespmem:s0+$0x0] =	vst v5  }
0x166: {  	[tilespmem:s0+$0xFFFFFFF0] =	vst v5  }
.Ltmp1:
0x167: {  	[tilespmem:s0+$0xFFFFFFE0] =	vst v5;
	(pc) =	sbr.rel @p3 .LBB2_4-.Ltmp1, $4  }
0x168: {  	[tilespmem:s0+$0xFFFFFFD0] =	vst v5  }
0x169: {  	[tilespmem:s0+$0xFFFFFFC0] =	vst v5  }
0x16a: {  	[tilespmem:s0+$0xFFFFFFB0] =	vst v5  }
0x16b: {  	[tilespmem:s0+$0xFFFFFFA0] =	vst v5  }
0x16c: {  	[tilespmem:s0+$0xFFFFFF90] =	vst v5;
	s0 =	simm.s32 @!p1 $0xC700  }
0x16d: {  	[spmem:s2] =	stream.linear.scatter @!p1 [tilespmem:s0], [sflag:$0x1], $0x2800, $0x38;
	[tilespmem:$0xF200] =	vst v63  }
0x16e: {  	s0 =	simm.s32 @!p1 $0x1  }
0x16f: {  	_ =	swait.ge @!p1 [sflag:s0], $0x2800  }
0x170: {  	[sflag:s0] =	ssyncset.done @!p1 $0x0  }
0x171: {  	[sflag:s0] =	ssyncadd.s32 @!p1 $0xFFFFD800  }
0x172: {  	s31 =	simm.s32 $0x0;
	s13 =	simm.s32 $0xC0;
	[bflag:$0x0] =	sbarrier.arrive $0xFFFF  }
0x173: {  	s0 =	sand.u32 $0x3FF0, s31;
	v6 =	vld [tilespmem:s13+$0xB0]  }
0x174: {  	v7 =	vld [tilespmem:s0+$0x180]  }
0x175: {  	v8 =	vld [tilespmem:s0+$0x80]  }
0x176: {  	v9 =	vld [tilespmem:s0+$0x100]  }
0x177: {  	v10 =	vld [tilespmem:s0+$0x2800]  }
0x178: {  	s1 =	simm.s32 $0x2840;
	v11 =	vld [tilespmem:s0+$0x2880]  }
0x179: {  	v12 =	vld [tilespmem:s1+$0xB0]  }
0x17a: {  	v13 =	vld [tilespmem:s0+$0x2900]  }
0x17b: {  	v14 =	vld [tilespmem:s13+$0xFFFFFF40]  }
0x17c: {  	v15 =	vld [tilespmem:s13+$0xFFFFFF50]  }
0x17d: {  	v58 =	vld [tilespmem:s13+$0xFFFFFF80]  }
0x17e: {  	v59 =	vld [tilespmem:s13+$0xFFFFFF90]  }
0x17f: {  	v60 =	vld [tilespmem:s13+$0xFFFFFFA0]  }
0x180: {  	v61 =	vld [tilespmem:s13+$0xFFFFFFB0]  }
0x181: {  	v62 =	vld [tilespmem:s13+$0xFFFFFFD0]  }
0x182: {  	v63 =	vld [tilespmem:s13+$0xFFFFFFE0]  }
0x183: {  	v16 =	vld [tilespmem:s13+$0xFFFFFFF0]  }
0x184: {  	v17 =	vld [tilespmem:s13+$0x0]  }
0x185: {  	v18 =	vld [tilespmem:s13+$0x10]  }
0x186: {  	v19 =	vld [tilespmem:s13+$0x20]  }
0x187: {  	v20 =	vld [tilespmem:s13+$0x30]  }
0x188: {  	v21 =	vld [tilespmem:s13+$0x50]  }
0x189: {  	v22 =	vld [tilespmem:s13+$0x60]  }
0x18a: {  	v23 =	vld [tilespmem:s13+$0x70]  }
0x18b: {  	v24 =	vld [tilespmem:s13+$0x80]  }
0x18c: {  	v25 =	vld [tilespmem:s13+$0x90]  }
0x18d: {  	v26 =	vld [tilespmem:s13+$0xA0]  }
0x18e: {  	v27 =	vld [tilespmem:s1+$0xFFFFFF50]  }
0x18f: {  	v28 =	vld [tilespmem:s1+$0xFFFFFF60]  }
0x190: {  	v29 =	vld [tilespmem:s1+$0xFFFFFF70]  }
0x191: {  	v30 =	vld [tilespmem:s1+$0xFFFFFF80]  }
0x192: {  	v31 =	vld [tilespmem:s1+$0xFFFFFF90]  }
0x193: {  	v32 =	vld [tilespmem:s1+$0xFFFFFFA0]  }
0x194: {  	v33 =	vld [tilespmem:s1+$0xFFFFFFB0]  }
0x195: {  	v34 =	vld [tilespmem:s1+$0xFFFFFFD0]  }
0x196: {  	v35 =	vld [tilespmem:s1+$0xFFFFFFE0]  }
0x197: {  	v36 =	vld [tilespmem:s1+$0xFFFFFFF0]  }
0x198: {  	v37 =	vld [tilespmem:s1+$0x0]  }
0x199: {  	v38 =	vld [tilespmem:s1+$0x10]  }
0x19a: {  	v39 =	vld [tilespmem:s1+$0x20]  }
0x19b: {  	v40 =	vld [tilespmem:s1+$0x30]  }
0x19c: {  	v41 =	vld [tilespmem:s1+$0x50]  }
0x19d: {  	v42 =	vld [tilespmem:s1+$0x60]  }
0x19e: {  	v43 =	vld [tilespmem:s1+$0x70]  }
0x19f: {  	v44 =	vld [tilespmem:s1+$0x80]  }
0x1a0: {  	v45 =	vld [tilespmem:s1+$0x90]  }
0x1a1: {  	v46 =	vld [tilespmem:s1+$0xA0]  }
0x1a2: {  	v47 =	vld [tilespmem:s1+$0xFFFFFF40]  }
0x1a3: {  	v6 =	vld.idx.msk [tilespmem:v6+s16+$0x0], $0xffff  }
0x1a4: {  	v7 =	vld.idx.msk [tilespmem:v7+s16+$0x0], $0xffff  }
0x1a5: {  	v8 =	vld.idx.msk [tilespmem:v8+s16+$0x0], $0xffff  }
0x1a6: {  	v9 =	vld.idx.msk [tilespmem:v9+s16+$0x0], $0xffff  }
0x1a7: {  	v14 =	vld.idx.msk [tilespmem:v14+s16+$0x0], $0xffff  }
0x1a8: {  	v15 =	vld.idx.msk [tilespmem:v15+s16+$0x0], $0xffff  }
0x1a9: {  	v16 =	vld.idx.msk [tilespmem:v16+s16+$0x0], $0xffff  }
0x1aa: {  	v17 =	vld.idx.msk [tilespmem:v17+s16+$0x0], $0xffff  }
0x1ab: {  	v18 =	vld.idx.msk [tilespmem:v18+s16+$0x0], $0xffff  }
0x1ac: {  	v19 =	vld.idx.msk [tilespmem:v19+s16+$0x0], $0xffff  }
0x1ad: {  	v20 =	vld.idx.msk [tilespmem:v20+s16+$0x0], $0xffff  }
0x1ae: {  	v21 =	vld.idx.msk [tilespmem:v21+s16+$0x0], $0xffff  }
0x1af: {  	v22 =	vld.idx.msk [tilespmem:v22+s16+$0x0], $0xffff  }
0x1b0: {  	v23 =	vld.idx.msk [tilespmem:v23+s16+$0x0], $0xffff  }
0x1b1: {  	v24 =	vld.idx.msk [tilespmem:v24+s16+$0x0], $0xffff  }
0x1b2: {  	v25 =	vld.idx.msk [tilespmem:v25+s16+$0x0], $0xffff  }
0x1b3: {  	v26 =	vld.idx.msk [tilespmem:v26+s16+$0x0], $0xffff  }
0x1b4: {  	[tilespmem:v12+s17+$0x0] =	vst.idx.add.f32.msk $0xffff, v6  }
0x1b5: {  	[tilespmem:v13+s17+$0x0] =	vst.idx.add.f32.msk $0xffff, v7  }
0x1b6: {  	[tilespmem:v10+s17+$0x0] =	vst.idx.add.f32.msk $0xffff, v8  }
0x1b7: {  	[tilespmem:v11+s17+$0x0] =	vst.idx.add.f32.msk $0xffff, v9  }
0x1b8: {  	v6 =	vld [tilespmem:s13+$0xFFFFFF60]  }
0x1b9: {  	v7 =	vld [tilespmem:s13+$0xFFFFFF70]  }
0x1ba: {  	v8 =	vld.idx.msk [tilespmem:v58+s16+$0x0], $0xffff  }
0x1bb: {  	v9 =	vld.idx.msk [tilespmem:v59+s16+$0x0], $0xffff  }
0x1bc: {  	v10 =	vld.idx.msk [tilespmem:v60+s16+$0x0], $0xffff  }
0x1bd: {  	v11 =	vld.idx.msk [tilespmem:v61+s16+$0x0], $0xffff  }
0x1be: {  	v12 =	vld.idx.msk [tilespmem:v62+s16+$0x0], $0xffff  }
0x1bf: {  	v13 =	vld.idx.msk [tilespmem:v63+s16+$0x0], $0xffff  }
0x1c0: {  	[tilespmem:v27+s17+$0x0] =	vst.idx.add.f32.msk $0xffff, v15  }
0x1c1: {  	[tilespmem:v47+s17+$0x0] =	vst.idx.add.f32.msk $0xffff, v14  }
0x1c2: {  	[tilespmem:v36+s17+$0x0] =	vst.idx.add.f32.msk $0xffff, v16  }
0x1c3: {  	[tilespmem:v37+s17+$0x0] =	vst.idx.add.f32.msk $0xffff, v17  }
0x1c4: {  	[tilespmem:v38+s17+$0x0] =	vst.idx.add.f32.msk $0xffff, v18  }
0x1c5: {  	[tilespmem:v39+s17+$0x0] =	vst.idx.add.f32.msk $0xffff, v19  }
0x1c6: {  	[tilespmem:v40+s17+$0x0] =	vst.idx.add.f32.msk $0xffff, v20  }
0x1c7: {  	[tilespmem:v41+s17+$0x0] =	vst.idx.add.f32.msk $0xffff, v21  }
0x1c8: {  	[tilespmem:v42+s17+$0x0] =	vst.idx.add.f32.msk $0xffff, v22  }
0x1c9: {  	[tilespmem:v43+s17+$0x0] =	vst.idx.add.f32.msk $0xffff, v23  }
0x1ca: {  	[tilespmem:v44+s17+$0x0] =	vst.idx.add.f32.msk $0xffff, v24  }
0x1cb: {  	[tilespmem:v45+s17+$0x0] =	vst.idx.add.f32.msk $0xffff, v25  }
0x1cc: {  	[tilespmem:v46+s17+$0x0] =	vst.idx.add.f32.msk $0xffff, v26  }
0x1cd: {  	[tilespmem:v30+s17+$0x0] =	vst.idx.add.f32.msk $0xffff, v8  }
0x1ce: {  	[tilespmem:v31+s17+$0x0] =	vst.idx.add.f32.msk $0xffff, v9  }
0x1cf: {  	[tilespmem:v32+s17+$0x0] =	vst.idx.add.f32.msk $0xffff, v10  }
0x1d0: {  	v6 =	vld.idx.msk [tilespmem:v6+s16+$0x0], $0xffff  }
0x1d1: {  	v7 =	vld.idx.msk [tilespmem:v7+s16+$0x0], $0xffff  }
0x1d2: {  	[tilespmem:v33+s17+$0x0] =	vst.idx.add.f32.msk $0xffff, v11  }
0x1d3: {  	[tilespmem:v34+s17+$0x0] =	vst.idx.add.f32.msk $0xffff, v12  }
0x1d4: {  	[tilespmem:v35+s17+$0x0] =	vst.idx.add.f32.msk $0xffff, v13  }
0x1d5: {  	[tilespmem:v28+s17+$0x0] =	vst.idx.add.f32.msk $0xffff, v6  }
0x1d6: {  	s14 =	simm.s32 $0x190;
	s15 =	simm.s32 $0x250;
	s13 =	simm.s32 $0x0;
	[tilespmem:v29+s17+$0x0] =	vst.idx.add.f32.msk $0xffff, v7  }
.LBB2_6:
0x1d7: {  	s0 =	sand.u32 $0x3FF0, s14;
	v6 =	vld [tilespmem:s15+$0xB0];
	s13 =	sadd.s32 $0x19, s13  }
0x1d8: {  	v7 =	vld [tilespmem:s0+$0x180];
	p3 =	slt.u32 s13, $0x258  }
0x1d9: {  	v8 =	vld [tilespmem:s0+$0x80]  }
0x1da: {  	v9 =	vld [tilespmem:s0+$0x100]  }
0x1db: {  	v10 =	vld [tilespmem:s0+$0x2800]  }
0x1dc: {  	s1 =	sadd.s32 $0x190, s1;
	v11 =	vld [tilespmem:s0+$0x2880]  }
0x1dd: {  	v12 =	vld [tilespmem:s1+$0xB0]  }
0x1de: {  	v13 =	vld [tilespmem:s0+$0x2900]  }
0x1df: {  	v6 =	vld.idx.msk [tilespmem:v6+s16+$0x0], $0xffff  }
0x1e0: {  	v7 =	vld.idx.msk [tilespmem:v7+s16+$0x0], $0xffff  }
0x1e1: {  	v8 =	vld.idx.msk [tilespmem:v8+s16+$0x0], $0xffff  }
0x1e2: {  	v9 =	vld.idx.msk [tilespmem:v9+s16+$0x0], $0xffff  }
0x1e3: {  	v14 =	vld [tilespmem:s15+$0xFFFFFF40]  }
0x1e4: {  	v15 =	vld [tilespmem:s15+$0xFFFFFF50]  }
0x1e5: {  	[tilespmem:v12+s17+$0x0] =	vst.idx.add.f32.msk $0xffff, v6  }
0x1e6: {  	[tilespmem:v13+s17+$0x0] =	vst.idx.add.f32.msk $0xffff, v7  }
0x1e7: {  	[tilespmem:v10+s17+$0x0] =	vst.idx.add.f32.msk $0xffff, v8  }
0x1e8: {  	[tilespmem:v11+s17+$0x0] =	vst.idx.add.f32.msk $0xffff, v9  }
0x1e9: {  	v6 =	vld [tilespmem:s15+$0xFFFFFF60]  }
0x1ea: {  	v7 =	vld [tilespmem:s15+$0xFFFFFF70]  }
0x1eb: {  	v8 =	vld [tilespmem:s15+$0xFFFFFF80]  }
0x1ec: {  	v9 =	vld [tilespmem:s15+$0xFFFFFF90]  }
0x1ed: {  	v10 =	vld [tilespmem:s15+$0xFFFFFFA0]  }
0x1ee: {  	v11 =	vld [tilespmem:s15+$0xFFFFFFB0]  }
0x1ef: {  	v12 =	vld [tilespmem:s15+$0xFFFFFFD0]  }
0x1f0: {  	v13 =	vld [tilespmem:s15+$0xFFFFFFE0]  }
0x1f1: {  	v16 =	vld [tilespmem:s15+$0xFFFFFFF0]  }
0x1f2: {  	v17 =	vld [tilespmem:s15+$0x0]  }
0x1f3: {  	v18 =	vld [tilespmem:s15+$0x10]  }
0x1f4: {  	v19 =	vld [tilespmem:s15+$0x20]  }
0x1f5: {  	v20 =	vld [tilespmem:s15+$0x30]  }
0x1f6: {  	v21 =	vld [tilespmem:s15+$0x50]  }
0x1f7: {  	v22 =	vld [tilespmem:s15+$0x60]  }
0x1f8: {  	v23 =	vld [tilespmem:s15+$0x70]  }
0x1f9: {  	v24 =	vld [tilespmem:s15+$0x80]  }
0x1fa: {  	v25 =	vld [tilespmem:s15+$0x90]  }
0x1fb: {  	v26 =	vld [tilespmem:s15+$0xA0]  }
0x1fc: {  	v14 =	vld.idx.msk [tilespmem:v14+s16+$0x0], $0xffff  }
0x1fd: {  	v15 =	vld.idx.msk [tilespmem:v15+s16+$0x0], $0xffff  }
0x1fe: {  	v6 =	vld.idx.msk [tilespmem:v6+s16+$0x0], $0xffff  }
0x1ff: {  	v7 =	vld.idx.msk [tilespmem:v7+s16+$0x0], $0xffff  }
0x200: {  	v8 =	vld.idx.msk [tilespmem:v8+s16+$0x0], $0xffff  }
0x201: {  	v9 =	vld.idx.msk [tilespmem:v9+s16+$0x0], $0xffff  }
0x202: {  	v10 =	vld.idx.msk [tilespmem:v10+s16+$0x0], $0xffff  }
0x203: {  	v11 =	vld.idx.msk [tilespmem:v11+s16+$0x0], $0xffff  }
0x204: {  	v12 =	vld.idx.msk [tilespmem:v12+s16+$0x0], $0xffff  }
0x205: {  	v13 =	vld.idx.msk [tilespmem:v13+s16+$0x0], $0xffff  }
0x206: {  	v16 =	vld.idx.msk [tilespmem:v16+s16+$0x0], $0xffff  }
0x207: {  	v17 =	vld.idx.msk [tilespmem:v17+s16+$0x0], $0xffff  }
0x208: {  	v18 =	vld.idx.msk [tilespmem:v18+s16+$0x0], $0xffff  }
0x209: {  	v19 =	vld.idx.msk [tilespmem:v19+s16+$0x0], $0xffff  }
0x20a: {  	v20 =	vld.idx.msk [tilespmem:v20+s16+$0x0], $0xffff  }
0x20b: {  	v21 =	vld.idx.msk [tilespmem:v21+s16+$0x0], $0xffff  }
0x20c: {  	v22 =	vld.idx.msk [tilespmem:v22+s16+$0x0], $0xffff  }
0x20d: {  	v23 =	vld.idx.msk [tilespmem:v23+s16+$0x0], $0xffff  }
0x20e: {  	v24 =	vld.idx.msk [tilespmem:v24+s16+$0x0], $0xffff  }
0x20f: {  	v25 =	vld.idx.msk [tilespmem:v25+s16+$0x0], $0xffff  }
0x210: {  	v26 =	vld.idx.msk [tilespmem:v26+s16+$0x0], $0xffff  }
0x211: {  	v27 =	vld [tilespmem:s1+$0xFFFFFF50]  }
0x212: {  	v28 =	vld [tilespmem:s1+$0xFFFFFF60]  }
0x213: {  	v29 =	vld [tilespmem:s1+$0xFFFFFF70]  }
0x214: {  	v30 =	vld [tilespmem:s1+$0xFFFFFF80]  }
0x215: {  	v31 =	vld [tilespmem:s1+$0xFFFFFF90]  }
0x216: {  	v32 =	vld [tilespmem:s1+$0xFFFFFFA0]  }
0x217: {  	v33 =	vld [tilespmem:s1+$0xFFFFFFB0]  }
0x218: {  	v34 =	vld [tilespmem:s1+$0xFFFFFFD0]  }
0x219: {  	v35 =	vld [tilespmem:s1+$0xFFFFFFE0]  }
0x21a: {  	v36 =	vld [tilespmem:s1+$0xFFFFFFF0]  }
0x21b: {  	v37 =	vld [tilespmem:s1+$0x0]  }
0x21c: {  	v38 =	vld [tilespmem:s1+$0x10]  }
0x21d: {  	v39 =	vld [tilespmem:s1+$0x20]  }
0x21e: {  	v40 =	vld [tilespmem:s1+$0x30]  }
0x21f: {  	v41 =	vld [tilespmem:s1+$0x50]  }
0x220: {  	v42 =	vld [tilespmem:s1+$0x60]  }
0x221: {  	v43 =	vld [tilespmem:s1+$0x70]  }
0x222: {  	v44 =	vld [tilespmem:s1+$0x80]  }
0x223: {  	v45 =	vld [tilespmem:s1+$0x90]  }
0x224: {  	v46 =	vld [tilespmem:s1+$0xA0]  }
0x225: {  	v47 =	vld [tilespmem:s1+$0xFFFFFF40]  }
0x226: {  	[tilespmem:v27+s17+$0x0] =	vst.idx.add.f32.msk $0xffff, v15  }
0x227: {  	[tilespmem:v28+s17+$0x0] =	vst.idx.add.f32.msk $0xffff, v6  }
0x228: {  	[tilespmem:v29+s17+$0x0] =	vst.idx.add.f32.msk $0xffff, v7  }
0x229: {  	[tilespmem:v30+s17+$0x0] =	vst.idx.add.f32.msk $0xffff, v8  }
0x22a: {  	[tilespmem:v31+s17+$0x0] =	vst.idx.add.f32.msk $0xffff, v9  }
0x22b: {  	[tilespmem:v32+s17+$0x0] =	vst.idx.add.f32.msk $0xffff, v10  }
0x22c: {  	[tilespmem:v33+s17+$0x0] =	vst.idx.add.f32.msk $0xffff, v11  }
0x22d: {  	[tilespmem:v47+s17+$0x0] =	vst.idx.add.f32.msk $0xffff, v14  }
0x22e: {  	[tilespmem:v34+s17+$0x0] =	vst.idx.add.f32.msk $0xffff, v12  }
0x22f: {  	[tilespmem:v35+s17+$0x0] =	vst.idx.add.f32.msk $0xffff, v13  }
0x230: {  	[tilespmem:v36+s17+$0x0] =	vst.idx.add.f32.msk $0xffff, v16  }
0x231: {  	[tilespmem:v37+s17+$0x0] =	vst.idx.add.f32.msk $0xffff, v17  }
0x232: {  	[tilespmem:v38+s17+$0x0] =	vst.idx.add.f32.msk $0xffff, v18  }
0x233: {  	[tilespmem:v39+s17+$0x0] =	vst.idx.add.f32.msk $0xffff, v19  }
0x234: {  	[tilespmem:v40+s17+$0x0] =	vst.idx.add.f32.msk $0xffff, v20  }
0x235: {  	[tilespmem:v41+s17+$0x0] =	vst.idx.add.f32.msk $0xffff, v21  }
.Ltmp2:
0x236: {  	[tilespmem:v42+s17+$0x0] =	vst.idx.add.f32.msk $0xffff, v22;
	(pc) =	sbr.rel @p3 .LBB2_6-.Ltmp2, $4  }
0x237: {  	[tilespmem:v43+s17+$0x0] =	vst.idx.add.f32.msk $0xffff, v23  }
0x238: {  	[tilespmem:v44+s17+$0x0] =	vst.idx.add.f32.msk $0xffff, v24  }
0x239: {  	[tilespmem:v45+s17+$0x0] =	vst.idx.add.f32.msk $0xffff, v25  }
0x23a: {  	s14 =	sadd.s32 $0x190, s14;
	s15 =	sadd.s32 $0x190, s15;
	[tilespmem:v46+s17+$0x0] =	vst.idx.add.f32.msk $0xffff, v26  }
0x23b: {  	s0 =	simm.s32 $0x50;
	s1 =	simm.s32 $0xEF00  }
0x23c: {  	[spmem:s2] =	stream.indirect.scatter.add.f32 [tilespmem:s17], [sflag:$0x1], $0x80, s1, s0, $0xb8;
	[tilespmem:$0xF200] =	vst v63  }
0x23d: {  	_ =	swait.ge [sflag:s12], $0x2800  }
0x23e: {  	s0 =	stileid.u32;
	[sflag:s12] =	ssyncset.done $0x0  }
0x23f: {  	s21 =	sadd.s32 $0x1, s21;
	s0 =	sshll.u32 @!p2 s0, $0x6;
	[sflag:s12] =	ssyncadd.s32 $0xFFFFD800  }
0x240: {  	p3 =	sne.s32 s21, s11;
	s0 =	sor.u32 @!p2 $0x1C01, s0;
	[bflag:$0x0] =	sbarrier.arrive $0xFFFF  }
0x241: {  	[hbm:s10], [sflag:s0] =	dma.local @!p2 [spmem:s20], $0x80  }
.Ltmp3:
0x242: {  	_ = 	snop;
	(pc) =	sbr.rel @p3 .LBB2_1-.Ltmp3, $4  }
0x243: {  	s0 =	simm.s32 @!p2 $0x1  }
0x244: {  	_ =	swait.ge @!p2 [sflag:s0], $0x80  }
0x245: {  	[sflag:s0] =	ssyncset.done @!p2 $0x0  }
0x246: {  	[sflag:s0] =	ssyncadd.s32 @!p2 $0xFFFFFF80  }
0x247: {  	_ =	sfence.sel $0x180000  }
0x248: {  	[bflag:$0x0] =	sbarrier.arrive $0xFFFF  }
0x249: {  	_ =	strace $0x9000004A  }
0x24a: {  	[bflag:$0x2] =	sbarrier.arrive $0xFFFF  }
0x24b: {  	s0 =	rddreg [dreg:$0x2]  }
0x24c: {  	s0 =	sadd.s32 @!p1 $0x100000, s0  }
0x24d: {  	[sflag:s0] =	ssyncadd.tile.s32 @!p1 $0x1;
	_ =	shalt  }
.Lfunc_end2:
_tile_overlayer_lowered:
.L_overlay_start_2:
0x24e: {  	(tag) =	ssettag $0x2  }
0x24f: {  	s0 =	rddreg [dreg:$0x0];
	s2 =	stileid.u32  }
0x250: {  	s1 =	rddreg [dreg:$0x1];
	p0 =	sne.s32 s2, $0x0  }
0x251: {  	s3 =	rddreg [dreg:$0x2];
	[bflag:$0x3] =	sbarrier.arrive $0xFFFF;
	s2 =	simm.s32 @!p0 $0x1C01  }
0x252: {  	[timem:s3], [sflag:s2] =	dma.local @!p0 [hbm:s0], s1  }
0x253: {  	s0 =	simm.s32 @!p0 $0x1  }
0x254: {  	_ =	swait.ge @!p0 [sflag:s0], s1  }
0x255: {  	s1 =	ssub.s32 @!p0 $0x0, s1;
	[sflag:s0] =	ssyncset.done @!p0 $0x0  }
0x256: {  	[sflag:s0] =	ssyncadd.s32 @!p0 s1  }
0x257: {  	[bflag:$0x3] =	sbarrier.arrive $0xFFFF  }
0x258: {  	_ =	shalt  }

// kernel: kernel.13.cloned.1.call-start
scs
__scs_entry_jumppad:
0x0: {  	(pc) =	sbr.rel $0x88, $3  }
0x1: {  	(tag) =	ssettag $0x0;
	lr =	simm.s32 $0x1  }
0x2: {  	[smem:$0x3F99] =	sst lr;
	_ =	strace $0xD0000000  }
0x3: {  	_ = 	snop  }
0x4: {  	_ = 	snop  }
0x5: {  	_ = 	snop  }
0x6: {  	_ = 	snop  }
0x7: {  	_ = 	snop  }
__scs_overlays_trampoline_lowered:
0x8: {  	[smem:$0x3FA8] =	sst s0  }
0x9: {  	[smem:$0x3FA9] =	sst s1  }
0xa: {  	[smem:$0x3FAA] =	sst s2  }
0xb: {  	[smem:$0x3FAB] =	sst s3  }
0xc: {  	[smem:$0x3FAC] =	sst s4  }
0xd: {  	[smem:$0x3FAD] =	sst s5  }
0xe: {  	[smem:$0x3FAE] =	sst s6  }
0xf: {  	[smem:$0x3FAF] =	sst s7  }
0x10: {  	[smem:$0x3FB0] =	sst s8  }
0x11: {  	[smem:$0x3FB1] =	sst s9;
	s0 =	simm.s32 @!p0 $0x0  }
0x12: {  	s1 =	sld [smem:$0x3F97];
	s0 =	simm.s32 @p0 $0x1  }
0x13: {  	[smem:$0x3FB2] =	sst s0;
	s0 =	simm.s32 @!p1 $0x0  }
0x14: {  	s2 =	sld [smem:$0x3F96];
	s0 =	simm.s32 @p1 $0x1  }
0x15: {  	[smem:$0x3FB3] =	sst s0;
	s0 =	simm.s32 @!p2 $0x0  }
0x16: {  	s3 =	sld [smem:$0x3FDB];
	s0 =	simm.s32 @p2 $0x1  }
0x17: {  	s4 =	simm.s32 $0x1BF5;
	[smem:$0x3FB5] =	sst s0  }
0x18: {  	s0 =	sld [smem:$0x3F98];
	_ =	swait.ge [sflag:s4], $0x0  }
0x19: {  	s7 =	sld [smem:$0x3F99]  }
0x1a: {  	s8 =	sadd.s32 $0xFFFFE003, lr  }
0x1b: {  	s9 =	sadd.s32 $0xFFFFFEF7, lr;
	s5 =	simm.s32 $0xFFFFFFFF;
	p2 =	slt.u32 s8, $0xFFFFF086  }
0x1c: {  	p1 =	slt.u32 s9, $0xF7A;
	s5 =	simm.s32 @!p2 $0x0  }
0x1d: {  	s5 =	simm.s32 @p1 $0x1;
	p0 =	seq.s32 s7, s2  }
0x1e: {  	s7 =	smul.u32 @!p0 $0xF7A, s2;
	p2 =	seq.s32 @!p0 s5, $0x0  }
0x1f: {  	s9 =	smul.u32 $0xF7A, s1;
	s8 =	simm.s32 @!p0 $0x1BF5;
	p2 =	por !p2, p0  }
0x20: {  	[sflag:s8] =	ssyncset.s32 @!p0 $0xFFFFF086;
	s6 =	sadd.s32 @!p0 s3, s7;
	s7 =	simm.s32 @!p0 $0x108  }
0x21: {  	s3 =	sadd.s32 s3, s9;
	s6 =	sadd.s32 @!p0 $0x88, s6;
	s7 =	simm.s32 @p2 $0x1082  }
0x22: {  	[simem:s7], [sflag:s8] =	dma.local @!p0 [hbm:s6], $0xF7A  }
0x23: {  	s9 =	sor.u32 $0xD0000000, s2;
	s6 =	simm.s32 $0x108;
	_ =	swait.ge @!p0 [sflag:s8], $0x0  }
0x24: {  	s3 =	sadd.s32 $0x88, s3;
	s6 =	simm.s32 @!p1 $0x1082;
	[sflag:s4] =	ssyncset.s32 $0xFFFFF086  }
0x25: {  	[simem:s6], [sflag:s4] =	dma.local [hbm:s3], $0xF7A  }
0x26: {  	[smem:$0x3F99] =	sst s1;
	(tag) =	ssettag s2;
	_ =	strace s9  }
0x27: {  	s1 =	sld [smem:$0x3FA9]  }
0x28: {  	s2 =	sld [smem:$0x3FAA]  }
0x29: {  	s4 =	sld [smem:$0x3FAC]  }
0x2a: {  	p0 =	seq.s32 s5, $0x0;
	s5 =	sld [smem:$0x3FAD]  }
0x2b: {  	s6 =	sld [smem:$0x3FAE]  }
0x2c: {  	s7 =	sld [smem:$0x3FAF]  }
0x2d: {  	s3 =	simm.s32 $0x108;
	s8 =	sld [smem:$0x3FB0]  }
0x2e: {  	s3 =	simm.s32 @!p0 $0x1082;
	s9 =	sld [smem:$0x3FB1]  }
0x2f: {  	lr =	sadd.s32 s0, s3;
	s0 =	sld [smem:$0x3FA8]  }
0x30: {  	s3 =	sld [smem:$0x3FAB]  }
0x31: {  	[smem:$0x3FB4] =	sst s10  }
0x32: {  	s10 =	sld [smem:$0x3FB2];
	_ =	sdelay $0x3  }
0x33: {  	p0 =	seq.s32 s10, $0x1;
	s10 =	sld [smem:$0x3FB4];
	_ =	sdelay $0x3  }
0x34: {  	[smem:$0x3FB4] =	sst s10  }
0x35: {  	s10 =	sld [smem:$0x3FB3];
	_ =	sdelay $0x3  }
0x36: {  	p1 =	seq.s32 s10, $0x1;
	s10 =	sld [smem:$0x3FB4];
	_ =	sdelay $0x3  }
0x37: {  	[smem:$0x3FB4] =	sst s10  }
0x38: {  	s10 =	sld [smem:$0x3FB5]  }
0x39: {  	_ = 	snop;
	(pc) =	sbr.ind lr, $3  }
0x3a: {  	_ = 	snop  }
0x3b: {  	_ = 	snop  }
0x3c: {  	p2 =	seq.s32 s10, $0x1;
	s10 =	sld [smem:$0x3FB4]  }
0x3d: {  	_ =	shalt  }
0x3e: {  	_ =	shalt  }
0x3f: {  	_ =	shalt  }
0x40: {  	_ =	shalt  }
0x41: {  	_ =	shalt  }
0x42: {  	_ =	shalt  }
0x43: {  	_ =	shalt  }
0x44: {  	_ =	shalt  }
0x45: {  	_ =	shalt  }
0x46: {  	_ =	shalt  }
0x47: {  	_ =	shalt  }
0x48: {  	_ =	shalt  }
0x49: {  	_ =	shalt  }
0x4a: {  	_ =	shalt  }
0x4b: {  	_ =	shalt  }
0x4c: {  	_ =	shalt  }
0x4d: {  	_ =	shalt  }
0x4e: {  	_ =	shalt  }
0x4f: {  	_ =	shalt  }
0x50: {  	_ =	shalt  }
0x51: {  	_ =	shalt  }
0x52: {  	_ =	shalt  }
0x53: {  	_ =	shalt  }
0x54: {  	_ =	shalt  }
0x55: {  	_ =	shalt  }
0x56: {  	_ =	shalt  }
0x57: {  	_ =	shalt  }
0x58: {  	_ =	shalt  }
0x59: {  	_ =	shalt  }
0x5a: {  	_ =	shalt  }
0x5b: {  	_ =	shalt  }
0x5c: {  	_ =	shalt  }
0x5d: {  	_ =	shalt  }
0x5e: {  	_ =	shalt  }
0x5f: {  	_ =	shalt  }
0x60: {  	_ =	shalt  }
0x61: {  	_ =	shalt  }
0x62: {  	_ =	shalt  }
0x63: {  	_ =	shalt  }
0x64: {  	_ =	shalt  }
0x65: {  	_ =	shalt  }
0x66: {  	_ =	shalt  }
0x67: {  	_ =	shalt  }
0x68: {  	_ =	shalt  }
0x69: {  	_ =	shalt  }
0x6a: {  	_ =	shalt  }
0x6b: {  	_ =	shalt  }
0x6c: {  	_ =	shalt  }
0x6d: {  	_ =	shalt  }
0x6e: {  	_ =	shalt  }
0x6f: {  	_ =	shalt  }
0x70: {  	_ =	shalt  }
0x71: {  	_ =	shalt  }
0x72: {  	_ =	shalt  }
0x73: {  	_ =	shalt  }
0x74: {  	_ =	shalt  }
0x75: {  	_ =	shalt  }
0x76: {  	_ =	shalt  }
0x77: {  	_ =	shalt  }
0x78: {  	_ =	shalt  }
0x79: {  	_ =	shalt  }
0x7a: {  	_ =	shalt  }
0x7b: {  	_ =	shalt  }
0x7c: {  	_ =	shalt  }
0x7d: {  	_ =	shalt  }
0x7e: {  	_ =	shalt  }
0x7f: {  	_ =	shalt  }
0x80: {  	_ =	shalt  }
0x81: {  	_ =	shalt  }
0x82: {  	_ =	shalt  }
0x83: {  	_ =	shalt  }
0x84: {  	_ =	shalt  }
0x85: {  	_ =	shalt  }
0x86: {  	_ =	shalt  }
0x87: {  	_ =	shalt  }
.Lfunc_end0:
.L_simem_size_0:
called_computation.2_lowered:
.L_overlay_start_0:
0x88: {  	s2 =	sld [smem:$0x3FD9]  }
0x89: {  	s3 =	sld [smem:$0x3FFE];
	_ =	sdelay $0x1  }
0x8a: {  	s1 =	srdreg.scid  }
0x8b: {  	s0 =	sand.u32 $0x1, s1  }
0x8c: {  	s16 =	sshll.u32 s0, $0xA;
	s2 =	sadd.s32 s3, s2  }
0x8d: {  	s2 =	sadd.s32 s2, s16  }
0x8e: {  	[smem:$0x3FC0] =	sst s2  }
0x8f: {  	_ = 	snop  }
0x90: {  	(tm) =	ssettm $0x1  }
0x91: {  	s17 =	sld [smem:$0x3FFB];
	_ =	sdelay $0x3  }
0x92: {  	_ =	strace s17  }
0x93: {  	s2 =	sld [smem:$0x3FFC];
	_ =	sdelay $0x3  }
0x94: {  	_ =	strace s2  }
0x95: {  	s2 =	sld [smem:$0x3FFD];
	_ =	sdelay $0x3  }
0x96: {  	_ =	strace s2  }
0x97: {  	_ =	strace $0x8FFFFFFF  }
0x98: {  	s18 =	sld [smem:$0x3FDB];
	_ =	sdelay $0x1  }
0x99: {  	s19 =	simm.s32 $_scs_section_size  }
0x9a: {  	s4 =	simm.s32 $_size__tile_overlayer_lowered;
	s5 =	simm.s32 $_tile_overlayer_lowered  }
0x9b: {  	s22 =	simm.s32 $0x1BFF;
	s21 =	sshll.u32 s5, $0x1;
	s2 =	sadd.s32 s19, s18  }
0x9c: {  	s6 =	simm.s32 $0x0;
	s20 =	sshll.u32 s4, $0x1;
	s4 =	sadd.s32 s21, s2  }
0x9d: {  	[timem:s6], [sflag:s22] =	dma.local [hbm:s4], s20  }
0x9e: {  	_ =	swait.ge [sflag:s22], s20  }
0x9f: {  	s3 =	ssub.s32 $0x0, s20;
	[sflag:s22] =	ssyncset.done $0x0  }
0xa0: {  	[sflag:s22] =	ssyncadd.s32 s3;
	_ =	sdelay $0x1  }
0xa1: {  	s23 =	simm.s32 $0x1B8B  }
0xa2: {  	_ =	swait.ge [sflag:s23], $0x1  }
0xa3: {  	[sflag:s23] =	ssyncset.done $0x0  }
0xa4: {  	s25 =	simm.s32 $0x1B8E;
	s24 =	sld [smem:$0x3FFE];
	[sflag:s23] =	ssyncadd.s32 $0xFFFFFFFF  }
0xa5: {  	s26 =	simm.s32 $execute0_lowered;
	[smem:$0x3FD2] =	sst s25  }
0xa6: {  	s4 =	sshll.u32 s26, $0x1;
	_ =	strace $0x8000004C;
	[dreg:$0x1] =	wrdreg $0xFFFFFFFF  }
0xa7: {  	s28 =	simm.s32 $_size_execute0_lowered;
	s2 =	sadd.s32 s2, s4;
	[dreg:$0x0] =	wrdreg $0x0  }
0xa8: {  	s4 =	sshll.u32 s28, $0x1;
	[dreg:$0x2] =	wrdreg s2  }
0xa9: {  	[dreg:$0x3] =	wrdreg s4  }
0xaa: {  	[dreg:$0x4] =	wrdreg $0xC0  }
0xab: {  	_ =	task [dreg:s6], $0x5FFFF  }
0xac: {  	[dreg:$0x1] =	wrdreg $0xFFFFFFFF  }
0xad: {  	[dreg:$0x0] =	wrdreg $0x60  }
0xae: {  	[dreg:$0x2] =	wrdreg s24  }
0xaf: {  	[dreg:$0x3] =	wrdreg $0x117800  }
0xb0: {  	[dreg:$0x4] =	wrdreg $0x9  }
0xb1: {  	_ =	task.clear_ibuf [dreg:s6], $0x5FFFF;
	_ =	strace $0x9000004C  }
0xb2: {  	s29 =	simm.s32 $0x9;
	_ =	strace $0x8000004E  }
0xb3: {  	_ =	swait.ge [sflag:s29], $0x1  }
0xb4: {  	[sflag:s29] =	ssyncadd.s32 $0xFFFFFFFF  }
0xb5: {  	_ =	strace $0x9000004E  }
0xb6: {  	_ =	sfence  }
0xb7: {  	s30 =	sld [smem:$0x0];
	_ =	sdelay $0x2  }
0xb8: {  	s31 =	sshll.u32 s1, $0xD;
	s1 =	sshrl.u32 s1, $0x2  }
0xb9: {  	s3 =	sand.u32 $0x4000, s31;
	s1 =	sadd.s32 s1, s30  }
0xba: {  	s0 =	sor.u32 s3, s0;
	s1 =	sshll.u32 s1, $0x11  }
0xbb: {  	s0 =	sor.u32 s1, s0  }
0xbc: {  	s0 =	sadd.s32 $0x8F2B, s0  }
0xbd: {  	[sflag:s0] =	ssyncadd.remote.s32 $0x1  }
0xbe: {  	_ =	sfence.sel $0xFFFF  }
0xbf: {  	[dreg:$0x0] =	wrdreg $0xFFFFFFFF;
	(pc) =	sbr.abs _section_cstart, $3  }
0xc0: {  	[dreg:$0x1] =	wrdreg $0xFFFFFFFF  }
0xc1: {  	_ =	task.clear_ibuf [dreg:s6], $0x2FFFF;
	_ =	strace $0x9FFFFFFF  }
0xc2: {  	(tm) =	ssettm $0x7FFFFFFF  }
0xc3: {  	_ =	shalt  }
tec
execute0_lowered:
.L_overlay_start_1:
0x0: {  	(tag) =	ssettag $0x1  }
0x1: {  	s0 =	srdreg.scid;
	s1 =	rddreg [dreg:$0x0]  }
0x2: {  	s14 =	stileid.u32;
	s9 =	rddreg [dreg:$0x1]  }
0x3: {  	s3 =	simm.s32 $0x0;
	s13 =	simm.s32 $0x1;
	s18 =	simm.s32 $0xC700  }
0x4: {  	s19 =	simm.s32 $0xEF00;
	s23 =	simm.s32 $0x0;
	s0 =	sand.u32 $0x1, s0  }
0x5: {  	s2 =	sshll.u32 s14, $0x1;
	[smem:$0x7FF] =	sst s3;
	s5 =	sshll.u32 s14, $0xA  }
0x6: {  	s6 =	sadd.s32 $0x17E00, s1;
	s26 =	sadd.s32 $0x17400, s1;
	s28 =	sshll.u32 s14, $0x7  }
0x7: {  	p1 =	slt.u32 s14, $0xA;
	p2 =	sgt.u32 s14, $0x9;
	s2 =	sor.u32 s0, s2  }
0x8: {  	s4 =	smul.u32 $0x2800, s0;
	_ =	strace $0x8000004D;
	[dreg:$0x3] =	wrdreg s6  }
0x9: {  	[dreg:$0x4] =	wrdreg s26;
	s6 =	sadd.s32 s28, s1;
	s7 =	ssub.s32 $0x2, s0  }
0xa: {  	p0 =	seq.s32 s0, $0x0;
	s31 =	sadd.s32 $0x4F00, s5;
	s2 =	smul.u32 $0x4E2, s2  }
0xb: {  	s8 =	sshrl.u32 s7, $0x1;
	p0 =	por !p0, !p1;
	[dreg:$0x8] =	wrdreg s31  }
0xc: {  	s10 =	sadd.s32 $0x18400, s6;
	p1 =	sne.s32 s14, $0x0;
	s4 =	sadd.s32 s5, s4  }
0xd: {  	s29 =	ssub.s32 s7, s8;
	p0 =	por !p0, !p0;
	s2 =	sadd.s32 s2, s1  }
0xe: {  	s4 =	sshrl.u32 s4, $0x3;
	s12 =	smax.u32 s29, $0x1;
	s30 =	sadd.s32 $0x2E00, s2  }
0xf: {  	v0 =	vlaneseq.u32;
	s4 =	sadd.s32 s4, s1;
	s1 =	sadd.s32 $0x17900, s1;
	[dreg:$0x5] =	wrdreg s30  }
0x10: {  	v5 =	vimm.f32 $0.0e+00;
	v1 =	vor.u32 $0x10, v0;
	s2 =	sadd.s32 $0xCC00, s2;
	[dreg:$0x7] =	wrdreg s1;
	s1 =	sadd.s32 s5, s9  }
0x11: {  	v2 =	vor.u32 $0x20, v0;
	v3 =	vor.u32 $0x30, v0;
	v4 =	vor.u32 $0x40, v0;
	[dreg:$0x6] =	wrdreg s2;
	s11 =	sadd.s32 $0x16A00, s4;
	s22 =	sshrl.u32 @!p2 s1, $0x3  }
.LBB2_1:
0x12: {  	s0 =	rddreg [dreg:$0x5]  }
0x13: {  	[tilespmem:s3], [sflag:$0x1] =	stream.linear.gather [hbm4b:s0+s3], $0x2710, $0x38;
	[tilespmem:$0x11A00] =	vst v63  }
0x14: {  	_ =	swait.ge [sflag:s13], $0x2710  }
0x15: {  	[sflag:s13] =	ssyncset.done $0x0  }
0x16: {  	s1 =	simm.s32 $0x2780;
	s16 =	rddreg [dreg:$0x6];
	[sflag:s13] =	ssyncadd.s32 $0xFFFFD8F0  }
0x17: {  	[tilespmem:s1], [sflag:$0x1] =	stream.linear.gather [hbm4b:s16+s3], $0x2710, $0x38;
	[tilespmem:$0x11A00] =	vst v63  }
0x18: {  	_ =	swait.ge [sflag:s13], $0x2710  }
0x19: {  	[sflag:s13] =	ssyncset.done $0x0  }
0x1a: {  	s20 =	simm.s32 $0x4F00;
	s17 =	rddreg [dreg:$0x4];
	[sflag:s13] =	ssyncadd.s32 $0xFFFFD8F0  }
0x1b: {  	[tilespmem:s20], [sflag:$0x1] =	stream.linear.gather [hbm4b:s17+s3], $0x2800, $0x38;
	[tilespmem:$0x11A00] =	vst v63  }
0x1c: {  	_ =	swait.ge [sflag:s13], $0x2800  }
0x1d: {  	[sflag:s13] =	ssyncset.done $0x0  }
0x1e: {  	s24 =	simm.s32 $0x7700;
	s21 =	rddreg [dreg:$0x7];
	[sflag:s13] =	ssyncadd.s32 $0xFFFFD800  }
0x1f: {  	[tilespmem:s24], [sflag:$0x1] =	stream.linear.gather [hbm4b:s21+s3], $0x2800, $0x38;
	[tilespmem:$0x11A00] =	vst v63  }
0x20: {  	_ =	swait.ge [sflag:s13], $0x2800  }
0x21: {  	[sflag:s13] =	ssyncset.done $0x0  }
0x22: {  	[sflag:s13] =	ssyncadd.s32 $0xFFFFD800  }
0x23: {  	[tilespmem:$0x11700] =	vst v0  }
0x24: {  	[tilespmem:$0x11710] =	vst v1  }
0x25: {  	[tilespmem:$0x11720] =	vst v2  }
0x26: {  	[tilespmem:$0x11730] =	vst v3  }
0x27: {  	s26 =	simm.s32 $0x9F00;
	s25 =	rddreg [dreg:$0x3];
	[tilespmem:$0x11740] =	vst v4  }
0x28: {  	[tilespmem:s26], [sflag:$0x1] =	stream.linear.gather [hbm4b:s25+s3], $0x2800, $0x38;
	[tilespmem:$0x11A00] =	vst v63  }
0x29: {  	_ =	swait.ge [sflag:s13], $0x2800  }
0x2a: {  	[sflag:s13] =	ssyncset.done $0x0  }
0x2b: {  	s25 =	simm.s32 $0x4F80;
	[sflag:s13] =	ssyncadd.s32 $0xFFFFD800  }
0x2c: {  	s29 =	simm.s32 $0x7780;
	v6 =	vld [tilespmem:s25+$0x0]  }
0x2d: {  	v7 =	vld [tilespmem:s29+$0x0];
	_ =	sdelay $0x4  }
0x2e: {  	v6 =	vadd.f32 v7, v6;
	_ =	sdelay $0x1  }
0x2f: {  	v6 =	vadd.f32 $1.000000000e+00, v6;
	_ =	sdelay $0x1  }
0x30: {  	s26 =	simm.s32 $0x9F80;
	[tilespmem:s25+$0x0] =	vst v6  }
0x31: {  	v7 =	vld [tilespmem:s26+$0x0];
	_ =	sdelay $0x4  }
0x32: {  	v6 =	vmul.f32 v7, v6  }
0x33: {  	s24 =	simm.s32 $0xC780  }
0x34: {  	[tilespmem:s24+$0x0] =	vst v6  }
0x35: {  	v6 =	vld [tilespmem:s25+$0x10]  }
0x36: {  	v7 =	vld [tilespmem:s29+$0x10];
	_ =	sdelay $0x3  }
0x37: {  	v8 =	vld [tilespmem:s29+$0xFFFFFF80]  }
0x38: {  	v9 =	vld [tilespmem:s25+$0xFFFFFF80];
	v6 =	vadd.f32 v7, v6;
	_ =	sdelay $0x1  }
0x39: {  	v6 =	vadd.f32 $1.000000000e+00, v6;
	_ =	sdelay $0x1  }
0x3a: {  	[tilespmem:s25+$0x10] =	vst v6  }
0x3b: {  	v7 =	vadd.f32 v8, v9;
	v8 =	vld [tilespmem:s26+$0x10];
	_ =	sdelay $0x1  }
0x3c: {  	v7 =	vadd.f32 $1.000000000e+00, v7;
	_ =	sdelay $0x1  }
0x3d: {  	[tilespmem:s25+$0xFFFFFF80] =	vst v7  }
0x3e: {  	v9 =	vld [tilespmem:s26+$0xFFFFFF80];
	v6 =	vmul.f32 v8, v6;
	_ =	sdelay $0x1  }
0x3f: {  	[tilespmem:s24+$0x10] =	vst v6  }
0x40: {  	v6 =	vld [tilespmem:s25+$0x20]  }
0x41: {  	v8 =	vld [tilespmem:s29+$0x20]  }
0x42: {  	v7 =	vmul.f32 v9, v7;
	_ =	sdelay $0x1  }
0x43: {  	[tilespmem:s24+$0xFFFFFF80] =	vst v7  }
0x44: {  	v7 =	vld [tilespmem:s25+$0xFFFFFF90]  }
0x45: {  	s1 =	simm.s32 $0x7880;
	v9 =	vld [tilespmem:s29+$0xFFFFFF90];
	v6 =	vadd.f32 v8, v6  }
0x46: {  	s28 =	simm.s32 $0x5080;
	v10 =	vld [tilespmem:s1+$0x0]  }
0x47: {  	v8 =	vld [tilespmem:s28+$0x0];
	v6 =	vadd.f32 $1.000000000e+00, v6;
	_ =	sdelay $0x1  }
0x48: {  	[tilespmem:s25+$0x20] =	vst v6  }
0x49: {  	v7 =	vadd.f32 v9, v7;
	v9 =	vld [tilespmem:s26+$0x20]  }
0x4a: {  	v11 =	vld [tilespmem:s1+$0xFFFFFF80]  }
0x4b: {  	v7 =	vadd.f32 $1.000000000e+00, v7;
	v8 =	vadd.f32 v10, v8;
	v10 =	vld [tilespmem:s28+$0xFFFFFF80];
	_ =	sdelay $0x1  }
0x4c: {  	[tilespmem:s25+$0xFFFFFF90] =	vst v7;
	v8 =	vadd.f32 $1.000000000e+00, v8  }
0x4d: {  	v12 =	vld [tilespmem:s26+$0xFFFFFF90];
	v6 =	vmul.f32 v9, v6  }
0x4e: {  	s31 =	simm.s32 $0xA080;
	[tilespmem:s28+$0x0] =	vst v8  }
0x4f: {  	v9 =	vld [tilespmem:s31+$0x0];
	[tilespmem:s24+$0x20] =	vst v6;
	v6 =	vadd.f32 v11, v10  }
0x50: {  	v10 =	vld [tilespmem:s25+$0x30]  }
0x51: {  	v11 =	vld [tilespmem:s29+$0x30];
	v6 =	vadd.f32 $1.000000000e+00, v6  }
0x52: {  	v7 =	vmul.f32 v12, v7  }
0x53: {  	[tilespmem:s28+$0xFFFFFF80] =	vst v6  }
0x54: {  	[tilespmem:s24+$0xFFFFFF90] =	vst v7;
	v7 =	vmul.f32 v9, v8;
	v8 =	vld [tilespmem:s31+$0xFFFFFF80]  }
0x55: {  	s30 =	simm.s32 $0xC880;
	v12 =	vld [tilespmem:s29+$0xFFFFFFA0]  }
0x56: {  	v9 =	vld [tilespmem:s25+$0xFFFFFFA0];
	[tilespmem:s30+$0x0] =	vst v7;
	v7 =	vadd.f32 v11, v10  }
0x57: {  	v10 =	vld [tilespmem:s28+$0x10]  }
0x58: {  	v11 =	vld [tilespmem:s1+$0x10];
	v7 =	vadd.f32 $1.000000000e+00, v7  }
0x59: {  	v6 =	vmul.f32 v8, v6  }
0x5a: {  	[tilespmem:s25+$0x30] =	vst v7  }
0x5b: {  	v8 =	vadd.f32 v12, v9;
	v9 =	vld [tilespmem:s26+$0x30];
	[tilespmem:s30+$0xFFFFFF80] =	vst v6  }
0x5c: {  	v6 =	vld [tilespmem:s28+$0xFFFFFF90]  }
0x5d: {  	v10 =	vadd.f32 v11, v10;
	v8 =	vadd.f32 $1.000000000e+00, v8;
	v11 =	vld [tilespmem:s1+$0xFFFFFF90];
	_ =	sdelay $0x1  }
0x5e: {  	v10 =	vadd.f32 $1.000000000e+00, v10;
	[tilespmem:s25+$0xFFFFFFA0] =	vst v8  }
0x5f: {  	v12 =	vld [tilespmem:s26+$0xFFFFFFA0]  }
0x60: {  	[tilespmem:s28+$0x10] =	vst v10;
	v7 =	vmul.f32 v9, v7  }
0x61: {  	v9 =	vld [tilespmem:s31+$0x10];
	v6 =	vadd.f32 v11, v6  }
0x62: {  	[tilespmem:s24+$0x30] =	vst v7  }
0x63: {  	v7 =	vld [tilespmem:s25+$0x40];
	v6 =	vadd.f32 $1.000000000e+00, v6  }
0x64: {  	v11 =	vld [tilespmem:s29+$0x40];
	v8 =	vmul.f32 v12, v8  }
0x65: {  	[tilespmem:s28+$0xFFFFFF90] =	vst v6  }
0x66: {  	v9 =	vmul.f32 v9, v10;
	[tilespmem:s24+$0xFFFFFFA0] =	vst v8;
	v8 =	vld [tilespmem:s31+$0xFFFFFF90]  }
0x67: {  	v10 =	vld [tilespmem:s25+$0xFFFFFFB0]  }
0x68: {  	v12 =	vld [tilespmem:s29+$0xFFFFFFB0];
	[tilespmem:s30+$0x10] =	vst v9  }
0x69: {  	v7 =	vadd.f32 v11, v7;
	v9 =	vld [tilespmem:s28+$0x20]  }
0x6a: {  	v11 =	vld [tilespmem:s1+$0x20]  }
0x6b: {  	v7 =	vadd.f32 $1.000000000e+00, v7  }
0x6c: {  	s17 =	simm.s32 $0x7980;
	v6 =	vmul.f32 v8, v6  }
0x6d: {  	v13 =	vld [tilespmem:s17+$0x0];
	[tilespmem:s25+$0x40] =	vst v7  }
0x6e: {  	v8 =	vld [tilespmem:s26+$0x40];
	[tilespmem:s30+$0xFFFFFF90] =	vst v6  }
0x6f: {  	v9 =	vadd.f32 v11, v9;
	v6 =	vadd.f32 v12, v10;
	v10 =	vld [tilespmem:s28+$0xFFFFFFA0]  }
0x70: {  	s14 =	simm.s32 $0x5180;
	v12 =	vld [tilespmem:s1+$0xFFFFFFA0]  }
0x71: {  	v11 =	vld [tilespmem:s14+$0x0];
	v9 =	vadd.f32 $1.000000000e+00, v9  }
0x72: {  	v6 =	vadd.f32 $1.000000000e+00, v6  }
0x73: {  	v15 =	vld [tilespmem:s17+$0xFFFFFF80];
	[tilespmem:s28+$0x20] =	vst v9  }
0x74: {  	[tilespmem:s25+$0xFFFFFFB0] =	vst v6;
	v7 =	vmul.f32 v8, v7;
	v8 =	vld [tilespmem:s31+$0x20]  }
0x75: {  	v14 =	vld [tilespmem:s26+$0xFFFFFFB0];
	v10 =	vadd.f32 v12, v10  }
0x76: {  	[tilespmem:s24+$0x40] =	vst v7;
	v7 =	vadd.f32 v13, v11;
	v11 =	vld [tilespmem:s14+$0xFFFFFF80]  }
0x77: {  	v12 =	vld [tilespmem:s25+$0x50];
	v10 =	vadd.f32 $1.000000000e+00, v10  }
0x78: {  	v13 =	vld [tilespmem:s29+$0x50];
	v7 =	vadd.f32 $1.000000000e+00, v7  }
0x79: {  	v8 =	vmul.f32 v8, v9;
	[tilespmem:s28+$0xFFFFFFA0] =	vst v10  }
0x7a: {  	s15 =	simm.s32 $0xA180;
	[tilespmem:s14+$0x0] =	vst v7;
	v9 =	vld [tilespmem:s31+$0xFFFFFFA0]  }
0x7b: {  	v16 =	vld [tilespmem:s15+$0x0];
	[tilespmem:s30+$0x20] =	vst v8;
	v8 =	vadd.f32 v15, v11  }
0x7c: {  	v6 =	vmul.f32 v14, v6;
	v11 =	vld [tilespmem:s28+$0x30]  }
0x7d: {  	v12 =	vadd.f32 v13, v12;
	v13 =	vld [tilespmem:s1+$0x30];
	v8 =	vadd.f32 $1.000000000e+00, v8  }
0x7e: {  	[tilespmem:s24+$0xFFFFFFB0] =	vst v6  }
0x7f: {  	v6 =	vld [tilespmem:s25+$0xFFFFFFC0];
	v12 =	vadd.f32 $1.000000000e+00, v12;
	[tilespmem:s14+$0xFFFFFF80] =	vst v8  }
0x80: {  	v7 =	vmul.f32 v16, v7;
	v14 =	vld [tilespmem:s15+$0xFFFFFF80]  }
0x81: {  	s16 =	simm.s32 $0xC980;
	v15 =	vld [tilespmem:s29+$0xFFFFFFC0];
	[tilespmem:s25+$0x50] =	vst v12  }
0x82: {  	v9 =	vmul.f32 v9, v10;
	v10 =	vld [tilespmem:s26+$0x50];
	[tilespmem:s16+$0x0] =	vst v7;
	v7 =	vadd.f32 v13, v11  }
0x83: {  	v11 =	vld [tilespmem:s14+$0x10]  }
0x84: {  	[tilespmem:s30+$0xFFFFFFA0] =	vst v9;
	v9 =	vld [tilespmem:s17+$0x10];
	v7 =	vadd.f32 $1.000000000e+00, v7  }
0x85: {  	v13 =	vld [tilespmem:s28+$0xFFFFFFB0];
	v8 =	vmul.f32 v14, v8  }
0x86: {  	v14 =	vld [tilespmem:s1+$0xFFFFFFB0];
	[tilespmem:s28+$0x30] =	vst v7  }
0x87: {  	v10 =	vmul.f32 v10, v12;
	v12 =	vld [tilespmem:s31+$0x30];
	[tilespmem:s16+$0xFFFFFF80] =	vst v8  }
0x88: {  	v6 =	vadd.f32 v15, v6;
	v8 =	vld [tilespmem:s14+$0xFFFFFF90]  }
0x89: {  	[tilespmem:s24+$0x50] =	vst v10;
	v9 =	vadd.f32 v9, v11;
	v10 =	vld [tilespmem:s17+$0xFFFFFF90]  }
0x8a: {  	v6 =	vadd.f32 $1.000000000e+00, v6;
	v11 =	vld [tilespmem:s25+$0x60]  }
0x8b: {  	v15 =	vld [tilespmem:s29+$0x60];
	v9 =	vadd.f32 $1.000000000e+00, v9  }
0x8c: {  	[tilespmem:s25+$0xFFFFFFC0] =	vst v6;
	v7 =	vmul.f32 v12, v7  }
0x8d: {  	v12 =	vld [tilespmem:s26+$0xFFFFFFC0];
	[tilespmem:s14+$0x10] =	vst v9  }
0x8e: {  	v54 =	vld [tilespmem:s15+$0x10];
	[tilespmem:s30+$0x30] =	vst v7;
	v7 =	vadd.f32 v10, v8  }
0x8f: {  	v8 =	vadd.f32 v14, v13;
	v10 =	vld [tilespmem:s28+$0x40]  }
0x90: {  	v11 =	vadd.f32 v15, v11;
	v13 =	vld [tilespmem:s1+$0x40];
	v7 =	vadd.f32 $1.000000000e+00, v7;
	_ =	sdelay $0x1  }
0x91: {  	v11 =	vadd.f32 $1.000000000e+00, v11;
	[tilespmem:s14+$0xFFFFFF90] =	vst v7  }
0x92: {  	s4 =	simm.s32 $0x7A80;
	v9 =	vmul.f32 v54, v9;
	v14 =	vld [tilespmem:s15+$0xFFFFFF90]  }
0x93: {  	v56 =	vld [tilespmem:s4+$0xFFFFFF80];
	v8 =	vadd.f32 $1.000000000e+00, v8;
	[tilespmem:s25+$0x60] =	vst v11  }
0x94: {  	v6 =	vmul.f32 v12, v6;
	v12 =	vld [tilespmem:s26+$0x60];
	v10 =	vadd.f32 v13, v10;
	[tilespmem:s16+$0x10] =	vst v9  }
0x95: {  	[tilespmem:s28+$0xFFFFFFB0] =	vst v8;
	v9 =	vld [tilespmem:s14+$0x20]  }
0x96: {  	[tilespmem:s24+$0xFFFFFFC0] =	vst v6;
	v6 =	vadd.f32 $1.000000000e+00, v10;
	v10 =	vld [tilespmem:s17+$0x20]  }
0x97: {  	v15 =	vld [tilespmem:s31+$0xFFFFFFB0];
	v7 =	vmul.f32 v14, v7  }
0x98: {  	v13 =	vld [tilespmem:s25+$0xFFFFFFD0];
	[tilespmem:s28+$0x40] =	vst v6  }
0x99: {  	v55 =	vld [tilespmem:s31+$0x40];
	[tilespmem:s16+$0xFFFFFF90] =	vst v7  }
0x9a: {  	v11 =	vmul.f32 v12, v11;
	v7 =	vld [tilespmem:s14+$0xFFFFFFA0]  }
0x9b: {  	v12 =	vld [tilespmem:s17+$0xFFFFFFA0];
	v9 =	vadd.f32 v10, v9  }
0x9c: {  	s20 =	simm.s32 $0x5280;
	[tilespmem:s24+$0x60] =	vst v11;
	v11 =	vld [tilespmem:s4+$0x0]  }
0x9d: {  	v10 =	vld [tilespmem:s20+$0x0];
	v9 =	vadd.f32 $1.000000000e+00, v9  }
0x9e: {  	v14 =	vld [tilespmem:s29+$0xFFFFFFD0];
	v6 =	vmul.f32 v55, v6  }
0x9f: {  	v17 =	vld [tilespmem:s25+$0x70];
	[tilespmem:s14+$0x20] =	vst v9  }
0xa0: {  	v7 =	vadd.f32 v12, v7;
	v12 =	vld [tilespmem:s15+$0x20];
	[tilespmem:s30+$0x40] =	vst v6  }
0xa1: {  	v6 =	vmul.f32 v15, v8;
	v8 =	vld [tilespmem:s28+$0x50]  }
0xa2: {  	v10 =	vadd.f32 v11, v10;
	v15 =	vld [tilespmem:s1+$0x50];
	v7 =	vadd.f32 $1.000000000e+00, v7  }
0xa3: {  	[tilespmem:s30+$0xFFFFFFB0] =	vst v6;
	v6 =	vld [tilespmem:s20+$0xFFFFFF80]  }
0xa4: {  	v10 =	vadd.f32 $1.000000000e+00, v10;
	v11 =	vld [tilespmem:s28+$0xFFFFFFC0];
	[tilespmem:s14+$0xFFFFFFA0] =	vst v7  }
0xa5: {  	v18 =	vld [tilespmem:s15+$0xFFFFFFA0];
	v9 =	vmul.f32 v12, v9  }
0xa6: {  	s5 =	simm.s32 $0xA280;
	[tilespmem:s20+$0x0] =	vst v10;
	v12 =	vadd.f32 v14, v13;
	v13 =	vld [tilespmem:s1+$0xFFFFFFC0]  }
0xa7: {  	v14 =	vld [tilespmem:s5+$0x0];
	v8 =	vadd.f32 v15, v8;
	[tilespmem:s16+$0x20] =	vst v9  }
0xa8: {  	v9 =	vadd.f32 $1.000000000e+00, v12;
	v6 =	vadd.f32 v56, v6;
	v12 =	vld [tilespmem:s14+$0x30]  }
0xa9: {  	v15 =	vld [tilespmem:s17+$0x30];
	v8 =	vadd.f32 $1.000000000e+00, v8  }
0xaa: {  	v57 =	vld [tilespmem:s29+$0x70];
	[tilespmem:s25+$0xFFFFFFD0] =	vst v9;
	v6 =	vadd.f32 $1.000000000e+00, v6  }
0xab: {  	v19 =	vld [tilespmem:s26+$0xFFFFFFD0];
	v7 =	vmul.f32 v18, v7;
	[tilespmem:s28+$0x50] =	vst v8  }
0xac: {  	v10 =	vmul.f32 v14, v10;
	[tilespmem:s20+$0xFFFFFF80] =	vst v6;
	v14 =	vld [tilespmem:s31+$0x50]  }
0xad: {  	s21 =	simm.s32 $0xCA80;
	v11 =	vadd.f32 v13, v11;
	v13 =	vld [tilespmem:s5+$0xFFFFFF80];
	[tilespmem:s16+$0xFFFFFFA0] =	vst v7  }
0xae: {  	[tilespmem:s21+$0x0] =	vst v10;
	v7 =	vld [tilespmem:s14+$0xFFFFFFB0];
	v10 =	vadd.f32 v15, v12  }
0xaf: {  	v11 =	vadd.f32 $1.000000000e+00, v11;
	v12 =	vld [tilespmem:s20+$0x10]  }
0xb0: {  	v15 =	vld [tilespmem:s4+$0x10];
	v10 =	vadd.f32 $1.000000000e+00, v10  }
0xb1: {  	v58 =	vld [tilespmem:s17+$0xFFFFFFB0];
	[tilespmem:s28+$0xFFFFFFC0] =	vst v11;
	v8 =	vmul.f32 v14, v8  }
0xb2: {  	v14 =	vld [tilespmem:s31+$0xFFFFFFC0];
	[tilespmem:s14+$0x30] =	vst v10  }
0xb3: {  	v6 =	vmul.f32 v13, v6;
	v13 =	vld [tilespmem:s15+$0x30];
	[tilespmem:s30+$0x50] =	vst v8  }
0xb4: {  	v8 =	vld [tilespmem:s28+$0x60]  }
0xb5: {  	v9 =	vmul.f32 v19, v9;
	[tilespmem:s21+$0xFFFFFF80] =	vst v6;
	v6 =	vadd.f32 v15, v12;
	v12 =	vld [tilespmem:s1+$0x60]  }
0xb6: {  	v15 =	vld [tilespmem:s20+$0xFFFFFF90]  }
0xb7: {  	[tilespmem:s24+$0xFFFFFFD0] =	vst v9;
	v9 =	vld [tilespmem:s4+$0xFFFFFF90];
	v6 =	vadd.f32 $1.000000000e+00, v6  }
0xb8: {  	v16 =	vadd.f32 v57, v17;
	v59 =	vld [tilespmem:s29+$0xFFFFFFE0];
	v10 =	vmul.f32 v13, v10  }
0xb9: {  	v13 =	vld [tilespmem:s25+$0xFFFFFFE0];
	[tilespmem:s20+$0x10] =	vst v6  }
0xba: {  	v16 =	vadd.f32 $1.000000000e+00, v16;
	v60 =	vld [tilespmem:s5+$0x10];
	v8 =	vadd.f32 v12, v8;
	[tilespmem:s16+$0x30] =	vst v10  }
0xbb: {  	v10 =	vmul.f32 v14, v11;
	v11 =	vld [tilespmem:s14+$0x40]  }
0xbc: {  	[tilespmem:s25+$0x70] =	vst v16;
	v9 =	vadd.f32 v9, v15;
	v12 =	vld [tilespmem:s17+$0x40];
	v8 =	vadd.f32 $1.000000000e+00, v8  }
0xbd: {  	v7 =	vadd.f32 v58, v7;
	v14 =	vld [tilespmem:s26+$0x70];
	[tilespmem:s30+$0xFFFFFFC0] =	vst v10  }
0xbe: {  	v10 =	vadd.f32 $1.000000000e+00, v9;
	v15 =	vld [tilespmem:s28+$0xFFFFFFD0];
	[tilespmem:s28+$0x60] =	vst v8  }
0xbf: {  	v7 =	vadd.f32 $1.000000000e+00, v7;
	v9 =	vadd.f32 v59, v13;
	v13 =	vld [tilespmem:s31+$0x60]  }
0xc0: {  	v61 =	vld [tilespmem:s1+$0xFFFFFFD0];
	[tilespmem:s20+$0xFFFFFF90] =	vst v10;
	v6 =	vmul.f32 v60, v6  }
0xc1: {  	[tilespmem:s14+$0xFFFFFFB0] =	vst v7;
	v62 =	vadd.f32 $1.000000000e+00, v9;
	v20 =	vld [tilespmem:s5+$0xFFFFFF90];
	v9 =	vadd.f32 v12, v11  }
0xc2: {  	v12 =	vld [tilespmem:s15+$0xFFFFFFB0];
	[tilespmem:s21+$0x10] =	vst v6  }
0xc3: {  	[tilespmem:s25+$0xFFFFFFE0] =	vst v62;
	v21 =	vld [tilespmem:s20+$0x20];
	v9 =	vadd.f32 $1.000000000e+00, v9  }
0xc4: {  	v63 =	vld [tilespmem:s26+$0xFFFFFFE0];
	v6 =	vmul.f32 v13, v8  }
0xc5: {  	v8 =	vmul.f32 v14, v16;
	v14 =	vld [tilespmem:s4+$0x20];
	[tilespmem:s14+$0x40] =	vst v9  }
0xc6: {  	v13 =	vadd.f32 v61, v15;
	v10 =	vmul.f32 v20, v10;
	v11 =	vld [tilespmem:s15+$0x40];
	[tilespmem:s30+$0x60] =	vst v6  }
0xc7: {  	[tilespmem:s24+$0x70] =	vst v8;
	v12 =	vmul.f32 v12, v7;
	v6 =	vld [tilespmem:s28+$0x70]  }
0xc8: {  	v8 =	vadd.f32 $1.000000000e+00, v13;
	[tilespmem:s21+$0xFFFFFF90] =	vst v10;
	v7 =	vld [tilespmem:s1+$0x70]  }
0xc9: {  	[tilespmem:s16+$0xFFFFFFB0] =	vst v12;
	v10 =	vmul.f32 v63, v62;
	v12 =	vld [tilespmem:s20+$0xFFFFFFA0]  }
0xca: {  	s6 =	simm.s32 $0x6;
	[tilespmem:s28+$0xFFFFFFD0] =	vst v8;
	v13 =	vld [tilespmem:s4+$0xFFFFFFA0];
	v14 =	vadd.f32 v14, v21  }
0xcb: {  	s7 =	simm.s32 $0x5380;
	s2 =	simm.s32 $0x7A80;
	s0 =	simm.s32 $0xA280;
	[tilespmem:s24+$0xFFFFFFE0] =	vst v10;
	v10 =	vld [tilespmem:s14+$0xFFFFFFC0]  }
.LBB2_2:
0xcc: {  	v15 =	vld [tilespmem:s7+$0x0];
	v14 =	vadd.f32 $1.000000000e+00, v14;
	s4 =	sadd.s32 $0x100, s4;
	s8 =	smov.u32 s16;
	s16 =	smov.u32 s21  }
0xcd: {  	v9 =	vmul.f32 v11, v9;
	v16 =	vld [tilespmem:s4+$0x0];
	v6 =	vadd.f32 v7, v6  }
0xce: {  	v7 =	vld [tilespmem:s4+$0xFFFFFF80];
	[tilespmem:s20+$0x20] =	vst v14  }
0xcf: {  	v11 =	vadd.f32 v13, v12;
	v12 =	vld [tilespmem:s5+$0x20];
	[tilespmem:s8+$0x40] =	vst v9;
	v6 =	vadd.f32 $1.000000000e+00, v6  }
0xd0: {  	v9 =	vld [tilespmem:s14+$0x50]  }
0xd1: {  	v11 =	vadd.f32 $1.000000000e+00, v11;
	v13 =	vld [tilespmem:s17+$0x50];
	[tilespmem:s28+$0x70] =	vst v6  }
0xd2: {  	v15 =	vadd.f32 v16, v15;
	v16 =	vld [tilespmem:s31+$0x70]  }
0xd3: {  	v17 =	vld [tilespmem:s7+$0xFFFFFF80];
	[tilespmem:s20+$0xFFFFFFA0] =	vst v11  }
0xd4: {  	v15 =	vadd.f32 $1.000000000e+00, v15;
	v18 =	vld [tilespmem:s5+$0xFFFFFFA0]  }
0xd5: {  	v12 =	vmul.f32 v12, v14;
	v14 =	vld [tilespmem:s17+$0xFFFFFFC0]  }
0xd6: {  	s5 =	sadd.s32 $0x100, s5;
	[tilespmem:s7+$0x0] =	vst v15;
	v19 =	vld [tilespmem:s31+$0xFFFFFFD0]  }
0xd7: {  	v9 =	vadd.f32 v13, v9;
	v20 =	vld [tilespmem:s5+$0x0];
	[tilespmem:s21+$0x20] =	vst v12;
	v6 =	vmul.f32 v16, v6  }
0xd8: {  	v7 =	vadd.f32 v7, v17;
	v12 =	vld [tilespmem:s20+$0x30]  }
0xd9: {  	v9 =	vadd.f32 $1.000000000e+00, v9;
	v11 =	vmul.f32 v18, v11;
	v13 =	vld [tilespmem:s2+$0x30];
	[tilespmem:s30+$0x70] =	vst v6  }
0xda: {  	s6 =	sadd.s32 $0x2, s6;
	v6 =	vadd.f32 $1.000000000e+00, v7;
	v7 =	vadd.f32 v14, v10;
	v10 =	vld [tilespmem:s25+$0xFFFFFFF0]  }
0xdb: {  	p3 =	slt.u32 s6, $0x4C;
	[tilespmem:s14+$0x50] =	vst v9;
	v8 =	vmul.f32 v19, v8;
	v14 =	vld [tilespmem:s29+$0xFFFFFFF0];
	s29 =	smov.u32 s1;
	s1 =	smov.u32 s17  }
0xdc: {  	s17 =	smov.u32 s2;
	s2 =	smov.u32 s4;
	[tilespmem:s7+$0xFFFFFF80] =	vst v6;
	v15 =	vmul.f32 v20, v15;
	v7 =	vadd.f32 $1.000000000e+00, v7;
	v16 =	vld [tilespmem:s15+$0x50]  }
0xdd: {  	s21 =	sadd.s32 $0x100, s21;
	v17 =	vld [tilespmem:s5+$0xFFFFFF80];
	[tilespmem:s16+$0xFFFFFFA0] =	vst v11  }
0xde: {  	[tilespmem:s21+$0x0] =	vst v15;
	v11 =	vld [tilespmem:s20+$0xFFFFFFB0];
	v12 =	vadd.f32 v13, v12  }
0xdf: {  	v13 =	vld [tilespmem:s7+$0x10];
	[tilespmem:s14+$0xFFFFFFC0] =	vst v7  }
0xe0: {  	v15 =	vld [tilespmem:s4+$0x10];
	v12 =	vadd.f32 $1.000000000e+00, v12;
	[tilespmem:s30+$0xFFFFFFD0] =	vst v8;
	v8 =	vadd.f32 v14, v10  }
0xe1: {  	v10 =	vld [tilespmem:s17+$0xFFFFFFB0];
	v9 =	vmul.f32 v16, v9  }
0xe2: {  	v6 =	vmul.f32 v17, v6;
	[tilespmem:s20+$0x30] =	vst v12;
	v14 =	vld [tilespmem:s15+$0xFFFFFFC0];
	v16 =	vadd.f32 $1.000000000e+00, v8  }
0xe3: {  	v8 =	vld [tilespmem:s0+$0x30];
	[tilespmem:s8+$0x50] =	vst v9  }
0xe4: {  	[tilespmem:s21+$0xFFFFFF80] =	vst v6;
	v6 =	vld [tilespmem:s14+$0x60]  }
0xe5: {  	v9 =	vadd.f32 v15, v13;
	v13 =	vld [tilespmem:s1+$0x60];
	[tilespmem:s25+$0xFFFFFFF0] =	vst v16;
	s25 =	smov.u32 s28;
	s28 =	smov.u32 s14;
	s14 =	smov.u32 s20  }
0xe6: {  	s20 =	smov.u32 s7;
	v15 =	vld [tilespmem:s7+$0xFFFFFF90];
	v10 =	vadd.f32 v10, v11  }
0xe7: {  	v11 =	vld [tilespmem:s4+$0xFFFFFF90];
	v9 =	vadd.f32 $1.000000000e+00, v9;
	v7 =	vmul.f32 v14, v7  }
0xe8: {  	v10 =	vadd.f32 $1.000000000e+00, v10;
	v8 =	vmul.f32 v8, v12;
	v12 =	vld [tilespmem:s25+$0xFFFFFFE0]  }
0xe9: {  	[tilespmem:s7+$0x10] =	vst v9;
	v14 =	vld [tilespmem:s29+$0xFFFFFFE0]  }
0xea: {  	v17 =	vld [tilespmem:s5+$0x10];
	[tilespmem:s16+$0x30] =	vst v8;
	v6 =	vadd.f32 v13, v6  }
0xeb: {  	[tilespmem:s14+$0xFFFFFFB0] =	vst v10;
	v8 =	vld [tilespmem:s14+$0x40]  }
0xec: {  	v11 =	vadd.f32 v11, v15;
	v13 =	vld [tilespmem:s17+$0x40];
	[tilespmem:s8+$0xFFFFFFC0] =	vst v7;
	v6 =	vadd.f32 $1.000000000e+00, v6  }
0xed: {  	v7 =	vld [tilespmem:s0+$0xFFFFFFB0]  }
0xee: {  	v11 =	vadd.f32 $1.000000000e+00, v11;
	v15 =	vld [tilespmem:s28+$0xFFFFFFD0];
	[tilespmem:s28+$0x60] =	vst v6;
	v12 =	vadd.f32 v14, v12  }
0xef: {  	v14 =	vld [tilespmem:s15+$0x60]  }
0xf0: {  	[tilespmem:s7+$0xFFFFFF90] =	vst v11;
	v18 =	vld [tilespmem:s1+$0xFFFFFFD0];
	v12 =	vadd.f32 $1.000000000e+00, v12  }
0xf1: {  	v9 =	vmul.f32 v17, v9;
	v19 =	vld [tilespmem:s5+$0xFFFFFF90];
	v8 =	vadd.f32 v13, v8  }
0xf2: {  	v7 =	vmul.f32 v7, v10;
	[tilespmem:s25+$0xFFFFFFE0] =	vst v12;
	v10 =	vld [tilespmem:s26+$0xFFFFFFF0];
	s26 =	smov.u32 s31;
	s31 =	smov.u32 s15;
	s15 =	smov.u32 s0  }
0xf3: {  	s0 =	smov.u32 s5;
	[tilespmem:s21+$0x10] =	vst v9;
	v9 =	vadd.f32 $1.000000000e+00, v8;
	v13 =	vld [tilespmem:s26+$0xFFFFFFE0]  }
0xf4: {  	v17 =	vld [tilespmem:s7+$0x20];
	[tilespmem:s16+$0xFFFFFFB0] =	vst v7;
	v6 =	vmul.f32 v14, v6  }
0xf5: {  	v14 =	vld [tilespmem:s4+$0x20];
	[tilespmem:s14+$0x40] =	vst v9;
	v7 =	vadd.f32 v18, v15  }
0xf6: {  	v15 =	vmul.f32 v19, v11;
	v11 =	vld [tilespmem:s15+$0x40];
	[tilespmem:s8+$0x60] =	vst v6  }
.Ltmp0:
0xf7: {  	v8 =	vadd.f32 $1.000000000e+00, v7;
	v6 =	vld [tilespmem:s28+$0x70];
	v16 =	vmul.f32 v10, v16;
	(pc) =	sbr.rel @p3 .LBB2_2-.Ltmp0, $4  }
0xf8: {  	[tilespmem:s21+$0xFFFFFF90] =	vst v15;
	v7 =	vld [tilespmem:s1+$0x70];
	v10 =	vmul.f32 v13, v12  }
0xf9: {  	v12 =	vld [tilespmem:s7+$0xFFFFFFA0];
	[tilespmem:s28+$0xFFFFFFD0] =	vst v8  }
0xfa: {  	v13 =	vld [tilespmem:s4+$0xFFFFFFA0];
	v14 =	vadd.f32 v14, v17;
	[tilespmem:s30+$0xFFFFFFE0] =	vst v10  }
0xfb: {  	s7 =	sadd.s32 $0x100, s7;
	v10 =	vld [tilespmem:s14+$0xFFFFFFC0];
	[tilespmem:s24+$0xFFFFFFF0] =	vst v16;
	s24 =	smov.u32 s30;
	s30 =	smov.u32 s8  }
0xfc: {  	_ =	sdelay $0x2  }
0xfd: {  	v14 =	vadd.f32 $1.000000000e+00, v14;
	v12 =	vadd.f32 v13, v12;
	_ =	sdelay $0x1  }
0xfe: {  	[tilespmem:s20+$0x20] =	vst v14;
	v12 =	vadd.f32 $1.000000000e+00, v12  }
0xff: {  	v55 =	vld [tilespmem:s5+$0x20]  }
0x100: {  	[tilespmem:s20+$0xFFFFFFA0] =	vst v12  }
0x101: {  	v15 =	vld [tilespmem:s5+$0xFFFFFFA0];
	_ =	sdelay $0x2  }
0x102: {  	v13 =	vmul.f32 v55, v14;
	_ =	sdelay $0x1  }
0x103: {  	[tilespmem:s21+$0x20] =	vst v13;
	v12 =	vmul.f32 v15, v12  }
0x104: {  	v13 =	vld [tilespmem:s20+$0x30]  }
0x105: {  	v56 =	vld [tilespmem:s2+$0x30];
	[tilespmem:s21+$0xFFFFFFA0] =	vst v12  }
0x106: {  	v12 =	vld [tilespmem:s20+$0xFFFFFFB0]  }
0x107: {  	v57 =	vld [tilespmem:s2+$0xFFFFFFB0];
	_ =	sdelay $0x2  }
0x108: {  	v13 =	vadd.f32 v56, v13;
	_ =	sdelay $0x1  }
0x109: {  	v61 =	vld [tilespmem:s17+$0xFFFFFFC0];
	v13 =	vadd.f32 $1.000000000e+00, v13;
	v12 =	vadd.f32 v57, v12;
	_ =	sdelay $0x1  }
0x10a: {  	[tilespmem:s20+$0x30] =	vst v13;
	v12 =	vadd.f32 $1.000000000e+00, v12  }
0x10b: {  	v58 =	vld [tilespmem:s0+$0x30]  }
0x10c: {  	[tilespmem:s20+$0xFFFFFFB0] =	vst v12  }
0x10d: {  	v10 =	vadd.f32 v61, v10;
	v59 =	vld [tilespmem:s0+$0xFFFFFFB0];
	_ =	sdelay $0x1  }
0x10e: {  	v10 =	vadd.f32 $1.000000000e+00, v10  }
0x10f: {  	v13 =	vmul.f32 v58, v13  }
0x110: {  	[tilespmem:s14+$0xFFFFFFC0] =	vst v10  }
0x111: {  	v19 =	vld [tilespmem:s15+$0xFFFFFFC0];
	[tilespmem:s21+$0x30] =	vst v13;
	v12 =	vmul.f32 v59, v12  }
0x112: {  	v13 =	vld [tilespmem:s20+$0x40]  }
0x113: {  	v60 =	vld [tilespmem:s2+$0x40];
	[tilespmem:s21+$0xFFFFFFB0] =	vst v12  }
0x114: {  	v62 =	vld [tilespmem:s20+$0xFFFFFFC0]  }
0x115: {  	v12 =	vld [tilespmem:s2+$0xFFFFFFC0]  }
0x116: {  	v10 =	vmul.f32 v19, v10;
	_ =	sdelay $0x1  }
0x117: {  	v9 =	vmul.f32 v11, v9;
	[tilespmem:s16+$0xFFFFFFC0] =	vst v10;
	v63 =	vadd.f32 v60, v13  }
0x118: {  	v23 =	vld [tilespmem:s14+$0xFFFFFFD0]  }
0x119: {  	[tilespmem:s16+$0x40] =	vst v9;
	v24 =	vld [tilespmem:s17+$0xFFFFFFD0];
	v9 =	vadd.f32 $1.000000000e+00, v63;
	v11 =	vadd.f32 v12, v62;
	_ =	sdelay $0x1  }
0x11a: {  	[tilespmem:s20+$0x40] =	vst v9;
	v11 =	vadd.f32 $1.000000000e+00, v11  }
0x11b: {  	v18 =	vld [tilespmem:s0+$0x40]  }
0x11c: {  	[tilespmem:s20+$0xFFFFFFC0] =	vst v11  }
0x11d: {  	v25 =	vadd.f32 v24, v23;
	v20 =	vld [tilespmem:s0+$0xFFFFFFC0];
	_ =	sdelay $0x1  }
0x11e: {  	v16 =	vld [tilespmem:s14+$0x50];
	v10 =	vadd.f32 $1.000000000e+00, v25  }
0x11f: {  	v17 =	vld [tilespmem:s17+$0x50];
	v9 =	vmul.f32 v18, v9  }
0x120: {  	[tilespmem:s14+$0xFFFFFFD0] =	vst v10  }
0x121: {  	v29 =	vld [tilespmem:s15+$0xFFFFFFD0];
	[tilespmem:s21+$0x40] =	vst v9;
	v11 =	vmul.f32 v20, v11  }
0x122: {  	v9 =	vld [tilespmem:s20+$0x50]  }
0x123: {  	v22 =	vld [tilespmem:s2+$0x50];
	[tilespmem:s21+$0xFFFFFFC0] =	vst v11  }
0x124: {  	v13 =	vadd.f32 v17, v16;
	v11 =	vld [tilespmem:s20+$0xFFFFFFD0]  }
0x125: {  	v16 =	vld [tilespmem:s2+$0xFFFFFFD0]  }
0x126: {  	v13 =	vadd.f32 $1.000000000e+00, v13;
	_ =	sdelay $0x1  }
0x127: {  	[tilespmem:s14+$0x50] =	vst v13;
	v9 =	vadd.f32 v22, v9  }
0x128: {  	v10 =	vmul.f32 v29, v10;
	v21 =	vld [tilespmem:s15+$0x50]  }
0x129: {  	v9 =	vadd.f32 $1.000000000e+00, v9;
	v11 =	vadd.f32 v16, v11  }
0x12a: {  	v26 =	vld [tilespmem:s31+$0xFFFFFFD0];
	[tilespmem:s16+$0xFFFFFFD0] =	vst v10  }
0x12b: {  	v36 =	vld [tilespmem:s14+$0xFFFFFFE0];
	[tilespmem:s20+$0x50] =	vst v9;
	v11 =	vadd.f32 $1.000000000e+00, v11  }
0x12c: {  	v27 =	vld [tilespmem:s0+$0x50]  }
0x12d: {  	v37 =	vld [tilespmem:s17+$0xFFFFFFE0];
	v12 =	vmul.f32 v21, v13;
	[tilespmem:s20+$0xFFFFFFD0] =	vst v11  }
0x12e: {  	v31 =	vld [tilespmem:s0+$0xFFFFFFD0]  }
0x12f: {  	v8 =	vmul.f32 v26, v8;
	[tilespmem:s16+$0x50] =	vst v12  }
0x130: {  	v28 =	vld [tilespmem:s14+$0x60]  }
0x131: {  	[tilespmem:s30+$0xFFFFFFD0] =	vst v8;
	v30 =	vld [tilespmem:s17+$0x60];
	v32 =	vmul.f32 v27, v9  }
0x132: {  	v33 =	vld [tilespmem:s28+$0xFFFFFFE0]  }
0x133: {  	v34 =	vld [tilespmem:s1+$0xFFFFFFE0];
	v40 =	vadd.f32 v37, v36;
	[tilespmem:s21+$0x50] =	vst v32;
	v11 =	vmul.f32 v31, v11  }
0x134: {  	v8 =	vld [tilespmem:s20+$0x60]  }
0x135: {  	v10 =	vadd.f32 $1.000000000e+00, v40;
	v35 =	vld [tilespmem:s2+$0x60];
	[tilespmem:s21+$0xFFFFFFD0] =	vst v11  }
0x136: {  	v13 =	vadd.f32 v30, v28;
	v11 =	vld [tilespmem:s20+$0xFFFFFFE0]  }
0x137: {  	[tilespmem:s14+$0xFFFFFFE0] =	vst v10;
	v38 =	vld [tilespmem:s2+$0xFFFFFFE0]  }
0x138: {  	v46 =	vld [tilespmem:s15+$0xFFFFFFE0];
	v13 =	vadd.f32 $1.000000000e+00, v13;
	v9 =	vadd.f32 v34, v33;
	_ =	sdelay $0x1  }
0x139: {  	[tilespmem:s14+$0x60] =	vst v13;
	v9 =	vadd.f32 $1.000000000e+00, v9;
	v8 =	vadd.f32 v35, v8  }
0x13a: {  	v39 =	vld [tilespmem:s15+$0x60]  }
0x13b: {  	v42 =	vld [tilespmem:s25+$0xFFFFFFF0];
	[tilespmem:s28+$0xFFFFFFE0] =	vst v9;
	v8 =	vadd.f32 $1.000000000e+00, v8;
	v11 =	vadd.f32 v38, v11  }
0x13c: {  	v10 =	vmul.f32 v46, v10;
	v41 =	vld [tilespmem:s31+$0xFFFFFFE0]  }
0x13d: {  	v45 =	vld [tilespmem:s29+$0xFFFFFFF0];
	[tilespmem:s20+$0x60] =	vst v8;
	v11 =	vadd.f32 $1.000000000e+00, v11  }
0x13e: {  	[tilespmem:s16+$0xFFFFFFE0] =	vst v10;
	v44 =	vld [tilespmem:s0+$0x60]  }
0x13f: {  	v53 =	vld [tilespmem:s14+$0xFFFFFFF0];
	v43 =	vmul.f32 v39, v13;
	[tilespmem:s20+$0xFFFFFFE0] =	vst v11  }
0x140: {  	v47 =	vld [tilespmem:s0+$0xFFFFFFE0]  }
0x141: {  	v54 =	vld [tilespmem:s17+$0xFFFFFFF0];
	[tilespmem:s16+$0x60] =	vst v43;
	v9 =	vmul.f32 v41, v9  }
0x142: {  	v17 =	vld [tilespmem:s14+$0x70]  }
0x143: {  	v48 =	vld [tilespmem:s17+$0x70];
	[tilespmem:s30+$0xFFFFFFE0] =	vst v9;
	v8 =	vmul.f32 v44, v8  }
0x144: {  	v49 =	vld [tilespmem:s28+$0xFFFFFFF0]  }
0x145: {  	v50 =	vld [tilespmem:s1+$0xFFFFFFF0];
	[tilespmem:s21+$0x60] =	vst v8;
	v11 =	vmul.f32 v47, v11  }
0x146: {  	v51 =	vld [tilespmem:s20+$0x70]  }
0x147: {  	v52 =	vld [tilespmem:s2+$0x70];
	[tilespmem:s21+$0xFFFFFFE0] =	vst v11  }
0x148: {  	v6 =	vadd.f32 v7, v6;
	v7 =	vld [tilespmem:s20+$0xFFFFFFF0]  }
0x149: {  	v15 =	vadd.f32 v45, v42;
	v55 =	vld [tilespmem:s2+$0xFFFFFFF0]  }
0x14a: {  	v6 =	vadd.f32 $1.000000000e+00, v6;
	v9 =	vadd.f32 v48, v17  }
0x14b: {  	v15 =	vadd.f32 $1.000000000e+00, v15;
	v8 =	vadd.f32 v50, v49  }
0x14c: {  	[tilespmem:s28+$0x70] =	vst v6;
	v9 =	vadd.f32 $1.000000000e+00, v9;
	v10 =	vadd.f32 v52, v51  }
0x14d: {  	v56 =	vld [tilespmem:s31+$0x70];
	[tilespmem:s25+$0xFFFFFFF0] =	vst v15;
	v8 =	vadd.f32 $1.000000000e+00, v8;
	v11 =	vadd.f32 v54, v53  }
0x14e: {  	v57 =	vld [tilespmem:s26+$0xFFFFFFF0];
	[tilespmem:s14+$0x70] =	vst v9;
	v10 =	vadd.f32 $1.000000000e+00, v10;
	v7 =	vadd.f32 v55, v7  }
0x14f: {  	v58 =	vld [tilespmem:s15+$0x70];
	[tilespmem:s28+$0xFFFFFFF0] =	vst v8;
	v11 =	vadd.f32 $1.000000000e+00, v11  }
0x150: {  	v59 =	vld [tilespmem:s31+$0xFFFFFFF0];
	[tilespmem:s20+$0x70] =	vst v10;
	v7 =	vadd.f32 $1.000000000e+00, v7  }
0x151: {  	[tilespmem:s14+$0xFFFFFFF0] =	vst v11;
	v60 =	vld [tilespmem:s0+$0x70]  }
0x152: {  	v6 =	vmul.f32 v56, v6;
	v61 =	vld [tilespmem:s15+$0xFFFFFFF0];
	[tilespmem:s20+$0xFFFFFFF0] =	vst v7  }
0x153: {  	v13 =	vmul.f32 v57, v15;
	v62 =	vld [tilespmem:s0+$0xFFFFFFF0]  }
0x154: {  	[tilespmem:s30+$0x70] =	vst v6;
	v6 =	vmul.f32 v58, v9  }
0x155: {  	[tilespmem:s24+$0xFFFFFFF0] =	vst v13;
	v8 =	vmul.f32 v59, v8  }
0x156: {  	[tilespmem:s16+$0x70] =	vst v6;
	v6 =	vmul.f32 v60, v10  }
0x157: {  	[tilespmem:s30+$0xFFFFFFF0] =	vst v8;
	v63 =	vmul.f32 v61, v11  }
0x158: {  	[tilespmem:s21+$0x70] =	vst v6;
	v6 =	vmul.f32 v62, v7  }
0x159: {  	[tilespmem:s16+$0xFFFFFFF0] =	vst v63  }
0x15a: {  	[tilespmem:s21+$0xFFFFFFF0] =	vst v6  }
0x15b: {  	[tilespmem:$0x7610] =	vst v5  }
0x15c: {  	[tilespmem:$0xEE10] =	vst v5  }
0x15d: {  	[tilespmem:$0x7620] =	vst v5  }
0x15e: {  	[tilespmem:$0xEE20] =	vst v5  }
0x15f: {  	[tilespmem:$0x7630] =	vst v5  }
0x160: {  	[tilespmem:$0xEE30] =	vst v5  }
0x161: {  	[tilespmem:$0x7640] =	vst v5  }
0x162: {  	[tilespmem:$0xEE40] =	vst v5  }
0x163: {  	[tilespmem:$0x7650] =	vst v5  }
0x164: {  	[tilespmem:$0xEE50] =	vst v5  }
0x165: {  	[tilespmem:$0x7660] =	vst v5  }
0x166: {  	[tilespmem:$0xEE60] =	vst v5  }
0x167: {  	[tilespmem:$0x7670] =	vst v5  }
0x168: {  	[tilespmem:$0xEE70] =	vst v5  }
0x169: {  	[tilespmem:$0x7680] =	vst v5  }
0x16a: {  	[tilespmem:$0x7690] =	vst v5  }
0x16b: {  	[tilespmem:$0x76A0] =	vst v5  }
0x16c: {  	[tilespmem:$0x76B0] =	vst v5  }
0x16d: {  	[tilespmem:$0x76C0] =	vst v5  }
0x16e: {  	v6 =	vld [tilespmem:$0x7600];
	[tilespmem:$0x76D0] =	vst v5  }
0x16f: {  	v7 =	vld [tilespmem:$0x9E00];
	[tilespmem:$0x76E0] =	vst v5  }
0x170: {  	[tilespmem:$0x76F0] =	vst v5  }
0x171: {  	[tilespmem:$0xEE80] =	vst v5  }
0x172: {  	[tilespmem:$0xEE90] =	vst v5  }
0x173: {  	v8 =	vld [tilespmem:$0xC600];
	[tilespmem:$0xEEA0] =	vst v5  }
0x174: {  	[tilespmem:$0xEEB0] =	vst v5;
	v6 =	vadd.f32 v7, v6  }
0x175: {  	[tilespmem:$0xEEC0] =	vst v5  }
0x176: {  	[tilespmem:$0xEED0] =	vst v5;
	v6 =	vadd.f32 $1.000000000e+00, v6  }
0x177: {  	[tilespmem:$0xEEE0] =	vst v5  }
0x178: {  	[tilespmem:$0xEEF0] =	vst v5;
	v7 =	vmul.f32 v8, v6  }
0x179: {  	[tilespmem:$0x7600] =	vst v6  }
0x17a: {  	s0 =	simm.s32 @p0 $0x0;
	s1 =	rddreg [dreg:$0x8];
	[tilespmem:$0xEE00] =	vst v7  }
0x17b: {  	[hbm4b:s10+s0] =	stream.linear.scatter @p0 [tilespmem:s1], [sflag:$0x1], $0x400, $0x38;
	[tilespmem:$0x11A00] =	vst v63  }
0x17c: {  	s0 =	simm.s32 @p0 $0x1  }
0x17d: {  	_ =	swait.ge @p0 [sflag:s0], $0x400  }
0x17e: {  	[sflag:s0] =	ssyncset.done @p0 $0x0  }
0x17f: {  	[sflag:s0] =	ssyncadd.s32 @p0 $0xFFFFFC00;
	s0 =	simm.s32 $0xEF80  }
0x180: {  	[tilespmem:s0+$0xFFFFFF80] =	vst v5  }
0x181: {  	[tilespmem:s0+$0x70] =	vst v5  }
0x182: {  	[tilespmem:s0+$0x60] =	vst v5  }
0x183: {  	[tilespmem:s0+$0x50] =	vst v5  }
0x184: {  	[tilespmem:s0+$0x40] =	vst v5  }
0x185: {  	[tilespmem:s0+$0x30] =	vst v5  }
0x186: {  	[tilespmem:s0+$0x20] =	vst v5  }
0x187: {  	[tilespmem:s0+$0x10] =	vst v5  }
0x188: {  	[tilespmem:s0+$0x0] =	vst v5  }
0x189: {  	[tilespmem:s0+$0xFFFFFFF0] =	vst v5  }
0x18a: {  	[tilespmem:s0+$0xFFFFFFE0] =	vst v5  }
0x18b: {  	[tilespmem:s0+$0xFFFFFFD0] =	vst v5  }
0x18c: {  	[tilespmem:s0+$0xFFFFFFC0] =	vst v5  }
0x18d: {  	[tilespmem:s0+$0xFFFFFFB0] =	vst v5  }
0x18e: {  	s1 =	simm.s32 $0x0;
	[tilespmem:s0+$0xFFFFFFA0] =	vst v5  }
.LBB2_4:
0x18f: {  	s1 =	sadd.s32 $0x2, s1;
	[tilespmem:s0+$0xFFFFFF90] =	vst v5;
	s0 =	sadd.s32 $0x100, s0  }
0x190: {  	[tilespmem:s0+$0xFFFFFF80] =	vst v5;
	p3 =	slt.u32 s1, $0x4E  }
0x191: {  	[tilespmem:s0+$0x70] =	vst v5  }
0x192: {  	[tilespmem:s0+$0x60] =	vst v5  }
0x193: {  	[tilespmem:s0+$0x50] =	vst v5  }
0x194: {  	[tilespmem:s0+$0x40] =	vst v5  }
0x195: {  	[tilespmem:s0+$0x30] =	vst v5  }
0x196: {  	[tilespmem:s0+$0x20] =	vst v5  }
0x197: {  	[tilespmem:s0+$0x10] =	vst v5  }
0x198: {  	[tilespmem:s0+$0x0] =	vst v5  }
0x199: {  	[tilespmem:s0+$0xFFFFFFF0] =	vst v5  }
.Ltmp1:
0x19a: {  	[tilespmem:s0+$0xFFFFFFE0] =	vst v5;
	(pc) =	sbr.rel @p3 .LBB2_4-.Ltmp1, $4  }
0x19b: {  	[tilespmem:s0+$0xFFFFFFD0] =	vst v5  }
0x19c: {  	[tilespmem:s0+$0xFFFFFFC0] =	vst v5  }
0x19d: {  	[tilespmem:s0+$0xFFFFFFB0] =	vst v5  }
0x19e: {  	[tilespmem:s0+$0xFFFFFFA0] =	vst v5  }
0x19f: {  	[tilespmem:s0+$0xFFFFFF90] =	vst v5;
	s0 =	simm.s32 @!p1 $0xEF00  }
0x1a0: {  	[spmem:s9] =	stream.linear.scatter @!p1 [tilespmem:s0], [sflag:$0x1], $0x2800, $0x38;
	[tilespmem:$0x11A00] =	vst v63  }
0x1a1: {  	s0 =	simm.s32 @!p1 $0x1  }
0x1a2: {  	_ =	swait.ge @!p1 [sflag:s0], $0x2800  }
0x1a3: {  	[sflag:s0] =	ssyncset.done @!p1 $0x0  }
0x1a4: {  	[sflag:s0] =	ssyncadd.s32 @!p1 $0xFFFFD800  }
0x1a5: {  	s31 =	simm.s32 $0x0;
	s1 =	simm.s32 $0xC0;
	[bflag:$0x0] =	sbarrier.arrive $0xFFFF  }
0x1a6: {  	s2 =	sand.u32 $0x3FF0, s31;
	v6 =	vld [tilespmem:s1+$0xB0]  }
0x1a7: {  	v7 =	vld [tilespmem:s2+$0x180]  }
0x1a8: {  	v8 =	vld [tilespmem:s2+$0x80]  }
0x1a9: {  	v9 =	vld [tilespmem:s2+$0x100]  }
0x1aa: {  	v10 =	vld [tilespmem:s2+$0x2800]  }
0x1ab: {  	s0 =	simm.s32 $0x2840;
	v11 =	vld [tilespmem:s2+$0x2880]  }
0x1ac: {  	v12 =	vld [tilespmem:s0+$0xB0]  }
0x1ad: {  	v13 =	vld [tilespmem:s2+$0x2900]  }
0x1ae: {  	v14 =	vld [tilespmem:s1+$0xFFFFFF40]  }
0x1af: {  	v15 =	vld [tilespmem:s1+$0xFFFFFF50]  }
0x1b0: {  	v58 =	vld [tilespmem:s1+$0xFFFFFF80]  }
0x1b1: {  	v59 =	vld [tilespmem:s1+$0xFFFFFF90]  }
0x1b2: {  	v60 =	vld [tilespmem:s1+$0xFFFFFFA0]  }
0x1b3: {  	v61 =	vld [tilespmem:s1+$0xFFFFFFB0]  }
0x1b4: {  	v62 =	vld [tilespmem:s1+$0xFFFFFFD0]  }
0x1b5: {  	v63 =	vld [tilespmem:s1+$0xFFFFFFE0]  }
0x1b6: {  	v16 =	vld [tilespmem:s1+$0xFFFFFFF0]  }
0x1b7: {  	v17 =	vld [tilespmem:s1+$0x0]  }
0x1b8: {  	v18 =	vld [tilespmem:s1+$0x10]  }
0x1b9: {  	v19 =	vld [tilespmem:s1+$0x20]  }
0x1ba: {  	v20 =	vld [tilespmem:s1+$0x30]  }
0x1bb: {  	v21 =	vld [tilespmem:s1+$0x50]  }
0x1bc: {  	v22 =	vld [tilespmem:s1+$0x60]  }
0x1bd: {  	v23 =	vld [tilespmem:s1+$0x70]  }
0x1be: {  	v24 =	vld [tilespmem:s1+$0x80]  }
0x1bf: {  	v25 =	vld [tilespmem:s1+$0x90]  }
0x1c0: {  	v26 =	vld [tilespmem:s1+$0xA0]  }
0x1c1: {  	v27 =	vld [tilespmem:s0+$0xFFFFFF50]  }
0x1c2: {  	v28 =	vld [tilespmem:s0+$0xFFFFFF60]  }
0x1c3: {  	v29 =	vld [tilespmem:s0+$0xFFFFFF70]  }
0x1c4: {  	v30 =	vld [tilespmem:s0+$0xFFFFFF80]  }
0x1c5: {  	v31 =	vld [tilespmem:s0+$0xFFFFFF90]  }
0x1c6: {  	v32 =	vld [tilespmem:s0+$0xFFFFFFA0]  }
0x1c7: {  	v33 =	vld [tilespmem:s0+$0xFFFFFFB0]  }
0x1c8: {  	v34 =	vld [tilespmem:s0+$0xFFFFFFD0]  }
0x1c9: {  	v35 =	vld [tilespmem:s0+$0xFFFFFFE0]  }
0x1ca: {  	v36 =	vld [tilespmem:s0+$0xFFFFFFF0]  }
0x1cb: {  	v37 =	vld [tilespmem:s0+$0x0]  }
0x1cc: {  	v38 =	vld [tilespmem:s0+$0x10]  }
0x1cd: {  	v39 =	vld [tilespmem:s0+$0x20]  }
0x1ce: {  	v40 =	vld [tilespmem:s0+$0x30]  }
0x1cf: {  	v41 =	vld [tilespmem:s0+$0x50]  }
0x1d0: {  	v42 =	vld [tilespmem:s0+$0x60]  }
0x1d1: {  	v43 =	vld [tilespmem:s0+$0x70]  }
0x1d2: {  	v44 =	vld [tilespmem:s0+$0x80]  }
0x1d3: {  	v45 =	vld [tilespmem:s0+$0x90]  }
0x1d4: {  	v46 =	vld [tilespmem:s0+$0xA0]  }
0x1d5: {  	v47 =	vld [tilespmem:s0+$0xFFFFFF40]  }
0x1d6: {  	v6 =	vld.idx.msk [tilespmem:v6+s18+$0x0], $0xffff  }
0x1d7: {  	v7 =	vld.idx.msk [tilespmem:v7+s18+$0x0], $0xffff  }
0x1d8: {  	v8 =	vld.idx.msk [tilespmem:v8+s18+$0x0], $0xffff  }
0x1d9: {  	v9 =	vld.idx.msk [tilespmem:v9+s18+$0x0], $0xffff  }
0x1da: {  	v14 =	vld.idx.msk [tilespmem:v14+s18+$0x0], $0xffff  }
0x1db: {  	v15 =	vld.idx.msk [tilespmem:v15+s18+$0x0], $0xffff  }
0x1dc: {  	v16 =	vld.idx.msk [tilespmem:v16+s18+$0x0], $0xffff  }
0x1dd: {  	v17 =	vld.idx.msk [tilespmem:v17+s18+$0x0], $0xffff  }
0x1de: {  	v18 =	vld.idx.msk [tilespmem:v18+s18+$0x0], $0xffff  }
0x1df: {  	v19 =	vld.idx.msk [tilespmem:v19+s18+$0x0], $0xffff  }
0x1e0: {  	v20 =	vld.idx.msk [tilespmem:v20+s18+$0x0], $0xffff  }
0x1e1: {  	v21 =	vld.idx.msk [tilespmem:v21+s18+$0x0], $0xffff  }
0x1e2: {  	v22 =	vld.idx.msk [tilespmem:v22+s18+$0x0], $0xffff  }
0x1e3: {  	v23 =	vld.idx.msk [tilespmem:v23+s18+$0x0], $0xffff  }
0x1e4: {  	v24 =	vld.idx.msk [tilespmem:v24+s18+$0x0], $0xffff  }
0x1e5: {  	v25 =	vld.idx.msk [tilespmem:v25+s18+$0x0], $0xffff  }
0x1e6: {  	v26 =	vld.idx.msk [tilespmem:v26+s18+$0x0], $0xffff  }
0x1e7: {  	[tilespmem:v12+s19+$0x0] =	vst.idx.add.f32.msk $0xffff, v6  }
0x1e8: {  	[tilespmem:v13+s19+$0x0] =	vst.idx.add.f32.msk $0xffff, v7  }
0x1e9: {  	[tilespmem:v10+s19+$0x0] =	vst.idx.add.f32.msk $0xffff, v8  }
0x1ea: {  	[tilespmem:v11+s19+$0x0] =	vst.idx.add.f32.msk $0xffff, v9  }
0x1eb: {  	v6 =	vld [tilespmem:s1+$0xFFFFFF60]  }
0x1ec: {  	v7 =	vld [tilespmem:s1+$0xFFFFFF70]  }
0x1ed: {  	v8 =	vld.idx.msk [tilespmem:v58+s18+$0x0], $0xffff  }
0x1ee: {  	v9 =	vld.idx.msk [tilespmem:v59+s18+$0x0], $0xffff  }
0x1ef: {  	v10 =	vld.idx.msk [tilespmem:v60+s18+$0x0], $0xffff  }
0x1f0: {  	v11 =	vld.idx.msk [tilespmem:v61+s18+$0x0], $0xffff  }
0x1f1: {  	v12 =	vld.idx.msk [tilespmem:v62+s18+$0x0], $0xffff  }
0x1f2: {  	v13 =	vld.idx.msk [tilespmem:v63+s18+$0x0], $0xffff  }
0x1f3: {  	[tilespmem:v27+s19+$0x0] =	vst.idx.add.f32.msk $0xffff, v15  }
0x1f4: {  	[tilespmem:v47+s19+$0x0] =	vst.idx.add.f32.msk $0xffff, v14  }
0x1f5: {  	[tilespmem:v36+s19+$0x0] =	vst.idx.add.f32.msk $0xffff, v16  }
0x1f6: {  	[tilespmem:v37+s19+$0x0] =	vst.idx.add.f32.msk $0xffff, v17  }
0x1f7: {  	[tilespmem:v38+s19+$0x0] =	vst.idx.add.f32.msk $0xffff, v18  }
0x1f8: {  	[tilespmem:v39+s19+$0x0] =	vst.idx.add.f32.msk $0xffff, v19  }
0x1f9: {  	[tilespmem:v40+s19+$0x0] =	vst.idx.add.f32.msk $0xffff, v20  }
0x1fa: {  	[tilespmem:v41+s19+$0x0] =	vst.idx.add.f32.msk $0xffff, v21  }
0x1fb: {  	[tilespmem:v42+s19+$0x0] =	vst.idx.add.f32.msk $0xffff, v22  }
0x1fc: {  	[tilespmem:v43+s19+$0x0] =	vst.idx.add.f32.msk $0xffff, v23  }
0x1fd: {  	[tilespmem:v44+s19+$0x0] =	vst.idx.add.f32.msk $0xffff, v24  }
0x1fe: {  	[tilespmem:v45+s19+$0x0] =	vst.idx.add.f32.msk $0xffff, v25  }
0x1ff: {  	[tilespmem:v46+s19+$0x0] =	vst.idx.add.f32.msk $0xffff, v26  }
0x200: {  	[tilespmem:v30+s19+$0x0] =	vst.idx.add.f32.msk $0xffff, v8  }
0x201: {  	[tilespmem:v31+s19+$0x0] =	vst.idx.add.f32.msk $0xffff, v9  }
0x202: {  	[tilespmem:v32+s19+$0x0] =	vst.idx.add.f32.msk $0xffff, v10  }
0x203: {  	v6 =	vld.idx.msk [tilespmem:v6+s18+$0x0], $0xffff  }
0x204: {  	v7 =	vld.idx.msk [tilespmem:v7+s18+$0x0], $0xffff  }
0x205: {  	[tilespmem:v33+s19+$0x0] =	vst.idx.add.f32.msk $0xffff, v11  }
0x206: {  	[tilespmem:v34+s19+$0x0] =	vst.idx.add.f32.msk $0xffff, v12  }
0x207: {  	[tilespmem:v35+s19+$0x0] =	vst.idx.add.f32.msk $0xffff, v13  }
0x208: {  	[tilespmem:v28+s19+$0x0] =	vst.idx.add.f32.msk $0xffff, v6  }
0x209: {  	s4 =	simm.s32 $0x250;
	s2 =	simm.s32 $0x190;
	s1 =	simm.s32 $0x0;
	[tilespmem:v29+s19+$0x0] =	vst.idx.add.f32.msk $0xffff, v7  }
.LBB2_6:
0x20a: {  	s5 =	sand.u32 $0x3FF0, s2;
	v6 =	vld [tilespmem:s4+$0xB0];
	s1 =	sadd.s32 $0x19, s1  }
0x20b: {  	v7 =	vld [tilespmem:s5+$0x180];
	p3 =	slt.u32 s1, $0x258  }
0x20c: {  	v8 =	vld [tilespmem:s5+$0x80]  }
0x20d: {  	v9 =	vld [tilespmem:s5+$0x100]  }
0x20e: {  	v10 =	vld [tilespmem:s5+$0x2800]  }
0x20f: {  	s0 =	sadd.s32 $0x190, s0;
	v11 =	vld [tilespmem:s5+$0x2880]  }
0x210: {  	v12 =	vld [tilespmem:s0+$0xB0]  }
0x211: {  	v13 =	vld [tilespmem:s5+$0x2900]  }
0x212: {  	v6 =	vld.idx.msk [tilespmem:v6+s18+$0x0], $0xffff  }
0x213: {  	v7 =	vld.idx.msk [tilespmem:v7+s18+$0x0], $0xffff  }
0x214: {  	v8 =	vld.idx.msk [tilespmem:v8+s18+$0x0], $0xffff  }
0x215: {  	v9 =	vld.idx.msk [tilespmem:v9+s18+$0x0], $0xffff  }
0x216: {  	v14 =	vld [tilespmem:s4+$0xFFFFFF40]  }
0x217: {  	v15 =	vld [tilespmem:s4+$0xFFFFFF50]  }
0x218: {  	[tilespmem:v12+s19+$0x0] =	vst.idx.add.f32.msk $0xffff, v6  }
0x219: {  	[tilespmem:v13+s19+$0x0] =	vst.idx.add.f32.msk $0xffff, v7  }
0x21a: {  	[tilespmem:v10+s19+$0x0] =	vst.idx.add.f32.msk $0xffff, v8  }
0x21b: {  	[tilespmem:v11+s19+$0x0] =	vst.idx.add.f32.msk $0xffff, v9  }
0x21c: {  	v6 =	vld [tilespmem:s4+$0xFFFFFF60]  }
0x21d: {  	v7 =	vld [tilespmem:s4+$0xFFFFFF70]  }
0x21e: {  	v8 =	vld [tilespmem:s4+$0xFFFFFF80]  }
0x21f: {  	v9 =	vld [tilespmem:s4+$0xFFFFFF90]  }
0x220: {  	v10 =	vld [tilespmem:s4+$0xFFFFFFA0]  }
0x221: {  	v11 =	vld [tilespmem:s4+$0xFFFFFFB0]  }
0x222: {  	v12 =	vld [tilespmem:s4+$0xFFFFFFD0]  }
0x223: {  	v13 =	vld [tilespmem:s4+$0xFFFFFFE0]  }
0x224: {  	v16 =	vld [tilespmem:s4+$0xFFFFFFF0]  }
0x225: {  	v17 =	vld [tilespmem:s4+$0x0]  }
0x226: {  	v18 =	vld [tilespmem:s4+$0x10]  }
0x227: {  	v19 =	vld [tilespmem:s4+$0x20]  }
0x228: {  	v20 =	vld [tilespmem:s4+$0x30]  }
0x229: {  	v21 =	vld [tilespmem:s4+$0x50]  }
0x22a: {  	v22 =	vld [tilespmem:s4+$0x60]  }
0x22b: {  	v23 =	vld [tilespmem:s4+$0x70]  }
0x22c: {  	v24 =	vld [tilespmem:s4+$0x80]  }
0x22d: {  	v25 =	vld [tilespmem:s4+$0x90]  }
0x22e: {  	v26 =	vld [tilespmem:s4+$0xA0]  }
0x22f: {  	v14 =	vld.idx.msk [tilespmem:v14+s18+$0x0], $0xffff  }
0x230: {  	v15 =	vld.idx.msk [tilespmem:v15+s18+$0x0], $0xffff  }
0x231: {  	v6 =	vld.idx.msk [tilespmem:v6+s18+$0x0], $0xffff  }
0x232: {  	v7 =	vld.idx.msk [tilespmem:v7+s18+$0x0], $0xffff  }
0x233: {  	v8 =	vld.idx.msk [tilespmem:v8+s18+$0x0], $0xffff  }
0x234: {  	v9 =	vld.idx.msk [tilespmem:v9+s18+$0x0], $0xffff  }
0x235: {  	v10 =	vld.idx.msk [tilespmem:v10+s18+$0x0], $0xffff  }
0x236: {  	v11 =	vld.idx.msk [tilespmem:v11+s18+$0x0], $0xffff  }
0x237: {  	v12 =	vld.idx.msk [tilespmem:v12+s18+$0x0], $0xffff  }
0x238: {  	v13 =	vld.idx.msk [tilespmem:v13+s18+$0x0], $0xffff  }
0x239: {  	v16 =	vld.idx.msk [tilespmem:v16+s18+$0x0], $0xffff  }
0x23a: {  	v17 =	vld.idx.msk [tilespmem:v17+s18+$0x0], $0xffff  }
0x23b: {  	v18 =	vld.idx.msk [tilespmem:v18+s18+$0x0], $0xffff  }
0x23c: {  	v19 =	vld.idx.msk [tilespmem:v19+s18+$0x0], $0xffff  }
0x23d: {  	v20 =	vld.idx.msk [tilespmem:v20+s18+$0x0], $0xffff  }
0x23e: {  	v21 =	vld.idx.msk [tilespmem:v21+s18+$0x0], $0xffff  }
0x23f: {  	v22 =	vld.idx.msk [tilespmem:v22+s18+$0x0], $0xffff  }
0x240: {  	v23 =	vld.idx.msk [tilespmem:v23+s18+$0x0], $0xffff  }
0x241: {  	v24 =	vld.idx.msk [tilespmem:v24+s18+$0x0], $0xffff  }
0x242: {  	v25 =	vld.idx.msk [tilespmem:v25+s18+$0x0], $0xffff  }
0x243: {  	v26 =	vld.idx.msk [tilespmem:v26+s18+$0x0], $0xffff  }
0x244: {  	v27 =	vld [tilespmem:s0+$0xFFFFFF50]  }
0x245: {  	v28 =	vld [tilespmem:s0+$0xFFFFFF60]  }
0x246: {  	v29 =	vld [tilespmem:s0+$0xFFFFFF70]  }
0x247: {  	v30 =	vld [tilespmem:s0+$0xFFFFFF80]  }
0x248: {  	v31 =	vld [tilespmem:s0+$0xFFFFFF90]  }
0x249: {  	v32 =	vld [tilespmem:s0+$0xFFFFFFA0]  }
0x24a: {  	v33 =	vld [tilespmem:s0+$0xFFFFFFB0]  }
0x24b: {  	v34 =	vld [tilespmem:s0+$0xFFFFFFD0]  }
0x24c: {  	v35 =	vld [tilespmem:s0+$0xFFFFFFE0]  }
0x24d: {  	v36 =	vld [tilespmem:s0+$0xFFFFFFF0]  }
0x24e: {  	v37 =	vld [tilespmem:s0+$0x0]  }
0x24f: {  	v38 =	vld [tilespmem:s0+$0x10]  }
0x250: {  	v39 =	vld [tilespmem:s0+$0x20]  }
0x251: {  	v40 =	vld [tilespmem:s0+$0x30]  }
0x252: {  	v41 =	vld [tilespmem:s0+$0x50]  }
0x253: {  	v42 =	vld [tilespmem:s0+$0x60]  }
0x254: {  	v43 =	vld [tilespmem:s0+$0x70]  }
0x255: {  	v44 =	vld [tilespmem:s0+$0x80]  }
0x256: {  	v45 =	vld [tilespmem:s0+$0x90]  }
0x257: {  	v46 =	vld [tilespmem:s0+$0xA0]  }
0x258: {  	v47 =	vld [tilespmem:s0+$0xFFFFFF40]  }
0x259: {  	[tilespmem:v27+s19+$0x0] =	vst.idx.add.f32.msk $0xffff, v15  }
0x25a: {  	[tilespmem:v28+s19+$0x0] =	vst.idx.add.f32.msk $0xffff, v6  }
0x25b: {  	[tilespmem:v29+s19+$0x0] =	vst.idx.add.f32.msk $0xffff, v7  }
0x25c: {  	[tilespmem:v30+s19+$0x0] =	vst.idx.add.f32.msk $0xffff, v8  }
0x25d: {  	[tilespmem:v31+s19+$0x0] =	vst.idx.add.f32.msk $0xffff, v9  }
0x25e: {  	[tilespmem:v32+s19+$0x0] =	vst.idx.add.f32.msk $0xffff, v10  }
0x25f: {  	[tilespmem:v33+s19+$0x0] =	vst.idx.add.f32.msk $0xffff, v11  }
0x260: {  	[tilespmem:v47+s19+$0x0] =	vst.idx.add.f32.msk $0xffff, v14  }
0x261: {  	[tilespmem:v34+s19+$0x0] =	vst.idx.add.f32.msk $0xffff, v12  }
0x262: {  	[tilespmem:v35+s19+$0x0] =	vst.idx.add.f32.msk $0xffff, v13  }
0x263: {  	[tilespmem:v36+s19+$0x0] =	vst.idx.add.f32.msk $0xffff, v16  }
0x264: {  	[tilespmem:v37+s19+$0x0] =	vst.idx.add.f32.msk $0xffff, v17  }
0x265: {  	[tilespmem:v38+s19+$0x0] =	vst.idx.add.f32.msk $0xffff, v18  }
0x266: {  	[tilespmem:v39+s19+$0x0] =	vst.idx.add.f32.msk $0xffff, v19  }
0x267: {  	[tilespmem:v40+s19+$0x0] =	vst.idx.add.f32.msk $0xffff, v20  }
0x268: {  	[tilespmem:v41+s19+$0x0] =	vst.idx.add.f32.msk $0xffff, v21  }
.Ltmp2:
0x269: {  	[tilespmem:v42+s19+$0x0] =	vst.idx.add.f32.msk $0xffff, v22;
	(pc) =	sbr.rel @p3 .LBB2_6-.Ltmp2, $4  }
0x26a: {  	[tilespmem:v43+s19+$0x0] =	vst.idx.add.f32.msk $0xffff, v23  }
0x26b: {  	[tilespmem:v44+s19+$0x0] =	vst.idx.add.f32.msk $0xffff, v24  }
0x26c: {  	[tilespmem:v45+s19+$0x0] =	vst.idx.add.f32.msk $0xffff, v25  }
0x26d: {  	s2 =	sadd.s32 $0x190, s2;
	s4 =	sadd.s32 $0x190, s4;
	[tilespmem:v46+s19+$0x0] =	vst.idx.add.f32.msk $0xffff, v26  }
0x26e: {  	s0 =	simm.s32 $0x50;
	s1 =	simm.s32 $0x11700  }
0x26f: {  	[spmem:s9] =	stream.indirect.scatter.add.f32 [tilespmem:s19], [sflag:$0x1], $0x80, s1, s0, $0xb8;
	[tilespmem:$0x11A00] =	vst v63  }
0x270: {  	_ =	swait.ge [sflag:s13], $0x2800  }
0x271: {  	s0 =	stileid.u32;
	[sflag:s13] =	ssyncset.done $0x0  }
0x272: {  	s23 =	sadd.s32 $0x1, s23;
	s0 =	sshll.u32 @!p2 s0, $0x6;
	[sflag:s13] =	ssyncadd.s32 $0xFFFFD800  }
0x273: {  	p3 =	sne.s32 s23, s12;
	s0 =	sor.u32 @!p2 $0x1C01, s0;
	[bflag:$0x0] =	sbarrier.arrive $0xFFFF  }
0x274: {  	[hbm:s11], [sflag:s0] =	dma.local @!p2 [spmem:s22], $0x80  }
.Ltmp3:
0x275: {  	_ = 	snop;
	(pc) =	sbr.rel @p3 .LBB2_1-.Ltmp3, $4  }
0x276: {  	s0 =	simm.s32 @!p2 $0x1  }
0x277: {  	_ =	swait.ge @!p2 [sflag:s0], $0x80  }
0x278: {  	[sflag:s0] =	ssyncset.done @!p2 $0x0  }
0x279: {  	[sflag:s0] =	ssyncadd.s32 @!p2 $0xFFFFFF80  }
0x27a: {  	_ =	sfence.sel $0x180000  }
0x27b: {  	[bflag:$0x0] =	sbarrier.arrive $0xFFFF  }
0x27c: {  	_ =	strace $0x9000004D  }
0x27d: {  	[bflag:$0x2] =	sbarrier.arrive $0xFFFF  }
0x27e: {  	s0 =	rddreg [dreg:$0x2]  }
0x27f: {  	s0 =	sadd.s32 @!p1 $0x100000, s0  }
0x280: {  	[sflag:s0] =	ssyncadd.tile.s32 @!p1 $0x1;
	_ =	shalt  }
.Lfunc_end2:
_tile_overlayer_lowered:
.L_overlay_start_2:
0x281: {  	(tag) =	ssettag $0x2  }
0x282: {  	s0 =	rddreg [dreg:$0x0];
	s2 =	stileid.u32  }
0x283: {  	s1 =	rddreg [dreg:$0x1];
	p0 =	sne.s32 s2, $0x0  }
0x284: {  	s3 =	rddreg [dreg:$0x2];
	[bflag:$0x3] =	sbarrier.arrive $0xFFFF;
	s2 =	simm.s32 @!p0 $0x1C01  }
0x285: {  	[timem:s3], [sflag:s2] =	dma.local @!p0 [hbm:s0], s1  }
0x286: {  	s0 =	simm.s32 @!p0 $0x1  }
0x287: {  	_ =	swait.ge @!p0 [sflag:s0], s1  }
0x288: {  	s1 =	ssub.s32 @!p0 $0x0, s1;
	[sflag:s0] =	ssyncset.done @!p0 $0x0  }
0x289: {  	[sflag:s0] =	ssyncadd.s32 @!p0 s1  }
0x28a: {  	[bflag:$0x3] =	sbarrier.arrive $0xFFFF  }
0x28b: {  	_ =	shalt  }

// kernel: kernel.16.cloned.1.call-start
scs
__scs_entry_jumppad:
0x0: {  	(pc) =	sbr.rel $0x88, $3  }
0x1: {  	(tag) =	ssettag $0x0;
	lr =	simm.s32 $0x1  }
0x2: {  	[smem:$0x3F99] =	sst lr;
	_ =	strace $0xD0000000  }
0x3: {  	_ = 	snop  }
0x4: {  	_ = 	snop  }
0x5: {  	_ = 	snop  }
0x6: {  	_ = 	snop  }
0x7: {  	_ = 	snop  }
__scs_overlays_trampoline_lowered:
0x8: {  	[smem:$0x3FA8] =	sst s0  }
0x9: {  	[smem:$0x3FA9] =	sst s1  }
0xa: {  	[smem:$0x3FAA] =	sst s2  }
0xb: {  	[smem:$0x3FAB] =	sst s3  }
0xc: {  	[smem:$0x3FAC] =	sst s4  }
0xd: {  	[smem:$0x3FAD] =	sst s5  }
0xe: {  	[smem:$0x3FAE] =	sst s6  }
0xf: {  	[smem:$0x3FAF] =	sst s7  }
0x10: {  	[smem:$0x3FB0] =	sst s8  }
0x11: {  	[smem:$0x3FB1] =	sst s9;
	s0 =	simm.s32 @!p0 $0x0  }
0x12: {  	s1 =	sld [smem:$0x3F97];
	s0 =	simm.s32 @p0 $0x1  }
0x13: {  	[smem:$0x3FB2] =	sst s0;
	s0 =	simm.s32 @!p1 $0x0  }
0x14: {  	s2 =	sld [smem:$0x3F96];
	s0 =	simm.s32 @p1 $0x1  }
0x15: {  	[smem:$0x3FB3] =	sst s0;
	s0 =	simm.s32 @!p2 $0x0  }
0x16: {  	s3 =	sld [smem:$0x3FDB];
	s0 =	simm.s32 @p2 $0x1  }
0x17: {  	s4 =	simm.s32 $0x1BF5;
	[smem:$0x3FB5] =	sst s0  }
0x18: {  	s0 =	sld [smem:$0x3F98];
	_ =	swait.ge [sflag:s4], $0x0  }
0x19: {  	s7 =	sld [smem:$0x3F99]  }
0x1a: {  	s8 =	sadd.s32 $0xFFFFE003, lr  }
0x1b: {  	s9 =	sadd.s32 $0xFFFFFEF7, lr;
	s5 =	simm.s32 $0xFFFFFFFF;
	p2 =	slt.u32 s8, $0xFFFFF086  }
0x1c: {  	p1 =	slt.u32 s9, $0xF7A;
	s5 =	simm.s32 @!p2 $0x0  }
0x1d: {  	s5 =	simm.s32 @p1 $0x1;
	p0 =	seq.s32 s7, s2  }
0x1e: {  	s7 =	smul.u32 @!p0 $0xF7A, s2;
	p2 =	seq.s32 @!p0 s5, $0x0  }
0x1f: {  	s9 =	smul.u32 $0xF7A, s1;
	s8 =	simm.s32 @!p0 $0x1BF5;
	p2 =	por !p2, p0  }
0x20: {  	[sflag:s8] =	ssyncset.s32 @!p0 $0xFFFFF086;
	s6 =	sadd.s32 @!p0 s3, s7;
	s7 =	simm.s32 @!p0 $0x108  }
0x21: {  	s3 =	sadd.s32 s3, s9;
	s6 =	sadd.s32 @!p0 $0x88, s6;
	s7 =	simm.s32 @p2 $0x1082  }
0x22: {  	[simem:s7], [sflag:s8] =	dma.local @!p0 [hbm:s6], $0xF7A  }
0x23: {  	s9 =	sor.u32 $0xD0000000, s2;
	s6 =	simm.s32 $0x108;
	_ =	swait.ge @!p0 [sflag:s8], $0x0  }
0x24: {  	s3 =	sadd.s32 $0x88, s3;
	s6 =	simm.s32 @!p1 $0x1082;
	[sflag:s4] =	ssyncset.s32 $0xFFFFF086  }
0x25: {  	[simem:s6], [sflag:s4] =	dma.local [hbm:s3], $0xF7A  }
0x26: {  	[smem:$0x3F99] =	sst s1;
	(tag) =	ssettag s2;
	_ =	strace s9  }
0x27: {  	s1 =	sld [smem:$0x3FA9]  }
0x28: {  	s2 =	sld [smem:$0x3FAA]  }
0x29: {  	s4 =	sld [smem:$0x3FAC]  }
0x2a: {  	p0 =	seq.s32 s5, $0x0;
	s5 =	sld [smem:$0x3FAD]  }
0x2b: {  	s6 =	sld [smem:$0x3FAE]  }
0x2c: {  	s7 =	sld [smem:$0x3FAF]  }
0x2d: {  	s3 =	simm.s32 $0x108;
	s8 =	sld [smem:$0x3FB0]  }
0x2e: {  	s3 =	simm.s32 @!p0 $0x1082;
	s9 =	sld [smem:$0x3FB1]  }
0x2f: {  	lr =	sadd.s32 s0, s3;
	s0 =	sld [smem:$0x3FA8]  }
0x30: {  	s3 =	sld [smem:$0x3FAB]  }
0x31: {  	[smem:$0x3FB4] =	sst s10  }
0x32: {  	s10 =	sld [smem:$0x3FB2];
	_ =	sdelay $0x3  }
0x33: {  	p0 =	seq.s32 s10, $0x1;
	s10 =	sld [smem:$0x3FB4];
	_ =	sdelay $0x3  }
0x34: {  	[smem:$0x3FB4] =	sst s10  }
0x35: {  	s10 =	sld [smem:$0x3FB3];
	_ =	sdelay $0x3  }
0x36: {  	p1 =	seq.s32 s10, $0x1;
	s10 =	sld [smem:$0x3FB4];
	_ =	sdelay $0x3  }
0x37: {  	[smem:$0x3FB4] =	sst s10  }
0x38: {  	s10 =	sld [smem:$0x3FB5]  }
0x39: {  	_ = 	snop;
	(pc) =	sbr.ind lr, $3  }
0x3a: {  	_ = 	snop  }
0x3b: {  	_ = 	snop  }
0x3c: {  	p2 =	seq.s32 s10, $0x1;
	s10 =	sld [smem:$0x3FB4]  }
0x3d: {  	_ =	shalt  }
0x3e: {  	_ =	shalt  }
0x3f: {  	_ =	shalt  }
0x40: {  	_ =	shalt  }
0x41: {  	_ =	shalt  }
0x42: {  	_ =	shalt  }
0x43: {  	_ =	shalt  }
0x44: {  	_ =	shalt  }
0x45: {  	_ =	shalt  }
0x46: {  	_ =	shalt  }
0x47: {  	_ =	shalt  }
0x48: {  	_ =	shalt  }
0x49: {  	_ =	shalt  }
0x4a: {  	_ =	shalt  }
0x4b: {  	_ =	shalt  }
0x4c: {  	_ =	shalt  }
0x4d: {  	_ =	shalt  }
0x4e: {  	_ =	shalt  }
0x4f: {  	_ =	shalt  }
0x50: {  	_ =	shalt  }
0x51: {  	_ =	shalt  }
0x52: {  	_ =	shalt  }
0x53: {  	_ =	shalt  }
0x54: {  	_ =	shalt  }
0x55: {  	_ =	shalt  }
0x56: {  	_ =	shalt  }
0x57: {  	_ =	shalt  }
0x58: {  	_ =	shalt  }
0x59: {  	_ =	shalt  }
0x5a: {  	_ =	shalt  }
0x5b: {  	_ =	shalt  }
0x5c: {  	_ =	shalt  }
0x5d: {  	_ =	shalt  }
0x5e: {  	_ =	shalt  }
0x5f: {  	_ =	shalt  }
0x60: {  	_ =	shalt  }
0x61: {  	_ =	shalt  }
0x62: {  	_ =	shalt  }
0x63: {  	_ =	shalt  }
0x64: {  	_ =	shalt  }
0x65: {  	_ =	shalt  }
0x66: {  	_ =	shalt  }
0x67: {  	_ =	shalt  }
0x68: {  	_ =	shalt  }
0x69: {  	_ =	shalt  }
0x6a: {  	_ =	shalt  }
0x6b: {  	_ =	shalt  }
0x6c: {  	_ =	shalt  }
0x6d: {  	_ =	shalt  }
0x6e: {  	_ =	shalt  }
0x6f: {  	_ =	shalt  }
0x70: {  	_ =	shalt  }
0x71: {  	_ =	shalt  }
0x72: {  	_ =	shalt  }
0x73: {  	_ =	shalt  }
0x74: {  	_ =	shalt  }
0x75: {  	_ =	shalt  }
0x76: {  	_ =	shalt  }
0x77: {  	_ =	shalt  }
0x78: {  	_ =	shalt  }
0x79: {  	_ =	shalt  }
0x7a: {  	_ =	shalt  }
0x7b: {  	_ =	shalt  }
0x7c: {  	_ =	shalt  }
0x7d: {  	_ =	shalt  }
0x7e: {  	_ =	shalt  }
0x7f: {  	_ =	shalt  }
0x80: {  	_ =	shalt  }
0x81: {  	_ =	shalt  }
0x82: {  	_ =	shalt  }
0x83: {  	_ =	shalt  }
0x84: {  	_ =	shalt  }
0x85: {  	_ =	shalt  }
0x86: {  	_ =	shalt  }
0x87: {  	_ =	shalt  }
.Lfunc_end0:
.L_simem_size_0:
called_computation.3_lowered:
.L_overlay_start_0:
0x88: {  	s2 =	sld [smem:$0x3FD9]  }
0x89: {  	s3 =	sld [smem:$0x3FFE];
	_ =	sdelay $0x1  }
0x8a: {  	s1 =	srdreg.scid  }
0x8b: {  	s0 =	sand.u32 $0x1, s1  }
0x8c: {  	s16 =	sshll.u32 s0, $0xA;
	s2 =	sadd.s32 s3, s2  }
0x8d: {  	s2 =	sadd.s32 s2, s16  }
0x8e: {  	[smem:$0x3FC0] =	sst s2  }
0x8f: {  	_ = 	snop  }
0x90: {  	(tm) =	ssettm $0x1  }
0x91: {  	s17 =	sld [smem:$0x3FFB];
	_ =	sdelay $0x3  }
0x92: {  	_ =	strace s17  }
0x93: {  	s2 =	sld [smem:$0x3FFC];
	_ =	sdelay $0x3  }
0x94: {  	_ =	strace s2  }
0x95: {  	s2 =	sld [smem:$0x3FFD];
	_ =	sdelay $0x3  }
0x96: {  	_ =	strace s2  }
0x97: {  	_ =	strace $0x8FFFFFFF  }
0x98: {  	s18 =	sld [smem:$0x3FDB];
	_ =	sdelay $0x1  }
0x99: {  	s19 =	simm.s32 $_scs_section_size  }
0x9a: {  	s4 =	simm.s32 $_size__tile_overlayer_lowered;
	s5 =	simm.s32 $_tile_overlayer_lowered  }
0x9b: {  	s22 =	simm.s32 $0x1BFF;
	s21 =	sshll.u32 s5, $0x1;
	s2 =	sadd.s32 s19, s18  }
0x9c: {  	s6 =	simm.s32 $0x0;
	s20 =	sshll.u32 s4, $0x1;
	s4 =	sadd.s32 s21, s2  }
0x9d: {  	[timem:s6], [sflag:s22] =	dma.local [hbm:s4], s20  }
0x9e: {  	_ =	swait.ge [sflag:s22], s20  }
0x9f: {  	s3 =	ssub.s32 $0x0, s20;
	[sflag:s22] =	ssyncset.done $0x0  }
0xa0: {  	[sflag:s22] =	ssyncadd.s32 s3;
	_ =	sdelay $0x1  }
0xa1: {  	s23 =	simm.s32 $0x1B8B  }
0xa2: {  	_ =	swait.ge [sflag:s23], $0x1  }
0xa3: {  	[sflag:s23] =	ssyncset.done $0x0  }
0xa4: {  	s25 =	simm.s32 $0x1B8E;
	s24 =	sld [smem:$0x3FFE];
	[sflag:s23] =	ssyncadd.s32 $0xFFFFFFFF  }
0xa5: {  	s26 =	simm.s32 $execute0_lowered;
	[smem:$0x3FD2] =	sst s25  }
0xa6: {  	s4 =	sshll.u32 s26, $0x1;
	_ =	strace $0x8000004F;
	[dreg:$0x1] =	wrdreg $0xFFFFFFFF  }
0xa7: {  	s28 =	simm.s32 $_size_execute0_lowered;
	s2 =	sadd.s32 s2, s4;
	[dreg:$0x0] =	wrdreg $0x0  }
0xa8: {  	s4 =	sshll.u32 s28, $0x1;
	[dreg:$0x2] =	wrdreg s2  }
0xa9: {  	[dreg:$0x3] =	wrdreg s4  }
0xaa: {  	[dreg:$0x4] =	wrdreg $0xC0  }
0xab: {  	_ =	task [dreg:s6], $0x5FFFF  }
0xac: {  	[dreg:$0x1] =	wrdreg $0xFFFFFFFF  }
0xad: {  	[dreg:$0x0] =	wrdreg $0x60  }
0xae: {  	[dreg:$0x2] =	wrdreg s24  }
0xaf: {  	[dreg:$0x3] =	wrdreg $0x117800  }
0xb0: {  	[dreg:$0x4] =	wrdreg $0x9  }
0xb1: {  	_ =	task.clear_ibuf [dreg:s6], $0x5FFFF;
	_ =	strace $0x9000004F  }
0xb2: {  	s29 =	simm.s32 $0x9;
	_ =	strace $0x80000051  }
0xb3: {  	_ =	swait.ge [sflag:s29], $0x1  }
0xb4: {  	[sflag:s29] =	ssyncadd.s32 $0xFFFFFFFF  }
0xb5: {  	_ =	strace $0x90000051  }
0xb6: {  	_ =	sfence  }
0xb7: {  	s30 =	sld [smem:$0x0];
	_ =	sdelay $0x2  }
0xb8: {  	s31 =	sshll.u32 s1, $0xD;
	s1 =	sshrl.u32 s1, $0x2  }
0xb9: {  	s3 =	sand.u32 $0x4000, s31;
	s1 =	sadd.s32 s1, s30  }
0xba: {  	s0 =	sor.u32 s3, s0;
	s1 =	sshll.u32 s1, $0x11  }
0xbb: {  	s0 =	sor.u32 s1, s0  }
0xbc: {  	s0 =	sadd.s32 $0x8F2B, s0  }
0xbd: {  	[sflag:s0] =	ssyncadd.remote.s32 $0x1  }
0xbe: {  	_ =	sfence.sel $0xFFFF  }
0xbf: {  	[dreg:$0x0] =	wrdreg $0xFFFFFFFF;
	(pc) =	sbr.abs _section_cstart, $3  }
0xc0: {  	[dreg:$0x1] =	wrdreg $0xFFFFFFFF  }
0xc1: {  	_ =	task.clear_ibuf [dreg:s6], $0x2FFFF;
	_ =	strace $0x9FFFFFFF  }
0xc2: {  	(tm) =	ssettm $0x7FFFFFFF  }
0xc3: {  	_ =	shalt  }
tec
execute0_lowered:
.L_overlay_start_1:
0x0: {  	(tag) =	ssettag $0x1  }
0x1: {  	s0 =	srdreg.scid;
	s1 =	rddreg [dreg:$0x0]  }
0x2: {  	s9 =	stileid.u32;
	s12 =	rddreg [dreg:$0x1];
	s3 =	simm.s32 $0x0  }
0x3: {  	s14 =	simm.s32 $0x1;
	s19 =	simm.s32 $0xEF00;
	s20 =	simm.s32 $0xC700  }
0x4: {  	s0 =	sand.u32 $0x1, s0;
	s2 =	sshll.u32 s9, $0x1;
	[smem:$0x7FF] =	sst s3  }
0x5: {  	s5 =	sshll.u32 s9, $0xA;
	s6 =	sadd.s32 $0x17E00, s1;
	s23 =	sadd.s32 $0x18400, s1  }
0x6: {  	s24 =	sadd.s32 $0x16A00, s1;
	s25 =	sshll.u32 s9, $0x7;
	p1 =	slt.u32 s9, $0xA  }
0x7: {  	p2 =	sgt.u32 s9, $0x9;
	_ =	strace $0x80000050;
	[dreg:$0x3] =	wrdreg s6  }
0x8: {  	s2 =	sor.u32 s0, s2;
	s4 =	smul.u32 $0x2800, s0;
	[dreg:$0x4] =	wrdreg s23  }
0x9: {  	[dreg:$0x5] =	wrdreg s24;
	s6 =	sadd.s32 s25, s1;
	s7 =	ssub.s32 $0x2, s0  }
0xa: {  	p0 =	seq.s32 s0, $0x0;
	s29 =	sadd.s32 $0x4F00, s5;
	s24 =	simm.s32 $0x0  }
0xb: {  	s2 =	smul.u32 $0x4E2, s2;
	s8 =	sshrl.u32 s7, $0x1;
	p0 =	por !p0, !p1  }
0xc: {  	[dreg:$0x9] =	wrdreg s29;
	s30 =	sadd.s32 $0x18A00, s6;
	p1 =	sne.s32 s9, $0x0  }
0xd: {  	s4 =	sadd.s32 s5, s4;
	s26 =	ssub.s32 s7, s8;
	s2 =	sadd.s32 s2, s1  }
0xe: {  	p0 =	por !p0, !p0;
	[dreg:$0xa] =	wrdreg s30;
	s28 =	sadd.s32 $0x2E00, s2  }
0xf: {  	s4 =	sshrl.u32 s4, $0x3;
	s2 =	sadd.s32 $0xCC00, s2;
	[dreg:$0x6] =	wrdreg s28  }
0x10: {  	v0 =	vlaneseq.u32;
	s4 =	sadd.s32 s4, s1;
	s1 =	sadd.s32 $0x16F00, s1;
	[dreg:$0x7] =	wrdreg s2  }
0x11: {  	v5 =	vimm.f32 $0.0e+00;
	v1 =	vor.u32 $0x10, v0;
	[dreg:$0x8] =	wrdreg s1;
	s31 =	sadd.s32 $0x17400, s4;
	s1 =	sadd.s32 s5, s12  }
0x12: {  	v2 =	vor.u32 $0x20, v0;
	v3 =	vor.u32 $0x30, v0;
	v4 =	vor.u32 $0x40, v0;
	s13 =	smax.u32 s26, $0x1;
	[dreg:$0xb] =	wrdreg s31;
	s23 =	sshrl.u32 @!p2 s1, $0x3  }
.LBB2_1:
0x13: {  	s0 =	rddreg [dreg:$0x6]  }
0x14: {  	[tilespmem:s3], [sflag:$0x1] =	stream.linear.gather [hbm4b:s0+s3], $0x2710, $0x38;
	[tilespmem:$0x11A00] =	vst v63  }
0x15: {  	_ =	swait.ge [sflag:s14], $0x2710  }
0x16: {  	[sflag:s14] =	ssyncset.done $0x0  }
0x17: {  	s1 =	simm.s32 $0x2780;
	s26 =	rddreg [dreg:$0x7];
	[sflag:s14] =	ssyncadd.s32 $0xFFFFD8F0  }
0x18: {  	[tilespmem:s1], [sflag:$0x1] =	stream.linear.gather [hbm4b:s26+s3], $0x2710, $0x38;
	[tilespmem:$0x11A00] =	vst v63  }
0x19: {  	_ =	swait.ge [sflag:s14], $0x2710  }
0x1a: {  	[sflag:s14] =	ssyncset.done $0x0  }
0x1b: {  	s2 =	simm.s32 $0x4F00;
	s1 =	rddreg [dreg:$0x5];
	[sflag:s14] =	ssyncadd.s32 $0xFFFFD8F0  }
0x1c: {  	[tilespmem:s2], [sflag:$0x1] =	stream.linear.gather [hbm4b:s1+s3], $0x2800, $0x38;
	[tilespmem:$0x11A00] =	vst v63  }
0x1d: {  	_ =	swait.ge [sflag:s14], $0x2800  }
0x1e: {  	[sflag:s14] =	ssyncset.done $0x0  }
0x1f: {  	s5 =	simm.s32 $0x7700;
	s4 =	rddreg [dreg:$0x8];
	[sflag:s14] =	ssyncadd.s32 $0xFFFFD800  }
0x20: {  	[tilespmem:s5], [sflag:$0x1] =	stream.linear.gather [hbm4b:s4+s3], $0x2800, $0x38;
	[tilespmem:$0x11A00] =	vst v63  }
0x21: {  	_ =	swait.ge [sflag:s14], $0x2800  }
0x22: {  	[sflag:s14] =	ssyncset.done $0x0  }
0x23: {  	[sflag:s14] =	ssyncadd.s32 $0xFFFFD800  }
0x24: {  	[tilespmem:$0x11700] =	vst v0  }
0x25: {  	[tilespmem:$0x11710] =	vst v1  }
0x26: {  	[tilespmem:$0x11720] =	vst v2  }
0x27: {  	[tilespmem:$0x11730] =	vst v3  }
0x28: {  	s7 =	simm.s32 $0x9F00;
	s6 =	rddreg [dreg:$0x3];
	[tilespmem:$0x11740] =	vst v4  }
0x29: {  	[tilespmem:s7], [sflag:$0x1] =	stream.linear.gather [hbm4b:s6+s3], $0x2800, $0x38;
	[tilespmem:$0x11A00] =	vst v63  }
0x2a: {  	_ =	swait.ge [sflag:s14], $0x2800  }
0x2b: {  	[sflag:s14] =	ssyncset.done $0x0  }
0x2c: {  	s8 =	rddreg [dreg:$0x4];
	[sflag:s14] =	ssyncadd.s32 $0xFFFFD800  }
0x2d: {  	[tilespmem:s19], [sflag:$0x1] =	stream.linear.gather [hbm4b:s8+s3], $0x2800, $0x38;
	[tilespmem:$0x11A00] =	vst v63  }
0x2e: {  	_ =	swait.ge [sflag:s14], $0x2800  }
0x2f: {  	[sflag:s14] =	ssyncset.done $0x0  }
0x30: {  	s9 =	simm.s32 $0x4F80;
	[sflag:s14] =	ssyncadd.s32 $0xFFFFD800  }
0x31: {  	s4 =	simm.s32 $0x7780;
	v6 =	vld [tilespmem:s9+$0x0]  }
0x32: {  	v7 =	vld [tilespmem:s4+$0x0]  }
0x33: {  	s2 =	simm.s32 $0xEF80  }
0x34: {  	v8 =	vld [tilespmem:s2+$0x0];
	_ =	sdelay $0x2  }
0x35: {  	v6 =	vadd.f32 v7, v6;
	_ =	sdelay $0x1  }
0x36: {  	v6 =	vadd.f32 v6, v8;
	_ =	sdelay $0x1  }
0x37: {  	s26 =	simm.s32 $0x9F80;
	[tilespmem:s9+$0x0] =	vst v6  }
0x38: {  	v7 =	vld [tilespmem:s26+$0x0];
	_ =	sdelay $0x4  }
0x39: {  	v6 =	vmul.f32 v7, v6  }
0x3a: {  	s25 =	simm.s32 $0xC780  }
0x3b: {  	[tilespmem:s25+$0x0] =	vst v6  }
0x3c: {  	v6 =	vld [tilespmem:s9+$0x10]  }
0x3d: {  	v10 =	vld [tilespmem:s4+$0x10]  }
0x3e: {  	v8 =	vld [tilespmem:s4+$0xFFFFFF80]  }
0x3f: {  	v11 =	vld [tilespmem:s2+$0x10]  }
0x40: {  	v7 =	vld [tilespmem:s9+$0xFFFFFF80];
	_ =	sdelay $0x1  }
0x41: {  	v9 =	vld [tilespmem:s2+$0xFFFFFF80];
	v6 =	vadd.f32 v10, v6;
	_ =	sdelay $0x1  }
0x42: {  	v6 =	vadd.f32 v6, v11  }
0x43: {  	v7 =	vadd.f32 v8, v7  }
0x44: {  	[tilespmem:s9+$0x10] =	vst v6  }
0x45: {  	v7 =	vadd.f32 v7, v9;
	v9 =	vld [tilespmem:s26+$0x10];
	_ =	sdelay $0x2  }
0x46: {  	[tilespmem:s9+$0xFFFFFF80] =	vst v7  }
0x47: {  	v8 =	vld [tilespmem:s26+$0xFFFFFF80]  }
0x48: {  	v6 =	vmul.f32 v9, v6;
	_ =	sdelay $0x1  }
0x49: {  	[tilespmem:s25+$0x10] =	vst v6  }
0x4a: {  	v6 =	vld [tilespmem:s9+$0x20]  }
0x4b: {  	v7 =	vmul.f32 v8, v7;
	v9 =	vld [tilespmem:s4+$0x20];
	_ =	sdelay $0x1  }
0x4c: {  	[tilespmem:s25+$0xFFFFFF80] =	vst v7;
	v11 =	vld [tilespmem:s2+$0x20]  }
0x4d: {  	v7 =	vld [tilespmem:s9+$0xFFFFFF90]  }
0x4e: {  	v8 =	vld [tilespmem:s4+$0xFFFFFF90]  }
0x4f: {  	v6 =	vadd.f32 v9, v6  }
0x50: {  	v10 =	vld [tilespmem:s2+$0xFFFFFF90]  }
0x51: {  	v6 =	vadd.f32 v6, v11;
	_ =	sdelay $0x1  }
0x52: {  	v7 =	vadd.f32 v8, v7;
	[tilespmem:s9+$0x20] =	vst v6  }
0x53: {  	v9 =	vld [tilespmem:s26+$0x20]  }
0x54: {  	v7 =	vadd.f32 v7, v10;
	_ =	sdelay $0x1  }
0x55: {  	[tilespmem:s9+$0xFFFFFF90] =	vst v7  }
0x56: {  	v8 =	vld [tilespmem:s26+$0xFFFFFF90]  }
0x57: {  	v6 =	vmul.f32 v9, v6  }
0x58: {  	s28 =	simm.s32 $0x5080  }
0x59: {  	v10 =	vld [tilespmem:s28+$0x0];
	[tilespmem:s25+$0x20] =	vst v6  }
0x5a: {  	v6 =	vld [tilespmem:s9+$0x30]  }
0x5b: {  	s31 =	simm.s32 $0x7880;
	v7 =	vmul.f32 v8, v7;
	v8 =	vld [tilespmem:s4+$0x30]  }
0x5c: {  	v11 =	vld [tilespmem:s31+$0x0]  }
0x5d: {  	[tilespmem:s25+$0xFFFFFF90] =	vst v7;
	v9 =	vld [tilespmem:s2+$0x30]  }
0x5e: {  	v7 =	vld [tilespmem:s9+$0xFFFFFFA0]  }
0x5f: {  	s1 =	simm.s32 $0xF080;
	v12 =	vld [tilespmem:s4+$0xFFFFFFA0]  }
0x60: {  	v6 =	vadd.f32 v8, v6;
	v8 =	vld [tilespmem:s1+$0x0];
	_ =	sdelay $0x1  }
0x61: {  	v13 =	vld [tilespmem:s2+$0xFFFFFFA0];
	v6 =	vadd.f32 v6, v9  }
0x62: {  	v9 =	vadd.f32 v11, v10  }
0x63: {  	[tilespmem:s9+$0x30] =	vst v6  }
0x64: {  	v7 =	vadd.f32 v12, v7;
	v10 =	vld [tilespmem:s26+$0x30];
	v8 =	vadd.f32 v9, v8;
	_ =	sdelay $0x1  }
0x65: {  	s30 =	simm.s32 $0xA080;
	v7 =	vadd.f32 v7, v13;
	[tilespmem:s28+$0x0] =	vst v8  }
0x66: {  	v9 =	vld [tilespmem:s30+$0x0]  }
0x67: {  	v12 =	vld [tilespmem:s31+$0xFFFFFF80];
	[tilespmem:s9+$0xFFFFFFA0] =	vst v7  }
0x68: {  	v11 =	vld [tilespmem:s26+$0xFFFFFFA0];
	v6 =	vmul.f32 v10, v6  }
0x69: {  	v10 =	vld [tilespmem:s28+$0xFFFFFF80]  }
0x6a: {  	v13 =	vld [tilespmem:s1+$0xFFFFFF80];
	[tilespmem:s25+$0x30] =	vst v6  }
0x6b: {  	v6 =	vld [tilespmem:s9+$0x40];
	v8 =	vmul.f32 v9, v8  }
0x6c: {  	s29 =	simm.s32 $0xC880;
	v9 =	vld [tilespmem:s4+$0x40]  }
0x6d: {  	v7 =	vmul.f32 v11, v7;
	v11 =	vld [tilespmem:s2+$0x40];
	[tilespmem:s29+$0x0] =	vst v8  }
0x6e: {  	v8 =	vadd.f32 v12, v10;
	v10 =	vld [tilespmem:s28+$0x10]  }
0x6f: {  	[tilespmem:s25+$0xFFFFFFA0] =	vst v7;
	v7 =	vld [tilespmem:s31+$0x10]  }
0x70: {  	v8 =	vadd.f32 v8, v13  }
0x71: {  	v13 =	vld [tilespmem:s1+$0x10]  }
0x72: {  	v14 =	vld [tilespmem:s4+$0xFFFFFFB0];
	v6 =	vadd.f32 v9, v6;
	[tilespmem:s28+$0xFFFFFF80] =	vst v8  }
0x73: {  	v9 =	vld [tilespmem:s30+$0xFFFFFF80]  }
0x74: {  	v12 =	vld [tilespmem:s9+$0xFFFFFFB0];
	v6 =	vadd.f32 v6, v11;
	v7 =	vadd.f32 v7, v10;
	_ =	sdelay $0x1  }
0x75: {  	v10 =	vld [tilespmem:s2+$0xFFFFFFB0];
	[tilespmem:s9+$0x40] =	vst v6;
	v7 =	vadd.f32 v7, v13  }
0x76: {  	v11 =	vld [tilespmem:s26+$0x40]  }
0x77: {  	v8 =	vmul.f32 v9, v8;
	[tilespmem:s28+$0x10] =	vst v7  }
0x78: {  	v12 =	vadd.f32 v14, v12;
	v9 =	vld [tilespmem:s30+$0x10]  }
0x79: {  	[tilespmem:s29+$0xFFFFFF80] =	vst v8  }
0x7a: {  	v10 =	vadd.f32 v12, v10;
	v8 =	vld [tilespmem:s28+$0xFFFFFF90]  }
0x7b: {  	v12 =	vld [tilespmem:s31+$0xFFFFFF90];
	v6 =	vmul.f32 v11, v6  }
0x7c: {  	[tilespmem:s9+$0xFFFFFFB0] =	vst v10;
	v13 =	vld [tilespmem:s1+$0xFFFFFF90]  }
0x7d: {  	v11 =	vld [tilespmem:s26+$0xFFFFFFB0];
	[tilespmem:s25+$0x40] =	vst v6;
	v6 =	vmul.f32 v9, v7  }
0x7e: {  	v7 =	vld [tilespmem:s9+$0x50]  }
0x7f: {  	v9 =	vld [tilespmem:s4+$0x50];
	[tilespmem:s29+$0x10] =	vst v6  }
0x80: {  	v6 =	vadd.f32 v12, v8;
	v8 =	vld [tilespmem:s28+$0x20]  }
0x81: {  	v12 =	vld [tilespmem:s31+$0x20]  }
0x82: {  	v6 =	vadd.f32 v6, v13;
	v13 =	vld [tilespmem:s2+$0x50]  }
0x83: {  	v10 =	vmul.f32 v11, v10;
	v11 =	vld [tilespmem:s1+$0x20]  }
0x84: {  	[tilespmem:s28+$0xFFFFFF90] =	vst v6  }
0x85: {  	[tilespmem:s25+$0xFFFFFFB0] =	vst v10;
	v7 =	vadd.f32 v9, v7;
	v10 =	vld [tilespmem:s30+$0xFFFFFF90]  }
0x86: {  	v9 =	vld [tilespmem:s9+$0xFFFFFFC0];
	v8 =	vadd.f32 v12, v8  }
0x87: {  	v12 =	vld [tilespmem:s4+$0xFFFFFFC0];
	v7 =	vadd.f32 v7, v13  }
0x88: {  	v8 =	vadd.f32 v8, v11  }
0x89: {  	v11 =	vld [tilespmem:s2+$0xFFFFFFC0];
	[tilespmem:s9+$0x50] =	vst v7  }
0x8a: {  	v6 =	vmul.f32 v10, v6;
	v10 =	vld [tilespmem:s26+$0x50];
	[tilespmem:s28+$0x20] =	vst v8  }
0x8b: {  	v13 =	vld [tilespmem:s30+$0x20]  }
0x8c: {  	v9 =	vadd.f32 v12, v9  }
0x8d: {  	[tilespmem:s29+$0xFFFFFF90] =	vst v6  }
0x8e: {  	v6 =	vld [tilespmem:s28+$0xFFFFFFA0];
	v9 =	vadd.f32 v9, v11  }
0x8f: {  	v11 =	vld [tilespmem:s31+$0xFFFFFFA0];
	v7 =	vmul.f32 v10, v7  }
0x90: {  	[tilespmem:s9+$0xFFFFFFC0] =	vst v9;
	v10 =	vld [tilespmem:s1+$0xFFFFFFA0];
	v8 =	vmul.f32 v13, v8  }
0x91: {  	v12 =	vld [tilespmem:s26+$0xFFFFFFC0];
	[tilespmem:s25+$0x50] =	vst v7  }
0x92: {  	v7 =	vld [tilespmem:s9+$0x60];
	[tilespmem:s29+$0x20] =	vst v8  }
0x93: {  	v8 =	vld [tilespmem:s28+$0x30]  }
0x94: {  	v6 =	vadd.f32 v11, v6;
	v11 =	vld [tilespmem:s31+$0x30]  }
0x95: {  	v13 =	vld [tilespmem:s4+$0x60]  }
0x96: {  	s15 =	simm.s32 $0x5180;
	v6 =	vadd.f32 v6, v10;
	v10 =	vld [tilespmem:s1+$0x30]  }
0x97: {  	v17 =	vld [tilespmem:s15+$0xFFFFFF80];
	v9 =	vmul.f32 v12, v9  }
0x98: {  	s18 =	simm.s32 $0x7980;
	v14 =	vld [tilespmem:s2+$0x60]  }
0x99: {  	[tilespmem:s25+$0xFFFFFFC0] =	vst v9;
	v9 =	vld [tilespmem:s18+$0x0];
	v8 =	vadd.f32 v11, v8  }
0x9a: {  	[tilespmem:s28+$0xFFFFFFA0] =	vst v6;
	v11 =	vld [tilespmem:s15+$0x0]  }
0x9b: {  	s21 =	simm.s32 $0xF180;
	v12 =	vld [tilespmem:s30+$0xFFFFFFA0];
	v7 =	vadd.f32 v13, v7;
	v8 =	vadd.f32 v8, v10  }
0x9c: {  	v10 =	vld [tilespmem:s21+$0x0]  }
0x9d: {  	v13 =	vld [tilespmem:s9+$0xFFFFFFD0];
	v7 =	vadd.f32 v7, v14;
	[tilespmem:s28+$0x30] =	vst v8  }
0x9e: {  	v15 =	vld [tilespmem:s30+$0x30]  }
0x9f: {  	v14 =	vld [tilespmem:s4+$0xFFFFFFD0];
	[tilespmem:s9+$0x60] =	vst v7;
	v9 =	vadd.f32 v9, v11  }
0xa0: {  	v16 =	vld [tilespmem:s26+$0x60]  }
0xa1: {  	v11 =	vld [tilespmem:s18+$0xFFFFFF80];
	v9 =	vadd.f32 v9, v10  }
0xa2: {  	v6 =	vmul.f32 v12, v6;
	v12 =	vld [tilespmem:s21+$0xFFFFFF80]  }
0xa3: {  	s16 =	simm.s32 $0xA180;
	v10 =	vld [tilespmem:s2+$0xFFFFFFD0];
	[tilespmem:s15+$0x0] =	vst v9;
	v8 =	vmul.f32 v15, v8  }
0xa4: {  	[tilespmem:s29+$0xFFFFFFA0] =	vst v6;
	v6 =	vld [tilespmem:s16+$0x0]  }
0xa5: {  	v18 =	vld [tilespmem:s31+$0xFFFFFFB0];
	[tilespmem:s29+$0x30] =	vst v8  }
0xa6: {  	v8 =	vadd.f32 v11, v17;
	v11 =	vld [tilespmem:s28+$0x40]  }
0xa7: {  	v26 =	vld [tilespmem:s31+$0x40]  }
0xa8: {  	v15 =	vld [tilespmem:s28+$0xFFFFFFB0];
	v8 =	vadd.f32 v8, v12  }
0xa9: {  	v12 =	vld [tilespmem:s1+$0x40];
	v6 =	vmul.f32 v6, v9  }
0xaa: {  	s17 =	simm.s32 $0xC980;
	v9 =	vld [tilespmem:s1+$0xFFFFFFB0];
	[tilespmem:s15+$0xFFFFFF80] =	vst v8  }
0xab: {  	v7 =	vmul.f32 v16, v7;
	v27 =	vld [tilespmem:s16+$0xFFFFFF80];
	[tilespmem:s17+$0x0] =	vst v6  }
0xac: {  	v6 =	vadd.f32 v26, v11;
	v11 =	vld [tilespmem:s15+$0x10]  }
0xad: {  	s6 =	simm.s32 $0xF280;
	v13 =	vadd.f32 v14, v13;
	[tilespmem:s25+$0x60] =	vst v7;
	v7 =	vld [tilespmem:s18+$0x10]  }
0xae: {  	v39 =	vld [tilespmem:s6+$0x0];
	v6 =	vadd.f32 v6, v12  }
0xaf: {  	s5 =	simm.s32 $0x7A80;
	v10 =	vadd.f32 v13, v10;
	v12 =	vld [tilespmem:s21+$0x10]  }
0xb0: {  	v20 =	vld [tilespmem:s5+$0xFFFFFF80];
	v15 =	vadd.f32 v18, v15;
	v8 =	vmul.f32 v27, v8;
	[tilespmem:s28+$0x40] =	vst v6  }
0xb1: {  	[tilespmem:s9+$0xFFFFFFD0] =	vst v10;
	v28 =	vld [tilespmem:s30+$0x40]  }
0xb2: {  	v29 =	vld [tilespmem:s26+$0xFFFFFFD0];
	v9 =	vadd.f32 v15, v9;
	v7 =	vadd.f32 v7, v11;
	[tilespmem:s17+$0xFFFFFF80] =	vst v8  }
0xb3: {  	v8 =	vld [tilespmem:s15+$0xFFFFFF90]  }
0xb4: {  	[tilespmem:s28+$0xFFFFFFB0] =	vst v9;
	v11 =	vld [tilespmem:s18+$0xFFFFFF90];
	v7 =	vadd.f32 v7, v12  }
0xb5: {  	v12 =	vld [tilespmem:s30+$0xFFFFFFB0]  }
0xb6: {  	v15 =	vld [tilespmem:s21+$0xFFFFFF90];
	[tilespmem:s15+$0x10] =	vst v7;
	v6 =	vmul.f32 v28, v6  }
0xb7: {  	v30 =	vld [tilespmem:s16+$0x10]  }
0xb8: {  	v14 =	vld [tilespmem:s9+$0x70];
	v10 =	vmul.f32 v29, v10;
	[tilespmem:s29+$0x40] =	vst v6  }
0xb9: {  	v6 =	vadd.f32 v11, v8;
	v8 =	vld [tilespmem:s28+$0x50]  }
0xba: {  	[tilespmem:s25+$0xFFFFFFD0] =	vst v10;
	v9 =	vmul.f32 v12, v9;
	v10 =	vld [tilespmem:s31+$0x50]  }
0xbb: {  	v13 =	vld [tilespmem:s4+$0x70];
	v6 =	vadd.f32 v6, v15  }
0xbc: {  	[tilespmem:s29+$0xFFFFFFB0] =	vst v9;
	v9 =	vld [tilespmem:s1+$0x50];
	v7 =	vmul.f32 v30, v7  }
0xbd: {  	v12 =	vld [tilespmem:s28+$0xFFFFFFC0];
	[tilespmem:s15+$0xFFFFFF90] =	vst v6  }
0xbe: {  	v15 =	vld [tilespmem:s16+$0xFFFFFF90];
	[tilespmem:s17+$0x10] =	vst v7  }
0xbf: {  	v7 =	vadd.f32 v10, v8;
	v8 =	vld [tilespmem:s15+$0x20]  }
0xc0: {  	v10 =	vld [tilespmem:s18+$0x20]  }
0xc1: {  	v32 =	vld [tilespmem:s31+$0xFFFFFFC0];
	v7 =	vadd.f32 v7, v9  }
0xc2: {  	v9 =	vld [tilespmem:s21+$0x20]  }
0xc3: {  	v33 =	vld [tilespmem:s1+$0xFFFFFFC0];
	v6 =	vmul.f32 v15, v6;
	[tilespmem:s28+$0x50] =	vst v7  }
0xc4: {  	v15 =	vld [tilespmem:s30+$0x50]  }
0xc5: {  	v19 =	vld [tilespmem:s4+$0xFFFFFFE0];
	[tilespmem:s17+$0xFFFFFF90] =	vst v6;
	v6 =	vadd.f32 v10, v8  }
0xc6: {  	v8 =	vadd.f32 v32, v12;
	v10 =	vld [tilespmem:s15+$0xFFFFFFA0]  }
0xc7: {  	v12 =	vld [tilespmem:s18+$0xFFFFFFA0];
	v9 =	vadd.f32 v6, v9  }
0xc8: {  	v11 =	vld [tilespmem:s9+$0xFFFFFFE0];
	v8 =	vadd.f32 v8, v33  }
0xc9: {  	v6 =	vadd.f32 v13, v14;
	v13 =	vld [tilespmem:s21+$0xFFFFFFA0];
	v7 =	vmul.f32 v15, v7;
	[tilespmem:s15+$0x20] =	vst v9  }
0xca: {  	[tilespmem:s28+$0xFFFFFFC0] =	vst v8;
	v14 =	vld [tilespmem:s16+$0x20]  }
0xcb: {  	v15 =	vld [tilespmem:s30+$0xFFFFFFC0];
	[tilespmem:s29+$0x50] =	vst v7  }
0xcc: {  	v10 =	vadd.f32 v12, v10;
	v12 =	vld [tilespmem:s28+$0x60]  }
0xcd: {  	v35 =	vld [tilespmem:s31+$0x60]  }
0xce: {  	v31 =	vld [tilespmem:s2+$0x70];
	v10 =	vadd.f32 v10, v13  }
0xcf: {  	v34 =	vld [tilespmem:s2+$0xFFFFFFE0];
	v9 =	vmul.f32 v14, v9  }
0xd0: {  	v13 =	vld [tilespmem:s1+$0x60];
	[tilespmem:s15+$0xFFFFFFA0] =	vst v10  }
0xd1: {  	v8 =	vmul.f32 v15, v8;
	v15 =	vld [tilespmem:s16+$0xFFFFFFA0];
	[tilespmem:s17+$0x20] =	vst v9  }
0xd2: {  	v11 =	vadd.f32 v19, v11;
	v9 =	vadd.f32 v35, v12;
	v12 =	vld [tilespmem:s15+$0x30]  }
0xd3: {  	v6 =	vadd.f32 v6, v31;
	[tilespmem:s29+$0xFFFFFFC0] =	vst v8;
	v8 =	vld [tilespmem:s18+$0x30]  }
0xd4: {  	v41 =	vld [tilespmem:s6+$0xFFFFFF80];
	v11 =	vadd.f32 v11, v34  }
0xd5: {  	[tilespmem:s9+$0x70] =	vst v6;
	v9 =	vadd.f32 v9, v13;
	v13 =	vld [tilespmem:s21+$0x30]  }
0xd6: {  	[tilespmem:s9+$0xFFFFFFE0] =	vst v11;
	v7 =	vld [tilespmem:s26+$0x70]  }
0xd7: {  	v14 =	vld [tilespmem:s26+$0xFFFFFFE0]  }
0xd8: {  	s22 =	simm.s32 $0x5280;
	v36 =	vld [tilespmem:s28+$0xFFFFFFD0];
	v10 =	vmul.f32 v15, v10;
	v8 =	vadd.f32 v8, v12  }
0xd9: {  	v12 =	vld [tilespmem:s22+$0x0]  }
0xda: {  	[tilespmem:s17+$0xFFFFFFA0] =	vst v10;
	v10 =	vld [tilespmem:s5+$0x0];
	v8 =	vadd.f32 v8, v13  }
0xdb: {  	v37 =	vld [tilespmem:s31+$0xFFFFFFD0]  }
0xdc: {  	v11 =	vmul.f32 v14, v11;
	v15 =	vld [tilespmem:s1+$0xFFFFFFD0];
	[tilespmem:s15+$0x30] =	vst v8  }
0xdd: {  	[tilespmem:s28+$0x60] =	vst v9;
	v40 =	vld [tilespmem:s16+$0x30]  }
0xde: {  	v38 =	vld [tilespmem:s30+$0x60];
	[tilespmem:s25+$0xFFFFFFE0] =	vst v11  }
0xdf: {  	v51 =	vld [tilespmem:s9+$0xFFFFFFF0];
	v10 =	vadd.f32 v10, v12  }
0xe0: {  	v12 =	vld [tilespmem:s22+$0xFFFFFF80]  }
0xe1: {  	v60 =	vld [tilespmem:s4+$0xFFFFFFF0];
	v10 =	vadd.f32 v10, v39  }
0xe2: {  	v45 =	vld [tilespmem:s18+$0xFFFFFFB0];
	v8 =	vmul.f32 v40, v8  }
0xe3: {  	s7 =	simm.s32 $0xA280;
	v47 =	vld [tilespmem:s21+$0xFFFFFFB0];
	[tilespmem:s22+$0x0] =	vst v10  }
0xe4: {  	v16 =	vadd.f32 v37, v36;
	[tilespmem:s17+$0x30] =	vst v8;
	v8 =	vld [tilespmem:s7+$0x0]  }
0xe5: {  	v12 =	vadd.f32 v20, v12;
	v43 =	vld [tilespmem:s15+$0x40]  }
0xe6: {  	v15 =	vadd.f32 v16, v15;
	v44 =	vld [tilespmem:s18+$0x40]  }
0xe7: {  	v13 =	vld [tilespmem:s15+$0xFFFFFFB0];
	v12 =	vadd.f32 v12, v41  }
0xe8: {  	v9 =	vmul.f32 v38, v9;
	[tilespmem:s28+$0xFFFFFFD0] =	vst v15;
	v46 =	vld [tilespmem:s21+$0x40]  }
0xe9: {  	v14 =	vld [tilespmem:s30+$0xFFFFFFD0];
	[tilespmem:s22+$0xFFFFFF80] =	vst v12;
	v8 =	vmul.f32 v8, v10  }
0xea: {  	s8 =	simm.s32 $0xCA80;
	[tilespmem:s29+$0x60] =	vst v9;
	v10 =	vld [tilespmem:s7+$0xFFFFFF80]  }
0xeb: {  	v9 =	vld [tilespmem:s28+$0x70];
	[tilespmem:s8+$0x0] =	vst v8;
	v8 =	vadd.f32 v44, v43  }
0xec: {  	v13 =	vadd.f32 v45, v13;
	v49 =	vld [tilespmem:s22+$0x10]  }
0xed: {  	v50 =	vld [tilespmem:s5+$0x10];
	v8 =	vadd.f32 v8, v46  }
0xee: {  	v21 =	vld [tilespmem:s31+$0x70];
	v13 =	vadd.f32 v13, v47  }
0xef: {  	v10 =	vmul.f32 v10, v12;
	v12 =	vld [tilespmem:s6+$0x10];
	[tilespmem:s15+$0x40] =	vst v8  }
0xf0: {  	[tilespmem:s15+$0xFFFFFFB0] =	vst v13;
	v11 =	vld [tilespmem:s16+$0x40]  }
0xf1: {  	v53 =	vld [tilespmem:s16+$0xFFFFFFB0];
	[tilespmem:s8+$0xFFFFFF80] =	vst v10  }
0xf2: {  	v10 =	vld [tilespmem:s22+$0xFFFFFF90];
	v52 =	vadd.f32 v50, v49  }
0xf3: {  	v14 =	vmul.f32 v14, v15;
	v15 =	vld [tilespmem:s5+$0xFFFFFF90]  }
0xf4: {  	v42 =	vld [tilespmem:s1+$0x70];
	v12 =	vadd.f32 v52, v12  }
0xf5: {  	[tilespmem:s29+$0xFFFFFFD0] =	vst v14;
	v14 =	vld [tilespmem:s6+$0xFFFFFF90];
	v8 =	vmul.f32 v11, v8  }
0xf6: {  	v55 =	vld [tilespmem:s31+$0xFFFFFFE0];
	[tilespmem:s22+$0x10] =	vst v12  }
0xf7: {  	v13 =	vmul.f32 v53, v13;
	v54 =	vld [tilespmem:s7+$0x10];
	[tilespmem:s17+$0x40] =	vst v8  }
0xf8: {  	v8 =	vadd.f32 v15, v10;
	v10 =	vld [tilespmem:s15+$0x50]  }
0xf9: {  	[tilespmem:s17+$0xFFFFFFB0] =	vst v13;
	v15 =	vld [tilespmem:s18+$0x50]  }
0xfa: {  	v57 =	vld [tilespmem:s18+$0xFFFFFFC0];
	v8 =	vadd.f32 v8, v14  }
0xfb: {  	v13 =	vld [tilespmem:s21+$0x50]  }
0xfc: {  	v11 =	vld [tilespmem:s28+$0xFFFFFFE0];
	[tilespmem:s22+$0xFFFFFF90] =	vst v8;
	v12 =	vmul.f32 v54, v12  }
0xfd: {  	v56 =	vld [tilespmem:s7+$0xFFFFFF90]  }
0xfe: {  	v14 =	vld [tilespmem:s15+$0xFFFFFFC0];
	[tilespmem:s8+$0x10] =	vst v12;
	v10 =	vadd.f32 v15, v10  }
0xff: {  	v12 =	vld [tilespmem:s22+$0x20]  }
0x100: {  	v15 =	vld [tilespmem:s5+$0x20];
	v10 =	vadd.f32 v10, v13  }
0x101: {  	v13 =	vld [tilespmem:s21+$0xFFFFFFC0]  }
0x102: {  	v9 =	vadd.f32 v21, v9;
	v58 =	vld [tilespmem:s6+$0x20];
	v8 =	vmul.f32 v56, v8;
	[tilespmem:s15+$0x50] =	vst v10  }
0x103: {  	v59 =	vld [tilespmem:s16+$0x50]  }
0x104: {  	v9 =	vadd.f32 v9, v42;
	v14 =	vadd.f32 v57, v14;
	[tilespmem:s8+$0xFFFFFF90] =	vst v8;
	v8 =	vld [tilespmem:s1+$0xFFFFFFE0]  }
0x105: {  	v12 =	vadd.f32 v15, v12;
	v15 =	vld [tilespmem:s22+$0xFFFFFFA0]  }
0x106: {  	[tilespmem:s28+$0x70] =	vst v9;
	v13 =	vadd.f32 v14, v13;
	v14 =	vld [tilespmem:s5+$0xFFFFFFA0]  }
0x107: {  	v48 =	vld [tilespmem:s30+$0x70];
	v12 =	vadd.f32 v12, v58  }
0x108: {  	v11 =	vadd.f32 v55, v11;
	v61 =	vld [tilespmem:s6+$0xFFFFFFA0];
	[tilespmem:s15+$0xFFFFFFC0] =	vst v13;
	v10 =	vmul.f32 v59, v10  }
0x109: {  	v62 =	vld [tilespmem:s16+$0xFFFFFFC0];
	[tilespmem:s22+$0x20] =	vst v12  }
0x10a: {  	v11 =	vadd.f32 v11, v8;
	v8 =	vld [tilespmem:s7+$0x20];
	[tilespmem:s17+$0x50] =	vst v10  }
0x10b: {  	v10 =	vadd.f32 v14, v15;
	v14 =	vld [tilespmem:s15+$0x60]  }
0x10c: {  	v15 =	vld [tilespmem:s18+$0x60]  }
0x10d: {  	[tilespmem:s28+$0xFFFFFFE0] =	vst v11;
	v63 =	vld [tilespmem:s21+$0x60];
	v19 =	vadd.f32 v10, v61  }
0x10e: {  	v10 =	vld [tilespmem:s30+$0xFFFFFFE0];
	v13 =	vmul.f32 v62, v13  }
0x10f: {  	v8 =	vmul.f32 v8, v12;
	v12 =	vld [tilespmem:s2+$0xFFFFFFF0];
	[tilespmem:s22+$0xFFFFFFA0] =	vst v19  }
0x110: {  	[tilespmem:s17+$0xFFFFFFC0] =	vst v13;
	v13 =	vld [tilespmem:s7+$0xFFFFFFA0]  }
0x111: {  	v6 =	vmul.f32 v7, v6;
	[tilespmem:s8+$0x20] =	vst v8;
	v7 =	vadd.f32 v15, v14;
	v8 =	vld [tilespmem:s15+$0xFFFFFFD0]  }
0x112: {  	v9 =	vmul.f32 v48, v9;
	v14 =	vld [tilespmem:s22+$0x30]  }
0x113: {  	[tilespmem:s25+$0x70] =	vst v6;
	v15 =	vld [tilespmem:s5+$0x30];
	v7 =	vadd.f32 v7, v63  }
0x114: {  	v6 =	vadd.f32 v60, v51;
	[tilespmem:s29+$0x70] =	vst v9;
	v9 =	vmul.f32 v10, v11;
	v10 =	vld [tilespmem:s18+$0xFFFFFFD0]  }
0x115: {  	v11 =	vmul.f32 v13, v19;
	v13 =	vld [tilespmem:s6+$0x30];
	[tilespmem:s15+$0x60] =	vst v7  }
0x116: {  	[tilespmem:s29+$0xFFFFFFE0] =	vst v9;
	v6 =	vadd.f32 v6, v12;
	v9 =	vld [tilespmem:s16+$0x60]  }
0x117: {  	s10 =	simm.s32 $0x6;
	s11 =	simm.s32 $0x5380;
	s0 =	simm.s32 $0xCA80;
	[tilespmem:s8+$0xFFFFFFA0] =	vst v11;
	v11 =	vld [tilespmem:s21+$0xFFFFFFD0]  }
0x118: {  	s4 =	simm.s32 $0x7A80;
	s2 =	simm.s32 $0xA280;
	[tilespmem:s9+$0xFFFFFFF0] =	vst v6;
	s9 =	simm.s32 $0xF280;
	v14 =	vadd.f32 v15, v14;
	v12 =	vld [tilespmem:s22+$0xFFFFFFB0]  }
.LBB2_2:
0x119: {  	v15 =	vld [tilespmem:s11+$0x0];
	s5 =	sadd.s32 $0x100, s5;
	v8 =	vadd.f32 v10, v8  }
0x11a: {  	v10 =	vld [tilespmem:s5+$0x0];
	v13 =	vadd.f32 v14, v13  }
0x11b: {  	s6 =	sadd.s32 $0x100, s6;
	v14 =	vld [tilespmem:s5+$0xFFFFFF80];
	v7 =	vmul.f32 v9, v7  }
0x11c: {  	v9 =	vld [tilespmem:s6+$0x0];
	[tilespmem:s22+$0x30] =	vst v13;
	v8 =	vadd.f32 v8, v11  }
0x11d: {  	v11 =	vld [tilespmem:s7+$0x30];
	[tilespmem:s17+$0x60] =	vst v7  }
0x11e: {  	[tilespmem:s15+$0xFFFFFFD0] =	vst v8;
	v7 =	vld [tilespmem:s15+$0x70]  }
0x11f: {  	v10 =	vadd.f32 v10, v15;
	v15 =	vld [tilespmem:s18+$0x70]  }
0x120: {  	v16 =	vld [tilespmem:s11+$0xFFFFFF80]  }
0x121: {  	s10 =	sadd.s32 $0x2, s10;
	v9 =	vadd.f32 v10, v9;
	v10 =	vld [tilespmem:s21+$0x70]  }
0x122: {  	p3 =	slt.u32 s10, $0x4C;
	v17 =	vld [tilespmem:s6+$0xFFFFFF80];
	v11 =	vmul.f32 v11, v13  }
0x123: {  	s7 =	sadd.s32 $0x100, s7;
	[tilespmem:s11+$0x0] =	vst v9;
	v13 =	vld [tilespmem:s4+$0xFFFFFFB0]  }
0x124: {  	v18 =	vld [tilespmem:s7+$0x0];
	[tilespmem:s8+$0x30] =	vst v11;
	v7 =	vadd.f32 v15, v7  }
0x125: {  	v11 =	vadd.f32 v14, v16;
	v14 =	vld [tilespmem:s22+$0x40]  }
0x126: {  	v15 =	vld [tilespmem:s4+$0x40];
	v7 =	vadd.f32 v7, v10  }
0x127: {  	v10 =	vadd.f32 v11, v17;
	v11 =	vld [tilespmem:s9+$0xFFFFFFB0]  }
0x128: {  	v12 =	vadd.f32 v13, v12;
	v13 =	vld [tilespmem:s9+$0x40];
	[tilespmem:s15+$0x70] =	vst v7  }
0x129: {  	[tilespmem:s11+$0xFFFFFF80] =	vst v10;
	v9 =	vmul.f32 v18, v9;
	v16 =	vld [tilespmem:s16+$0x70]  }
0x12a: {  	s8 =	sadd.s32 $0x100, s8;
	v17 =	vld [tilespmem:s7+$0xFFFFFF80]  }
0x12b: {  	[tilespmem:s8+$0x0] =	vst v9;
	v9 =	vadd.f32 v15, v14;
	v14 =	vld [tilespmem:s16+$0xFFFFFFD0]  }
0x12c: {  	v15 =	vld [tilespmem:s11+$0x10];
	v11 =	vadd.f32 v12, v11  }
0x12d: {  	v12 =	vld [tilespmem:s5+$0x10];
	v9 =	vadd.f32 v9, v13  }
0x12e: {  	[tilespmem:s22+$0xFFFFFFB0] =	vst v11;
	v7 =	vmul.f32 v16, v7;
	v13 =	vld [tilespmem:s28+$0xFFFFFFF0]  }
0x12f: {  	v10 =	vmul.f32 v17, v10;
	v16 =	vld [tilespmem:s6+$0x10];
	[tilespmem:s22+$0x40] =	vst v9  }
0x130: {  	v17 =	vld [tilespmem:s2+$0x40];
	v8 =	vmul.f32 v14, v8;
	[tilespmem:s17+$0x70] =	vst v7  }
0x131: {  	[tilespmem:s8+$0xFFFFFF80] =	vst v10;
	v7 =	vld [tilespmem:s2+$0xFFFFFFB0]  }
0x132: {  	v10 =	vld [tilespmem:s11+$0xFFFFFF90];
	v12 =	vadd.f32 v12, v15;
	[tilespmem:s17+$0xFFFFFFD0] =	vst v8  }
0x133: {  	v8 =	vld [tilespmem:s5+$0xFFFFFF90]  }
0x134: {  	v14 =	vld [tilespmem:s6+$0xFFFFFF90];
	v12 =	vadd.f32 v12, v16  }
0x135: {  	v9 =	vmul.f32 v17, v9;
	v15 =	vld [tilespmem:s15+$0xFFFFFFE0]  }
0x136: {  	[tilespmem:s11+$0x10] =	vst v12;
	v7 =	vmul.f32 v7, v11;
	v11 =	vld [tilespmem:s18+$0xFFFFFFE0]  }
0x137: {  	v16 =	vld [tilespmem:s7+$0x10];
	[tilespmem:s0+$0x40] =	vst v9  }
0x138: {  	v8 =	vadd.f32 v8, v10;
	[tilespmem:s0+$0xFFFFFFB0] =	vst v7;
	v7 =	vld [tilespmem:s22+$0x50]  }
0x139: {  	v9 =	vld [tilespmem:s4+$0x50]  }
0x13a: {  	v8 =	vadd.f32 v8, v14;
	v10 =	vld [tilespmem:s22+$0xFFFFFFC0]  }
0x13b: {  	v14 =	vld [tilespmem:s9+$0x50];
	v11 =	vadd.f32 v11, v15  }
0x13c: {  	[tilespmem:s11+$0xFFFFFF90] =	vst v8;
	v12 =	vmul.f32 v16, v12;
	v15 =	vld [tilespmem:s4+$0xFFFFFFC0]  }
0x13d: {  	v16 =	vld [tilespmem:s7+$0xFFFFFF90]  }
0x13e: {  	[tilespmem:s8+$0x10] =	vst v12;
	v12 =	vld [tilespmem:s9+$0xFFFFFFC0];
	v7 =	vadd.f32 v9, v7  }
0x13f: {  	v9 =	vld [tilespmem:s11+$0x20]  }
0x140: {  	v17 =	vld [tilespmem:s5+$0x20];
	v7 =	vadd.f32 v7, v14  }
0x141: {  	v10 =	vadd.f32 v15, v10;
	v14 =	vld [tilespmem:s21+$0xFFFFFFE0]  }
0x142: {  	v8 =	vmul.f32 v16, v8;
	v15 =	vld [tilespmem:s6+$0x20];
	[tilespmem:s22+$0x50] =	vst v7  }
0x143: {  	v10 =	vadd.f32 v10, v12;
	v12 =	vld [tilespmem:s2+$0x50]  }
0x144: {  	[tilespmem:s8+$0xFFFFFF90] =	vst v8;
	v8 =	vld [tilespmem:s31+$0xFFFFFFF0];
	s31 =	smov.u32 s18;
	s18 =	smov.u32 s4;
	s4 =	smov.u32 s5  }
0x145: {  	v16 =	vld [tilespmem:s11+$0xFFFFFFA0];
	v9 =	vadd.f32 v17, v9;
	[tilespmem:s22+$0xFFFFFFC0] =	vst v10  }
0x146: {  	v17 =	vld [tilespmem:s5+$0xFFFFFFA0];
	v11 =	vadd.f32 v11, v14  }
0x147: {  	v14 =	vld [tilespmem:s6+$0xFFFFFFA0];
	v9 =	vadd.f32 v9, v15  }
0x148: {  	v15 =	vld [tilespmem:s2+$0xFFFFFFC0];
	v7 =	vmul.f32 v12, v7;
	[tilespmem:s15+$0xFFFFFFE0] =	vst v11  }
0x149: {  	[tilespmem:s11+$0x20] =	vst v9;
	v12 =	vld [tilespmem:s16+$0xFFFFFFE0];
	v13 =	vadd.f32 v8, v13  }
0x14a: {  	v8 =	vld [tilespmem:s7+$0x20];
	[tilespmem:s0+$0x50] =	vst v7  }
0x14b: {  	v7 =	vadd.f32 v17, v16;
	v16 =	vld [tilespmem:s22+$0x60]  }
0x14c: {  	v17 =	vld [tilespmem:s18+$0x60]  }
0x14d: {  	v14 =	vadd.f32 v7, v14;
	v7 =	vmul.f32 v15, v10;
	v10 =	vld [tilespmem:s1+$0xFFFFFFF0];
	s1 =	smov.u32 s21;
	s21 =	smov.u32 s9;
	s9 =	smov.u32 s6  }
0x14e: {  	v15 =	vld [tilespmem:s21+$0x60];
	v11 =	vmul.f32 v12, v11  }
0x14f: {  	[tilespmem:s11+$0xFFFFFFA0] =	vst v14;
	v8 =	vmul.f32 v8, v9;
	v9 =	vld [tilespmem:s26+$0xFFFFFFF0];
	s26 =	smov.u32 s30;
	s30 =	smov.u32 s16;
	s16 =	smov.u32 s2  }
0x150: {  	s2 =	smov.u32 s7;
	v12 =	vld [tilespmem:s7+$0xFFFFFFA0];
	[tilespmem:s0+$0xFFFFFFC0] =	vst v7  }
0x151: {  	[tilespmem:s8+$0x20] =	vst v8;
	v8 =	vld [tilespmem:s22+$0xFFFFFFD0];
	v7 =	vadd.f32 v17, v16  }
0x152: {  	v16 =	vld [tilespmem:s11+$0x30];
	[tilespmem:s17+$0xFFFFFFE0] =	vst v11;
	v11 =	vadd.f32 v13, v10  }
0x153: {  	v17 =	vld [tilespmem:s5+$0x30];
	v7 =	vadd.f32 v7, v15  }
.Ltmp0:
0x154: {  	v10 =	vld [tilespmem:s18+$0xFFFFFFD0];
	[tilespmem:s28+$0xFFFFFFF0] =	vst v11;
	v15 =	vmul.f32 v9, v6;
	v6 =	vmov v11;
	s28 =	smov.u32 s15;
	s15 =	smov.u32 s22;
	(pc) =	sbr.rel @p3 .LBB2_2-.Ltmp0, $4  }
0x155: {  	s22 =	smov.u32 s11;
	v11 =	vmul.f32 v12, v14;
	v13 =	vld [tilespmem:s6+$0x30];
	[tilespmem:s15+$0x60] =	vst v7  }
0x156: {  	v9 =	vld [tilespmem:s16+$0x60];
	[tilespmem:s25+$0xFFFFFFF0] =	vst v15;
	s25 =	smov.u32 s29;
	s29 =	smov.u32 s17;
	s17 =	smov.u32 s0  }
0x157: {  	s0 =	smov.u32 s8;
	[tilespmem:s8+$0xFFFFFFA0] =	vst v11;
	v11 =	vld [tilespmem:s21+$0xFFFFFFD0]  }
0x158: {  	s11 =	sadd.s32 $0x100, s11;
	v12 =	vld [tilespmem:s22+$0xFFFFFFB0];
	v14 =	vadd.f32 v17, v16  }
0x159: {  	v15 =	vld [tilespmem:s4+$0xFFFFFFB0];
	_ =	sdelay $0x1  }
0x15a: {  	v63 =	vld [tilespmem:s9+$0xFFFFFFB0];
	_ =	sdelay $0x1  }
0x15b: {  	v13 =	vadd.f32 v14, v13  }
0x15c: {  	v12 =	vadd.f32 v15, v12  }
0x15d: {  	[tilespmem:s22+$0x30] =	vst v13  }
0x15e: {  	v16 =	vld [tilespmem:s7+$0x30];
	v12 =	vadd.f32 v12, v63;
	_ =	sdelay $0x1  }
0x15f: {  	[tilespmem:s22+$0xFFFFFFB0] =	vst v12  }
0x160: {  	v19 =	vld [tilespmem:s2+$0xFFFFFFB0];
	_ =	sdelay $0x1  }
0x161: {  	v13 =	vmul.f32 v16, v13;
	_ =	sdelay $0x1  }
0x162: {  	[tilespmem:s8+$0x30] =	vst v13  }
0x163: {  	v13 =	vld [tilespmem:s22+$0x40];
	v12 =	vmul.f32 v19, v12  }
0x164: {  	v20 =	vld [tilespmem:s4+$0x40]  }
0x165: {  	v21 =	vld [tilespmem:s9+$0x40];
	[tilespmem:s0+$0xFFFFFFB0] =	vst v12  }
0x166: {  	v12 =	vld [tilespmem:s22+$0xFFFFFFC0]  }
0x167: {  	v22 =	vld [tilespmem:s4+$0xFFFFFFC0];
	_ =	sdelay $0x1  }
0x168: {  	v13 =	vadd.f32 v20, v13;
	v23 =	vld [tilespmem:s9+$0xFFFFFFC0];
	_ =	sdelay $0x1  }
0x169: {  	v13 =	vadd.f32 v13, v21  }
0x16a: {  	v12 =	vadd.f32 v22, v12  }
0x16b: {  	[tilespmem:s22+$0x40] =	vst v13  }
0x16c: {  	v24 =	vld [tilespmem:s2+$0x40];
	v12 =	vadd.f32 v12, v23;
	_ =	sdelay $0x1  }
0x16d: {  	[tilespmem:s22+$0xFFFFFFC0] =	vst v12  }
0x16e: {  	v25 =	vld [tilespmem:s2+$0xFFFFFFC0];
	_ =	sdelay $0x1  }
0x16f: {  	v13 =	vmul.f32 v24, v13;
	_ =	sdelay $0x1  }
0x170: {  	[tilespmem:s0+$0x40] =	vst v13  }
0x171: {  	v13 =	vld [tilespmem:s22+$0x50];
	v12 =	vmul.f32 v25, v12  }
0x172: {  	v26 =	vld [tilespmem:s4+$0x50]  }
0x173: {  	v27 =	vld [tilespmem:s9+$0x50];
	[tilespmem:s0+$0xFFFFFFC0] =	vst v12  }
0x174: {  	v8 =	vadd.f32 v10, v8;
	v28 =	vld [tilespmem:s22+$0xFFFFFFD0]  }
0x175: {  	v30 =	vld [tilespmem:s4+$0xFFFFFFD0]  }
0x176: {  	v8 =	vadd.f32 v8, v11  }
0x177: {  	v29 =	vadd.f32 v26, v13;
	v32 =	vld [tilespmem:s9+$0xFFFFFFD0]  }
0x178: {  	[tilespmem:s15+$0xFFFFFFD0] =	vst v8  }
0x179: {  	v33 =	vld [tilespmem:s16+$0xFFFFFFD0];
	v31 =	vadd.f32 v29, v27  }
0x17a: {  	v10 =	vadd.f32 v30, v28  }
0x17b: {  	[tilespmem:s22+$0x50] =	vst v31  }
0x17c: {  	v34 =	vld [tilespmem:s2+$0x50];
	v10 =	vadd.f32 v10, v32;
	_ =	sdelay $0x1  }
0x17d: {  	v8 =	vmul.f32 v33, v8;
	[tilespmem:s22+$0xFFFFFFD0] =	vst v10  }
0x17e: {  	v35 =	vld [tilespmem:s2+$0xFFFFFFD0]  }
0x17f: {  	[tilespmem:s17+$0xFFFFFFD0] =	vst v8  }
0x180: {  	v8 =	vld [tilespmem:s15+$0xFFFFFFE0];
	v11 =	vmul.f32 v34, v31  }
0x181: {  	v37 =	vld [tilespmem:s18+$0xFFFFFFE0]  }
0x182: {  	v39 =	vld [tilespmem:s21+$0xFFFFFFE0];
	[tilespmem:s0+$0x50] =	vst v11  }
0x183: {  	v11 =	vld [tilespmem:s22+$0x60];
	v10 =	vmul.f32 v35, v10  }
0x184: {  	v36 =	vld [tilespmem:s4+$0x60]  }
0x185: {  	v7 =	vmul.f32 v9, v7;
	v38 =	vld [tilespmem:s9+$0x60];
	[tilespmem:s0+$0xFFFFFFD0] =	vst v10  }
0x186: {  	v10 =	vld [tilespmem:s22+$0xFFFFFFE0]  }
0x187: {  	[tilespmem:s17+$0x60] =	vst v7;
	v7 =	vadd.f32 v37, v8;
	v40 =	vld [tilespmem:s4+$0xFFFFFFE0];
	_ =	sdelay $0x1  }
0x188: {  	v7 =	vadd.f32 v7, v39;
	v11 =	vadd.f32 v36, v11;
	v42 =	vld [tilespmem:s9+$0xFFFFFFE0];
	_ =	sdelay $0x1  }
0x189: {  	v48 =	vld [tilespmem:s28+$0xFFFFFFF0];
	[tilespmem:s15+$0xFFFFFFE0] =	vst v7;
	v41 =	vadd.f32 v11, v38  }
0x18a: {  	v47 =	vld [tilespmem:s16+$0xFFFFFFE0];
	v10 =	vadd.f32 v40, v10  }
0x18b: {  	v50 =	vld [tilespmem:s31+$0xFFFFFFF0];
	[tilespmem:s22+$0x60] =	vst v41  }
0x18c: {  	v44 =	vld [tilespmem:s2+$0x60];
	v10 =	vadd.f32 v10, v42  }
0x18d: {  	v17 =	vld [tilespmem:s1+$0xFFFFFFF0]  }
0x18e: {  	v43 =	vld [tilespmem:s15+$0x70];
	[tilespmem:s22+$0xFFFFFFE0] =	vst v10  }
0x18f: {  	v7 =	vmul.f32 v47, v7;
	v49 =	vld [tilespmem:s2+$0xFFFFFFE0]  }
0x190: {  	v45 =	vld [tilespmem:s18+$0x70]  }
0x191: {  	v46 =	vld [tilespmem:s21+$0x70];
	[tilespmem:s17+$0xFFFFFFE0] =	vst v7;
	v9 =	vmul.f32 v44, v41  }
0x192: {  	v52 =	vld [tilespmem:s15+$0xFFFFFFF0]  }
0x193: {  	v18 =	vld [tilespmem:s18+$0xFFFFFFF0];
	[tilespmem:s0+$0x60] =	vst v9  }
0x194: {  	v9 =	vld [tilespmem:s22+$0x70];
	v10 =	vmul.f32 v49, v10  }
0x195: {  	v51 =	vld [tilespmem:s4+$0x70]  }
0x196: {  	v7 =	vld [tilespmem:s9+$0x70];
	[tilespmem:s0+$0xFFFFFFE0] =	vst v10  }
0x197: {  	v10 =	vld [tilespmem:s22+$0xFFFFFFF0]  }
0x198: {  	v53 =	vld [tilespmem:s4+$0xFFFFFFF0]  }
0x199: {  	v55 =	vadd.f32 v50, v48;
	v19 =	vld [tilespmem:s21+$0xFFFFFFF0]  }
0x19a: {  	v9 =	vadd.f32 v51, v9;
	v54 =	vld [tilespmem:s9+$0xFFFFFFF0]  }
0x19b: {  	v14 =	vadd.f32 v55, v17;
	v8 =	vadd.f32 v45, v43  }
0x19c: {  	v58 =	vld [tilespmem:s26+$0xFFFFFFF0];
	v56 =	vadd.f32 v18, v52;
	v7 =	vadd.f32 v9, v7  }
0x19d: {  	[tilespmem:s28+$0xFFFFFFF0] =	vst v14;
	v8 =	vadd.f32 v8, v46;
	v10 =	vadd.f32 v53, v10  }
0x19e: {  	v60 =	vld [tilespmem:s30+$0xFFFFFFF0];
	v9 =	vadd.f32 v56, v19;
	[tilespmem:s22+$0x70] =	vst v7  }
0x19f: {  	[tilespmem:s15+$0x70] =	vst v8;
	v59 =	vld [tilespmem:s2+$0x70];
	v10 =	vadd.f32 v10, v54  }
0x1a0: {  	v57 =	vld [tilespmem:s16+$0x70];
	[tilespmem:s15+$0xFFFFFFF0] =	vst v9  }
0x1a1: {  	v6 =	vmul.f32 v58, v6;
	v61 =	vld [tilespmem:s16+$0xFFFFFFF0];
	[tilespmem:s22+$0xFFFFFFF0] =	vst v10  }
0x1a2: {  	v62 =	vld [tilespmem:s2+$0xFFFFFFF0]  }
0x1a3: {  	[tilespmem:s25+$0xFFFFFFF0] =	vst v6;
	v6 =	vmul.f32 v60, v14  }
0x1a4: {  	v7 =	vmul.f32 v59, v7  }
0x1a5: {  	[tilespmem:s29+$0xFFFFFFF0] =	vst v6;
	v8 =	vmul.f32 v57, v8  }
0x1a6: {  	[tilespmem:s0+$0x70] =	vst v7;
	v7 =	vmul.f32 v61, v9  }
0x1a7: {  	[tilespmem:s17+$0x70] =	vst v8;
	v6 =	vmul.f32 v62, v10  }
0x1a8: {  	[tilespmem:s17+$0xFFFFFFF0] =	vst v7  }
0x1a9: {  	[tilespmem:s0+$0xFFFFFFF0] =	vst v6  }
0x1aa: {  	[tilespmem:$0x7610] =	vst v5  }
0x1ab: {  	[tilespmem:$0xEE10] =	vst v5  }
0x1ac: {  	[tilespmem:$0x7620] =	vst v5  }
0x1ad: {  	[tilespmem:$0xEE20] =	vst v5  }
0x1ae: {  	[tilespmem:$0x7630] =	vst v5  }
0x1af: {  	[tilespmem:$0xEE30] =	vst v5  }
0x1b0: {  	[tilespmem:$0x7640] =	vst v5  }
0x1b1: {  	[tilespmem:$0xEE40] =	vst v5  }
0x1b2: {  	[tilespmem:$0x7650] =	vst v5  }
0x1b3: {  	[tilespmem:$0xEE50] =	vst v5  }
0x1b4: {  	[tilespmem:$0x7660] =	vst v5  }
0x1b5: {  	[tilespmem:$0xEE60] =	vst v5  }
0x1b6: {  	[tilespmem:$0x7670] =	vst v5  }
0x1b7: {  	[tilespmem:$0xEE70] =	vst v5  }
0x1b8: {  	[tilespmem:$0x7680] =	vst v5  }
0x1b9: {  	[tilespmem:$0x7690] =	vst v5  }
0x1ba: {  	[tilespmem:$0x76A0] =	vst v5  }
0x1bb: {  	[tilespmem:$0x76B0] =	vst v5  }
0x1bc: {  	[tilespmem:$0x76C0] =	vst v5  }
0x1bd: {  	v6 =	vld [tilespmem:$0x7600];
	[tilespmem:$0x76D0] =	vst v5  }
0x1be: {  	v7 =	vld [tilespmem:$0x9E00];
	[tilespmem:$0x76E0] =	vst v5  }
0x1bf: {  	[tilespmem:$0x76F0] =	vst v5  }
0x1c0: {  	v8 =	vld [tilespmem:$0x11600];
	[tilespmem:$0xEE80] =	vst v5  }
0x1c1: {  	[tilespmem:$0xEE90] =	vst v5  }
0x1c2: {  	v63 =	vld [tilespmem:$0xC600];
	[tilespmem:$0xEEA0] =	vst v5  }
0x1c3: {  	[tilespmem:$0xEEB0] =	vst v5;
	v6 =	vadd.f32 v7, v6  }
0x1c4: {  	[tilespmem:$0xEEC0] =	vst v5  }
0x1c5: {  	[tilespmem:$0xEED0] =	vst v5;
	v6 =	vadd.f32 v6, v8  }
0x1c6: {  	[tilespmem:$0xEEE0] =	vst v5  }
0x1c7: {  	[tilespmem:$0xEEF0] =	vst v5;
	v7 =	vmul.f32 v63, v6  }
0x1c8: {  	s1 =	rddreg [dreg:$0x9];
	[tilespmem:$0x7600] =	vst v6  }
0x1c9: {  	s0 =	simm.s32 @p0 $0x0;
	s2 =	rddreg [dreg:$0xa];
	[tilespmem:$0xEE00] =	vst v7  }
0x1ca: {  	[hbm4b:s2+s0] =	stream.linear.scatter @p0 [tilespmem:s1], [sflag:$0x1], $0x400, $0x38;
	[tilespmem:$0x11A00] =	vst v63  }
0x1cb: {  	s0 =	simm.s32 @p0 $0x1  }
0x1cc: {  	_ =	swait.ge @p0 [sflag:s0], $0x400  }
0x1cd: {  	[sflag:s0] =	ssyncset.done @p0 $0x0  }
0x1ce: {  	[sflag:s0] =	ssyncadd.s32 @p0 $0xFFFFFC00;
	s0 =	simm.s32 $0xEF80  }
0x1cf: {  	[tilespmem:s0+$0xFFFFFF80] =	vst v5  }
0x1d0: {  	[tilespmem:s0+$0x70] =	vst v5  }
0x1d1: {  	[tilespmem:s0+$0x60] =	vst v5  }
0x1d2: {  	[tilespmem:s0+$0x50] =	vst v5  }
0x1d3: {  	[tilespmem:s0+$0x40] =	vst v5  }
0x1d4: {  	[tilespmem:s0+$0x30] =	vst v5  }
0x1d5: {  	[tilespmem:s0+$0x20] =	vst v5  }
0x1d6: {  	[tilespmem:s0+$0x10] =	vst v5  }
0x1d7: {  	[tilespmem:s0+$0x0] =	vst v5  }
0x1d8: {  	[tilespmem:s0+$0xFFFFFFF0] =	vst v5  }
0x1d9: {  	[tilespmem:s0+$0xFFFFFFE0] =	vst v5  }
0x1da: {  	[tilespmem:s0+$0xFFFFFFD0] =	vst v5  }
0x1db: {  	[tilespmem:s0+$0xFFFFFFC0] =	vst v5  }
0x1dc: {  	[tilespmem:s0+$0xFFFFFFB0] =	vst v5  }
0x1dd: {  	s1 =	simm.s32 $0x0;
	[tilespmem:s0+$0xFFFFFFA0] =	vst v5  }
.LBB2_4:
0x1de: {  	s1 =	sadd.s32 $0x2, s1;
	[tilespmem:s0+$0xFFFFFF90] =	vst v5;
	s0 =	sadd.s32 $0x100, s0  }
0x1df: {  	[tilespmem:s0+$0xFFFFFF80] =	vst v5;
	p3 =	slt.u32 s1, $0x4E  }
0x1e0: {  	[tilespmem:s0+$0x70] =	vst v5  }
0x1e1: {  	[tilespmem:s0+$0x60] =	vst v5  }
0x1e2: {  	[tilespmem:s0+$0x50] =	vst v5  }
0x1e3: {  	[tilespmem:s0+$0x40] =	vst v5  }
0x1e4: {  	[tilespmem:s0+$0x30] =	vst v5  }
0x1e5: {  	[tilespmem:s0+$0x20] =	vst v5  }
0x1e6: {  	[tilespmem:s0+$0x10] =	vst v5  }
0x1e7: {  	[tilespmem:s0+$0x0] =	vst v5  }
0x1e8: {  	[tilespmem:s0+$0xFFFFFFF0] =	vst v5  }
.Ltmp1:
0x1e9: {  	[tilespmem:s0+$0xFFFFFFE0] =	vst v5;
	(pc) =	sbr.rel @p3 .LBB2_4-.Ltmp1, $4  }
0x1ea: {  	[tilespmem:s0+$0xFFFFFFD0] =	vst v5  }
0x1eb: {  	[tilespmem:s0+$0xFFFFFFC0] =	vst v5  }
0x1ec: {  	[tilespmem:s0+$0xFFFFFFB0] =	vst v5  }
0x1ed: {  	[tilespmem:s0+$0xFFFFFFA0] =	vst v5  }
0x1ee: {  	[tilespmem:s0+$0xFFFFFF90] =	vst v5;
	s0 =	simm.s32 @!p1 $0xEF00  }
0x1ef: {  	[spmem:s12] =	stream.linear.scatter @!p1 [tilespmem:s0], [sflag:$0x1], $0x2800, $0x38;
	[tilespmem:$0x11A00] =	vst v63  }
0x1f0: {  	s0 =	simm.s32 @!p1 $0x1  }
0x1f1: {  	_ =	swait.ge @!p1 [sflag:s0], $0x2800  }
0x1f2: {  	[sflag:s0] =	ssyncset.done @!p1 $0x0  }
0x1f3: {  	[sflag:s0] =	ssyncadd.s32 @!p1 $0xFFFFD800  }
0x1f4: {  	s31 =	simm.s32 $0x0;
	s1 =	simm.s32 $0xC0;
	[bflag:$0x0] =	sbarrier.arrive $0xFFFF  }
0x1f5: {  	s2 =	sand.u32 $0x3FF0, s31;
	v6 =	vld [tilespmem:s1+$0xB0]  }
0x1f6: {  	v7 =	vld [tilespmem:s2+$0x180]  }
0x1f7: {  	v8 =	vld [tilespmem:s2+$0x80]  }
0x1f8: {  	v9 =	vld [tilespmem:s2+$0x100]  }
0x1f9: {  	v10 =	vld [tilespmem:s2+$0x2800]  }
0x1fa: {  	s0 =	simm.s32 $0x2840;
	v11 =	vld [tilespmem:s2+$0x2880]  }
0x1fb: {  	v12 =	vld [tilespmem:s0+$0xB0]  }
0x1fc: {  	v13 =	vld [tilespmem:s2+$0x2900]  }
0x1fd: {  	v14 =	vld [tilespmem:s1+$0xFFFFFF40]  }
0x1fe: {  	v15 =	vld [tilespmem:s1+$0xFFFFFF50]  }
0x1ff: {  	v58 =	vld [tilespmem:s1+$0xFFFFFF80]  }
0x200: {  	v59 =	vld [tilespmem:s1+$0xFFFFFF90]  }
0x201: {  	v60 =	vld [tilespmem:s1+$0xFFFFFFA0]  }
0x202: {  	v61 =	vld [tilespmem:s1+$0xFFFFFFB0]  }
0x203: {  	v62 =	vld [tilespmem:s1+$0xFFFFFFD0]  }
0x204: {  	v63 =	vld [tilespmem:s1+$0xFFFFFFE0]  }
0x205: {  	v16 =	vld [tilespmem:s1+$0xFFFFFFF0]  }
0x206: {  	v17 =	vld [tilespmem:s1+$0x0]  }
0x207: {  	v18 =	vld [tilespmem:s1+$0x10]  }
0x208: {  	v19 =	vld [tilespmem:s1+$0x20]  }
0x209: {  	v20 =	vld [tilespmem:s1+$0x30]  }
0x20a: {  	v21 =	vld [tilespmem:s1+$0x50]  }
0x20b: {  	v22 =	vld [tilespmem:s1+$0x60]  }
0x20c: {  	v23 =	vld [tilespmem:s1+$0x70]  }
0x20d: {  	v24 =	vld [tilespmem:s1+$0x80]  }
0x20e: {  	v25 =	vld [tilespmem:s1+$0x90]  }
0x20f: {  	v26 =	vld [tilespmem:s1+$0xA0]  }
0x210: {  	v27 =	vld [tilespmem:s0+$0xFFFFFF50]  }
0x211: {  	v28 =	vld [tilespmem:s0+$0xFFFFFF60]  }
0x212: {  	v29 =	vld [tilespmem:s0+$0xFFFFFF70]  }
0x213: {  	v30 =	vld [tilespmem:s0+$0xFFFFFF80]  }
0x214: {  	v31 =	vld [tilespmem:s0+$0xFFFFFF90]  }
0x215: {  	v32 =	vld [tilespmem:s0+$0xFFFFFFA0]  }
0x216: {  	v33 =	vld [tilespmem:s0+$0xFFFFFFB0]  }
0x217: {  	v34 =	vld [tilespmem:s0+$0xFFFFFFD0]  }
0x218: {  	v35 =	vld [tilespmem:s0+$0xFFFFFFE0]  }
0x219: {  	v36 =	vld [tilespmem:s0+$0xFFFFFFF0]  }
0x21a: {  	v37 =	vld [tilespmem:s0+$0x0]  }
0x21b: {  	v38 =	vld [tilespmem:s0+$0x10]  }
0x21c: {  	v39 =	vld [tilespmem:s0+$0x20]  }
0x21d: {  	v40 =	vld [tilespmem:s0+$0x30]  }
0x21e: {  	v41 =	vld [tilespmem:s0+$0x50]  }
0x21f: {  	v42 =	vld [tilespmem:s0+$0x60]  }
0x220: {  	v43 =	vld [tilespmem:s0+$0x70]  }
0x221: {  	v44 =	vld [tilespmem:s0+$0x80]  }
0x222: {  	v45 =	vld [tilespmem:s0+$0x90]  }
0x223: {  	v46 =	vld [tilespmem:s0+$0xA0]  }
0x224: {  	v47 =	vld [tilespmem:s0+$0xFFFFFF40]  }
0x225: {  	v6 =	vld.idx.msk [tilespmem:v6+s20+$0x0], $0xffff  }
0x226: {  	v7 =	vld.idx.msk [tilespmem:v7+s20+$0x0], $0xffff  }
0x227: {  	v8 =	vld.idx.msk [tilespmem:v8+s20+$0x0], $0xffff  }
0x228: {  	v9 =	vld.idx.msk [tilespmem:v9+s20+$0x0], $0xffff  }
0x229: {  	v14 =	vld.idx.msk [tilespmem:v14+s20+$0x0], $0xffff  }
0x22a: {  	v15 =	vld.idx.msk [tilespmem:v15+s20+$0x0], $0xffff  }
0x22b: {  	v16 =	vld.idx.msk [tilespmem:v16+s20+$0x0], $0xffff  }
0x22c: {  	v17 =	vld.idx.msk [tilespmem:v17+s20+$0x0], $0xffff  }
0x22d: {  	v18 =	vld.idx.msk [tilespmem:v18+s20+$0x0], $0xffff  }
0x22e: {  	v19 =	vld.idx.msk [tilespmem:v19+s20+$0x0], $0xffff  }
0x22f: {  	v20 =	vld.idx.msk [tilespmem:v20+s20+$0x0], $0xffff  }
0x230: {  	v21 =	vld.idx.msk [tilespmem:v21+s20+$0x0], $0xffff  }
0x231: {  	v22 =	vld.idx.msk [tilespmem:v22+s20+$0x0], $0xffff  }
0x232: {  	v23 =	vld.idx.msk [tilespmem:v23+s20+$0x0], $0xffff  }
0x233: {  	v24 =	vld.idx.msk [tilespmem:v24+s20+$0x0], $0xffff  }
0x234: {  	v25 =	vld.idx.msk [tilespmem:v25+s20+$0x0], $0xffff  }
0x235: {  	v26 =	vld.idx.msk [tilespmem:v26+s20+$0x0], $0xffff  }
0x236: {  	[tilespmem:v12+s19+$0x0] =	vst.idx.add.f32.msk $0xffff, v6  }
0x237: {  	[tilespmem:v13+s19+$0x0] =	vst.idx.add.f32.msk $0xffff, v7  }
0x238: {  	[tilespmem:v10+s19+$0x0] =	vst.idx.add.f32.msk $0xffff, v8  }
0x239: {  	[tilespmem:v11+s19+$0x0] =	vst.idx.add.f32.msk $0xffff, v9  }
0x23a: {  	v6 =	vld [tilespmem:s1+$0xFFFFFF60]  }
0x23b: {  	v7 =	vld [tilespmem:s1+$0xFFFFFF70]  }
0x23c: {  	v8 =	vld.idx.msk [tilespmem:v58+s20+$0x0], $0xffff  }
0x23d: {  	v9 =	vld.idx.msk [tilespmem:v59+s20+$0x0], $0xffff  }
0x23e: {  	v10 =	vld.idx.msk [tilespmem:v60+s20+$0x0], $0xffff  }
0x23f: {  	v11 =	vld.idx.msk [tilespmem:v61+s20+$0x0], $0xffff  }
0x240: {  	v12 =	vld.idx.msk [tilespmem:v62+s20+$0x0], $0xffff  }
0x241: {  	v13 =	vld.idx.msk [tilespmem:v63+s20+$0x0], $0xffff  }
0x242: {  	[tilespmem:v27+s19+$0x0] =	vst.idx.add.f32.msk $0xffff, v15  }
0x243: {  	[tilespmem:v47+s19+$0x0] =	vst.idx.add.f32.msk $0xffff, v14  }
0x244: {  	[tilespmem:v36+s19+$0x0] =	vst.idx.add.f32.msk $0xffff, v16  }
0x245: {  	[tilespmem:v37+s19+$0x0] =	vst.idx.add.f32.msk $0xffff, v17  }
0x246: {  	[tilespmem:v38+s19+$0x0] =	vst.idx.add.f32.msk $0xffff, v18  }
0x247: {  	[tilespmem:v39+s19+$0x0] =	vst.idx.add.f32.msk $0xffff, v19  }
0x248: {  	[tilespmem:v40+s19+$0x0] =	vst.idx.add.f32.msk $0xffff, v20  }
0x249: {  	[tilespmem:v41+s19+$0x0] =	vst.idx.add.f32.msk $0xffff, v21  }
0x24a: {  	[tilespmem:v42+s19+$0x0] =	vst.idx.add.f32.msk $0xffff, v22  }
0x24b: {  	[tilespmem:v43+s19+$0x0] =	vst.idx.add.f32.msk $0xffff, v23  }
0x24c: {  	[tilespmem:v44+s19+$0x0] =	vst.idx.add.f32.msk $0xffff, v24  }
0x24d: {  	[tilespmem:v45+s19+$0x0] =	vst.idx.add.f32.msk $0xffff, v25  }
0x24e: {  	[tilespmem:v46+s19+$0x0] =	vst.idx.add.f32.msk $0xffff, v26  }
0x24f: {  	[tilespmem:v30+s19+$0x0] =	vst.idx.add.f32.msk $0xffff, v8  }
0x250: {  	[tilespmem:v31+s19+$0x0] =	vst.idx.add.f32.msk $0xffff, v9  }
0x251: {  	[tilespmem:v32+s19+$0x0] =	vst.idx.add.f32.msk $0xffff, v10  }
0x252: {  	v6 =	vld.idx.msk [tilespmem:v6+s20+$0x0], $0xffff  }
0x253: {  	v7 =	vld.idx.msk [tilespmem:v7+s20+$0x0], $0xffff  }
0x254: {  	[tilespmem:v33+s19+$0x0] =	vst.idx.add.f32.msk $0xffff, v11  }
0x255: {  	[tilespmem:v34+s19+$0x0] =	vst.idx.add.f32.msk $0xffff, v12  }
0x256: {  	[tilespmem:v35+s19+$0x0] =	vst.idx.add.f32.msk $0xffff, v13  }
0x257: {  	[tilespmem:v28+s19+$0x0] =	vst.idx.add.f32.msk $0xffff, v6  }
0x258: {  	s4 =	simm.s32 $0x250;
	s2 =	simm.s32 $0x190;
	s1 =	simm.s32 $0x0;
	[tilespmem:v29+s19+$0x0] =	vst.idx.add.f32.msk $0xffff, v7  }
.LBB2_6:
0x259: {  	s5 =	sand.u32 $0x3FF0, s2;
	v6 =	vld [tilespmem:s4+$0xB0];
	s1 =	sadd.s32 $0x19, s1  }
0x25a: {  	v7 =	vld [tilespmem:s5+$0x180];
	p3 =	slt.u32 s1, $0x258  }
0x25b: {  	v8 =	vld [tilespmem:s5+$0x80]  }
0x25c: {  	v9 =	vld [tilespmem:s5+$0x100]  }
0x25d: {  	v10 =	vld [tilespmem:s5+$0x2800]  }
0x25e: {  	s0 =	sadd.s32 $0x190, s0;
	v11 =	vld [tilespmem:s5+$0x2880]  }
0x25f: {  	v12 =	vld [tilespmem:s0+$0xB0]  }
0x260: {  	v13 =	vld [tilespmem:s5+$0x2900]  }
0x261: {  	v6 =	vld.idx.msk [tilespmem:v6+s20+$0x0], $0xffff  }
0x262: {  	v7 =	vld.idx.msk [tilespmem:v7+s20+$0x0], $0xffff  }
0x263: {  	v8 =	vld.idx.msk [tilespmem:v8+s20+$0x0], $0xffff  }
0x264: {  	v9 =	vld.idx.msk [tilespmem:v9+s20+$0x0], $0xffff  }
0x265: {  	v14 =	vld [tilespmem:s4+$0xFFFFFF40]  }
0x266: {  	v15 =	vld [tilespmem:s4+$0xFFFFFF50]  }
0x267: {  	[tilespmem:v12+s19+$0x0] =	vst.idx.add.f32.msk $0xffff, v6  }
0x268: {  	[tilespmem:v13+s19+$0x0] =	vst.idx.add.f32.msk $0xffff, v7  }
0x269: {  	[tilespmem:v10+s19+$0x0] =	vst.idx.add.f32.msk $0xffff, v8  }
0x26a: {  	[tilespmem:v11+s19+$0x0] =	vst.idx.add.f32.msk $0xffff, v9  }
0x26b: {  	v6 =	vld [tilespmem:s4+$0xFFFFFF60]  }
0x26c: {  	v7 =	vld [tilespmem:s4+$0xFFFFFF70]  }
0x26d: {  	v8 =	vld [tilespmem:s4+$0xFFFFFF80]  }
0x26e: {  	v9 =	vld [tilespmem:s4+$0xFFFFFF90]  }
0x26f: {  	v10 =	vld [tilespmem:s4+$0xFFFFFFA0]  }
0x270: {  	v11 =	vld [tilespmem:s4+$0xFFFFFFB0]  }
0x271: {  	v12 =	vld [tilespmem:s4+$0xFFFFFFD0]  }
0x272: {  	v13 =	vld [tilespmem:s4+$0xFFFFFFE0]  }
0x273: {  	v16 =	vld [tilespmem:s4+$0xFFFFFFF0]  }
0x274: {  	v17 =	vld [tilespmem:s4+$0x0]  }
0x275: {  	v18 =	vld [tilespmem:s4+$0x10]  }
0x276: {  	v19 =	vld [tilespmem:s4+$0x20]  }
0x277: {  	v20 =	vld [tilespmem:s4+$0x30]  }
0x278: {  	v21 =	vld [tilespmem:s4+$0x50]  }
0x279: {  	v22 =	vld [tilespmem:s4+$0x60]  }
0x27a: {  	v23 =	vld [tilespmem:s4+$0x70]  }
0x27b: {  	v24 =	vld [tilespmem:s4+$0x80]  }
0x27c: {  	v25 =	vld [tilespmem:s4+$0x90]  }
0x27d: {  	v26 =	vld [tilespmem:s4+$0xA0]  }
0x27e: {  	v14 =	vld.idx.msk [tilespmem:v14+s20+$0x0], $0xffff  }
0x27f: {  	v15 =	vld.idx.msk [tilespmem:v15+s20+$0x0], $0xffff  }
0x280: {  	v6 =	vld.idx.msk [tilespmem:v6+s20+$0x0], $0xffff  }
0x281: {  	v7 =	vld.idx.msk [tilespmem:v7+s20+$0x0], $0xffff  }
0x282: {  	v8 =	vld.idx.msk [tilespmem:v8+s20+$0x0], $0xffff  }
0x283: {  	v9 =	vld.idx.msk [tilespmem:v9+s20+$0x0], $0xffff  }
0x284: {  	v10 =	vld.idx.msk [tilespmem:v10+s20+$0x0], $0xffff  }
0x285: {  	v11 =	vld.idx.msk [tilespmem:v11+s20+$0x0], $0xffff  }
0x286: {  	v12 =	vld.idx.msk [tilespmem:v12+s20+$0x0], $0xffff  }
0x287: {  	v13 =	vld.idx.msk [tilespmem:v13+s20+$0x0], $0xffff  }
0x288: {  	v16 =	vld.idx.msk [tilespmem:v16+s20+$0x0], $0xffff  }
0x289: {  	v17 =	vld.idx.msk [tilespmem:v17+s20+$0x0], $0xffff  }
0x28a: {  	v18 =	vld.idx.msk [tilespmem:v18+s20+$0x0], $0xffff  }
0x28b: {  	v19 =	vld.idx.msk [tilespmem:v19+s20+$0x0], $0xffff  }
0x28c: {  	v20 =	vld.idx.msk [tilespmem:v20+s20+$0x0], $0xffff  }
0x28d: {  	v21 =	vld.idx.msk [tilespmem:v21+s20+$0x0], $0xffff  }
0x28e: {  	v22 =	vld.idx.msk [tilespmem:v22+s20+$0x0], $0xffff  }
0x28f: {  	v23 =	vld.idx.msk [tilespmem:v23+s20+$0x0], $0xffff  }
0x290: {  	v24 =	vld.idx.msk [tilespmem:v24+s20+$0x0], $0xffff  }
0x291: {  	v25 =	vld.idx.msk [tilespmem:v25+s20+$0x0], $0xffff  }
0x292: {  	v26 =	vld.idx.msk [tilespmem:v26+s20+$0x0], $0xffff  }
0x293: {  	v27 =	vld [tilespmem:s0+$0xFFFFFF50]  }
0x294: {  	v28 =	vld [tilespmem:s0+$0xFFFFFF60]  }
0x295: {  	v29 =	vld [tilespmem:s0+$0xFFFFFF70]  }
0x296: {  	v30 =	vld [tilespmem:s0+$0xFFFFFF80]  }
0x297: {  	v31 =	vld [tilespmem:s0+$0xFFFFFF90]  }
0x298: {  	v32 =	vld [tilespmem:s0+$0xFFFFFFA0]  }
0x299: {  	v33 =	vld [tilespmem:s0+$0xFFFFFFB0]  }
0x29a: {  	v34 =	vld [tilespmem:s0+$0xFFFFFFD0]  }
0x29b: {  	v35 =	vld [tilespmem:s0+$0xFFFFFFE0]  }
0x29c: {  	v36 =	vld [tilespmem:s0+$0xFFFFFFF0]  }
0x29d: {  	v37 =	vld [tilespmem:s0+$0x0]  }
0x29e: {  	v38 =	vld [tilespmem:s0+$0x10]  }
0x29f: {  	v39 =	vld [tilespmem:s0+$0x20]  }
0x2a0: {  	v40 =	vld [tilespmem:s0+$0x30]  }
0x2a1: {  	v41 =	vld [tilespmem:s0+$0x50]  }
0x2a2: {  	v42 =	vld [tilespmem:s0+$0x60]  }
0x2a3: {  	v43 =	vld [tilespmem:s0+$0x70]  }
0x2a4: {  	v44 =	vld [tilespmem:s0+$0x80]  }
0x2a5: {  	v45 =	vld [tilespmem:s0+$0x90]  }
0x2a6: {  	v46 =	vld [tilespmem:s0+$0xA0]  }
0x2a7: {  	v47 =	vld [tilespmem:s0+$0xFFFFFF40]  }
0x2a8: {  	[tilespmem:v27+s19+$0x0] =	vst.idx.add.f32.msk $0xffff, v15  }
0x2a9: {  	[tilespmem:v28+s19+$0x0] =	vst.idx.add.f32.msk $0xffff, v6  }
0x2aa: {  	[tilespmem:v29+s19+$0x0] =	vst.idx.add.f32.msk $0xffff, v7  }
0x2ab: {  	[tilespmem:v30+s19+$0x0] =	vst.idx.add.f32.msk $0xffff, v8  }
0x2ac: {  	[tilespmem:v31+s19+$0x0] =	vst.idx.add.f32.msk $0xffff, v9  }
0x2ad: {  	[tilespmem:v32+s19+$0x0] =	vst.idx.add.f32.msk $0xffff, v10  }
0x2ae: {  	[tilespmem:v33+s19+$0x0] =	vst.idx.add.f32.msk $0xffff, v11  }
0x2af: {  	[tilespmem:v47+s19+$0x0] =	vst.idx.add.f32.msk $0xffff, v14  }
0x2b0: {  	[tilespmem:v34+s19+$0x0] =	vst.idx.add.f32.msk $0xffff, v12  }
0x2b1: {  	[tilespmem:v35+s19+$0x0] =	vst.idx.add.f32.msk $0xffff, v13  }
0x2b2: {  	[tilespmem:v36+s19+$0x0] =	vst.idx.add.f32.msk $0xffff, v16  }
0x2b3: {  	[tilespmem:v37+s19+$0x0] =	vst.idx.add.f32.msk $0xffff, v17  }
0x2b4: {  	[tilespmem:v38+s19+$0x0] =	vst.idx.add.f32.msk $0xffff, v18  }
0x2b5: {  	[tilespmem:v39+s19+$0x0] =	vst.idx.add.f32.msk $0xffff, v19  }
0x2b6: {  	[tilespmem:v40+s19+$0x0] =	vst.idx.add.f32.msk $0xffff, v20  }
0x2b7: {  	[tilespmem:v41+s19+$0x0] =	vst.idx.add.f32.msk $0xffff, v21  }
.Ltmp2:
0x2b8: {  	[tilespmem:v42+s19+$0x0] =	vst.idx.add.f32.msk $0xffff, v22;
	(pc) =	sbr.rel @p3 .LBB2_6-.Ltmp2, $4  }
0x2b9: {  	[tilespmem:v43+s19+$0x0] =	vst.idx.add.f32.msk $0xffff, v23  }
0x2ba: {  	[tilespmem:v44+s19+$0x0] =	vst.idx.add.f32.msk $0xffff, v24  }
0x2bb: {  	[tilespmem:v45+s19+$0x0] =	vst.idx.add.f32.msk $0xffff, v25  }
0x2bc: {  	s2 =	sadd.s32 $0x190, s2;
	s4 =	sadd.s32 $0x190, s4;
	[tilespmem:v46+s19+$0x0] =	vst.idx.add.f32.msk $0xffff, v26  }
0x2bd: {  	s0 =	simm.s32 $0x50;
	s1 =	simm.s32 $0x11700  }
0x2be: {  	[spmem:s12] =	stream.indirect.scatter.add.f32 [tilespmem:s19], [sflag:$0x1], $0x80, s1, s0, $0xb8;
	[tilespmem:$0x11A00] =	vst v63  }
0x2bf: {  	_ =	swait.ge [sflag:s14], $0x2800  }
0x2c0: {  	[sflag:s14] =	ssyncset.done $0x0  }
0x2c1: {  	s0 =	stileid.u32;
	[sflag:s14] =	ssyncadd.s32 $0xFFFFD800  }
0x2c2: {  	s24 =	sadd.s32 $0x1, s24;
	s0 =	sshll.u32 @!p2 s0, $0x6;
	[bflag:$0x0] =	sbarrier.arrive $0xFFFF  }
0x2c3: {  	p3 =	sne.s32 s24, s13;
	s0 =	sor.u32 @!p2 $0x1C01, s0;
	s1 =	rddreg [dreg:$0xb]  }
0x2c4: {  	[hbm:s1], [sflag:s0] =	dma.local @!p2 [spmem:s23], $0x80  }
.Ltmp3:
0x2c5: {  	_ = 	snop;
	(pc) =	sbr.rel @p3 .LBB2_1-.Ltmp3, $4  }
0x2c6: {  	s0 =	simm.s32 @!p2 $0x1  }
0x2c7: {  	_ =	swait.ge @!p2 [sflag:s0], $0x80  }
0x2c8: {  	[sflag:s0] =	ssyncset.done @!p2 $0x0  }
0x2c9: {  	[sflag:s0] =	ssyncadd.s32 @!p2 $0xFFFFFF80  }
0x2ca: {  	_ =	sfence.sel $0x180000  }
0x2cb: {  	[bflag:$0x0] =	sbarrier.arrive $0xFFFF  }
0x2cc: {  	_ =	strace $0x90000050  }
0x2cd: {  	[bflag:$0x2] =	sbarrier.arrive $0xFFFF  }
0x2ce: {  	s0 =	rddreg [dreg:$0x2]  }
0x2cf: {  	s0 =	sadd.s32 @!p1 $0x100000, s0  }
0x2d0: {  	[sflag:s0] =	ssyncadd.tile.s32 @!p1 $0x1;
	_ =	shalt  }
.Lfunc_end2:
_tile_overlayer_lowered:
.L_overlay_start_2:
0x2d1: {  	(tag) =	ssettag $0x2  }
0x2d2: {  	s0 =	rddreg [dreg:$0x0];
	s2 =	stileid.u32  }
0x2d3: {  	s1 =	rddreg [dreg:$0x1];
	p0 =	sne.s32 s2, $0x0  }
0x2d4: {  	s3 =	rddreg [dreg:$0x2];
	[bflag:$0x3] =	sbarrier.arrive $0xFFFF;
	s2 =	simm.s32 @!p0 $0x1C01  }
0x2d5: {  	[timem:s3], [sflag:s2] =	dma.local @!p0 [hbm:s0], s1  }
0x2d6: {  	s0 =	simm.s32 @!p0 $0x1  }
0x2d7: {  	_ =	swait.ge @!p0 [sflag:s0], s1  }
0x2d8: {  	s1 =	ssub.s32 @!p0 $0x0, s1;
	[sflag:s0] =	ssyncset.done @!p0 $0x0  }
0x2d9: {  	[sflag:s0] =	ssyncadd.s32 @!p0 s1  }
0x2da: {  	[bflag:$0x3] =	sbarrier.arrive $0xFFFF  }
0x2db: {  	_ =	shalt  }

// kernel: kernel.7.cloned.1.call-start
scs
__scs_entry_jumppad:
0x0: {  	(pc) =	sbr.rel $0x88, $3  }
0x1: {  	(tag) =	ssettag $0x0;
	lr =	simm.s32 $0x1  }
0x2: {  	[smem:$0x3F99] =	sst lr;
	_ =	strace $0xD0000000  }
0x3: {  	_ = 	snop  }
0x4: {  	_ = 	snop  }
0x5: {  	_ = 	snop  }
0x6: {  	_ = 	snop  }
0x7: {  	_ = 	snop  }
__scs_overlays_trampoline_lowered:
0x8: {  	[smem:$0x3FA8] =	sst s0  }
0x9: {  	[smem:$0x3FA9] =	sst s1  }
0xa: {  	[smem:$0x3FAA] =	sst s2  }
0xb: {  	[smem:$0x3FAB] =	sst s3  }
0xc: {  	[smem:$0x3FAC] =	sst s4  }
0xd: {  	[smem:$0x3FAD] =	sst s5  }
0xe: {  	[smem:$0x3FAE] =	sst s6  }
0xf: {  	[smem:$0x3FAF] =	sst s7  }
0x10: {  	[smem:$0x3FB0] =	sst s8  }
0x11: {  	[smem:$0x3FB1] =	sst s9;
	s0 =	simm.s32 @!p0 $0x0  }
0x12: {  	s1 =	sld [smem:$0x3F97];
	s0 =	simm.s32 @p0 $0x1  }
0x13: {  	[smem:$0x3FB2] =	sst s0;
	s0 =	simm.s32 @!p1 $0x0  }
0x14: {  	s2 =	sld [smem:$0x3F96];
	s0 =	simm.s32 @p1 $0x1  }
0x15: {  	[smem:$0x3FB3] =	sst s0;
	s0 =	simm.s32 @!p2 $0x0  }
0x16: {  	s3 =	sld [smem:$0x3FDB];
	s0 =	simm.s32 @p2 $0x1  }
0x17: {  	s4 =	simm.s32 $0x1BF5;
	[smem:$0x3FB5] =	sst s0  }
0x18: {  	s0 =	sld [smem:$0x3F98];
	_ =	swait.ge [sflag:s4], $0x0  }
0x19: {  	s7 =	sld [smem:$0x3F99]  }
0x1a: {  	s8 =	sadd.s32 $0xFFFFE003, lr  }
0x1b: {  	s9 =	sadd.s32 $0xFFFFFEF7, lr;
	s5 =	simm.s32 $0xFFFFFFFF;
	p2 =	slt.u32 s8, $0xFFFFF086  }
0x1c: {  	p1 =	slt.u32 s9, $0xF7A;
	s5 =	simm.s32 @!p2 $0x0  }
0x1d: {  	s5 =	simm.s32 @p1 $0x1;
	p0 =	seq.s32 s7, s2  }
0x1e: {  	s7 =	smul.u32 @!p0 $0xF7A, s2;
	p2 =	seq.s32 @!p0 s5, $0x0  }
0x1f: {  	s9 =	smul.u32 $0xF7A, s1;
	s8 =	simm.s32 @!p0 $0x1BF5;
	p2 =	por !p2, p0  }
0x20: {  	[sflag:s8] =	ssyncset.s32 @!p0 $0xFFFFF086;
	s6 =	sadd.s32 @!p0 s3, s7;
	s7 =	simm.s32 @!p0 $0x108  }
0x21: {  	s3 =	sadd.s32 s3, s9;
	s6 =	sadd.s32 @!p0 $0x88, s6;
	s7 =	simm.s32 @p2 $0x1082  }
0x22: {  	[simem:s7], [sflag:s8] =	dma.local @!p0 [hbm:s6], $0xF7A  }
0x23: {  	s9 =	sor.u32 $0xD0000000, s2;
	s6 =	simm.s32 $0x108;
	_ =	swait.ge @!p0 [sflag:s8], $0x0  }
0x24: {  	s3 =	sadd.s32 $0x88, s3;
	s6 =	simm.s32 @!p1 $0x1082;
	[sflag:s4] =	ssyncset.s32 $0xFFFFF086  }
0x25: {  	[simem:s6], [sflag:s4] =	dma.local [hbm:s3], $0xF7A  }
0x26: {  	[smem:$0x3F99] =	sst s1;
	(tag) =	ssettag s2;
	_ =	strace s9  }
0x27: {  	s1 =	sld [smem:$0x3FA9]  }
0x28: {  	s2 =	sld [smem:$0x3FAA]  }
0x29: {  	s4 =	sld [smem:$0x3FAC]  }
0x2a: {  	p0 =	seq.s32 s5, $0x0;
	s5 =	sld [smem:$0x3FAD]  }
0x2b: {  	s6 =	sld [smem:$0x3FAE]  }
0x2c: {  	s7 =	sld [smem:$0x3FAF]  }
0x2d: {  	s3 =	simm.s32 $0x108;
	s8 =	sld [smem:$0x3FB0]  }
0x2e: {  	s3 =	simm.s32 @!p0 $0x1082;
	s9 =	sld [smem:$0x3FB1]  }
0x2f: {  	lr =	sadd.s32 s0, s3;
	s0 =	sld [smem:$0x3FA8]  }
0x30: {  	s3 =	sld [smem:$0x3FAB]  }
0x31: {  	[smem:$0x3FB4] =	sst s10  }
0x32: {  	s10 =	sld [smem:$0x3FB2];
	_ =	sdelay $0x3  }
0x33: {  	p0 =	seq.s32 s10, $0x1;
	s10 =	sld [smem:$0x3FB4];
	_ =	sdelay $0x3  }
0x34: {  	[smem:$0x3FB4] =	sst s10  }
0x35: {  	s10 =	sld [smem:$0x3FB3];
	_ =	sdelay $0x3  }
0x36: {  	p1 =	seq.s32 s10, $0x1;
	s10 =	sld [smem:$0x3FB4];
	_ =	sdelay $0x3  }
0x37: {  	[smem:$0x3FB4] =	sst s10  }
0x38: {  	s10 =	sld [smem:$0x3FB5]  }
0x39: {  	_ = 	snop;
	(pc) =	sbr.ind lr, $3  }
0x3a: {  	_ = 	snop  }
0x3b: {  	_ = 	snop  }
0x3c: {  	p2 =	seq.s32 s10, $0x1;
	s10 =	sld [smem:$0x3FB4]  }
0x3d: {  	_ =	shalt  }
0x3e: {  	_ =	shalt  }
0x3f: {  	_ =	shalt  }
0x40: {  	_ =	shalt  }
0x41: {  	_ =	shalt  }
0x42: {  	_ =	shalt  }
0x43: {  	_ =	shalt  }
0x44: {  	_ =	shalt  }
0x45: {  	_ =	shalt  }
0x46: {  	_ =	shalt  }
0x47: {  	_ =	shalt  }
0x48: {  	_ =	shalt  }
0x49: {  	_ =	shalt  }
0x4a: {  	_ =	shalt  }
0x4b: {  	_ =	shalt  }
0x4c: {  	_ =	shalt  }
0x4d: {  	_ =	shalt  }
0x4e: {  	_ =	shalt  }
0x4f: {  	_ =	shalt  }
0x50: {  	_ =	shalt  }
0x51: {  	_ =	shalt  }
0x52: {  	_ =	shalt  }
0x53: {  	_ =	shalt  }
0x54: {  	_ =	shalt  }
0x55: {  	_ =	shalt  }
0x56: {  	_ =	shalt  }
0x57: {  	_ =	shalt  }
0x58: {  	_ =	shalt  }
0x59: {  	_ =	shalt  }
0x5a: {  	_ =	shalt  }
0x5b: {  	_ =	shalt  }
0x5c: {  	_ =	shalt  }
0x5d: {  	_ =	shalt  }
0x5e: {  	_ =	shalt  }
0x5f: {  	_ =	shalt  }
0x60: {  	_ =	shalt  }
0x61: {  	_ =	shalt  }
0x62: {  	_ =	shalt  }
0x63: {  	_ =	shalt  }
0x64: {  	_ =	shalt  }
0x65: {  	_ =	shalt  }
0x66: {  	_ =	shalt  }
0x67: {  	_ =	shalt  }
0x68: {  	_ =	shalt  }
0x69: {  	_ =	shalt  }
0x6a: {  	_ =	shalt  }
0x6b: {  	_ =	shalt  }
0x6c: {  	_ =	shalt  }
0x6d: {  	_ =	shalt  }
0x6e: {  	_ =	shalt  }
0x6f: {  	_ =	shalt  }
0x70: {  	_ =	shalt  }
0x71: {  	_ =	shalt  }
0x72: {  	_ =	shalt  }
0x73: {  	_ =	shalt  }
0x74: {  	_ =	shalt  }
0x75: {  	_ =	shalt  }
0x76: {  	_ =	shalt  }
0x77: {  	_ =	shalt  }
0x78: {  	_ =	shalt  }
0x79: {  	_ =	shalt  }
0x7a: {  	_ =	shalt  }
0x7b: {  	_ =	shalt  }
0x7c: {  	_ =	shalt  }
0x7d: {  	_ =	shalt  }
0x7e: {  	_ =	shalt  }
0x7f: {  	_ =	shalt  }
0x80: {  	_ =	shalt  }
0x81: {  	_ =	shalt  }
0x82: {  	_ =	shalt  }
0x83: {  	_ =	shalt  }
0x84: {  	_ =	shalt  }
0x85: {  	_ =	shalt  }
0x86: {  	_ =	shalt  }
0x87: {  	_ =	shalt  }
.Lfunc_end0:
.L_simem_size_0:
called_computation_lowered:
.L_overlay_start_0:
0x88: {  	s2 =	sld [smem:$0x3FD9]  }
0x89: {  	s3 =	sld [smem:$0x3FFE];
	_ =	sdelay $0x1  }
0x8a: {  	s1 =	srdreg.scid  }
0x8b: {  	s0 =	sand.u32 $0x1, s1  }
0x8c: {  	s16 =	sshll.u32 s0, $0xA;
	s2 =	sadd.s32 s3, s2  }
0x8d: {  	s2 =	sadd.s32 s2, s16  }
0x8e: {  	[smem:$0x3FC0] =	sst s2  }
0x8f: {  	_ = 	snop  }
0x90: {  	(tm) =	ssettm $0x1  }
0x91: {  	s17 =	sld [smem:$0x3FFB];
	_ =	sdelay $0x3  }
0x92: {  	_ =	strace s17  }
0x93: {  	s2 =	sld [smem:$0x3FFC];
	_ =	sdelay $0x3  }
0x94: {  	_ =	strace s2  }
0x95: {  	s2 =	sld [smem:$0x3FFD];
	_ =	sdelay $0x3  }
0x96: {  	_ =	strace s2  }
0x97: {  	_ =	strace $0x8FFFFFFF  }
0x98: {  	s18 =	sld [smem:$0x3FDB];
	_ =	sdelay $0x1  }
0x99: {  	s19 =	simm.s32 $_scs_section_size  }
0x9a: {  	s4 =	simm.s32 $_size__tile_overlayer_lowered;
	s5 =	simm.s32 $_tile_overlayer_lowered  }
0x9b: {  	s22 =	simm.s32 $0x1BFF;
	s21 =	sshll.u32 s5, $0x1;
	s2 =	sadd.s32 s19, s18  }
0x9c: {  	s6 =	simm.s32 $0x0;
	s20 =	sshll.u32 s4, $0x1;
	s4 =	sadd.s32 s21, s2  }
0x9d: {  	[timem:s6], [sflag:s22] =	dma.local [hbm:s4], s20  }
0x9e: {  	_ =	swait.ge [sflag:s22], s20  }
0x9f: {  	s3 =	ssub.s32 $0x0, s20;
	[sflag:s22] =	ssyncset.done $0x0  }
0xa0: {  	[sflag:s22] =	ssyncadd.s32 s3;
	_ =	sdelay $0x1  }
0xa1: {  	s23 =	simm.s32 $0x1B8B  }
0xa2: {  	_ =	swait.ge [sflag:s23], $0x1  }
0xa3: {  	[sflag:s23] =	ssyncset.done $0x0  }
0xa4: {  	s25 =	simm.s32 $0x1B8E;
	s24 =	sld [smem:$0x3FFE];
	[sflag:s23] =	ssyncadd.s32 $0xFFFFFFFF  }
0xa5: {  	s26 =	simm.s32 $execute0_lowered;
	[smem:$0x3FD2] =	sst s25  }
0xa6: {  	s4 =	sshll.u32 s26, $0x1;
	_ =	strace $0x80000046;
	[dreg:$0x1] =	wrdreg $0xFFFFFFFF  }
0xa7: {  	s28 =	simm.s32 $_size_execute0_lowered;
	s2 =	sadd.s32 s2, s4;
	[dreg:$0x0] =	wrdreg $0x0  }
0xa8: {  	s4 =	sshll.u32 s28, $0x1;
	[dreg:$0x2] =	wrdreg s2  }
0xa9: {  	[dreg:$0x3] =	wrdreg s4  }
0xaa: {  	[dreg:$0x4] =	wrdreg $0xC0  }
0xab: {  	_ =	task [dreg:s6], $0x5FFFF  }
0xac: {  	[dreg:$0x1] =	wrdreg $0xFFFFFFFF  }
0xad: {  	[dreg:$0x0] =	wrdreg $0x60  }
0xae: {  	[dreg:$0x2] =	wrdreg s24  }
0xaf: {  	[dreg:$0x3] =	wrdreg $0x50000  }
0xb0: {  	[dreg:$0x4] =	wrdreg $0x9  }
0xb1: {  	_ =	task.clear_ibuf [dreg:s6], $0x5FFFF;
	_ =	strace $0x90000046  }
0xb2: {  	s29 =	simm.s32 $0x9;
	_ =	strace $0x80000048  }
0xb3: {  	_ =	swait.ge [sflag:s29], $0x1  }
0xb4: {  	[sflag:s29] =	ssyncadd.s32 $0xFFFFFFFF  }
0xb5: {  	_ =	strace $0x90000048  }
0xb6: {  	_ =	sfence  }
0xb7: {  	s30 =	sld [smem:$0x0];
	_ =	sdelay $0x2  }
0xb8: {  	s31 =	sshll.u32 s1, $0xD;
	s1 =	sshrl.u32 s1, $0x2  }
0xb9: {  	s3 =	sand.u32 $0x4000, s31;
	s1 =	sadd.s32 s1, s30  }
0xba: {  	s0 =	sor.u32 s3, s0;
	s1 =	sshll.u32 s1, $0x11  }
0xbb: {  	s0 =	sor.u32 s1, s0  }
0xbc: {  	s0 =	sadd.s32 $0x8F2B, s0  }
0xbd: {  	[sflag:s0] =	ssyncadd.remote.s32 $0x1  }
0xbe: {  	_ =	sfence.sel $0xFFFF  }
0xbf: {  	[dreg:$0x0] =	wrdreg $0xFFFFFFFF;
	(pc) =	sbr.abs _section_cstart, $3  }
0xc0: {  	[dreg:$0x1] =	wrdreg $0xFFFFFFFF  }
0xc1: {  	_ =	task.clear_ibuf [dreg:s6], $0x2FFFF;
	_ =	strace $0x9FFFFFFF  }
0xc2: {  	(tm) =	ssettm $0x7FFFFFFF  }
0xc3: {  	_ =	shalt  }
tec
execute0_lowered:
.L_overlay_start_1:
0x0: {  	(tag) =	ssettag $0x1  }
0x1: {  	s4 =	rddreg [dreg:$0x0]  }
0x2: {  	s1 =	rddreg [dreg:$0x1];
	s3 =	srdreg.scid  }
0x3: {  	s0 =	rddreg [dreg:$0x2];
	s2 =	stileid.u32;
	s10 =	simm.s32 $0x4F80  }
0x4: {  	s12 =	simm.s32 $0x0;
	s5 =	sand.u32 $0x1, s3;
	s3 =	simm.s32 $0x0  }
0x5: {  	s6 =	sshll.u32 s2, $0x1;
	s8 =	sshll.u32 s2, $0xA;
	p0 =	sne.s32 s2, $0x0  }
0x6: {  	p1 =	sgt.u32 s2, $0x9;
	s7 =	smul.u32 $0x2800, s5;
	[smem:$0x7FF] =	sst s3  }
0x7: {  	s6 =	sor.u32 s5, s6;
	s5 =	ssub.s32 $0x2, s5;
	s11 =	sadd.s32 s8, s1  }
0x8: {  	s6 =	smul.u32 $0x4E2, s6;
	_ =	strace $0x80000047;
	s9 =	sshrl.u32 s5, $0x1  }
0x9: {  	s11 =	sshrl.u32 @!p1 s11, $0x3;
	s7 =	sadd.s32 s8, s7;
	s9 =	ssub.s32 s5, s9  }
0xa: {  	v0 =	vlaneseq.u32;
	s8 =	simm.s32 $0x2780;
	s7 =	sshrl.u32 s7, $0x3;
	s6 =	sadd.s32 s6, s4  }
0xb: {  	v5 =	vimm.f32 $0.0e+00;
	v6 =	vimm.f32 $1.000000000e+00;
	v1 =	vor.u32 $0x10, v0;
	s7 =	sadd.s32 s7, s4;
	s4 =	sadd.s32 $0x2E00, s6;
	s6 =	smax.u32 s9, $0x1  }
0xc: {  	v2 =	vor.u32 $0x20, v0;
	v3 =	vor.u32 $0x30, v0;
	v4 =	vor.u32 $0x40, v0;
	s9 =	simm.s32 $0x50;
	s5 =	sadd.s32 $0x16A00, s7;
	s7 =	simm.s32 $0x1  }
.LBB2_1:
0xd: {  	[tilespmem:s3], [sflag:$0x1] =	stream.linear.gather [hbm4b:s4+s3], $0x2710, $0x38;
	[tilespmem:$0x5280] =	vst v63  }
0xe: {  	_ =	swait.ge [sflag:s7], $0x2710  }
0xf: {  	[sflag:s7] =	ssyncset.done $0x0  }
0x10: {  	[sflag:s7] =	ssyncadd.s32 $0xFFFFD8F0  }
0x11: {  	[tilespmem:$0x4F80] =	vst v0  }
0x12: {  	[tilespmem:$0x4F90] =	vst v1  }
0x13: {  	[tilespmem:$0x4FA0] =	vst v2  }
0x14: {  	[tilespmem:$0x4FB0] =	vst v3  }
0x15: {  	s13 =	simm.s32 $0x2800;
	[tilespmem:$0x4FC0] =	vst v4  }
0x16: {  	[tilespmem:s13+$0xFFFFFF80] =	vst v5  }
0x17: {  	[tilespmem:s13+$0x70] =	vst v5  }
0x18: {  	[tilespmem:s13+$0x60] =	vst v5  }
0x19: {  	[tilespmem:s13+$0x50] =	vst v5  }
0x1a: {  	[tilespmem:s13+$0x40] =	vst v5  }
0x1b: {  	[tilespmem:s13+$0x30] =	vst v5  }
0x1c: {  	[tilespmem:s13+$0x20] =	vst v5  }
0x1d: {  	[tilespmem:s13+$0x10] =	vst v5  }
0x1e: {  	[tilespmem:s13+$0x0] =	vst v5  }
0x1f: {  	[tilespmem:s13+$0xFFFFFFF0] =	vst v5  }
0x20: {  	[tilespmem:s13+$0xFFFFFFE0] =	vst v5  }
0x21: {  	[tilespmem:s13+$0xFFFFFFD0] =	vst v5  }
0x22: {  	[tilespmem:s13+$0xFFFFFFC0] =	vst v5  }
0x23: {  	[tilespmem:s13+$0xFFFFFFB0] =	vst v5  }
0x24: {  	s14 =	simm.s32 $0x0;
	[tilespmem:s13+$0xFFFFFFA0] =	vst v5  }
.LBB2_2:
0x25: {  	s14 =	sadd.s32 $0x2, s14;
	[tilespmem:s13+$0xFFFFFF90] =	vst v5;
	s13 =	sadd.s32 $0x100, s13  }
0x26: {  	[tilespmem:s13+$0xFFFFFF80] =	vst v5;
	p2 =	slt.u32 s14, $0x4E  }
0x27: {  	[tilespmem:s13+$0x70] =	vst v5  }
0x28: {  	[tilespmem:s13+$0x60] =	vst v5  }
0x29: {  	[tilespmem:s13+$0x50] =	vst v5  }
0x2a: {  	[tilespmem:s13+$0x40] =	vst v5  }
0x2b: {  	[tilespmem:s13+$0x30] =	vst v5  }
0x2c: {  	[tilespmem:s13+$0x20] =	vst v5  }
0x2d: {  	[tilespmem:s13+$0x10] =	vst v5  }
0x2e: {  	[tilespmem:s13+$0x0] =	vst v5  }
0x2f: {  	[tilespmem:s13+$0xFFFFFFF0] =	vst v5  }
.Ltmp0:
0x30: {  	[tilespmem:s13+$0xFFFFFFE0] =	vst v5;
	(pc) =	sbr.rel @p2 .LBB2_2-.Ltmp0, $4  }
0x31: {  	[tilespmem:s13+$0xFFFFFFD0] =	vst v5  }
0x32: {  	[tilespmem:s13+$0xFFFFFFC0] =	vst v5  }
0x33: {  	[tilespmem:s13+$0xFFFFFFB0] =	vst v5  }
0x34: {  	[tilespmem:s13+$0xFFFFFFA0] =	vst v5  }
0x35: {  	[tilespmem:s13+$0xFFFFFF90] =	vst v5;
	s13 =	simm.s32 @!p0 $0x2780  }
0x36: {  	[spmem:s1] =	stream.linear.scatter @!p0 [tilespmem:s13], [sflag:$0x1], $0x2800, $0x38;
	[tilespmem:$0x5280] =	vst v63  }
0x37: {  	s13 =	simm.s32 @!p0 $0x1  }
0x38: {  	_ =	swait.ge @!p0 [sflag:s13], $0x2800  }
0x39: {  	[sflag:s13] =	ssyncset.done @!p0 $0x0  }
0x3a: {  	s31 =	simm.s32 $0x0;
	[sflag:s13] =	ssyncadd.s32 @!p0 $0xFFFFD800  }
0x3b: {  	s14 =	sand.u32 $0x3FF0, s31;
	[bflag:$0x0] =	sbarrier.arrive $0xFFFF  }
0x3c: {  	v7 =	vld [tilespmem:s14+$0x80]  }
0x3d: {  	v8 =	vld [tilespmem:s14+$0x100]  }
0x3e: {  	s13 =	simm.s32 $0xC0;
	v9 =	vld [tilespmem:s14+$0x180]  }
0x3f: {  	v10 =	vld [tilespmem:s13+$0xA0]  }
0x40: {  	v11 =	vld [tilespmem:s13+$0xFFFFFF40]  }
0x41: {  	v12 =	vld [tilespmem:s13+$0x70]  }
0x42: {  	v13 =	vld [tilespmem:s13+$0x50]  }
0x43: {  	v14 =	vld [tilespmem:s13+$0x60]  }
0x44: {  	v57 =	vld [tilespmem:s13+$0xFFFFFF90]  }
0x45: {  	v58 =	vld [tilespmem:s13+$0xFFFFFFA0]  }
0x46: {  	v15 =	vld [tilespmem:s13+$0x20]  }
0x47: {  	v16 =	vld [tilespmem:s13+$0x30]  }
0x48: {  	v17 =	vld [tilespmem:s13+$0x80]  }
0x49: {  	v59 =	vld [tilespmem:s13+$0xFFFFFF70]  }
0x4a: {  	v18 =	vld [tilespmem:s13+$0xFFFFFF80]  }
0x4b: {  	v60 =	vld [tilespmem:s13+$0x10]  }
0x4c: {  	v61 =	vld [tilespmem:s13+$0x0]  }
0x4d: {  	v62 =	vld [tilespmem:s13+$0xFFFFFFF0]  }
0x4e: {  	v63 =	vld [tilespmem:s13+$0xFFFFFFE0]  }
0x4f: {  	v19 =	vld [tilespmem:s13+$0xFFFFFFD0]  }
0x50: {  	v20 =	vld [tilespmem:s13+$0xFFFFFFB0]  }
0x51: {  	[tilespmem:v7+s8+$0x0] =	vst.idx.add.f32.msk $0xffff, v6  }
0x52: {  	[tilespmem:v8+s8+$0x0] =	vst.idx.add.f32.msk $0xffff, v6  }
0x53: {  	[tilespmem:v9+s8+$0x0] =	vst.idx.add.f32.msk $0xffff, v6  }
0x54: {  	v7 =	vld [tilespmem:s13+$0xB0]  }
0x55: {  	[tilespmem:v11+s8+$0x0] =	vst.idx.add.f32.msk $0xffff, v6  }
0x56: {  	v8 =	vld [tilespmem:s13+$0x90]  }
0x57: {  	[tilespmem:v10+s8+$0x0] =	vst.idx.add.f32.msk $0xffff, v6  }
0x58: {  	[tilespmem:v17+s8+$0x0] =	vst.idx.add.f32.msk $0xffff, v6  }
0x59: {  	[tilespmem:v12+s8+$0x0] =	vst.idx.add.f32.msk $0xffff, v6  }
0x5a: {  	[tilespmem:v14+s8+$0x0] =	vst.idx.add.f32.msk $0xffff, v6  }
0x5b: {  	[tilespmem:v13+s8+$0x0] =	vst.idx.add.f32.msk $0xffff, v6  }
0x5c: {  	[tilespmem:v16+s8+$0x0] =	vst.idx.add.f32.msk $0xffff, v6  }
0x5d: {  	[tilespmem:v15+s8+$0x0] =	vst.idx.add.f32.msk $0xffff, v6  }
0x5e: {  	[tilespmem:v60+s8+$0x0] =	vst.idx.add.f32.msk $0xffff, v6  }
0x5f: {  	[tilespmem:v61+s8+$0x0] =	vst.idx.add.f32.msk $0xffff, v6  }
0x60: {  	[tilespmem:v62+s8+$0x0] =	vst.idx.add.f32.msk $0xffff, v6  }
0x61: {  	[tilespmem:v63+s8+$0x0] =	vst.idx.add.f32.msk $0xffff, v6  }
0x62: {  	[tilespmem:v7+s8+$0x0] =	vst.idx.add.f32.msk $0xffff, v6  }
0x63: {  	[tilespmem:v8+s8+$0x0] =	vst.idx.add.f32.msk $0xffff, v6  }
0x64: {  	v8 =	vld [tilespmem:s13+$0xFFFFFF60]  }
0x65: {  	v7 =	vld [tilespmem:s13+$0xFFFFFF50]  }
0x66: {  	[tilespmem:v19+s8+$0x0] =	vst.idx.add.f32.msk $0xffff, v6  }
0x67: {  	[tilespmem:v20+s8+$0x0] =	vst.idx.add.f32.msk $0xffff, v6  }
0x68: {  	[tilespmem:v58+s8+$0x0] =	vst.idx.add.f32.msk $0xffff, v6  }
0x69: {  	[tilespmem:v57+s8+$0x0] =	vst.idx.add.f32.msk $0xffff, v6  }
0x6a: {  	[tilespmem:v18+s8+$0x0] =	vst.idx.add.f32.msk $0xffff, v6  }
0x6b: {  	[tilespmem:v59+s8+$0x0] =	vst.idx.add.f32.msk $0xffff, v6  }
0x6c: {  	s15 =	simm.s32 $0x190;
	s14 =	simm.s32 $0x0;
	[tilespmem:v8+s8+$0x0] =	vst.idx.add.f32.msk $0xffff, v6  }
.LBB2_4:
0x6d: {  	s16 =	sand.u32 $0x3FF0, s15;
	s14 =	sadd.s32 $0x19, s14;
	[tilespmem:v7+s8+$0x0] =	vst.idx.add.f32.msk $0xffff, v6;
	s13 =	sadd.s32 $0x190, s13  }
0x6e: {  	v7 =	vld [tilespmem:s16+$0x80];
	p2 =	slt.u32 s14, $0x258  }
0x6f: {  	v8 =	vld [tilespmem:s16+$0x100]  }
0x70: {  	v9 =	vld [tilespmem:s16+$0x180]  }
0x71: {  	v10 =	vld [tilespmem:s13+$0xA0]  }
0x72: {  	v11 =	vld [tilespmem:s13+$0xFFFFFF40]  }
0x73: {  	v12 =	vld [tilespmem:s13+$0x70]  }
0x74: {  	v13 =	vld [tilespmem:s13+$0x50]  }
0x75: {  	v14 =	vld [tilespmem:s13+$0x60]  }
0x76: {  	[tilespmem:v7+s8+$0x0] =	vst.idx.add.f32.msk $0xffff, v6  }
0x77: {  	[tilespmem:v8+s8+$0x0] =	vst.idx.add.f32.msk $0xffff, v6  }
0x78: {  	[tilespmem:v9+s8+$0x0] =	vst.idx.add.f32.msk $0xffff, v6  }
0x79: {  	v7 =	vld [tilespmem:s13+$0xB0]  }
0x7a: {  	[tilespmem:v11+s8+$0x0] =	vst.idx.add.f32.msk $0xffff, v6  }
0x7b: {  	v8 =	vld [tilespmem:s13+$0x90]  }
0x7c: {  	v9 =	vld [tilespmem:s13+$0xFFFFFF90]  }
0x7d: {  	v11 =	vld [tilespmem:s13+$0xFFFFFFA0]  }
0x7e: {  	v15 =	vld [tilespmem:s13+$0x20]  }
0x7f: {  	v16 =	vld [tilespmem:s13+$0x30]  }
0x80: {  	v17 =	vld [tilespmem:s13+$0x80]  }
0x81: {  	[tilespmem:v7+s8+$0x0] =	vst.idx.add.f32.msk $0xffff, v6  }
0x82: {  	[tilespmem:v10+s8+$0x0] =	vst.idx.add.f32.msk $0xffff, v6  }
0x83: {  	[tilespmem:v8+s8+$0x0] =	vst.idx.add.f32.msk $0xffff, v6  }
0x84: {  	v7 =	vld [tilespmem:s13+$0xFFFFFF50]  }
0x85: {  	v8 =	vld [tilespmem:s13+$0xFFFFFF60]  }
0x86: {  	v10 =	vld [tilespmem:s13+$0xFFFFFF70]  }
0x87: {  	v18 =	vld [tilespmem:s13+$0xFFFFFF80]  }
0x88: {  	[tilespmem:v17+s8+$0x0] =	vst.idx.add.f32.msk $0xffff, v6  }
0x89: {  	[tilespmem:v12+s8+$0x0] =	vst.idx.add.f32.msk $0xffff, v6  }
0x8a: {  	[tilespmem:v14+s8+$0x0] =	vst.idx.add.f32.msk $0xffff, v6  }
0x8b: {  	[tilespmem:v13+s8+$0x0] =	vst.idx.add.f32.msk $0xffff, v6  }
0x8c: {  	v12 =	vld [tilespmem:s13+$0x10]  }
0x8d: {  	v13 =	vld [tilespmem:s13+$0x0]  }
0x8e: {  	v14 =	vld [tilespmem:s13+$0xFFFFFFF0]  }
0x8f: {  	v17 =	vld [tilespmem:s13+$0xFFFFFFE0]  }
0x90: {  	v19 =	vld [tilespmem:s13+$0xFFFFFFD0]  }
0x91: {  	v20 =	vld [tilespmem:s13+$0xFFFFFFB0]  }
0x92: {  	[tilespmem:v16+s8+$0x0] =	vst.idx.add.f32.msk $0xffff, v6  }
0x93: {  	[tilespmem:v15+s8+$0x0] =	vst.idx.add.f32.msk $0xffff, v6  }
0x94: {  	[tilespmem:v12+s8+$0x0] =	vst.idx.add.f32.msk $0xffff, v6  }
0x95: {  	[tilespmem:v13+s8+$0x0] =	vst.idx.add.f32.msk $0xffff, v6  }
0x96: {  	[tilespmem:v14+s8+$0x0] =	vst.idx.add.f32.msk $0xffff, v6  }
0x97: {  	[tilespmem:v17+s8+$0x0] =	vst.idx.add.f32.msk $0xffff, v6  }
0x98: {  	[tilespmem:v19+s8+$0x0] =	vst.idx.add.f32.msk $0xffff, v6  }
0x99: {  	[tilespmem:v20+s8+$0x0] =	vst.idx.add.f32.msk $0xffff, v6  }
.Ltmp1:
0x9a: {  	[tilespmem:v11+s8+$0x0] =	vst.idx.add.f32.msk $0xffff, v6;
	(pc) =	sbr.rel @p2 .LBB2_4-.Ltmp1, $4  }
0x9b: {  	[tilespmem:v9+s8+$0x0] =	vst.idx.add.f32.msk $0xffff, v6  }
0x9c: {  	[tilespmem:v18+s8+$0x0] =	vst.idx.add.f32.msk $0xffff, v6  }
0x9d: {  	[tilespmem:v10+s8+$0x0] =	vst.idx.add.f32.msk $0xffff, v6  }
0x9e: {  	s15 =	sadd.s32 $0x190, s15;
	[tilespmem:v8+s8+$0x0] =	vst.idx.add.f32.msk $0xffff, v6  }
0x9f: {  	_ =	sdelay $0x3  }
0xa0: {  	[tilespmem:v7+s8+$0x0] =	vst.idx.add.f32.msk $0xffff, v6  }
0xa1: {  	[spmem:s1] =	stream.indirect.scatter.add.f32 [tilespmem:s8], [sflag:$0x1], $0x80, s10, s9, $0xb8;
	[tilespmem:$0x5280] =	vst v63  }
0xa2: {  	_ =	swait.ge [sflag:s7], $0x2800  }
0xa3: {  	[sflag:s7] =	ssyncset.done $0x0  }
0xa4: {  	s13 =	sshll.u32 @!p1 s2, $0x6;
	s12 =	sadd.s32 $0x1, s12;
	[sflag:s7] =	ssyncadd.s32 $0xFFFFD800  }
0xa5: {  	s13 =	sor.u32 @!p1 $0x1C01, s13;
	p2 =	sne.s32 s12, s6;
	[bflag:$0x0] =	sbarrier.arrive $0xFFFF  }
0xa6: {  	[hbm:s5], [sflag:s13] =	dma.local @!p1 [spmem:s11], $0x80  }
.Ltmp2:
0xa7: {  	_ = 	snop;
	(pc) =	sbr.rel @p2 .LBB2_1-.Ltmp2, $4  }
0xa8: {  	s13 =	simm.s32 @!p1 $0x1  }
0xa9: {  	_ =	swait.ge @!p1 [sflag:s13], $0x80  }
0xaa: {  	[sflag:s13] =	ssyncset.done @!p1 $0x0  }
0xab: {  	[sflag:s13] =	ssyncadd.s32 @!p1 $0xFFFFFF80  }
0xac: {  	_ =	sfence.sel $0x180000  }
0xad: {  	[bflag:$0x0] =	sbarrier.arrive $0xFFFF  }
0xae: {  	_ =	strace $0x90000047  }
0xaf: {  	s0 =	sadd.s32 @!p0 $0x100000, s0;
	[bflag:$0x2] =	sbarrier.arrive $0xFFFF  }
0xb0: {  	[sflag:s0] =	ssyncadd.tile.s32 @!p0 $0x1;
	_ =	shalt  }
.Lfunc_end2:
_tile_overlayer_lowered:
.L_overlay_start_2:
0xb1: {  	(tag) =	ssettag $0x2  }
0xb2: {  	s0 =	rddreg [dreg:$0x0];
	s2 =	stileid.u32  }
0xb3: {  	s1 =	rddreg [dreg:$0x1];
	p0 =	sne.s32 s2, $0x0  }
0xb4: {  	s3 =	rddreg [dreg:$0x2];
	[bflag:$0x3] =	sbarrier.arrive $0xFFFF;
	s2 =	simm.s32 @!p0 $0x1C01  }
0xb5: {  	[timem:s3], [sflag:s2] =	dma.local @!p0 [hbm:s0], s1  }
0xb6: {  	s0 =	simm.s32 @!p0 $0x1  }
0xb7: {  	_ =	swait.ge @!p0 [sflag:s0], s1  }
0xb8: {  	s1 =	ssub.s32 @!p0 $0x0, s1;
	[sflag:s0] =	ssyncset.done @!p0 $0x0  }
0xb9: {  	[sflag:s0] =	ssyncadd.s32 @!p0 s1  }
0xba: {  	[bflag:$0x3] =	sbarrier.arrive $0xFFFF  }
0xbb: {  	_ =	shalt  }

</sc_bundles>
